<compile_context>
chip_gen: v7x
topology: tpu7x:2x2x1
jax: 0.10.2.dev20260603
libtpu: 0.0.44.dev20260713+nightly
codegen_flags: <defaults>
</compile_context>

<pallas_src>
import functools

import jax
import jax.numpy as jnp
from jax import lax
from jax.experimental import pallas as pl
from jax.experimental.pallas import tpu as pltpu
from jax.experimental.pallas import tpu_sc as plsc

N = 10000
E = 320000
HID = 256
NUM_GRAPHS = 64
BN_EPS = 1e-5

CHUNK = 80
EDGES_PER_TILE = E // 16
NCHUNK = EDGES_PER_TILE // CHUNK
GROUP = 50
ROWS_PER_TILE = N // 16

BLK = 1000
NBLK = N // BLK


def _make_sc_scatter(dh, interpret=False):
    mesh = plsc.VectorSubcoreMesh(core_axis_name="c", subcore_axis_name="s")
    out_shape = (N, 2 * dh) if dh == 64 else (2 * N, dh)

    @functools.partial(
        pl.kernel,
        out_type=jax.ShapeDtypeStruct(out_shape, jnp.float32),
        mesh=mesh,
        interpret=interpret,
        compiler_params=pltpu.CompilerParams(use_tc_tiling_on_sc=False),
        scratch_types=[
            pltpu.VMEM((GROUP, CHUNK), jnp.int32),
            pltpu.VMEM((GROUP, CHUNK), jnp.int32),
            pltpu.VMEM((4, CHUNK, dh), jnp.float32),
            pltpu.VMEM_SHARED((N, dh), jnp.float32),
            [pltpu.SemaphoreType.DMA] * 4,
            [pltpu.SemaphoreType.DMA] * 4,
        ],
    )
    def sc_scatter(ha, hb, src2, dst2, zeros, agg, idxg, idxs, rows, acc,
                   gsems, ssems):
        c = lax.axis_index("c")
        s = lax.axis_index("s")
        rbase = s * ROWS_PER_TILE
        pltpu.sync_copy(zeros.at[pl.ds(rbase, ROWS_PER_TILE)],
                        acc.at[pl.ds(rbase, ROWS_PER_TILE)])
        ebase = s * NCHUNK
        plsc.subcore_barrier()

        def gather_start(j, b):
            @pl.when(c == 0)
            def _():
                pltpu.make_async_copy(ha.at[idxg.at[j]], rows.at[b],
                                      gsems[b]).start()

            @pl.when(c == 1)
            def _():
                pltpu.make_async_copy(hb.at[idxg.at[j]], rows.at[b],
                                      gsems[b]).start()

        def gather_wait(j, b):
            pltpu.make_async_copy(ha.at[idxg.at[j]], rows.at[b],
                                  gsems[b]).wait()

        def scatter(j, b):
            return pltpu.make_async_copy(rows.at[b], acc.at[idxs.at[j]],
                                         ssems[b])

        def group_body(g, carry):
            gb = ebase + g * GROUP
            pltpu.sync_copy(src2.at[pl.ds(gb, GROUP)], idxg)
            pltpu.sync_copy(dst2.at[pl.ds(gb, GROUP)], idxs)
            gather_start(0, 0)
            gather_start(1, 1)

            def body(j4, carry2):
                for b in range(4):
                    j = j4 * 4 + b
                    gather_wait(j, b)
                    scatter(j, b).start(add=True)
                    b2 = (b + 2) % 4

                    @pl.when(j >= 2)
                    def _():
                        scatter(j - 2, b2).wait()

                    gather_start(j + 2, b2)
                return carry2

            lax.fori_loop(0, (GROUP - 2) // 4, body, 0)
            for t in range(2):
                j = GROUP - 2 + t
                gather_wait(j, j % 4)
                scatter(j, j % 4).start(add=True)
            for t in range(4):
                j = GROUP - 4 + t
                scatter(j, j % 4).wait()
            return carry

        lax.fori_loop(0, NCHUNK // GROUP, group_body, 0)
        plsc.subcore_barrier()
        if dh == 64:
            dst = agg.at[pl.ds(rbase, ROWS_PER_TILE), pl.ds(c * dh, dh)]
        else:
            dst = agg.at[pl.ds(c * N + rbase, ROWS_PER_TILE)]
        pltpu.sync_copy(acc.at[pl.ds(rbase, ROWS_PER_TILE)], dst)

    return sc_scatter


_sc_scatter_cached = functools.cache(_make_sc_scatter)


def _xw1_flat_body(h_ref, w1_ref, b1_ref, y_ref):
    y_ref[...] = jnp.dot(h_ref[...], w1_ref[...],
                         preferred_element_type=jnp.float32) + b1_ref[...]


def _xw1_flat(h, w1, b1, interpret=False):
    d_in = h.shape[1]
    return pl.pallas_call(
        _xw1_flat_body,
        grid=(NBLK,),
        in_specs=[
            pl.BlockSpec((BLK, d_in), lambda j: (j, 0)),
            pl.BlockSpec((d_in, HID), lambda j: (0, 0)),
            pl.BlockSpec((1, HID), lambda j: (0, 0)),
        ],
        out_specs=pl.BlockSpec((BLK, HID), lambda j: (j, 0)),
        out_shape=jax.ShapeDtypeStruct((N, HID), jnp.float32),
        compiler_params=pltpu.CompilerParams(
            dimension_semantics=("parallel",)),
        interpret=interpret,
    )(h, w1, b1)


def _xw1_halves_body(ha_ref, hb_ref, w1_ref, b1_ref, y_ref):
    h = jnp.concatenate([ha_ref[...], hb_ref[...]], axis=1)
    y_ref[...] = jnp.dot(h, w1_ref[...],
                         preferred_element_type=jnp.float32) + b1_ref[...]


def _xw1_halves(ha, hb, w1, b1, interpret=False):
    dh = ha.shape[1]
    return pl.pallas_call(
        _xw1_halves_body,
        grid=(NBLK,),
        in_specs=[
            pl.BlockSpec((BLK, dh), lambda j: (j, 0)),
            pl.BlockSpec((BLK, dh), lambda j: (j, 0)),
            pl.BlockSpec((2 * dh, HID), lambda j: (0, 0)),
            pl.BlockSpec((1, HID), lambda j: (0, 0)),
        ],
        out_specs=pl.BlockSpec((BLK, HID), lambda j: (j, 0)),
        out_shape=jax.ShapeDtypeStruct((N, HID), jnp.float32),
        compiler_params=pltpu.CompilerParams(
            dimension_semantics=("parallel",)),
        interpret=interpret,
    )(ha, hb, w1, b1)


def _mlp_body(stacked, y_ref, al_ref, ar_ref, w1_ref, w2_ref, b2_ref,
              z_ref, st_ref):
    j = pl.program_id(0)
    if stacked:
        a = jnp.concatenate([al_ref[...], ar_ref[...]], axis=1)
    else:
        a = al_ref[...]
    z1 = jnp.maximum(
        y_ref[...] + jnp.dot(a, w1_ref[...],
                             preferred_element_type=jnp.float32),
        0.0)
    z = jnp.dot(z1, w2_ref[...], preferred_element_type=jnp.float32) + b2_ref[...]
    z_ref[...] = z
    s = jnp.sum(z, axis=0, keepdims=True)
    s2 = jnp.sum(z * z, axis=0, keepdims=True)
    upd = jnp.concatenate([s, s2, jnp.zeros((6, HID), jnp.float32)], axis=0)

    @pl.when(j == 0)
    def _():
        st_ref[...] = upd

    @pl.when(j > 0)
    def _():
        st_ref[...] += upd


def _mlp(yh, agg, w1, w2, b2, interpret=False):
    stacked = agg.shape[0] == 2 * N
    d_in = w1.shape[0]
    if stacked:
        al_spec = pl.BlockSpec((BLK, HID // 2), lambda j: (j, 0))
        ar_spec = pl.BlockSpec((BLK, HID // 2), lambda j: (j + NBLK, 0))
    else:
        al_spec = pl.BlockSpec((BLK, d_in), lambda j: (j, 0))
        ar_spec = pl.BlockSpec((BLK, d_in), lambda j: (j, 0))
    return pl.pallas_call(
        functools.partial(_mlp_body, stacked),
        grid=(NBLK,),
        in_specs=[
            pl.BlockSpec((BLK, HID), lambda j: (j, 0)),
            al_spec,
            ar_spec,
            pl.BlockSpec((d_in, HID), lambda j: (0, 0)),
            pl.BlockSpec((HID, HID), lambda j: (0, 0)),
            pl.BlockSpec((1, HID), lambda j: (0, 0)),
        ],
        out_specs=[
            pl.BlockSpec((BLK, HID), lambda j: (j, 0)),
            pl.BlockSpec((8, HID), lambda j: (0, 0)),
        ],
        out_shape=[
            jax.ShapeDtypeStruct((N, HID), jnp.float32),
            jax.ShapeDtypeStruct((8, HID), jnp.float32),
        ],
        compiler_params=pltpu.CompilerParams(
            dimension_semantics=("arbitrary",)),
        interpret=interpret,
    )(yh, agg, agg, w1, w2, b2)


def _bn_body(z_ref, st_ref, g_ref, bt_ref, ha_ref, hb_ref):
    mean = st_ref[0:1, :] * (1.0 / N)
    ex2 = st_ref[1:2, :] * (1.0 / N)
    var = ex2 - mean * mean
    scale = g_ref[...] * lax.rsqrt(var + BN_EPS)
    h = jnp.maximum((z_ref[...] - mean) * scale + bt_ref[...], 0.0)
    dh = HID // 2
    ha_ref[...] = h[:, :dh]
    hb_ref[...] = h[:, dh:]


def _bn(z, st, gamma, beta, interpret=False):
    dh = HID // 2
    return pl.pallas_call(
        _bn_body,
        grid=(NBLK,),
        in_specs=[
            pl.BlockSpec((BLK, HID), lambda j: (j, 0)),
            pl.BlockSpec((8, HID), lambda j: (0, 0)),
            pl.BlockSpec((1, HID), lambda j: (0, 0)),
            pl.BlockSpec((1, HID), lambda j: (0, 0)),
        ],
        out_specs=[
            pl.BlockSpec((BLK, dh), lambda j: (j, 0)),
            pl.BlockSpec((BLK, dh), lambda j: (j, 0)),
        ],
        out_shape=[
            jax.ShapeDtypeStruct((N, dh), jnp.float32),
            jax.ShapeDtypeStruct((N, dh), jnp.float32),
        ],
        compiler_params=pltpu.CompilerParams(
            dimension_semantics=("parallel",)),
        interpret=interpret,
    )(z, st, gamma, beta)


def _bn_pool_body(z_ref, st_ref, g_ref, bt_ref, batch_ref, out_ref,
                  seg_acc, cnt_acc):
    j = pl.program_id(0)
    mean = st_ref[0:1, :] * (1.0 / N)
    ex2 = st_ref[1:2, :] * (1.0 / N)
    var = ex2 - mean * mean
    scale = g_ref[...] * lax.rsqrt(var + BN_EPS)
    h = jnp.maximum((z_ref[...] - mean) * scale + bt_ref[...], 0.0)
    gids = lax.broadcasted_iota(jnp.int32, (1, NUM_GRAPHS), 1)
    p = (batch_ref[...] == gids).astype(jnp.float32)
    dn = (((0,), (0,)), ((), ()))
    seg = lax.dot_general(p, h, dn, preferred_element_type=jnp.float32)
    cnt = lax.dot_general(p, jnp.ones((BLK, HID), jnp.float32), dn,
                          preferred_element_type=jnp.float32)

    @pl.when(j == 0)
    def _():
        seg_acc[...] = seg
        cnt_acc[...] = cnt

    @pl.when(j > 0)
    def _():
        seg_acc[...] += seg
        cnt_acc[...] += cnt

    @pl.when(j == NBLK - 1)
    def _():
        out_ref[...] = seg_acc[...] / jnp.maximum(cnt_acc[...], 1.0)


def _bn_pool(z, st, gamma, beta, batch2, interpret=False):
    return pl.pallas_call(
        _bn_pool_body,
        grid=(NBLK,),
        in_specs=[
            pl.BlockSpec((BLK, HID), lambda j: (j, 0)),
            pl.BlockSpec((8, HID), lambda j: (0, 0)),
            pl.BlockSpec((1, HID), lambda j: (0, 0)),
            pl.BlockSpec((1, HID), lambda j: (0, 0)),
            pl.BlockSpec((BLK, 1), lambda j: (j, 0)),
        ],
        out_specs=pl.BlockSpec((NUM_GRAPHS, HID), lambda j: (0, 0)),
        out_shape=jax.ShapeDtypeStruct((NUM_GRAPHS, HID), jnp.float32),
        scratch_shapes=[
            pltpu.VMEM((NUM_GRAPHS, HID), jnp.float32),
            pltpu.VMEM((NUM_GRAPHS, HID), jnp.float32),
        ],
        compiler_params=pltpu.CompilerParams(
            dimension_semantics=("arbitrary",)),
        interpret=interpret,
    )(z, st, gamma, beta, batch2)


def kernel(x, edge_index, batch, params):
    src = edge_index[0]
    dst = edge_index[1]
    src2 = src.reshape(E // CHUNK, CHUNK)
    dst2 = dst.reshape(E // CHUNK, CHUNK)
    batch2 = batch.reshape(N, 1)
    d0 = x.shape[1]
    ha, hb = x[:, :d0 // 2], x[:, d0 // 2:]
    out = None
    for i, p in enumerate(params):
        dh = ha.shape[1]
        zeros = jnp.zeros((N, dh), jnp.float32)
        agg = _sc_scatter_cached(dh)(ha, hb, src2, dst2, zeros)
        if i == 0:
            yh = _xw1_flat(x, p["W1"], p["b1"].reshape(1, HID))
        else:
            yh = _xw1_halves(ha, hb, p["W1"], p["b1"].reshape(1, HID))
        z, st = _mlp(yh, agg, p["W1"], p["W2"], p["b2"].reshape(1, HID))
        g = p["gamma"].reshape(1, HID)
        b = p["beta"].reshape(1, HID)
        if i + 1 < len(params):
            ha, hb = _bn(z, st, g, b)
        else:
            out = _bn_pool(z, st, g, b, batch2)
    return out

# --- scband reference (transcript-rebuilt; emitter-appended) ---
"""Pipeline reference for scband-gingraph-encoder-80659485819645 (READ-ONLY COPY).

The authoritative reference and input builder live on the scoring server;
editing this copy changes nothing except your own understanding.
"""

import jax, jax.numpy as jnp
import numpy as np

N = 10000
E = 320000
IN_DIM = 128
HID = 256
NUM_LAYERS = 5
NUM_GRAPHS = 64
BN_EPS = 1e-5


def _make_params(key):
    params = []
    for i in range(NUM_LAYERS):
        d_in = IN_DIM if i == 0 else HID
        key, k1, k2, k3, k4 = jax.random.split(key, 5)
        params.append({
            "W1": jax.random.normal(k1, (d_in, HID), jnp.float32) * (1.0 / np.sqrt(d_in)),
            "b1": jnp.zeros((HID,), jnp.float32),
            "W2": jax.random.normal(k2, (HID, HID), jnp.float32) * (1.0 / np.sqrt(HID)),
            "b2": jnp.zeros((HID,), jnp.float32),
            "gamma": jnp.ones((HID,), jnp.float32),
            "beta": jnp.zeros((HID,), jnp.float32),
        })
    return params


def setup_inputs(seed: int = 0) -> dict:
    key = jax.random.key(seed)
    kx, ke, kb, kp = jax.random.split(key, 4)
    x = jax.random.normal(kx, (N, IN_DIM), jnp.float32)
    edge_index = jax.random.randint(ke, (2, E), 0, N, dtype=jnp.int32)
    batch = jnp.sort(jax.random.randint(kb, (N,), 0, NUM_GRAPHS, dtype=jnp.int32))
    params = _make_params(kp)
    return {"x": x, "edge_index": edge_index, "batch": batch, "params": params}


def _gin_forward(x, params, edge_index, batch):
    src = edge_index[0]
    dst = edge_index[1]
    h = x
    for p in params:
        # GINConv with eps=0: nn((1+eps)*x + sum_{j in N(i)} x_j); scatter-add over dst
        agg = jnp.zeros(h.shape, h.dtype).at[dst].add(h[src])
        h2 = h + agg
        # MLP: Linear -> ReLU -> Linear
        h2 = jnp.maximum(h2 @ p["W1"] + p["b1"], 0.0)
        h2 = h2 @ p["W2"] + p["b2"]
        # BatchNorm (training mode: batch statistics, biased variance)
        mean = jnp.mean(h2, axis=0)
        var = jnp.mean((h2 - mean) ** 2, axis=0)
        h2 = (h2 - mean) / jnp.sqrt(var + BN_EPS) * p["gamma"] + p["beta"]
        h = jnp.maximum(h2, 0.0)  # dropout p=0.0 is identity
    # global_mean_pool over graph ids
    seg_sum = jax.ops.segment_sum(h, batch, num_segments=NUM_GRAPHS)
    counts = jax.ops.segment_sum(jnp.ones((h.shape[0], 1), h.dtype), batch, num_segments=NUM_GRAPHS)
    return seg_sum / jnp.maximum(counts, 1.0)


def reference(x, edge_index, batch, params):
    return _gin_forward(x, params, edge_index, batch)

if __name__ == "__main__":
    import jax
    _d = setup_inputs()
    print(jax.jit(kernel)(*tuple(_d.values())))

</pallas_src>

<mosaic_0001>
#map = affine_map<(d0, d1) -> (0, 0)>
module attributes {stable_mosaic.version = 14 : i64} {
  func.func @sc_scatter(%arg0: i32, %arg1: i32, %arg2: memref<10000x64xf32, #tpu.memory_space<hbm>>, %arg3: memref<10000x64xf32, #tpu.memory_space<hbm>>, %arg4: memref<4000x80xi32, #tpu.memory_space<hbm>>, %arg5: memref<4000x80xi32, #tpu.memory_space<hbm>>, %arg6: memref<10000x64xf32, #tpu.memory_space<hbm>>, %arg7: memref<10000x128xf32, #tpu.memory_space<hbm>>, %arg8: memref<50x80xi32, #tpu.memory_space<vmem>>, %arg9: memref<50x80xi32, #tpu.memory_space<vmem>>, %arg10: memref<4x80x64xf32, #tpu.memory_space<vmem>>, %arg11: memref<10000x64xf32, #tpu.memory_space<vmem_shared>>, %arg12: memref<!tpu.dma_semaphore, #tpu.memory_space<semaphore_mem>>, %arg13: memref<!tpu.dma_semaphore, #tpu.memory_space<semaphore_mem>>, %arg14: memref<!tpu.dma_semaphore, #tpu.memory_space<semaphore_mem>>, %arg15: memref<!tpu.dma_semaphore, #tpu.memory_space<semaphore_mem>>, %arg16: memref<!tpu.dma_semaphore, #tpu.memory_space<semaphore_mem>>, %arg17: memref<!tpu.dma_semaphore, #tpu.memory_space<semaphore_mem>>, %arg18: memref<!tpu.dma_semaphore, #tpu.memory_space<semaphore_mem>>, %arg19: memref<!tpu.dma_semaphore, #tpu.memory_space<semaphore_mem>>) attributes {dimension_semantics = [#tpu.dimension_semantics<core_parallel>, #tpu.dimension_semantics<subcore_parallel>], iteration_bounds = array<i64: 2, 16>, scalar_prefetch = 0 : i64, scratch_operands = 12 : i64, tpu.core_type = #tpu.core_type<sc_vector_subcore>, window_params = [{transform_indices = #map}, {transform_indices = #map}, {transform_indices = #map}, {transform_indices = #map}, {transform_indices = #map}, {transform_indices = #map}]} {
    %mul3A = arith.constant 625 : i32
    %mul3A_0 = arith.muli %arg1, %mul3A : i32
    "tpu.region"() ({
      %run_scoped3A = tpu.sem_alloc : memref<!tpu.dma_semaphore, #tpu.memory_space<semaphore_mem>>
      %dma_start3A = arith.constant 0 : i32
      %dma_start3A_11 = tpu.memref_slice %arg11[%mul3A_0, %dma_start3A] : memref<10000x64xf32, #tpu.memory_space<vmem_shared>> -> memref<625x64xf32, #tpu.memory_space<vmem_shared>>
      %dma_start3A_12 = arith.constant 0 : i32
      %dma_start3A_13 = tpu.memref_slice %arg6[%mul3A_0, %dma_start3A_12] : memref<10000x64xf32, #tpu.memory_space<hbm>> -> memref<625x64xf32, #tpu.memory_space<hbm>>
      tpu.enqueue_dma source(%dma_start3A_13 : memref<625x64xf32, #tpu.memory_space<hbm>>) target(%dma_start3A_11 : memref<625x64xf32, #tpu.memory_space<vmem_shared>>) target_semaphore(%run_scoped3A : memref<!tpu.dma_semaphore, #tpu.memory_space<semaphore_mem>>)
      %dma_wait3A = arith.constant 0 : i32
      %dma_wait3A_14 = tpu.memref_slice %arg11[%mul3A_0, %dma_wait3A] : memref<10000x64xf32, #tpu.memory_space<vmem_shared>> -> memref<625x64xf32, #tpu.memory_space<vmem_shared>>
      %dma_wait3A_15 = arith.constant 0 : i32
      %dma_wait3A_16 = tpu.memref_slice %arg6[%mul3A_0, %dma_wait3A_15] : memref<10000x64xf32, #tpu.memory_space<hbm>> -> memref<625x64xf32, #tpu.memory_space<hbm>>
      tpu.wait_dma2 semaphore(%run_scoped3A : memref<!tpu.dma_semaphore, #tpu.memory_space<semaphore_mem>>) src(%dma_wait3A_16 : memref<625x64xf32, #tpu.memory_space<hbm>>) dst(%dma_wait3A_14 : memref<625x64xf32, #tpu.memory_space<vmem_shared>>)
      tpu.yield
    }) : () -> ()
    %mul3A_1 = arith.constant 250 : i32
    %mul3A_2 = arith.muli %arg1, %mul3A_1 : i32
    %barrier3A = arith.constant 0 : index
    tpu.barrier barrier_id(%barrier3A)
    %scan3A = arith.constant 0 : i32
    %scan3A_3 = arith.constant 0 : i32
    %scan3A_4 = arith.constant 5 : i32
    %scan3A_5 = arith.addi %scan3A_3, %scan3A_4 : i32
    %scan3A_6 = arith.constant 1 : i32
    scf.for %scan3A_11 = %scan3A_3 to %scan3A_5 step %scan3A_6  : i32 {
      %mul3A_12 = arith.constant 50 : i32
      %mul3A_13 = arith.muli %scan3A_11, %mul3A_12 : i32
      %add3A = arith.addi %mul3A_2, %mul3A_13 : i32
      "tpu.region"() ({
        %run_scoped3A = tpu.sem_alloc : memref<!tpu.dma_semaphore, #tpu.memory_space<semaphore_mem>>
        %dma_start3A_131 = arith.constant 0 : i32
        %dma_start3A_132 = tpu.memref_slice %arg4[%add3A, %dma_start3A_131] : memref<4000x80xi32, #tpu.memory_space<hbm>> -> memref<50x80xi32, #tpu.memory_space<hbm>>
        %dma_start3A_133 = arith.constant 0 : i32
        %dma_start3A_134 = tpu.memref_slice %arg4[%add3A, %dma_start3A_133] : memref<4000x80xi32, #tpu.memory_space<hbm>> -> memref<50x80xi32, #tpu.memory_space<hbm>>
        tpu.enqueue_dma source(%dma_start3A_134 : memref<50x80xi32, #tpu.memory_space<hbm>>) target(%arg8 : memref<50x80xi32, #tpu.memory_space<vmem>>) target_semaphore(%run_scoped3A : memref<!tpu.dma_semaphore, #tpu.memory_space<semaphore_mem>>)
        %dma_wait3A_135 = arith.constant 0 : i32
        %dma_wait3A_136 = tpu.memref_slice %arg4[%add3A, %dma_wait3A_135] : memref<4000x80xi32, #tpu.memory_space<hbm>> -> memref<50x80xi32, #tpu.memory_space<hbm>>
        %dma_wait3A_137 = arith.constant 0 : i32
        %dma_wait3A_138 = tpu.memref_slice %arg4[%add3A, %dma_wait3A_137] : memref<4000x80xi32, #tpu.memory_space<hbm>> -> memref<50x80xi32, #tpu.memory_space<hbm>>
        tpu.wait_dma2 semaphore(%run_scoped3A : memref<!tpu.dma_semaphore, #tpu.memory_space<semaphore_mem>>) src(%dma_wait3A_138 : memref<50x80xi32, #tpu.memory_space<hbm>>) dst(%arg8 : memref<50x80xi32, #tpu.memory_space<vmem>>)
        tpu.yield
      }) : () -> ()
      "tpu.region"() ({
        %run_scoped3A = tpu.sem_alloc : memref<!tpu.dma_semaphore, #tpu.memory_space<semaphore_mem>>
        %dma_start3A_131 = arith.constant 0 : i32
        %dma_start3A_132 = tpu.memref_slice %arg5[%add3A, %dma_start3A_131] : memref<4000x80xi32, #tpu.memory_space<hbm>> -> memref<50x80xi32, #tpu.memory_space<hbm>>
        %dma_start3A_133 = arith.constant 0 : i32
        %dma_start3A_134 = tpu.memref_slice %arg5[%add3A, %dma_start3A_133] : memref<4000x80xi32, #tpu.memory_space<hbm>> -> memref<50x80xi32, #tpu.memory_space<hbm>>
        tpu.enqueue_dma source(%dma_start3A_134 : memref<50x80xi32, #tpu.memory_space<hbm>>) target(%arg9 : memref<50x80xi32, #tpu.memory_space<vmem>>) target_semaphore(%run_scoped3A : memref<!tpu.dma_semaphore, #tpu.memory_space<semaphore_mem>>)
        %dma_wait3A_135 = arith.constant 0 : i32
        %dma_wait3A_136 = tpu.memref_slice %arg5[%add3A, %dma_wait3A_135] : memref<4000x80xi32, #tpu.memory_space<hbm>> -> memref<50x80xi32, #tpu.memory_space<hbm>>
        %dma_wait3A_137 = arith.constant 0 : i32
        %dma_wait3A_138 = tpu.memref_slice %arg5[%add3A, %dma_wait3A_137] : memref<4000x80xi32, #tpu.memory_space<hbm>> -> memref<50x80xi32, #tpu.memory_space<hbm>>
        tpu.wait_dma2 semaphore(%run_scoped3A : memref<!tpu.dma_semaphore, #tpu.memory_space<semaphore_mem>>) src(%dma_wait3A_138 : memref<50x80xi32, #tpu.memory_space<hbm>>) dst(%arg9 : memref<50x80xi32, #tpu.memory_space<vmem>>)
        tpu.yield
      }) : () -> ()
      %eq3A = arith.constant 0 : i32
      %eq3A_14 = arith.cmpi eq, %arg0, %eq3A : i32
      %convert_element_type3A = arith.extui %eq3A_14 : i1 to i32
      %cond3A = arith.constant 0 : i32
      %cond3A_15 = arith.cmpi ne, %convert_element_type3A, %cond3A : i32
      scf.if %cond3A_15 {
        %dma_start3A_131 = arith.constant 0 : i32
        %dma_start3A_132 = arith.constant 0 : i32
        %dma_start3A_133 = arith.constant 0 : i32
        %dma_start3A_134 = arith.constant 0 : i32
        %dma_start3A_135 = tpu.memref_slice %arg10[%dma_start3A_132, %dma_start3A_133, %dma_start3A_134] : memref<4x80x64xf32, #tpu.memory_space<vmem>> -> memref<1x80x64xf32, #tpu.memory_space<vmem>>
        %dma_start3A_136 = tpu.memref_squeeze %dma_start3A_135 : memref<1x80x64xf32, #tpu.memory_space<vmem>> -> memref<80x64xf32, #tpu.memory_space<vmem>>
        %dma_start3A_137 = arith.constant 0 : i32
        %dma_start3A_138 = tpu.memref_slice %arg8[%dma_start3A_131, %dma_start3A_137] : memref<50x80xi32, #tpu.memory_space<vmem>> -> memref<1x80xi32, #tpu.memory_space<vmem>>
        %dma_start3A_139 = tpu.memref_squeeze %dma_start3A_138 : memref<1x80xi32, #tpu.memory_space<vmem>> -> memref<80xi32, #tpu.memory_space<vmem>>
        %dma_start3A_140 = arith.constant 0 : i32
        %dma_start3A_141 = arith.constant 0 : i32
        %dma_start3A_142 = tpu.memref_slice %arg2[%dma_start3A_140, %dma_start3A_141] : memref<10000x64xf32, #tpu.memory_space<hbm>> -> memref<10000x64xf32, #tpu.memory_space<hbm>>
        tpu.enqueue_indirect_dma source(%dma_start3A_142 : memref<10000x64xf32, #tpu.memory_space<hbm>>) target(%dma_start3A_136 : memref<80x64xf32, #tpu.memory_space<vmem>>) offsets(%dma_start3A_139 : memref<80xi32, #tpu.memory_space<vmem>>) semaphore(%arg12 : memref<!tpu.dma_semaphore, #tpu.memory_space<semaphore_mem>>)
      } else {
      }
      %eq3A_16 = arith.constant 1 : i32
      %eq3A_17 = arith.cmpi eq, %arg0, %eq3A_16 : i32
      %convert_element_type3A_18 = arith.extui %eq3A_17 : i1 to i32
      %cond3A_19 = arith.constant 0 : i32
      %cond3A_20 = arith.cmpi ne, %convert_element_type3A_18, %cond3A_19 : i32
      scf.if %cond3A_20 {
        %dma_start3A_131 = arith.constant 0 : i32
        %dma_start3A_132 = arith.constant 0 : i32
        %dma_start3A_133 = arith.constant 0 : i32
        %dma_start3A_134 = arith.constant 0 : i32
        %dma_start3A_135 = tpu.memref_slice %arg10[%dma_start3A_132, %dma_start3A_133, %dma_start3A_134] : memref<4x80x64xf32, #tpu.memory_space<vmem>> -> memref<1x80x64xf32, #tpu.memory_space<vmem>>
        %dma_start3A_136 = tpu.memref_squeeze %dma_start3A_135 : memref<1x80x64xf32, #tpu.memory_space<vmem>> -> memref<80x64xf32, #tpu.memory_space<vmem>>
        %dma_start3A_137 = arith.constant 0 : i32
        %dma_start3A_138 = tpu.memref_slice %arg8[%dma_start3A_131, %dma_start3A_137] : memref<50x80xi32, #tpu.memory_space<vmem>> -> memref<1x80xi32, #tpu.memory_space<vmem>>
        %dma_start3A_139 = tpu.memref_squeeze %dma_start3A_138 : memref<1x80xi32, #tpu.memory_space<vmem>> -> memref<80xi32, #tpu.memory_space<vmem>>
        %dma_start3A_140 = arith.constant 0 : i32
        %dma_start3A_141 = arith.constant 0 : i32
        %dma_start3A_142 = tpu.memref_slice %arg3[%dma_start3A_140, %dma_start3A_141] : memref<10000x64xf32, #tpu.memory_space<hbm>> -> memref<10000x64xf32, #tpu.memory_space<hbm>>
        tpu.enqueue_indirect_dma source(%dma_start3A_142 : memref<10000x64xf32, #tpu.memory_space<hbm>>) target(%dma_start3A_136 : memref<80x64xf32, #tpu.memory_space<vmem>>) offsets(%dma_start3A_139 : memref<80xi32, #tpu.memory_space<vmem>>) semaphore(%arg12 : memref<!tpu.dma_semaphore, #tpu.memory_space<semaphore_mem>>)
      } else {
      }
      %eq3A_21 = arith.constant 0 : i32
      %eq3A_22 = arith.cmpi eq, %arg0, %eq3A_21 : i32
      %convert_element_type3A_23 = arith.extui %eq3A_22 : i1 to i32
      %cond3A_24 = arith.constant 0 : i32
      %cond3A_25 = arith.cmpi ne, %convert_element_type3A_23, %cond3A_24 : i32
      scf.if %cond3A_25 {
        %dma_start3A_131 = arith.constant 1 : i32
        %dma_start3A_132 = arith.constant 1 : i32
        %dma_start3A_133 = arith.constant 0 : i32
        %dma_start3A_134 = arith.constant 0 : i32
        %dma_start3A_135 = tpu.memref_slice %arg10[%dma_start3A_132, %dma_start3A_133, %dma_start3A_134] : memref<4x80x64xf32, #tpu.memory_space<vmem>> -> memref<1x80x64xf32, #tpu.memory_space<vmem>>
        %dma_start3A_136 = tpu.memref_squeeze %dma_start3A_135 : memref<1x80x64xf32, #tpu.memory_space<vmem>> -> memref<80x64xf32, #tpu.memory_space<vmem>>
        %dma_start3A_137 = arith.constant 0 : i32
        %dma_start3A_138 = tpu.memref_slice %arg8[%dma_start3A_131, %dma_start3A_137] : memref<50x80xi32, #tpu.memory_space<vmem>> -> memref<1x80xi32, #tpu.memory_space<vmem>>
        %dma_start3A_139 = tpu.memref_squeeze %dma_start3A_138 : memref<1x80xi32, #tpu.memory_space<vmem>> -> memref<80xi32, #tpu.memory_space<vmem>>
        %dma_start3A_140 = arith.constant 0 : i32
        %dma_start3A_141 = arith.constant 0 : i32
        %dma_start3A_142 = tpu.memref_slice %arg2[%dma_start3A_140, %dma_start3A_141] : memref<10000x64xf32, #tpu.memory_space<hbm>> -> memref<10000x64xf32, #tpu.memory_space<hbm>>
        tpu.enqueue_indirect_dma source(%dma_start3A_142 : memref<10000x64xf32, #tpu.memory_space<hbm>>) target(%dma_start3A_136 : memref<80x64xf32, #tpu.memory_space<vmem>>) offsets(%dma_start3A_139 : memref<80xi32, #tpu.memory_space<vmem>>) semaphore(%arg13 : memref<!tpu.dma_semaphore, #tpu.memory_space<semaphore_mem>>)
      } else {
      }
      %eq3A_26 = arith.constant 1 : i32
      %eq3A_27 = arith.cmpi eq, %arg0, %eq3A_26 : i32
      %convert_element_type3A_28 = arith.extui %eq3A_27 : i1 to i32
      %cond3A_29 = arith.constant 0 : i32
      %cond3A_30 = arith.cmpi ne, %convert_element_type3A_28, %cond3A_29 : i32
      scf.if %cond3A_30 {
        %dma_start3A_131 = arith.constant 1 : i32
        %dma_start3A_132 = arith.constant 1 : i32
        %dma_start3A_133 = arith.constant 0 : i32
        %dma_start3A_134 = arith.constant 0 : i32
        %dma_start3A_135 = tpu.memref_slice %arg10[%dma_start3A_132, %dma_start3A_133, %dma_start3A_134] : memref<4x80x64xf32, #tpu.memory_space<vmem>> -> memref<1x80x64xf32, #tpu.memory_space<vmem>>
        %dma_start3A_136 = tpu.memref_squeeze %dma_start3A_135 : memref<1x80x64xf32, #tpu.memory_space<vmem>> -> memref<80x64xf32, #tpu.memory_space<vmem>>
        %dma_start3A_137 = arith.constant 0 : i32
        %dma_start3A_138 = tpu.memref_slice %arg8[%dma_start3A_131, %dma_start3A_137] : memref<50x80xi32, #tpu.memory_space<vmem>> -> memref<1x80xi32, #tpu.memory_space<vmem>>
        %dma_start3A_139 = tpu.memref_squeeze %dma_start3A_138 : memref<1x80xi32, #tpu.memory_space<vmem>> -> memref<80xi32, #tpu.memory_space<vmem>>
        %dma_start3A_140 = arith.constant 0 : i32
        %dma_start3A_141 = arith.constant 0 : i32
        %dma_start3A_142 = tpu.memref_slice %arg3[%dma_start3A_140, %dma_start3A_141] : memref<10000x64xf32, #tpu.memory_space<hbm>> -> memref<10000x64xf32, #tpu.memory_space<hbm>>
        tpu.enqueue_indirect_dma source(%dma_start3A_142 : memref<10000x64xf32, #tpu.memory_space<hbm>>) target(%dma_start3A_136 : memref<80x64xf32, #tpu.memory_space<vmem>>) offsets(%dma_start3A_139 : memref<80xi32, #tpu.memory_space<vmem>>) semaphore(%arg13 : memref<!tpu.dma_semaphore, #tpu.memory_space<semaphore_mem>>)
      } else {
      }
      %scan3A_31 = arith.constant 0 : i32
      %scan3A_32 = arith.constant 0 : i32
      %scan3A_33 = arith.constant 12 : i32
      %scan3A_34 = arith.addi %scan3A_32, %scan3A_33 : i32
      %scan3A_35 = arith.constant 1 : i32
      scf.for %scan3A_131 = %scan3A_32 to %scan3A_34 step %scan3A_35  : i32 {
        %mul3A_132 = arith.constant 4 : i32
        %mul3A_133 = arith.muli %scan3A_131, %mul3A_132 : i32
        %add3A_134 = arith.constant 0 : i32
        %add3A_135 = arith.addi %mul3A_133, %add3A_134 : i32
        %dma_wait3A_136 = arith.constant 0 : i32
        %dma_wait3A_137 = arith.constant 0 : i32
        %dma_wait3A_138 = arith.constant 0 : i32
        %dma_wait3A_139 = tpu.memref_slice %arg10[%dma_wait3A_136, %dma_wait3A_137, %dma_wait3A_138] : memref<4x80x64xf32, #tpu.memory_space<vmem>> -> memref<1x80x64xf32, #tpu.memory_space<vmem>>
        %dma_wait3A_140 = tpu.memref_squeeze %dma_wait3A_139 : memref<1x80x64xf32, #tpu.memory_space<vmem>> -> memref<80x64xf32, #tpu.memory_space<vmem>>
        %dma_wait3A_141 = arith.constant 0 : i32
        %dma_wait3A_142 = tpu.memref_slice %arg8[%add3A_135, %dma_wait3A_141] : memref<50x80xi32, #tpu.memory_space<vmem>> -> memref<1x80xi32, #tpu.memory_space<vmem>>
        %dma_wait3A_143 = tpu.memref_squeeze %dma_wait3A_142 : memref<1x80xi32, #tpu.memory_space<vmem>> -> memref<80xi32, #tpu.memory_space<vmem>>
        %dma_wait3A_144 = arith.constant 0 : i32
        %dma_wait3A_145 = arith.constant 0 : i32
        %dma_wait3A_146 = tpu.memref_slice %arg2[%dma_wait3A_144, %dma_wait3A_145] : memref<10000x64xf32, #tpu.memory_space<hbm>> -> memref<10000x64xf32, #tpu.memory_space<hbm>>
        tpu.wait_indirect_dma semaphore(%arg12 : memref<!tpu.dma_semaphore, #tpu.memory_space<semaphore_mem>>) src(%dma_wait3A_146 : memref<10000x64xf32, #tpu.memory_space<hbm>>) dst(%dma_wait3A_140 : memref<80x64xf32, #tpu.memory_space<vmem>>)
        %dma_start3A_147 = arith.constant 0 : i32
        %dma_start3A_148 = arith.constant 0 : i32
        %dma_start3A_149 = arith.constant 0 : i32
        %dma_start3A_150 = tpu.memref_slice %arg10[%dma_start3A_147, %dma_start3A_148, %dma_start3A_149] : memref<4x80x64xf32, #tpu.memory_space<vmem>> -> memref<1x80x64xf32, #tpu.memory_space<vmem>>
        %dma_start3A_151 = tpu.memref_squeeze %dma_start3A_150 : memref<1x80x64xf32, #tpu.memory_space<vmem>> -> memref<80x64xf32, #tpu.memory_space<vmem>>
        %dma_start3A_152 = arith.constant 0 : i32
        %dma_start3A_153 = tpu.memref_slice %arg9[%add3A_135, %dma_start3A_152] : memref<50x80xi32, #tpu.memory_space<vmem>> -> memref<1x80xi32, #tpu.memory_space<vmem>>
        %dma_start3A_154 = tpu.memref_squeeze %dma_start3A_153 : memref<1x80xi32, #tpu.memory_space<vmem>> -> memref<80xi32, #tpu.memory_space<vmem>>
        %dma_start3A_155 = arith.constant 0 : i32
        %dma_start3A_156 = arith.constant 0 : i32
        %dma_start3A_157 = tpu.memref_slice %arg11[%dma_start3A_155, %dma_start3A_156] : memref<10000x64xf32, #tpu.memory_space<vmem_shared>> -> memref<10000x64xf32, #tpu.memory_space<vmem_shared>>
        tpu.enqueue_indirect_dma source(%dma_start3A_151 : memref<80x64xf32, #tpu.memory_space<vmem>>) target(%dma_start3A_157 : memref<10000x64xf32, #tpu.memory_space<vmem_shared>>) offsets(%dma_start3A_154 : memref<80xi32, #tpu.memory_space<vmem>>) semaphore(%arg16 : memref<!tpu.dma_semaphore, #tpu.memory_space<semaphore_mem>>) {add = true}
        %ge3A = arith.constant 2 : i32
        %ge3A_158 = arith.cmpi sge, %add3A_135, %ge3A : i32
        %convert_element_type3A_159 = arith.extui %ge3A_158 : i1 to i32
        %cond3A_160 = arith.constant 0 : i32
        %cond3A_161 = arith.cmpi ne, %convert_element_type3A_159, %cond3A_160 : i32
        scf.if %cond3A_161 {
          %sub3A = arith.constant 2 : i32
          %sub3A_303 = arith.subi %add3A_135, %sub3A : i32
          %dma_wait3A_304 = arith.constant 2 : i32
          %dma_wait3A_305 = arith.constant 0 : i32
          %dma_wait3A_306 = arith.constant 0 : i32
          %dma_wait3A_307 = tpu.memref_slice %arg10[%dma_wait3A_304, %dma_wait3A_305, %dma_wait3A_306] : memref<4x80x64xf32, #tpu.memory_space<vmem>> -> memref<1x80x64xf32, #tpu.memory_space<vmem>>
          %dma_wait3A_308 = tpu.memref_squeeze %dma_wait3A_307 : memref<1x80x64xf32, #tpu.memory_space<vmem>> -> memref<80x64xf32, #tpu.memory_space<vmem>>
          %dma_wait3A_309 = arith.constant 0 : i32
          %dma_wait3A_310 = tpu.memref_slice %arg9[%sub3A_303, %dma_wait3A_309] : memref<50x80xi32, #tpu.memory_space<vmem>> -> memref<1x80xi32, #tpu.memory_space<vmem>>
          %dma_wait3A_311 = tpu.memref_squeeze %dma_wait3A_310 : memref<1x80xi32, #tpu.memory_space<vmem>> -> memref<80xi32, #tpu.memory_space<vmem>>
          %dma_wait3A_312 = arith.constant 0 : i32
          %dma_wait3A_313 = arith.constant 0 : i32
          %dma_wait3A_314 = tpu.memref_slice %arg11[%dma_wait3A_312, %dma_wait3A_313] : memref<10000x64xf32, #tpu.memory_space<vmem_shared>> -> memref<10000x64xf32, #tpu.memory_space<vmem_shared>>
          tpu.wait_indirect_dma semaphore(%arg18 : memref<!tpu.dma_semaphore, #tpu.memory_space<semaphore_mem>>) src(%dma_wait3A_308 : memref<80x64xf32, #tpu.memory_space<vmem>>) dst(%dma_wait3A_314 : memref<10000x64xf32, #tpu.memory_space<vmem_shared>>)
        } else {
        }
        %add3A_162 = arith.constant 2 : i32
        %add3A_163 = arith.addi %add3A_135, %add3A_162 : i32
        %eq3A_164 = arith.constant 0 : i32
        %eq3A_165 = arith.cmpi eq, %arg0, %eq3A_164 : i32
        %convert_element_type3A_166 = arith.extui %eq3A_165 : i1 to i32
        %cond3A_167 = arith.constant 0 : i32
        %cond3A_168 = arith.cmpi ne, %convert_element_type3A_166, %cond3A_167 : i32
        scf.if %cond3A_168 {
          %dma_start3A_303 = arith.constant 2 : i32
          %dma_start3A_304 = arith.constant 0 : i32
          %dma_start3A_305 = arith.constant 0 : i32
          %dma_start3A_306 = tpu.memref_slice %arg10[%dma_start3A_303, %dma_start3A_304, %dma_start3A_305] : memref<4x80x64xf32, #tpu.memory_space<vmem>> -> memref<1x80x64xf32, #tpu.memory_space<vmem>>
          %dma_start3A_307 = tpu.memref_squeeze %dma_start3A_306 : memref<1x80x64xf32, #tpu.memory_space<vmem>> -> memref<80x64xf32, #tpu.memory_space<vmem>>
          %dma_start3A_308 = arith.constant 0 : i32
          %dma_start3A_309 = tpu.memref_slice %arg8[%add3A_163, %dma_start3A_308] : memref<50x80xi32, #tpu.memory_space<vmem>> -> memref<1x80xi32, #tpu.memory_space<vmem>>
          %dma_start3A_310 = tpu.memref_squeeze %dma_start3A_309 : memref<1x80xi32, #tpu.memory_space<vmem>> -> memref<80xi32, #tpu.memory_space<vmem>>
          %dma_start3A_311 = arith.constant 0 : i32
          %dma_start3A_312 = arith.constant 0 : i32
          %dma_start3A_313 = tpu.memref_slice %arg2[%dma_start3A_311, %dma_start3A_312] : memref<10000x64xf32, #tpu.memory_space<hbm>> -> memref<10000x64xf32, #tpu.memory_space<hbm>>
          tpu.enqueue_indirect_dma source(%dma_start3A_313 : memref<10000x64xf32, #tpu.memory_space<hbm>>) target(%dma_start3A_307 : memref<80x64xf32, #tpu.memory_space<vmem>>) offsets(%dma_start3A_310 : memref<80xi32, #tpu.memory_space<vmem>>) semaphore(%arg14 : memref<!tpu.dma_semaphore, #tpu.memory_space<semaphore_mem>>)
        } else {
        }
        %eq3A_169 = arith.constant 1 : i32
        %eq3A_170 = arith.cmpi eq, %arg0, %eq3A_169 : i32
        %convert_element_type3A_171 = arith.extui %eq3A_170 : i1 to i32
        %cond3A_172 = arith.constant 0 : i32
        %cond3A_173 = arith.cmpi ne, %convert_element_type3A_171, %cond3A_172 : i32
        scf.if %cond3A_173 {
          %dma_start3A_303 = arith.constant 2 : i32
          %dma_start3A_304 = arith.constant 0 : i32
          %dma_start3A_305 = arith.constant 0 : i32
          %dma_start3A_306 = tpu.memref_slice %arg10[%dma_start3A_303, %dma_start3A_304, %dma_start3A_305] : memref<4x80x64xf32, #tpu.memory_space<vmem>> -> memref<1x80x64xf32, #tpu.memory_space<vmem>>
          %dma_start3A_307 = tpu.memref_squeeze %dma_start3A_306 : memref<1x80x64xf32, #tpu.memory_space<vmem>> -> memref<80x64xf32, #tpu.memory_space<vmem>>
          %dma_start3A_308 = arith.constant 0 : i32
          %dma_start3A_309 = tpu.memref_slice %arg8[%add3A_163, %dma_start3A_308] : memref<50x80xi32, #tpu.memory_space<vmem>> -> memref<1x80xi32, #tpu.memory_space<vmem>>
          %dma_start3A_310 = tpu.memref_squeeze %dma_start3A_309 : memref<1x80xi32, #tpu.memory_space<vmem>> -> memref<80xi32, #tpu.memory_space<vmem>>
          %dma_start3A_311 = arith.constant 0 : i32
          %dma_start3A_312 = arith.constant 0 : i32
          %dma_start3A_313 = tpu.memref_slice %arg3[%dma_start3A_311, %dma_start3A_312] : memref<10000x64xf32, #tpu.memory_space<hbm>> -> memref<10000x64xf32, #tpu.memory_space<hbm>>
          tpu.enqueue_indirect_dma source(%dma_start3A_313 : memref<10000x64xf32, #tpu.memory_space<hbm>>) target(%dma_start3A_307 : memref<80x64xf32, #tpu.memory_space<vmem>>) offsets(%dma_start3A_310 : memref<80xi32, #tpu.memory_space<vmem>>) semaphore(%arg14 : memref<!tpu.dma_semaphore, #tpu.memory_space<semaphore_mem>>)
        } else {
        }
        %mul3A_174 = arith.constant 4 : i32
        %mul3A_175 = arith.muli %scan3A_131, %mul3A_174 : i32
        %add3A_176 = arith.constant 1 : i32
        %add3A_177 = arith.addi %mul3A_175, %add3A_176 : i32
        %dma_wait3A_178 = arith.constant 1 : i32
        %dma_wait3A_179 = arith.constant 0 : i32
        %dma_wait3A_180 = arith.constant 0 : i32
        %dma_wait3A_181 = tpu.memref_slice %arg10[%dma_wait3A_178, %dma_wait3A_179, %dma_wait3A_180] : memref<4x80x64xf32, #tpu.memory_space<vmem>> -> memref<1x80x64xf32, #tpu.memory_space<vmem>>
        %dma_wait3A_182 = tpu.memref_squeeze %dma_wait3A_181 : memref<1x80x64xf32, #tpu.memory_space<vmem>> -> memref<80x64xf32, #tpu.memory_space<vmem>>
        %dma_wait3A_183 = arith.constant 0 : i32
        %dma_wait3A_184 = tpu.memref_slice %arg8[%add3A_177, %dma_wait3A_183] : memref<50x80xi32, #tpu.memory_space<vmem>> -> memref<1x80xi32, #tpu.memory_space<vmem>>
        %dma_wait3A_185 = tpu.memref_squeeze %dma_wait3A_184 : memref<1x80xi32, #tpu.memory_space<vmem>> -> memref<80xi32, #tpu.memory_space<vmem>>
        %dma_wait3A_186 = arith.constant 0 : i32
        %dma_wait3A_187 = arith.constant 0 : i32
        %dma_wait3A_188 = tpu.memref_slice %arg2[%dma_wait3A_186, %dma_wait3A_187] : memref<10000x64xf32, #tpu.memory_space<hbm>> -> memref<10000x64xf32, #tpu.memory_space<hbm>>
        tpu.wait_indirect_dma semaphore(%arg13 : memref<!tpu.dma_semaphore, #tpu.memory_space<semaphore_mem>>) src(%dma_wait3A_188 : memref<10000x64xf32, #tpu.memory_space<hbm>>) dst(%dma_wait3A_182 : memref<80x64xf32, #tpu.memory_space<vmem>>)
        %dma_start3A_189 = arith.constant 1 : i32
        %dma_start3A_190 = arith.constant 0 : i32
        %dma_start3A_191 = arith.constant 0 : i32
        %dma_start3A_192 = tpu.memref_slice %arg10[%dma_start3A_189, %dma_start3A_190, %dma_start3A_191] : memref<4x80x64xf32, #tpu.memory_space<vmem>> -> memref<1x80x64xf32, #tpu.memory_space<vmem>>
        %dma_start3A_193 = tpu.memref_squeeze %dma_start3A_192 : memref<1x80x64xf32, #tpu.memory_space<vmem>> -> memref<80x64xf32, #tpu.memory_space<vmem>>
        %dma_start3A_194 = arith.constant 0 : i32
        %dma_start3A_195 = tpu.memref_slice %arg9[%add3A_177, %dma_start3A_194] : memref<50x80xi32, #tpu.memory_space<vmem>> -> memref<1x80xi32, #tpu.memory_space<vmem>>
        %dma_start3A_196 = tpu.memref_squeeze %dma_start3A_195 : memref<1x80xi32, #tpu.memory_space<vmem>> -> memref<80xi32, #tpu.memory_space<vmem>>
        %dma_start3A_197 = arith.constant 0 : i32
        %dma_start3A_198 = arith.constant 0 : i32
        %dma_start3A_199 = tpu.memref_slice %arg11[%dma_start3A_197, %dma_start3A_198] : memref<10000x64xf32, #tpu.memory_space<vmem_shared>> -> memref<10000x64xf32, #tpu.memory_space<vmem_shared>>
        tpu.enqueue_indirect_dma source(%dma_start3A_193 : memref<80x64xf32, #tpu.memory_space<vmem>>) target(%dma_start3A_199 : memref<10000x64xf32, #tpu.memory_space<vmem_shared>>) offsets(%dma_start3A_196 : memref<80xi32, #tpu.memory_space<vmem>>) semaphore(%arg17 : memref<!tpu.dma_semaphore, #tpu.memory_space<semaphore_mem>>) {add = true}
        %ge3A_200 = arith.constant 2 : i32
        %ge3A_201 = arith.cmpi sge, %add3A_177, %ge3A_200 : i32
        %convert_element_type3A_202 = arith.extui %ge3A_201 : i1 to i32
        %cond3A_203 = arith.constant 0 : i32
        %cond3A_204 = arith.cmpi ne, %convert_element_type3A_202, %cond3A_203 : i32
        scf.if %cond3A_204 {
          %sub3A = arith.constant 2 : i32
          %sub3A_303 = arith.subi %add3A_177, %sub3A : i32
          %dma_wait3A_304 = arith.constant 3 : i32
          %dma_wait3A_305 = arith.constant 0 : i32
          %dma_wait3A_306 = arith.constant 0 : i32
          %dma_wait3A_307 = tpu.memref_slice %arg10[%dma_wait3A_304, %dma_wait3A_305, %dma_wait3A_306] : memref<4x80x64xf32, #tpu.memory_space<vmem>> -> memref<1x80x64xf32, #tpu.memory_space<vmem>>
          %dma_wait3A_308 = tpu.memref_squeeze %dma_wait3A_307 : memref<1x80x64xf32, #tpu.memory_space<vmem>> -> memref<80x64xf32, #tpu.memory_space<vmem>>
          %dma_wait3A_309 = arith.constant 0 : i32
          %dma_wait3A_310 = tpu.memref_slice %arg9[%sub3A_303, %dma_wait3A_309] : memref<50x80xi32, #tpu.memory_space<vmem>> -> memref<1x80xi32, #tpu.memory_space<vmem>>
          %dma_wait3A_311 = tpu.memref_squeeze %dma_wait3A_310 : memref<1x80xi32, #tpu.memory_space<vmem>> -> memref<80xi32, #tpu.memory_space<vmem>>
          %dma_wait3A_312 = arith.constant 0 : i32
          %dma_wait3A_313 = arith.constant 0 : i32
          %dma_wait3A_314 = tpu.memref_slice %arg11[%dma_wait3A_312, %dma_wait3A_313] : memref<10000x64xf32, #tpu.memory_space<vmem_shared>> -> memref<10000x64xf32, #tpu.memory_space<vmem_shared>>
          tpu.wait_indirect_dma semaphore(%arg19 : memref<!tpu.dma_semaphore, #tpu.memory_space<semaphore_mem>>) src(%dma_wait3A_308 : memref<80x64xf32, #tpu.memory_space<vmem>>) dst(%dma_wait3A_314 : memref<10000x64xf32, #tpu.memory_space<vmem_shared>>)
        } else {
        }
        %add3A_205 = arith.constant 2 : i32
        %add3A_206 = arith.addi %add3A_177, %add3A_205 : i32
        %eq3A_207 = arith.constant 0 : i32
        %eq3A_208 = arith.cmpi eq, %arg0, %eq3A_207 : i32
        %convert_element_type3A_209 = arith.extui %eq3A_208 : i1 to i32
        %cond3A_210 = arith.constant 0 : i32
        %cond3A_211 = arith.cmpi ne, %convert_element_type3A_209, %cond3A_210 : i32
        scf.if %cond3A_211 {
          %dma_start3A_303 = arith.constant 3 : i32
          %dma_start3A_304 = arith.constant 0 : i32
          %dma_start3A_305 = arith.constant 0 : i32
          %dma_start3A_306 = tpu.memref_slice %arg10[%dma_start3A_303, %dma_start3A_304, %dma_start3A_305] : memref<4x80x64xf32, #tpu.memory_space<vmem>> -> memref<1x80x64xf32, #tpu.memory_space<vmem>>
          %dma_start3A_307 = tpu.memref_squeeze %dma_start3A_306 : memref<1x80x64xf32, #tpu.memory_space<vmem>> -> memref<80x64xf32, #tpu.memory_space<vmem>>
          %dma_start3A_308 = arith.constant 0 : i32
          %dma_start3A_309 = tpu.memref_slice %arg8[%add3A_206, %dma_start3A_308] : memref<50x80xi32, #tpu.memory_space<vmem>> -> memref<1x80xi32, #tpu.memory_space<vmem>>
          %dma_start3A_310 = tpu.memref_squeeze %dma_start3A_309 : memref<1x80xi32, #tpu.memory_space<vmem>> -> memref<80xi32, #tpu.memory_space<vmem>>
          %dma_start3A_311 = arith.constant 0 : i32
          %dma_start3A_312 = arith.constant 0 : i32
          %dma_start3A_313 = tpu.memref_slice %arg2[%dma_start3A_311, %dma_start3A_312] : memref<10000x64xf32, #tpu.memory_space<hbm>> -> memref<10000x64xf32, #tpu.memory_space<hbm>>
          tpu.enqueue_indirect_dma source(%dma_start3A_313 : memref<10000x64xf32, #tpu.memory_space<hbm>>) target(%dma_start3A_307 : memref<80x64xf32, #tpu.memory_space<vmem>>) offsets(%dma_start3A_310 : memref<80xi32, #tpu.memory_space<vmem>>) semaphore(%arg15 : memref<!tpu.dma_semaphore, #tpu.memory_space<semaphore_mem>>)
        } else {
        }
        %eq3A_212 = arith.constant 1 : i32
        %eq3A_213 = arith.cmpi eq, %arg0, %eq3A_212 : i32
        %convert_element_type3A_214 = arith.extui %eq3A_213 : i1 to i32
        %cond3A_215 = arith.constant 0 : i32
        %cond3A_216 = arith.cmpi ne, %convert_element_type3A_214, %cond3A_215 : i32
        scf.if %cond3A_216 {
          %dma_start3A_303 = arith.constant 3 : i32
          %dma_start3A_304 = arith.constant 0 : i32
          %dma_start3A_305 = arith.constant 0 : i32
          %dma_start3A_306 = tpu.memref_slice %arg10[%dma_start3A_303, %dma_start3A_304, %dma_start3A_305] : memref<4x80x64xf32, #tpu.memory_space<vmem>> -> memref<1x80x64xf32, #tpu.memory_space<vmem>>
          %dma_start3A_307 = tpu.memref_squeeze %dma_start3A_306 : memref<1x80x64xf32, #tpu.memory_space<vmem>> -> memref<80x64xf32, #tpu.memory_space<vmem>>
          %dma_start3A_308 = arith.constant 0 : i32
          %dma_start3A_309 = tpu.memref_slice %arg8[%add3A_206, %dma_start3A_308] : memref<50x80xi32, #tpu.memory_space<vmem>> -> memref<1x80xi32, #tpu.memory_space<vmem>>
          %dma_start3A_310 = tpu.memref_squeeze %dma_start3A_309 : memref<1x80xi32, #tpu.memory_space<vmem>> -> memref<80xi32, #tpu.memory_space<vmem>>
          %dma_start3A_311 = arith.constant 0 : i32
          %dma_start3A_312 = arith.constant 0 : i32
          %dma_start3A_313 = tpu.memref_slice %arg3[%dma_start3A_311, %dma_start3A_312] : memref<10000x64xf32, #tpu.memory_space<hbm>> -> memref<10000x64xf32, #tpu.memory_space<hbm>>
          tpu.enqueue_indirect_dma source(%dma_start3A_313 : memref<10000x64xf32, #tpu.memory_space<hbm>>) target(%dma_start3A_307 : memref<80x64xf32, #tpu.memory_space<vmem>>) offsets(%dma_start3A_310 : memref<80xi32, #tpu.memory_space<vmem>>) semaphore(%arg15 : memref<!tpu.dma_semaphore, #tpu.memory_space<semaphore_mem>>)
        } else {
        }
        %mul3A_217 = arith.constant 4 : i32
        %mul3A_218 = arith.muli %scan3A_131, %mul3A_217 : i32
        %add3A_219 = arith.constant 2 : i32
        %add3A_220 = arith.addi %mul3A_218, %add3A_219 : i32
        %dma_wait3A_221 = arith.constant 2 : i32
        %dma_wait3A_222 = arith.constant 0 : i32
        %dma_wait3A_223 = arith.constant 0 : i32
        %dma_wait3A_224 = tpu.memref_slice %arg10[%dma_wait3A_221, %dma_wait3A_222, %dma_wait3A_223] : memref<4x80x64xf32, #tpu.memory_space<vmem>> -> memref<1x80x64xf32, #tpu.memory_space<vmem>>
        %dma_wait3A_225 = tpu.memref_squeeze %dma_wait3A_224 : memref<1x80x64xf32, #tpu.memory_space<vmem>> -> memref<80x64xf32, #tpu.memory_space<vmem>>
        %dma_wait3A_226 = arith.constant 0 : i32
        %dma_wait3A_227 = tpu.memref_slice %arg8[%add3A_220, %dma_wait3A_226] : memref<50x80xi32, #tpu.memory_space<vmem>> -> memref<1x80xi32, #tpu.memory_space<vmem>>
        %dma_wait3A_228 = tpu.memref_squeeze %dma_wait3A_227 : memref<1x80xi32, #tpu.memory_space<vmem>> -> memref<80xi32, #tpu.memory_space<vmem>>
        %dma_wait3A_229 = arith.constant 0 : i32
        %dma_wait3A_230 = arith.constant 0 : i32
        %dma_wait3A_231 = tpu.memref_slice %arg2[%dma_wait3A_229, %dma_wait3A_230] : memref<10000x64xf32, #tpu.memory_space<hbm>> -> memref<10000x64xf32, #tpu.memory_space<hbm>>
        tpu.wait_indirect_dma semaphore(%arg14 : memref<!tpu.dma_semaphore, #tpu.memory_space<semaphore_mem>>) src(%dma_wait3A_231 : memref<10000x64xf32, #tpu.memory_space<hbm>>) dst(%dma_wait3A_225 : memref<80x64xf32, #tpu.memory_space<vmem>>)
        %dma_start3A_232 = arith.constant 2 : i32
        %dma_start3A_233 = arith.constant 0 : i32
        %dma_start3A_234 = arith.constant 0 : i32
        %dma_start3A_235 = tpu.memref_slice %arg10[%dma_start3A_232, %dma_start3A_233, %dma_start3A_234] : memref<4x80x64xf32, #tpu.memory_space<vmem>> -> memref<1x80x64xf32, #tpu.memory_space<vmem>>
        %dma_start3A_236 = tpu.memref_squeeze %dma_start3A_235 : memref<1x80x64xf32, #tpu.memory_space<vmem>> -> memref<80x64xf32, #tpu.memory_space<vmem>>
        %dma_start3A_237 = arith.constant 0 : i32
        %dma_start3A_238 = tpu.memref_slice %arg9[%add3A_220, %dma_start3A_237] : memref<50x80xi32, #tpu.memory_space<vmem>> -> memref<1x80xi32, #tpu.memory_space<vmem>>
        %dma_start3A_239 = tpu.memref_squeeze %dma_start3A_238 : memref<1x80xi32, #tpu.memory_space<vmem>> -> memref<80xi32, #tpu.memory_space<vmem>>
        %dma_start3A_240 = arith.constant 0 : i32
        %dma_start3A_241 = arith.constant 0 : i32
        %dma_start3A_242 = tpu.memref_slice %arg11[%dma_start3A_240, %dma_start3A_241] : memref<10000x64xf32, #tpu.memory_space<vmem_shared>> -> memref<10000x64xf32, #tpu.memory_space<vmem_shared>>
        tpu.enqueue_indirect_dma source(%dma_start3A_236 : memref<80x64xf32, #tpu.memory_space<vmem>>) target(%dma_start3A_242 : memref<10000x64xf32, #tpu.memory_space<vmem_shared>>) offsets(%dma_start3A_239 : memref<80xi32, #tpu.memory_space<vmem>>) semaphore(%arg18 : memref<!tpu.dma_semaphore, #tpu.memory_space<semaphore_mem>>) {add = true}
        %ge3A_243 = arith.constant 2 : i32
        %ge3A_244 = arith.cmpi sge, %add3A_220, %ge3A_243 : i32
        %convert_element_type3A_245 = arith.extui %ge3A_244 : i1 to i32
        %cond3A_246 = arith.constant 0 : i32
        %cond3A_247 = arith.cmpi ne, %convert_element_type3A_245, %cond3A_246 : i32
        scf.if %cond3A_247 {
          %sub3A = arith.constant 2 : i32
          %sub3A_303 = arith.subi %add3A_220, %sub3A : i32
          %dma_wait3A_304 = arith.constant 0 : i32
          %dma_wait3A_305 = arith.constant 0 : i32
          %dma_wait3A_306 = arith.constant 0 : i32
          %dma_wait3A_307 = tpu.memref_slice %arg10[%dma_wait3A_304, %dma_wait3A_305, %dma_wait3A_306] : memref<4x80x64xf32, #tpu.memory_space<vmem>> -> memref<1x80x64xf32, #tpu.memory_space<vmem>>
          %dma_wait3A_308 = tpu.memref_squeeze %dma_wait3A_307 : memref<1x80x64xf32, #tpu.memory_space<vmem>> -> memref<80x64xf32, #tpu.memory_space<vmem>>
          %dma_wait3A_309 = arith.constant 0 : i32
          %dma_wait3A_310 = tpu.memref_slice %arg9[%sub3A_303, %dma_wait3A_309] : memref<50x80xi32, #tpu.memory_space<vmem>> -> memref<1x80xi32, #tpu.memory_space<vmem>>
          %dma_wait3A_311 = tpu.memref_squeeze %dma_wait3A_310 : memref<1x80xi32, #tpu.memory_space<vmem>> -> memref<80xi32, #tpu.memory_space<vmem>>
          %dma_wait3A_312 = arith.constant 0 : i32
          %dma_wait3A_313 = arith.constant 0 : i32
          %dma_wait3A_314 = tpu.memref_slice %arg11[%dma_wait3A_312, %dma_wait3A_313] : memref<10000x64xf32, #tpu.memory_space<vmem_shared>> -> memref<10000x64xf32, #tpu.memory_space<vmem_shared>>
          tpu.wait_indirect_dma semaphore(%arg16 : memref<!tpu.dma_semaphore, #tpu.memory_space<semaphore_mem>>) src(%dma_wait3A_308 : memref<80x64xf32, #tpu.memory_space<vmem>>) dst(%dma_wait3A_314 : memref<10000x64xf32, #tpu.memory_space<vmem_shared>>)
        } else {
        }
        %add3A_248 = arith.constant 2 : i32
        %add3A_249 = arith.addi %add3A_220, %add3A_248 : i32
        %eq3A_250 = arith.constant 0 : i32
        %eq3A_251 = arith.cmpi eq, %arg0, %eq3A_250 : i32
        %convert_element_type3A_252 = arith.extui %eq3A_251 : i1 to i32
        %cond3A_253 = arith.constant 0 : i32
        %cond3A_254 = arith.cmpi ne, %convert_element_type3A_252, %cond3A_253 : i32
        scf.if %cond3A_254 {
          %dma_start3A_303 = arith.constant 0 : i32
          %dma_start3A_304 = arith.constant 0 : i32
          %dma_start3A_305 = arith.constant 0 : i32
          %dma_start3A_306 = tpu.memref_slice %arg10[%dma_start3A_303, %dma_start3A_304, %dma_start3A_305] : memref<4x80x64xf32, #tpu.memory_space<vmem>> -> memref<1x80x64xf32, #tpu.memory_space<vmem>>
          %dma_start3A_307 = tpu.memref_squeeze %dma_start3A_306 : memref<1x80x64xf32, #tpu.memory_space<vmem>> -> memref<80x64xf32, #tpu.memory_space<vmem>>
          %dma_start3A_308 = arith.constant 0 : i32
          %dma_start3A_309 = tpu.memref_slice %arg8[%add3A_249, %dma_start3A_308] : memref<50x80xi32, #tpu.memory_space<vmem>> -> memref<1x80xi32, #tpu.memory_space<vmem>>
          %dma_start3A_310 = tpu.memref_squeeze %dma_start3A_309 : memref<1x80xi32, #tpu.memory_space<vmem>> -> memref<80xi32, #tpu.memory_space<vmem>>
          %dma_start3A_311 = arith.constant 0 : i32
          %dma_start3A_312 = arith.constant 0 : i32
          %dma_start3A_313 = tpu.memref_slice %arg2[%dma_start3A_311, %dma_start3A_312] : memref<10000x64xf32, #tpu.memory_space<hbm>> -> memref<10000x64xf32, #tpu.memory_space<hbm>>
          tpu.enqueue_indirect_dma source(%dma_start3A_313 : memref<10000x64xf32, #tpu.memory_space<hbm>>) target(%dma_start3A_307 : memref<80x64xf32, #tpu.memory_space<vmem>>) offsets(%dma_start3A_310 : memref<80xi32, #tpu.memory_space<vmem>>) semaphore(%arg12 : memref<!tpu.dma_semaphore, #tpu.memory_space<semaphore_mem>>)
        } else {
        }
        %eq3A_255 = arith.constant 1 : i32
        %eq3A_256 = arith.cmpi eq, %arg0, %eq3A_255 : i32
        %convert_element_type3A_257 = arith.extui %eq3A_256 : i1 to i32
        %cond3A_258 = arith.constant 0 : i32
        %cond3A_259 = arith.cmpi ne, %convert_element_type3A_257, %cond3A_258 : i32
        scf.if %cond3A_259 {
          %dma_start3A_303 = arith.constant 0 : i32
          %dma_start3A_304 = arith.constant 0 : i32
          %dma_start3A_305 = arith.constant 0 : i32
          %dma_start3A_306 = tpu.memref_slice %arg10[%dma_start3A_303, %dma_start3A_304, %dma_start3A_305] : memref<4x80x64xf32, #tpu.memory_space<vmem>> -> memref<1x80x64xf32, #tpu.memory_space<vmem>>
          %dma_start3A_307 = tpu.memref_squeeze %dma_start3A_306 : memref<1x80x64xf32, #tpu.memory_space<vmem>> -> memref<80x64xf32, #tpu.memory_space<vmem>>
          %dma_start3A_308 = arith.constant 0 : i32
          %dma_start3A_309 = tpu.memref_slice %arg8[%add3A_249, %dma_start3A_308] : memref<50x80xi32, #tpu.memory_space<vmem>> -> memref<1x80xi32, #tpu.memory_space<vmem>>
          %dma_start3A_310 = tpu.memref_squeeze %dma_start3A_309 : memref<1x80xi32, #tpu.memory_space<vmem>> -> memref<80xi32, #tpu.memory_space<vmem>>
          %dma_start3A_311 = arith.constant 0 : i32
          %dma_start3A_312 = arith.constant 0 : i32
          %dma_start3A_313 = tpu.memref_slice %arg3[%dma_start3A_311, %dma_start3A_312] : memref<10000x64xf32, #tpu.memory_space<hbm>> -> memref<10000x64xf32, #tpu.memory_space<hbm>>
          tpu.enqueue_indirect_dma source(%dma_start3A_313 : memref<10000x64xf32, #tpu.memory_space<hbm>>) target(%dma_start3A_307 : memref<80x64xf32, #tpu.memory_space<vmem>>) offsets(%dma_start3A_310 : memref<80xi32, #tpu.memory_space<vmem>>) semaphore(%arg12 : memref<!tpu.dma_semaphore, #tpu.memory_space<semaphore_mem>>)
        } else {
        }
        %mul3A_260 = arith.constant 4 : i32
        %mul3A_261 = arith.muli %scan3A_131, %mul3A_260 : i32
        %add3A_262 = arith.constant 3 : i32
        %add3A_263 = arith.addi %mul3A_261, %add3A_262 : i32
        %dma_wait3A_264 = arith.constant 3 : i32
        %dma_wait3A_265 = arith.constant 0 : i32
        %dma_wait3A_266 = arith.constant 0 : i32
        %dma_wait3A_267 = tpu.memref_slice %arg10[%dma_wait3A_264, %dma_wait3A_265, %dma_wait3A_266] : memref<4x80x64xf32, #tpu.memory_space<vmem>> -> memref<1x80x64xf32, #tpu.memory_space<vmem>>
        %dma_wait3A_268 = tpu.memref_squeeze %dma_wait3A_267 : memref<1x80x64xf32, #tpu.memory_space<vmem>> -> memref<80x64xf32, #tpu.memory_space<vmem>>
        %dma_wait3A_269 = arith.constant 0 : i32
        %dma_wait3A_270 = tpu.memref_slice %arg8[%add3A_263, %dma_wait3A_269] : memref<50x80xi32, #tpu.memory_space<vmem>> -> memref<1x80xi32, #tpu.memory_space<vmem>>
        %dma_wait3A_271 = tpu.memref_squeeze %dma_wait3A_270 : memref<1x80xi32, #tpu.memory_space<vmem>> -> memref<80xi32, #tpu.memory_space<vmem>>
        %dma_wait3A_272 = arith.constant 0 : i32
        %dma_wait3A_273 = arith.constant 0 : i32
        %dma_wait3A_274 = tpu.memref_slice %arg2[%dma_wait3A_272, %dma_wait3A_273] : memref<10000x64xf32, #tpu.memory_space<hbm>> -> memref<10000x64xf32, #tpu.memory_space<hbm>>
        tpu.wait_indirect_dma semaphore(%arg15 : memref<!tpu.dma_semaphore, #tpu.memory_space<semaphore_mem>>) src(%dma_wait3A_274 : memref<10000x64xf32, #tpu.memory_space<hbm>>) dst(%dma_wait3A_268 : memref<80x64xf32, #tpu.memory_space<vmem>>)
        %dma_start3A_275 = arith.constant 3 : i32
        %dma_start3A_276 = arith.constant 0 : i32
        %dma_start3A_277 = arith.constant 0 : i32
        %dma_start3A_278 = tpu.memref_slice %arg10[%dma_start3A_275, %dma_start3A_276, %dma_start3A_277] : memref<4x80x64xf32, #tpu.memory_space<vmem>> -> memref<1x80x64xf32, #tpu.memory_space<vmem>>
        %dma_start3A_279 = tpu.memref_squeeze %dma_start3A_278 : memref<1x80x64xf32, #tpu.memory_space<vmem>> -> memref<80x64xf32, #tpu.memory_space<vmem>>
        %dma_start3A_280 = arith.constant 0 : i32
        %dma_start3A_281 = tpu.memref_slice %arg9[%add3A_263, %dma_start3A_280] : memref<50x80xi32, #tpu.memory_space<vmem>> -> memref<1x80xi32, #tpu.memory_space<vmem>>
        %dma_start3A_282 = tpu.memref_squeeze %dma_start3A_281 : memref<1x80xi32, #tpu.memory_space<vmem>> -> memref<80xi32, #tpu.memory_space<vmem>>
        %dma_start3A_283 = arith.constant 0 : i32
        %dma_start3A_284 = arith.constant 0 : i32
        %dma_start3A_285 = tpu.memref_slice %arg11[%dma_start3A_283, %dma_start3A_284] : memref<10000x64xf32, #tpu.memory_space<vmem_shared>> -> memref<10000x64xf32, #tpu.memory_space<vmem_shared>>
        tpu.enqueue_indirect_dma source(%dma_start3A_279 : memref<80x64xf32, #tpu.memory_space<vmem>>) target(%dma_start3A_285 : memref<10000x64xf32, #tpu.memory_space<vmem_shared>>) offsets(%dma_start3A_282 : memref<80xi32, #tpu.memory_space<vmem>>) semaphore(%arg19 : memref<!tpu.dma_semaphore, #tpu.memory_space<semaphore_mem>>) {add = true}
        %ge3A_286 = arith.constant 2 : i32
        %ge3A_287 = arith.cmpi sge, %add3A_263, %ge3A_286 : i32
        %convert_element_type3A_288 = arith.extui %ge3A_287 : i1 to i32
        %cond3A_289 = arith.constant 0 : i32
        %cond3A_290 = arith.cmpi ne, %convert_element_type3A_288, %cond3A_289 : i32
        scf.if %cond3A_290 {
          %sub3A = arith.constant 2 : i32
          %sub3A_303 = arith.subi %add3A_263, %sub3A : i32
          %dma_wait3A_304 = arith.constant 1 : i32
          %dma_wait3A_305 = arith.constant 0 : i32
          %dma_wait3A_306 = arith.constant 0 : i32
          %dma_wait3A_307 = tpu.memref_slice %arg10[%dma_wait3A_304, %dma_wait3A_305, %dma_wait3A_306] : memref<4x80x64xf32, #tpu.memory_space<vmem>> -> memref<1x80x64xf32, #tpu.memory_space<vmem>>
          %dma_wait3A_308 = tpu.memref_squeeze %dma_wait3A_307 : memref<1x80x64xf32, #tpu.memory_space<vmem>> -> memref<80x64xf32, #tpu.memory_space<vmem>>
          %dma_wait3A_309 = arith.constant 0 : i32
          %dma_wait3A_310 = tpu.memref_slice %arg9[%sub3A_303, %dma_wait3A_309] : memref<50x80xi32, #tpu.memory_space<vmem>> -> memref<1x80xi32, #tpu.memory_space<vmem>>
          %dma_wait3A_311 = tpu.memref_squeeze %dma_wait3A_310 : memref<1x80xi32, #tpu.memory_space<vmem>> -> memref<80xi32, #tpu.memory_space<vmem>>
          %dma_wait3A_312 = arith.constant 0 : i32
          %dma_wait3A_313 = arith.constant 0 : i32
          %dma_wait3A_314 = tpu.memref_slice %arg11[%dma_wait3A_312, %dma_wait3A_313] : memref<10000x64xf32, #tpu.memory_space<vmem_shared>> -> memref<10000x64xf32, #tpu.memory_space<vmem_shared>>
          tpu.wait_indirect_dma semaphore(%arg17 : memref<!tpu.dma_semaphore, #tpu.memory_space<semaphore_mem>>) src(%dma_wait3A_308 : memref<80x64xf32, #tpu.memory_space<vmem>>) dst(%dma_wait3A_314 : memref<10000x64xf32, #tpu.memory_space<vmem_shared>>)
        } else {
        }
        %add3A_291 = arith.constant 2 : i32
        %add3A_292 = arith.addi %add3A_263, %add3A_291 : i32
        %eq3A_293 = arith.constant 0 : i32
        %eq3A_294 = arith.cmpi eq, %arg0, %eq3A_293 : i32
        %convert_element_type3A_295 = arith.extui %eq3A_294 : i1 to i32
        %cond3A_296 = arith.constant 0 : i32
        %cond3A_297 = arith.cmpi ne, %convert_element_type3A_295, %cond3A_296 : i32
        scf.if %cond3A_297 {
          %dma_start3A_303 = arith.constant 1 : i32
          %dma_start3A_304 = arith.constant 0 : i32
          %dma_start3A_305 = arith.constant 0 : i32
          %dma_start3A_306 = tpu.memref_slice %arg10[%dma_start3A_303, %dma_start3A_304, %dma_start3A_305] : memref<4x80x64xf32, #tpu.memory_space<vmem>> -> memref<1x80x64xf32, #tpu.memory_space<vmem>>
          %dma_start3A_307 = tpu.memref_squeeze %dma_start3A_306 : memref<1x80x64xf32, #tpu.memory_space<vmem>> -> memref<80x64xf32, #tpu.memory_space<vmem>>
          %dma_start3A_308 = arith.constant 0 : i32
          %dma_start3A_309 = tpu.memref_slice %arg8[%add3A_292, %dma_start3A_308] : memref<50x80xi32, #tpu.memory_space<vmem>> -> memref<1x80xi32, #tpu.memory_space<vmem>>
          %dma_start3A_310 = tpu.memref_squeeze %dma_start3A_309 : memref<1x80xi32, #tpu.memory_space<vmem>> -> memref<80xi32, #tpu.memory_space<vmem>>
          %dma_start3A_311 = arith.constant 0 : i32
          %dma_start3A_312 = arith.constant 0 : i32
          %dma_start3A_313 = tpu.memref_slice %arg2[%dma_start3A_311, %dma_start3A_312] : memref<10000x64xf32, #tpu.memory_space<hbm>> -> memref<10000x64xf32, #tpu.memory_space<hbm>>
          tpu.enqueue_indirect_dma source(%dma_start3A_313 : memref<10000x64xf32, #tpu.memory_space<hbm>>) target(%dma_start3A_307 : memref<80x64xf32, #tpu.memory_space<vmem>>) offsets(%dma_start3A_310 : memref<80xi32, #tpu.memory_space<vmem>>) semaphore(%arg13 : memref<!tpu.dma_semaphore, #tpu.memory_space<semaphore_mem>>)
        } else {
        }
        %eq3A_298 = arith.constant 1 : i32
        %eq3A_299 = arith.cmpi eq, %arg0, %eq3A_298 : i32
        %convert_element_type3A_300 = arith.extui %eq3A_299 : i1 to i32
        %cond3A_301 = arith.constant 0 : i32
        %cond3A_302 = arith.cmpi ne, %convert_element_type3A_300, %cond3A_301 : i32
        scf.if %cond3A_302 {
          %dma_start3A_303 = arith.constant 1 : i32
          %dma_start3A_304 = arith.constant 0 : i32
          %dma_start3A_305 = arith.constant 0 : i32
          %dma_start3A_306 = tpu.memref_slice %arg10[%dma_start3A_303, %dma_start3A_304, %dma_start3A_305] : memref<4x80x64xf32, #tpu.memory_space<vmem>> -> memref<1x80x64xf32, #tpu.memory_space<vmem>>
          %dma_start3A_307 = tpu.memref_squeeze %dma_start3A_306 : memref<1x80x64xf32, #tpu.memory_space<vmem>> -> memref<80x64xf32, #tpu.memory_space<vmem>>
          %dma_start3A_308 = arith.constant 0 : i32
          %dma_start3A_309 = tpu.memref_slice %arg8[%add3A_292, %dma_start3A_308] : memref<50x80xi32, #tpu.memory_space<vmem>> -> memref<1x80xi32, #tpu.memory_space<vmem>>
          %dma_start3A_310 = tpu.memref_squeeze %dma_start3A_309 : memref<1x80xi32, #tpu.memory_space<vmem>> -> memref<80xi32, #tpu.memory_space<vmem>>
          %dma_start3A_311 = arith.constant 0 : i32
          %dma_start3A_312 = arith.constant 0 : i32
          %dma_start3A_313 = tpu.memref_slice %arg3[%dma_start3A_311, %dma_start3A_312] : memref<10000x64xf32, #tpu.memory_space<hbm>> -> memref<10000x64xf32, #tpu.memory_space<hbm>>
          tpu.enqueue_indirect_dma source(%dma_start3A_313 : memref<10000x64xf32, #tpu.memory_space<hbm>>) target(%dma_start3A_307 : memref<80x64xf32, #tpu.memory_space<vmem>>) offsets(%dma_start3A_310 : memref<80xi32, #tpu.memory_space<vmem>>) semaphore(%arg13 : memref<!tpu.dma_semaphore, #tpu.memory_space<semaphore_mem>>)
        } else {
        }
      }
      %scan3A_36 = arith.constant 12 : i32
      %dma_wait3A = arith.constant 48 : i32
      %dma_wait3A_37 = arith.constant 0 : i32
      %dma_wait3A_38 = arith.constant 0 : i32
      %dma_wait3A_39 = arith.constant 0 : i32
      %dma_wait3A_40 = tpu.memref_slice %arg10[%dma_wait3A_37, %dma_wait3A_38, %dma_wait3A_39] : memref<4x80x64xf32, #tpu.memory_space<vmem>> -> memref<1x80x64xf32, #tpu.memory_space<vmem>>
      %dma_wait3A_41 = tpu.memref_squeeze %dma_wait3A_40 : memref<1x80x64xf32, #tpu.memory_space<vmem>> -> memref<80x64xf32, #tpu.memory_space<vmem>>
      %dma_wait3A_42 = arith.constant 0 : i32
      %dma_wait3A_43 = tpu.memref_slice %arg8[%dma_wait3A, %dma_wait3A_42] : memref<50x80xi32, #tpu.memory_space<vmem>> -> memref<1x80xi32, #tpu.memory_space<vmem>>
      %dma_wait3A_44 = tpu.memref_squeeze %dma_wait3A_43 : memref<1x80xi32, #tpu.memory_space<vmem>> -> memref<80xi32, #tpu.memory_space<vmem>>
      %dma_wait3A_45 = arith.constant 0 : i32
      %dma_wait3A_46 = arith.constant 0 : i32
      %dma_wait3A_47 = tpu.memref_slice %arg2[%dma_wait3A_45, %dma_wait3A_46] : memref<10000x64xf32, #tpu.memory_space<hbm>> -> memref<10000x64xf32, #tpu.memory_space<hbm>>
      tpu.wait_indirect_dma semaphore(%arg12 : memref<!tpu.dma_semaphore, #tpu.memory_space<semaphore_mem>>) src(%dma_wait3A_47 : memref<10000x64xf32, #tpu.memory_space<hbm>>) dst(%dma_wait3A_41 : memref<80x64xf32, #tpu.memory_space<vmem>>)
      %dma_start3A = arith.constant 0 : i32
      %dma_start3A_48 = arith.constant 48 : i32
      %dma_start3A_49 = arith.constant 0 : i32
      %dma_start3A_50 = arith.constant 0 : i32
      %dma_start3A_51 = tpu.memref_slice %arg10[%dma_start3A, %dma_start3A_49, %dma_start3A_50] : memref<4x80x64xf32, #tpu.memory_space<vmem>> -> memref<1x80x64xf32, #tpu.memory_space<vmem>>
      %dma_start3A_52 = tpu.memref_squeeze %dma_start3A_51 : memref<1x80x64xf32, #tpu.memory_space<vmem>> -> memref<80x64xf32, #tpu.memory_space<vmem>>
      %dma_start3A_53 = arith.constant 0 : i32
      %dma_start3A_54 = tpu.memref_slice %arg9[%dma_start3A_48, %dma_start3A_53] : memref<50x80xi32, #tpu.memory_space<vmem>> -> memref<1x80xi32, #tpu.memory_space<vmem>>
      %dma_start3A_55 = tpu.memref_squeeze %dma_start3A_54 : memref<1x80xi32, #tpu.memory_space<vmem>> -> memref<80xi32, #tpu.memory_space<vmem>>
      %dma_start3A_56 = arith.constant 0 : i32
      %dma_start3A_57 = arith.constant 0 : i32
      %dma_start3A_58 = tpu.memref_slice %arg11[%dma_start3A_56, %dma_start3A_57] : memref<10000x64xf32, #tpu.memory_space<vmem_shared>> -> memref<10000x64xf32, #tpu.memory_space<vmem_shared>>
      tpu.enqueue_indirect_dma source(%dma_start3A_52 : memref<80x64xf32, #tpu.memory_space<vmem>>) target(%dma_start3A_58 : memref<10000x64xf32, #tpu.memory_space<vmem_shared>>) offsets(%dma_start3A_55 : memref<80xi32, #tpu.memory_space<vmem>>) semaphore(%arg16 : memref<!tpu.dma_semaphore, #tpu.memory_space<semaphore_mem>>) {add = true}
      %dma_wait3A_59 = arith.constant 49 : i32
      %dma_wait3A_60 = arith.constant 1 : i32
      %dma_wait3A_61 = arith.constant 0 : i32
      %dma_wait3A_62 = arith.constant 0 : i32
      %dma_wait3A_63 = tpu.memref_slice %arg10[%dma_wait3A_60, %dma_wait3A_61, %dma_wait3A_62] : memref<4x80x64xf32, #tpu.memory_space<vmem>> -> memref<1x80x64xf32, #tpu.memory_space<vmem>>
      %dma_wait3A_64 = tpu.memref_squeeze %dma_wait3A_63 : memref<1x80x64xf32, #tpu.memory_space<vmem>> -> memref<80x64xf32, #tpu.memory_space<vmem>>
      %dma_wait3A_65 = arith.constant 0 : i32
      %dma_wait3A_66 = tpu.memref_slice %arg8[%dma_wait3A_59, %dma_wait3A_65] : memref<50x80xi32, #tpu.memory_space<vmem>> -> memref<1x80xi32, #tpu.memory_space<vmem>>
      %dma_wait3A_67 = tpu.memref_squeeze %dma_wait3A_66 : memref<1x80xi32, #tpu.memory_space<vmem>> -> memref<80xi32, #tpu.memory_space<vmem>>
      %dma_wait3A_68 = arith.constant 0 : i32
      %dma_wait3A_69 = arith.constant 0 : i32
      %dma_wait3A_70 = tpu.memref_slice %arg2[%dma_wait3A_68, %dma_wait3A_69] : memref<10000x64xf32, #tpu.memory_space<hbm>> -> memref<10000x64xf32, #tpu.memory_space<hbm>>
      tpu.wait_indirect_dma semaphore(%arg13 : memref<!tpu.dma_semaphore, #tpu.memory_space<semaphore_mem>>) src(%dma_wait3A_70 : memref<10000x64xf32, #tpu.memory_space<hbm>>) dst(%dma_wait3A_64 : memref<80x64xf32, #tpu.memory_space<vmem>>)
      %dma_start3A_71 = arith.constant 1 : i32
      %dma_start3A_72 = arith.constant 49 : i32
      %dma_start3A_73 = arith.constant 0 : i32
      %dma_start3A_74 = arith.constant 0 : i32
      %dma_start3A_75 = tpu.memref_slice %arg10[%dma_start3A_71, %dma_start3A_73, %dma_start3A_74] : memref<4x80x64xf32, #tpu.memory_space<vmem>> -> memref<1x80x64xf32, #tpu.memory_space<vmem>>
      %dma_start3A_76 = tpu.memref_squeeze %dma_start3A_75 : memref<1x80x64xf32, #tpu.memory_space<vmem>> -> memref<80x64xf32, #tpu.memory_space<vmem>>
      %dma_start3A_77 = arith.constant 0 : i32
      %dma_start3A_78 = tpu.memref_slice %arg9[%dma_start3A_72, %dma_start3A_77] : memref<50x80xi32, #tpu.memory_space<vmem>> -> memref<1x80xi32, #tpu.memory_space<vmem>>
      %dma_start3A_79 = tpu.memref_squeeze %dma_start3A_78 : memref<1x80xi32, #tpu.memory_space<vmem>> -> memref<80xi32, #tpu.memory_space<vmem>>
      %dma_start3A_80 = arith.constant 0 : i32
      %dma_start3A_81 = arith.constant 0 : i32
      %dma_start3A_82 = tpu.memref_slice %arg11[%dma_start3A_80, %dma_start3A_81] : memref<10000x64xf32, #tpu.memory_space<vmem_shared>> -> memref<10000x64xf32, #tpu.memory_space<vmem_shared>>
      tpu.enqueue_indirect_dma source(%dma_start3A_76 : memref<80x64xf32, #tpu.memory_space<vmem>>) target(%dma_start3A_82 : memref<10000x64xf32, #tpu.memory_space<vmem_shared>>) offsets(%dma_start3A_79 : memref<80xi32, #tpu.memory_space<vmem>>) semaphore(%arg17 : memref<!tpu.dma_semaphore, #tpu.memory_space<semaphore_mem>>) {add = true}
      %dma_wait3A_83 = arith.constant 2 : i32
      %dma_wait3A_84 = arith.constant 46 : i32
      %dma_wait3A_85 = arith.constant 0 : i32
      %dma_wait3A_86 = arith.constant 0 : i32
      %dma_wait3A_87 = tpu.memref_slice %arg10[%dma_wait3A_83, %dma_wait3A_85, %dma_wait3A_86] : memref<4x80x64xf32, #tpu.memory_space<vmem>> -> memref<1x80x64xf32, #tpu.memory_space<vmem>>
      %dma_wait3A_88 = tpu.memref_squeeze %dma_wait3A_87 : memref<1x80x64xf32, #tpu.memory_space<vmem>> -> memref<80x64xf32, #tpu.memory_space<vmem>>
      %dma_wait3A_89 = arith.constant 0 : i32
      %dma_wait3A_90 = tpu.memref_slice %arg9[%dma_wait3A_84, %dma_wait3A_89] : memref<50x80xi32, #tpu.memory_space<vmem>> -> memref<1x80xi32, #tpu.memory_space<vmem>>
      %dma_wait3A_91 = tpu.memref_squeeze %dma_wait3A_90 : memref<1x80xi32, #tpu.memory_space<vmem>> -> memref<80xi32, #tpu.memory_space<vmem>>
      %dma_wait3A_92 = arith.constant 0 : i32
      %dma_wait3A_93 = arith.constant 0 : i32
      %dma_wait3A_94 = tpu.memref_slice %arg11[%dma_wait3A_92, %dma_wait3A_93] : memref<10000x64xf32, #tpu.memory_space<vmem_shared>> -> memref<10000x64xf32, #tpu.memory_space<vmem_shared>>
      tpu.wait_indirect_dma semaphore(%arg18 : memref<!tpu.dma_semaphore, #tpu.memory_space<semaphore_mem>>) src(%dma_wait3A_88 : memref<80x64xf32, #tpu.memory_space<vmem>>) dst(%dma_wait3A_94 : memref<10000x64xf32, #tpu.memory_space<vmem_shared>>)
      %dma_wait3A_95 = arith.constant 3 : i32
      %dma_wait3A_96 = arith.constant 47 : i32
      %dma_wait3A_97 = arith.constant 0 : i32
      %dma_wait3A_98 = arith.constant 0 : i32
      %dma_wait3A_99 = tpu.memref_slice %arg10[%dma_wait3A_95, %dma_wait3A_97, %dma_wait3A_98] : memref<4x80x64xf32, #tpu.memory_space<vmem>> -> memref<1x80x64xf32, #tpu.memory_space<vmem>>
      %dma_wait3A_100 = tpu.memref_squeeze %dma_wait3A_99 : memref<1x80x64xf32, #tpu.memory_space<vmem>> -> memref<80x64xf32, #tpu.memory_space<vmem>>
      %dma_wait3A_101 = arith.constant 0 : i32
      %dma_wait3A_102 = tpu.memref_slice %arg9[%dma_wait3A_96, %dma_wait3A_101] : memref<50x80xi32, #tpu.memory_space<vmem>> -> memref<1x80xi32, #tpu.memory_space<vmem>>
      %dma_wait3A_103 = tpu.memref_squeeze %dma_wait3A_102 : memref<1x80xi32, #tpu.memory_space<vmem>> -> memref<80xi32, #tpu.memory_space<vmem>>
      %dma_wait3A_104 = arith.constant 0 : i32
      %dma_wait3A_105 = arith.constant 0 : i32
      %dma_wait3A_106 = tpu.memref_slice %arg11[%dma_wait3A_104, %dma_wait3A_105] : memref<10000x64xf32, #tpu.memory_space<vmem_shared>> -> memref<10000x64xf32, #tpu.memory_space<vmem_shared>>
      tpu.wait_indirect_dma semaphore(%arg19 : memref<!tpu.dma_semaphore, #tpu.memory_space<semaphore_mem>>) src(%dma_wait3A_100 : memref<80x64xf32, #tpu.memory_space<vmem>>) dst(%dma_wait3A_106 : memref<10000x64xf32, #tpu.memory_space<vmem_shared>>)
      %dma_wait3A_107 = arith.constant 0 : i32
      %dma_wait3A_108 = arith.constant 48 : i32
      %dma_wait3A_109 = arith.constant 0 : i32
      %dma_wait3A_110 = arith.constant 0 : i32
      %dma_wait3A_111 = tpu.memref_slice %arg10[%dma_wait3A_107, %dma_wait3A_109, %dma_wait3A_110] : memref<4x80x64xf32, #tpu.memory_space<vmem>> -> memref<1x80x64xf32, #tpu.memory_space<vmem>>
      %dma_wait3A_112 = tpu.memref_squeeze %dma_wait3A_111 : memref<1x80x64xf32, #tpu.memory_space<vmem>> -> memref<80x64xf32, #tpu.memory_space<vmem>>
      %dma_wait3A_113 = arith.constant 0 : i32
      %dma_wait3A_114 = tpu.memref_slice %arg9[%dma_wait3A_108, %dma_wait3A_113] : memref<50x80xi32, #tpu.memory_space<vmem>> -> memref<1x80xi32, #tpu.memory_space<vmem>>
      %dma_wait3A_115 = tpu.memref_squeeze %dma_wait3A_114 : memref<1x80xi32, #tpu.memory_space<vmem>> -> memref<80xi32, #tpu.memory_space<vmem>>
      %dma_wait3A_116 = arith.constant 0 : i32
      %dma_wait3A_117 = arith.constant 0 : i32
      %dma_wait3A_118 = tpu.memref_slice %arg11[%dma_wait3A_116, %dma_wait3A_117] : memref<10000x64xf32, #tpu.memory_space<vmem_shared>> -> memref<10000x64xf32, #tpu.memory_space<vmem_shared>>
      tpu.wait_indirect_dma semaphore(%arg16 : memref<!tpu.dma_semaphore, #tpu.memory_space<semaphore_mem>>) src(%dma_wait3A_112 : memref<80x64xf32, #tpu.memory_space<vmem>>) dst(%dma_wait3A_118 : memref<10000x64xf32, #tpu.memory_space<vmem_shared>>)
      %dma_wait3A_119 = arith.constant 1 : i32
      %dma_wait3A_120 = arith.constant 49 : i32
      %dma_wait3A_121 = arith.constant 0 : i32
      %dma_wait3A_122 = arith.constant 0 : i32
      %dma_wait3A_123 = tpu.memref_slice %arg10[%dma_wait3A_119, %dma_wait3A_121, %dma_wait3A_122] : memref<4x80x64xf32, #tpu.memory_space<vmem>> -> memref<1x80x64xf32, #tpu.memory_space<vmem>>
      %dma_wait3A_124 = tpu.memref_squeeze %dma_wait3A_123 : memref<1x80x64xf32, #tpu.memory_space<vmem>> -> memref<80x64xf32, #tpu.memory_space<vmem>>
      %dma_wait3A_125 = arith.constant 0 : i32
      %dma_wait3A_126 = tpu.memref_slice %arg9[%dma_wait3A_120, %dma_wait3A_125] : memref<50x80xi32, #tpu.memory_space<vmem>> -> memref<1x80xi32, #tpu.memory_space<vmem>>
      %dma_wait3A_127 = tpu.memref_squeeze %dma_wait3A_126 : memref<1x80xi32, #tpu.memory_space<vmem>> -> memref<80xi32, #tpu.memory_space<vmem>>
      %dma_wait3A_128 = arith.constant 0 : i32
      %dma_wait3A_129 = arith.constant 0 : i32
      %dma_wait3A_130 = tpu.memref_slice %arg11[%dma_wait3A_128, %dma_wait3A_129] : memref<10000x64xf32, #tpu.memory_space<vmem_shared>> -> memref<10000x64xf32, #tpu.memory_space<vmem_shared>>
      tpu.wait_indirect_dma semaphore(%arg17 : memref<!tpu.dma_semaphore, #tpu.memory_space<semaphore_mem>>) src(%dma_wait3A_124 : memref<80x64xf32, #tpu.memory_space<vmem>>) dst(%dma_wait3A_130 : memref<10000x64xf32, #tpu.memory_space<vmem_shared>>)
    }
    %scan3A_7 = arith.constant 5 : i32
    %barrier3A_8 = arith.constant 0 : index
    tpu.barrier barrier_id(%barrier3A_8)
    %mul3A_9 = arith.constant 64 : i32
    %mul3A_10 = arith.muli %arg0, %mul3A_9 : i32
    "tpu.region"() ({
      %run_scoped3A = tpu.sem_alloc : memref<!tpu.dma_semaphore, #tpu.memory_space<semaphore_mem>>
      %dma_start3A = tpu.memref_slice %arg7[%mul3A_0, %mul3A_10] : memref<10000x128xf32, #tpu.memory_space<hbm>> -> memref<625x64xf32, #tpu.memory_space<hbm>>
      %dma_start3A_11 = arith.constant 0 : i32
      %dma_start3A_12 = tpu.memref_slice %arg11[%mul3A_0, %dma_start3A_11] : memref<10000x64xf32, #tpu.memory_space<vmem_shared>> -> memref<625x64xf32, #tpu.memory_space<vmem_shared>>
      tpu.enqueue_dma source(%dma_start3A_12 : memref<625x64xf32, #tpu.memory_space<vmem_shared>>) target(%dma_start3A : memref<625x64xf32, #tpu.memory_space<hbm>>) target_semaphore(%run_scoped3A : memref<!tpu.dma_semaphore, #tpu.memory_space<semaphore_mem>>)
      %dma_wait3A = tpu.memref_slice %arg7[%mul3A_0, %mul3A_10] : memref<10000x128xf32, #tpu.memory_space<hbm>> -> memref<625x64xf32, #tpu.memory_space<hbm>>
      %dma_wait3A_13 = arith.constant 0 : i32
      %dma_wait3A_14 = tpu.memref_slice %arg11[%mul3A_0, %dma_wait3A_13] : memref<10000x64xf32, #tpu.memory_space<vmem_shared>> -> memref<625x64xf32, #tpu.memory_space<vmem_shared>>
      tpu.wait_dma2 semaphore(%run_scoped3A : memref<!tpu.dma_semaphore, #tpu.memory_space<semaphore_mem>>) src(%dma_wait3A_14 : memref<625x64xf32, #tpu.memory_space<vmem_shared>>) dst(%dma_wait3A : memref<625x64xf32, #tpu.memory_space<hbm>>)
      tpu.yield
    }) : () -> ()
    return
  }
}

#map = affine_map<(d0, d1) -> (0, 0)>
module attributes {stable_mosaic.version = 14 : i64} {
  func.func @sc_scatter(%arg0: i32, %arg1: i32, %arg2: memref<10000x128xf32, #tpu.memory_space<hbm>>, %arg3: memref<10000x128xf32, #tpu.memory_space<hbm>>, %arg4: memref<4000x80xi32, #tpu.memory_space<hbm>>, %arg5: memref<4000x80xi32, #tpu.memory_space<hbm>>, %arg6: memref<10000x128xf32, #tpu.memory_space<hbm>>, %arg7: memref<20000x128xf32, #tpu.memory_space<hbm>>, %arg8: memref<50x80xi32, #tpu.memory_space<vmem>>, %arg9: memref<50x80xi32, #tpu.memory_space<vmem>>, %arg10: memref<4x80x128xf32, #tpu.memory_space<vmem>>, %arg11: memref<10000x128xf32, #tpu.memory_space<vmem_shared>>, %arg12: memref<!tpu.dma_semaphore, #tpu.memory_space<semaphore_mem>>, %arg13: memref<!tpu.dma_semaphore, #tpu.memory_space<semaphore_mem>>, %arg14: memref<!tpu.dma_semaphore, #tpu.memory_space<semaphore_mem>>, %arg15: memref<!tpu.dma_semaphore, #tpu.memory_space<semaphore_mem>>, %arg16: memref<!tpu.dma_semaphore, #tpu.memory_space<semaphore_mem>>, %arg17: memref<!tpu.dma_semaphore, #tpu.memory_space<semaphore_mem>>, %arg18: memref<!tpu.dma_semaphore, #tpu.memory_space<semaphore_mem>>, %arg19: memref<!tpu.dma_semaphore, #tpu.memory_space<semaphore_mem>>) attributes {dimension_semantics = [#tpu.dimension_semantics<core_parallel>, #tpu.dimension_semantics<subcore_parallel>], iteration_bounds = array<i64: 2, 16>, scalar_prefetch = 0 : i64, scratch_operands = 12 : i64, tpu.core_type = #tpu.core_type<sc_vector_subcore>, window_params = [{transform_indices = #map}, {transform_indices = #map}, {transform_indices = #map}, {transform_indices = #map}, {transform_indices = #map}, {transform_indices = #map}]} {
    %mul3A = arith.constant 625 : i32
    %mul3A_0 = arith.muli %arg1, %mul3A : i32
    "tpu.region"() ({
      %run_scoped3A = tpu.sem_alloc : memref<!tpu.dma_semaphore, #tpu.memory_space<semaphore_mem>>
      %dma_start3A = arith.constant 0 : i32
      %dma_start3A_11 = tpu.memref_slice %arg11[%mul3A_0, %dma_start3A] : memref<10000x128xf32, #tpu.memory_space<vmem_shared>> -> memref<625x128xf32, #tpu.memory_space<vmem_shared>>
      %dma_start3A_12 = arith.constant 0 : i32
      %dma_start3A_13 = tpu.memref_slice %arg6[%mul3A_0, %dma_start3A_12] : memref<10000x128xf32, #tpu.memory_space<hbm>> -> memref<625x128xf32, #tpu.memory_space<hbm>>
      tpu.enqueue_dma source(%dma_start3A_13 : memref<625x128xf32, #tpu.memory_space<hbm>>) target(%dma_start3A_11 : memref<625x128xf32, #tpu.memory_space<vmem_shared>>) target_semaphore(%run_scoped3A : memref<!tpu.dma_semaphore, #tpu.memory_space<semaphore_mem>>)
      %dma_wait3A = arith.constant 0 : i32
      %dma_wait3A_14 = tpu.memref_slice %arg11[%mul3A_0, %dma_wait3A] : memref<10000x128xf32, #tpu.memory_space<vmem_shared>> -> memref<625x128xf32, #tpu.memory_space<vmem_shared>>
      %dma_wait3A_15 = arith.constant 0 : i32
      %dma_wait3A_16 = tpu.memref_slice %arg6[%mul3A_0, %dma_wait3A_15] : memref<10000x128xf32, #tpu.memory_space<hbm>> -> memref<625x128xf32, #tpu.memory_space<hbm>>
      tpu.wait_dma2 semaphore(%run_scoped3A : memref<!tpu.dma_semaphore, #tpu.memory_space<semaphore_mem>>) src(%dma_wait3A_16 : memref<625x128xf32, #tpu.memory_space<hbm>>) dst(%dma_wait3A_14 : memref<625x128xf32, #tpu.memory_space<vmem_shared>>)
      tpu.yield
    }) : () -> ()
    %mul3A_1 = arith.constant 250 : i32
    %mul3A_2 = arith.muli %arg1, %mul3A_1 : i32
    %barrier3A = arith.constant 0 : index
    tpu.barrier barrier_id(%barrier3A)
    %scan3A = arith.constant 0 : i32
    %scan3A_3 = arith.constant 0 : i32
    %scan3A_4 = arith.constant 5 : i32
    %scan3A_5 = arith.addi %scan3A_3, %scan3A_4 : i32
    %scan3A_6 = arith.constant 1 : i32
    scf.for %scan3A_11 = %scan3A_3 to %scan3A_5 step %scan3A_6  : i32 {
      %mul3A_12 = arith.constant 50 : i32
      %mul3A_13 = arith.muli %scan3A_11, %mul3A_12 : i32
      %add3A_14 = arith.addi %mul3A_2, %mul3A_13 : i32
      "tpu.region"() ({
        %run_scoped3A = tpu.sem_alloc : memref<!tpu.dma_semaphore, #tpu.memory_space<semaphore_mem>>
        %dma_start3A_132 = arith.constant 0 : i32
        %dma_start3A_133 = tpu.memref_slice %arg4[%add3A_14, %dma_start3A_132] : memref<4000x80xi32, #tpu.memory_space<hbm>> -> memref<50x80xi32, #tpu.memory_space<hbm>>
        %dma_start3A_134 = arith.constant 0 : i32
        %dma_start3A_135 = tpu.memref_slice %arg4[%add3A_14, %dma_start3A_134] : memref<4000x80xi32, #tpu.memory_space<hbm>> -> memref<50x80xi32, #tpu.memory_space<hbm>>
        tpu.enqueue_dma source(%dma_start3A_135 : memref<50x80xi32, #tpu.memory_space<hbm>>) target(%arg8 : memref<50x80xi32, #tpu.memory_space<vmem>>) target_semaphore(%run_scoped3A : memref<!tpu.dma_semaphore, #tpu.memory_space<semaphore_mem>>)
        %dma_wait3A_136 = arith.constant 0 : i32
        %dma_wait3A_137 = tpu.memref_slice %arg4[%add3A_14, %dma_wait3A_136] : memref<4000x80xi32, #tpu.memory_space<hbm>> -> memref<50x80xi32, #tpu.memory_space<hbm>>
        %dma_wait3A_138 = arith.constant 0 : i32
        %dma_wait3A_139 = tpu.memref_slice %arg4[%add3A_14, %dma_wait3A_138] : memref<4000x80xi32, #tpu.memory_space<hbm>> -> memref<50x80xi32, #tpu.memory_space<hbm>>
        tpu.wait_dma2 semaphore(%run_scoped3A : memref<!tpu.dma_semaphore, #tpu.memory_space<semaphore_mem>>) src(%dma_wait3A_139 : memref<50x80xi32, #tpu.memory_space<hbm>>) dst(%arg8 : memref<50x80xi32, #tpu.memory_space<vmem>>)
        tpu.yield
      }) : () -> ()
      "tpu.region"() ({
        %run_scoped3A = tpu.sem_alloc : memref<!tpu.dma_semaphore, #tpu.memory_space<semaphore_mem>>
        %dma_start3A_132 = arith.constant 0 : i32
        %dma_start3A_133 = tpu.memref_slice %arg5[%add3A_14, %dma_start3A_132] : memref<4000x80xi32, #tpu.memory_space<hbm>> -> memref<50x80xi32, #tpu.memory_space<hbm>>
        %dma_start3A_134 = arith.constant 0 : i32
        %dma_start3A_135 = tpu.memref_slice %arg5[%add3A_14, %dma_start3A_134] : memref<4000x80xi32, #tpu.memory_space<hbm>> -> memref<50x80xi32, #tpu.memory_space<hbm>>
        tpu.enqueue_dma source(%dma_start3A_135 : memref<50x80xi32, #tpu.memory_space<hbm>>) target(%arg9 : memref<50x80xi32, #tpu.memory_space<vmem>>) target_semaphore(%run_scoped3A : memref<!tpu.dma_semaphore, #tpu.memory_space<semaphore_mem>>)
        %dma_wait3A_136 = arith.constant 0 : i32
        %dma_wait3A_137 = tpu.memref_slice %arg5[%add3A_14, %dma_wait3A_136] : memref<4000x80xi32, #tpu.memory_space<hbm>> -> memref<50x80xi32, #tpu.memory_space<hbm>>
        %dma_wait3A_138 = arith.constant 0 : i32
        %dma_wait3A_139 = tpu.memref_slice %arg5[%add3A_14, %dma_wait3A_138] : memref<4000x80xi32, #tpu.memory_space<hbm>> -> memref<50x80xi32, #tpu.memory_space<hbm>>
        tpu.wait_dma2 semaphore(%run_scoped3A : memref<!tpu.dma_semaphore, #tpu.memory_space<semaphore_mem>>) src(%dma_wait3A_139 : memref<50x80xi32, #tpu.memory_space<hbm>>) dst(%arg9 : memref<50x80xi32, #tpu.memory_space<vmem>>)
        tpu.yield
      }) : () -> ()
      %eq3A = arith.constant 0 : i32
      %eq3A_15 = arith.cmpi eq, %arg0, %eq3A : i32
      %convert_element_type3A = arith.extui %eq3A_15 : i1 to i32
      %cond3A = arith.constant 0 : i32
      %cond3A_16 = arith.cmpi ne, %convert_element_type3A, %cond3A : i32
      scf.if %cond3A_16 {
        %dma_start3A_132 = arith.constant 0 : i32
        %dma_start3A_133 = arith.constant 0 : i32
        %dma_start3A_134 = arith.constant 0 : i32
        %dma_start3A_135 = arith.constant 0 : i32
        %dma_start3A_136 = tpu.memref_slice %arg10[%dma_start3A_133, %dma_start3A_134, %dma_start3A_135] : memref<4x80x128xf32, #tpu.memory_space<vmem>> -> memref<1x80x128xf32, #tpu.memory_space<vmem>>
        %dma_start3A_137 = tpu.memref_squeeze %dma_start3A_136 : memref<1x80x128xf32, #tpu.memory_space<vmem>> -> memref<80x128xf32, #tpu.memory_space<vmem>>
        %dma_start3A_138 = arith.constant 0 : i32
        %dma_start3A_139 = tpu.memref_slice %arg8[%dma_start3A_132, %dma_start3A_138] : memref<50x80xi32, #tpu.memory_space<vmem>> -> memref<1x80xi32, #tpu.memory_space<vmem>>
        %dma_start3A_140 = tpu.memref_squeeze %dma_start3A_139 : memref<1x80xi32, #tpu.memory_space<vmem>> -> memref<80xi32, #tpu.memory_space<vmem>>
        %dma_start3A_141 = arith.constant 0 : i32
        %dma_start3A_142 = arith.constant 0 : i32
        %dma_start3A_143 = tpu.memref_slice %arg2[%dma_start3A_141, %dma_start3A_142] : memref<10000x128xf32, #tpu.memory_space<hbm>> -> memref<10000x128xf32, #tpu.memory_space<hbm>>
        tpu.enqueue_indirect_dma source(%dma_start3A_143 : memref<10000x128xf32, #tpu.memory_space<hbm>>) target(%dma_start3A_137 : memref<80x128xf32, #tpu.memory_space<vmem>>) offsets(%dma_start3A_140 : memref<80xi32, #tpu.memory_space<vmem>>) semaphore(%arg12 : memref<!tpu.dma_semaphore, #tpu.memory_space<semaphore_mem>>)
      } else {
      }
      %eq3A_17 = arith.constant 1 : i32
      %eq3A_18 = arith.cmpi eq, %arg0, %eq3A_17 : i32
      %convert_element_type3A_19 = arith.extui %eq3A_18 : i1 to i32
      %cond3A_20 = arith.constant 0 : i32
      %cond3A_21 = arith.cmpi ne, %convert_element_type3A_19, %cond3A_20 : i32
      scf.if %cond3A_21 {
        %dma_start3A_132 = arith.constant 0 : i32
        %dma_start3A_133 = arith.constant 0 : i32
        %dma_start3A_134 = arith.constant 0 : i32
        %dma_start3A_135 = arith.constant 0 : i32
        %dma_start3A_136 = tpu.memref_slice %arg10[%dma_start3A_133, %dma_start3A_134, %dma_start3A_135] : memref<4x80x128xf32, #tpu.memory_space<vmem>> -> memref<1x80x128xf32, #tpu.memory_space<vmem>>
        %dma_start3A_137 = tpu.memref_squeeze %dma_start3A_136 : memref<1x80x128xf32, #tpu.memory_space<vmem>> -> memref<80x128xf32, #tpu.memory_space<vmem>>
        %dma_start3A_138 = arith.constant 0 : i32
        %dma_start3A_139 = tpu.memref_slice %arg8[%dma_start3A_132, %dma_start3A_138] : memref<50x80xi32, #tpu.memory_space<vmem>> -> memref<1x80xi32, #tpu.memory_space<vmem>>
        %dma_start3A_140 = tpu.memref_squeeze %dma_start3A_139 : memref<1x80xi32, #tpu.memory_space<vmem>> -> memref<80xi32, #tpu.memory_space<vmem>>
        %dma_start3A_141 = arith.constant 0 : i32
        %dma_start3A_142 = arith.constant 0 : i32
        %dma_start3A_143 = tpu.memref_slice %arg3[%dma_start3A_141, %dma_start3A_142] : memref<10000x128xf32, #tpu.memory_space<hbm>> -> memref<10000x128xf32, #tpu.memory_space<hbm>>
        tpu.enqueue_indirect_dma source(%dma_start3A_143 : memref<10000x128xf32, #tpu.memory_space<hbm>>) target(%dma_start3A_137 : memref<80x128xf32, #tpu.memory_space<vmem>>) offsets(%dma_start3A_140 : memref<80xi32, #tpu.memory_space<vmem>>) semaphore(%arg12 : memref<!tpu.dma_semaphore, #tpu.memory_space<semaphore_mem>>)
      } else {
      }
      %eq3A_22 = arith.constant 0 : i32
      %eq3A_23 = arith.cmpi eq, %arg0, %eq3A_22 : i32
      %convert_element_type3A_24 = arith.extui %eq3A_23 : i1 to i32
      %cond3A_25 = arith.constant 0 : i32
      %cond3A_26 = arith.cmpi ne, %convert_element_type3A_24, %cond3A_25 : i32
      scf.if %cond3A_26 {
        %dma_start3A_132 = arith.constant 1 : i32
        %dma_start3A_133 = arith.constant 1 : i32
        %dma_start3A_134 = arith.constant 0 : i32
        %dma_start3A_135 = arith.constant 0 : i32
        %dma_start3A_136 = tpu.memref_slice %arg10[%dma_start3A_133, %dma_start3A_134, %dma_start3A_135] : memref<4x80x128xf32, #tpu.memory_space<vmem>> -> memref<1x80x128xf32, #tpu.memory_space<vmem>>
        %dma_start3A_137 = tpu.memref_squeeze %dma_start3A_136 : memref<1x80x128xf32, #tpu.memory_space<vmem>> -> memref<80x128xf32, #tpu.memory_space<vmem>>
        %dma_start3A_138 = arith.constant 0 : i32
        %dma_start3A_139 = tpu.memref_slice %arg8[%dma_start3A_132, %dma_start3A_138] : memref<50x80xi32, #tpu.memory_space<vmem>> -> memref<1x80xi32, #tpu.memory_space<vmem>>
        %dma_start3A_140 = tpu.memref_squeeze %dma_start3A_139 : memref<1x80xi32, #tpu.memory_space<vmem>> -> memref<80xi32, #tpu.memory_space<vmem>>
        %dma_start3A_141 = arith.constant 0 : i32
        %dma_start3A_142 = arith.constant 0 : i32
        %dma_start3A_143 = tpu.memref_slice %arg2[%dma_start3A_141, %dma_start3A_142] : memref<10000x128xf32, #tpu.memory_space<hbm>> -> memref<10000x128xf32, #tpu.memory_space<hbm>>
        tpu.enqueue_indirect_dma source(%dma_start3A_143 : memref<10000x128xf32, #tpu.memory_space<hbm>>) target(%dma_start3A_137 : memref<80x128xf32, #tpu.memory_space<vmem>>) offsets(%dma_start3A_140 : memref<80xi32, #tpu.memory_space<vmem>>) semaphore(%arg13 : memref<!tpu.dma_semaphore, #tpu.memory_space<semaphore_mem>>)
      } else {
      }
      %eq3A_27 = arith.constant 1 : i32
      %eq3A_28 = arith.cmpi eq, %arg0, %eq3A_27 : i32
      %convert_element_type3A_29 = arith.extui %eq3A_28 : i1 to i32
      %cond3A_30 = arith.constant 0 : i32
      %cond3A_31 = arith.cmpi ne, %convert_element_type3A_29, %cond3A_30 : i32
      scf.if %cond3A_31 {
        %dma_start3A_132 = arith.constant 1 : i32
        %dma_start3A_133 = arith.constant 1 : i32
        %dma_start3A_134 = arith.constant 0 : i32
        %dma_start3A_135 = arith.constant 0 : i32
        %dma_start3A_136 = tpu.memref_slice %arg10[%dma_start3A_133, %dma_start3A_134, %dma_start3A_135] : memref<4x80x128xf32, #tpu.memory_space<vmem>> -> memref<1x80x128xf32, #tpu.memory_space<vmem>>
        %dma_start3A_137 = tpu.memref_squeeze %dma_start3A_136 : memref<1x80x128xf32, #tpu.memory_space<vmem>> -> memref<80x128xf32, #tpu.memory_space<vmem>>
        %dma_start3A_138 = arith.constant 0 : i32
        %dma_start3A_139 = tpu.memref_slice %arg8[%dma_start3A_132, %dma_start3A_138] : memref<50x80xi32, #tpu.memory_space<vmem>> -> memref<1x80xi32, #tpu.memory_space<vmem>>
        %dma_start3A_140 = tpu.memref_squeeze %dma_start3A_139 : memref<1x80xi32, #tpu.memory_space<vmem>> -> memref<80xi32, #tpu.memory_space<vmem>>
        %dma_start3A_141 = arith.constant 0 : i32
        %dma_start3A_142 = arith.constant 0 : i32
        %dma_start3A_143 = tpu.memref_slice %arg3[%dma_start3A_141, %dma_start3A_142] : memref<10000x128xf32, #tpu.memory_space<hbm>> -> memref<10000x128xf32, #tpu.memory_space<hbm>>
        tpu.enqueue_indirect_dma source(%dma_start3A_143 : memref<10000x128xf32, #tpu.memory_space<hbm>>) target(%dma_start3A_137 : memref<80x128xf32, #tpu.memory_space<vmem>>) offsets(%dma_start3A_140 : memref<80xi32, #tpu.memory_space<vmem>>) semaphore(%arg13 : memref<!tpu.dma_semaphore, #tpu.memory_space<semaphore_mem>>)
      } else {
      }
      %scan3A_32 = arith.constant 0 : i32
      %scan3A_33 = arith.constant 0 : i32
      %scan3A_34 = arith.constant 12 : i32
      %scan3A_35 = arith.addi %scan3A_33, %scan3A_34 : i32
      %scan3A_36 = arith.constant 1 : i32
      scf.for %scan3A_132 = %scan3A_33 to %scan3A_35 step %scan3A_36  : i32 {
        %mul3A_133 = arith.constant 4 : i32
        %mul3A_134 = arith.muli %scan3A_132, %mul3A_133 : i32
        %add3A_135 = arith.constant 0 : i32
        %add3A_136 = arith.addi %mul3A_134, %add3A_135 : i32
        %dma_wait3A_137 = arith.constant 0 : i32
        %dma_wait3A_138 = arith.constant 0 : i32
        %dma_wait3A_139 = arith.constant 0 : i32
        %dma_wait3A_140 = tpu.memref_slice %arg10[%dma_wait3A_137, %dma_wait3A_138, %dma_wait3A_139] : memref<4x80x128xf32, #tpu.memory_space<vmem>> -> memref<1x80x128xf32, #tpu.memory_space<vmem>>
        %dma_wait3A_141 = tpu.memref_squeeze %dma_wait3A_140 : memref<1x80x128xf32, #tpu.memory_space<vmem>> -> memref<80x128xf32, #tpu.memory_space<vmem>>
        %dma_wait3A_142 = arith.constant 0 : i32
        %dma_wait3A_143 = tpu.memref_slice %arg8[%add3A_136, %dma_wait3A_142] : memref<50x80xi32, #tpu.memory_space<vmem>> -> memref<1x80xi32, #tpu.memory_space<vmem>>
        %dma_wait3A_144 = tpu.memref_squeeze %dma_wait3A_143 : memref<1x80xi32, #tpu.memory_space<vmem>> -> memref<80xi32, #tpu.memory_space<vmem>>
        %dma_wait3A_145 = arith.constant 0 : i32
        %dma_wait3A_146 = arith.constant 0 : i32
        %dma_wait3A_147 = tpu.memref_slice %arg2[%dma_wait3A_145, %dma_wait3A_146] : memref<10000x128xf32, #tpu.memory_space<hbm>> -> memref<10000x128xf32, #tpu.memory_space<hbm>>
        tpu.wait_indirect_dma semaphore(%arg12 : memref<!tpu.dma_semaphore, #tpu.memory_space<semaphore_mem>>) src(%dma_wait3A_147 : memref<10000x128xf32, #tpu.memory_space<hbm>>) dst(%dma_wait3A_141 : memref<80x128xf32, #tpu.memory_space<vmem>>)
        %dma_start3A_148 = arith.constant 0 : i32
        %dma_start3A_149 = arith.constant 0 : i32
        %dma_start3A_150 = arith.constant 0 : i32
        %dma_start3A_151 = tpu.memref_slice %arg10[%dma_start3A_148, %dma_start3A_149, %dma_start3A_150] : memref<4x80x128xf32, #tpu.memory_space<vmem>> -> memref<1x80x128xf32, #tpu.memory_space<vmem>>
        %dma_start3A_152 = tpu.memref_squeeze %dma_start3A_151 : memref<1x80x128xf32, #tpu.memory_space<vmem>> -> memref<80x128xf32, #tpu.memory_space<vmem>>
        %dma_start3A_153 = arith.constant 0 : i32
        %dma_start3A_154 = tpu.memref_slice %arg9[%add3A_136, %dma_start3A_153] : memref<50x80xi32, #tpu.memory_space<vmem>> -> memref<1x80xi32, #tpu.memory_space<vmem>>
        %dma_start3A_155 = tpu.memref_squeeze %dma_start3A_154 : memref<1x80xi32, #tpu.memory_space<vmem>> -> memref<80xi32, #tpu.memory_space<vmem>>
        %dma_start3A_156 = arith.constant 0 : i32
        %dma_start3A_157 = arith.constant 0 : i32
        %dma_start3A_158 = tpu.memref_slice %arg11[%dma_start3A_156, %dma_start3A_157] : memref<10000x128xf32, #tpu.memory_space<vmem_shared>> -> memref<10000x128xf32, #tpu.memory_space<vmem_shared>>
        tpu.enqueue_indirect_dma source(%dma_start3A_152 : memref<80x128xf32, #tpu.memory_space<vmem>>) target(%dma_start3A_158 : memref<10000x128xf32, #tpu.memory_space<vmem_shared>>) offsets(%dma_start3A_155 : memref<80xi32, #tpu.memory_space<vmem>>) semaphore(%arg16 : memref<!tpu.dma_semaphore, #tpu.memory_space<semaphore_mem>>) {add = true}
        %ge3A = arith.constant 2 : i32
        %ge3A_159 = arith.cmpi sge, %add3A_136, %ge3A : i32
        %convert_element_type3A_160 = arith.extui %ge3A_159 : i1 to i32
        %cond3A_161 = arith.constant 0 : i32
        %cond3A_162 = arith.cmpi ne, %convert_element_type3A_160, %cond3A_161 : i32
        scf.if %cond3A_162 {
          %sub3A = arith.constant 2 : i32
          %sub3A_304 = arith.subi %add3A_136, %sub3A : i32
          %dma_wait3A_305 = arith.constant 2 : i32
          %dma_wait3A_306 = arith.constant 0 : i32
          %dma_wait3A_307 = arith.constant 0 : i32
          %dma_wait3A_308 = tpu.memref_slice %arg10[%dma_wait3A_305, %dma_wait3A_306, %dma_wait3A_307] : memref<4x80x128xf32, #tpu.memory_space<vmem>> -> memref<1x80x128xf32, #tpu.memory_space<vmem>>
          %dma_wait3A_309 = tpu.memref_squeeze %dma_wait3A_308 : memref<1x80x128xf32, #tpu.memory_space<vmem>> -> memref<80x128xf32, #tpu.memory_space<vmem>>
          %dma_wait3A_310 = arith.constant 0 : i32
          %dma_wait3A_311 = tpu.memref_slice %arg9[%sub3A_304, %dma_wait3A_310] : memref<50x80xi32, #tpu.memory_space<vmem>> -> memref<1x80xi32, #tpu.memory_space<vmem>>
          %dma_wait3A_312 = tpu.memref_squeeze %dma_wait3A_311 : memref<1x80xi32, #tpu.memory_space<vmem>> -> memref<80xi32, #tpu.memory_space<vmem>>
          %dma_wait3A_313 = arith.constant 0 : i32
          %dma_wait3A_314 = arith.constant 0 : i32
          %dma_wait3A_315 = tpu.memref_slice %arg11[%dma_wait3A_313, %dma_wait3A_314] : memref<10000x128xf32, #tpu.memory_space<vmem_shared>> -> memref<10000x128xf32, #tpu.memory_space<vmem_shared>>
          tpu.wait_indirect_dma semaphore(%arg18 : memref<!tpu.dma_semaphore, #tpu.memory_space<semaphore_mem>>) src(%dma_wait3A_309 : memref<80x128xf32, #tpu.memory_space<vmem>>) dst(%dma_wait3A_315 : memref<10000x128xf32, #tpu.memory_space<vmem_shared>>)
        } else {
        }
        %add3A_163 = arith.constant 2 : i32
        %add3A_164 = arith.addi %add3A_136, %add3A_163 : i32
        %eq3A_165 = arith.constant 0 : i32
        %eq3A_166 = arith.cmpi eq, %arg0, %eq3A_165 : i32
        %convert_element_type3A_167 = arith.extui %eq3A_166 : i1 to i32
        %cond3A_168 = arith.constant 0 : i32
        %cond3A_169 = arith.cmpi ne, %convert_element_type3A_167, %cond3A_168 : i32
        scf.if %cond3A_169 {
          %dma_start3A_304 = arith.constant 2 : i32
          %dma_start3A_305 = arith.constant 0 : i32
          %dma_start3A_306 = arith.constant 0 : i32
          %dma_start3A_307 = tpu.memref_slice %arg10[%dma_start3A_304, %dma_start3A_305, %dma_start3A_306] : memref<4x80x128xf32, #tpu.memory_space<vmem>> -> memref<1x80x128xf32, #tpu.memory_space<vmem>>
          %dma_start3A_308 = tpu.memref_squeeze %dma_start3A_307 : memref<1x80x128xf32, #tpu.memory_space<vmem>> -> memref<80x128xf32, #tpu.memory_space<vmem>>
          %dma_start3A_309 = arith.constant 0 : i32
          %dma_start3A_310 = tpu.memref_slice %arg8[%add3A_164, %dma_start3A_309] : memref<50x80xi32, #tpu.memory_space<vmem>> -> memref<1x80xi32, #tpu.memory_space<vmem>>
          %dma_start3A_311 = tpu.memref_squeeze %dma_start3A_310 : memref<1x80xi32, #tpu.memory_space<vmem>> -> memref<80xi32, #tpu.memory_space<vmem>>
          %dma_start3A_312 = arith.constant 0 : i32
          %dma_start3A_313 = arith.constant 0 : i32
          %dma_start3A_314 = tpu.memref_slice %arg2[%dma_start3A_312, %dma_start3A_313] : memref<10000x128xf32, #tpu.memory_space<hbm>> -> memref<10000x128xf32, #tpu.memory_space<hbm>>
          tpu.enqueue_indirect_dma source(%dma_start3A_314 : memref<10000x128xf32, #tpu.memory_space<hbm>>) target(%dma_start3A_308 : memref<80x128xf32, #tpu.memory_space<vmem>>) offsets(%dma_start3A_311 : memref<80xi32, #tpu.memory_space<vmem>>) semaphore(%arg14 : memref<!tpu.dma_semaphore, #tpu.memory_space<semaphore_mem>>)
        } else {
        }
        %eq3A_170 = arith.constant 1 : i32
        %eq3A_171 = arith.cmpi eq, %arg0, %eq3A_170 : i32
        %convert_element_type3A_172 = arith.extui %eq3A_171 : i1 to i32
        %cond3A_173 = arith.constant 0 : i32
        %cond3A_174 = arith.cmpi ne, %convert_element_type3A_172, %cond3A_173 : i32
        scf.if %cond3A_174 {
          %dma_start3A_304 = arith.constant 2 : i32
          %dma_start3A_305 = arith.constant 0 : i32
          %dma_start3A_306 = arith.constant 0 : i32
          %dma_start3A_307 = tpu.memref_slice %arg10[%dma_start3A_304, %dma_start3A_305, %dma_start3A_306] : memref<4x80x128xf32, #tpu.memory_space<vmem>> -> memref<1x80x128xf32, #tpu.memory_space<vmem>>
          %dma_start3A_308 = tpu.memref_squeeze %dma_start3A_307 : memref<1x80x128xf32, #tpu.memory_space<vmem>> -> memref<80x128xf32, #tpu.memory_space<vmem>>
          %dma_start3A_309 = arith.constant 0 : i32
          %dma_start3A_310 = tpu.memref_slice %arg8[%add3A_164, %dma_start3A_309] : memref<50x80xi32, #tpu.memory_space<vmem>> -> memref<1x80xi32, #tpu.memory_space<vmem>>
          %dma_start3A_311 = tpu.memref_squeeze %dma_start3A_310 : memref<1x80xi32, #tpu.memory_space<vmem>> -> memref<80xi32, #tpu.memory_space<vmem>>
          %dma_start3A_312 = arith.constant 0 : i32
          %dma_start3A_313 = arith.constant 0 : i32
          %dma_start3A_314 = tpu.memref_slice %arg3[%dma_start3A_312, %dma_start3A_313] : memref<10000x128xf32, #tpu.memory_space<hbm>> -> memref<10000x128xf32, #tpu.memory_space<hbm>>
          tpu.enqueue_indirect_dma source(%dma_start3A_314 : memref<10000x128xf32, #tpu.memory_space<hbm>>) target(%dma_start3A_308 : memref<80x128xf32, #tpu.memory_space<vmem>>) offsets(%dma_start3A_311 : memref<80xi32, #tpu.memory_space<vmem>>) semaphore(%arg14 : memref<!tpu.dma_semaphore, #tpu.memory_space<semaphore_mem>>)
        } else {
        }
        %mul3A_175 = arith.constant 4 : i32
        %mul3A_176 = arith.muli %scan3A_132, %mul3A_175 : i32
        %add3A_177 = arith.constant 1 : i32
        %add3A_178 = arith.addi %mul3A_176, %add3A_177 : i32
        %dma_wait3A_179 = arith.constant 1 : i32
        %dma_wait3A_180 = arith.constant 0 : i32
        %dma_wait3A_181 = arith.constant 0 : i32
        %dma_wait3A_182 = tpu.memref_slice %arg10[%dma_wait3A_179, %dma_wait3A_180, %dma_wait3A_181] : memref<4x80x128xf32, #tpu.memory_space<vmem>> -> memref<1x80x128xf32, #tpu.memory_space<vmem>>
        %dma_wait3A_183 = tpu.memref_squeeze %dma_wait3A_182 : memref<1x80x128xf32, #tpu.memory_space<vmem>> -> memref<80x128xf32, #tpu.memory_space<vmem>>
        %dma_wait3A_184 = arith.constant 0 : i32
        %dma_wait3A_185 = tpu.memref_slice %arg8[%add3A_178, %dma_wait3A_184] : memref<50x80xi32, #tpu.memory_space<vmem>> -> memref<1x80xi32, #tpu.memory_space<vmem>>
        %dma_wait3A_186 = tpu.memref_squeeze %dma_wait3A_185 : memref<1x80xi32, #tpu.memory_space<vmem>> -> memref<80xi32, #tpu.memory_space<vmem>>
        %dma_wait3A_187 = arith.constant 0 : i32
        %dma_wait3A_188 = arith.constant 0 : i32
        %dma_wait3A_189 = tpu.memref_slice %arg2[%dma_wait3A_187, %dma_wait3A_188] : memref<10000x128xf32, #tpu.memory_space<hbm>> -> memref<10000x128xf32, #tpu.memory_space<hbm>>
        tpu.wait_indirect_dma semaphore(%arg13 : memref<!tpu.dma_semaphore, #tpu.memory_space<semaphore_mem>>) src(%dma_wait3A_189 : memref<10000x128xf32, #tpu.memory_space<hbm>>) dst(%dma_wait3A_183 : memref<80x128xf32, #tpu.memory_space<vmem>>)
        %dma_start3A_190 = arith.constant 1 : i32
        %dma_start3A_191 = arith.constant 0 : i32
        %dma_start3A_192 = arith.constant 0 : i32
        %dma_start3A_193 = tpu.memref_slice %arg10[%dma_start3A_190, %dma_start3A_191, %dma_start3A_192] : memref<4x80x128xf32, #tpu.memory_space<vmem>> -> memref<1x80x128xf32, #tpu.memory_space<vmem>>
        %dma_start3A_194 = tpu.memref_squeeze %dma_start3A_193 : memref<1x80x128xf32, #tpu.memory_space<vmem>> -> memref<80x128xf32, #tpu.memory_space<vmem>>
        %dma_start3A_195 = arith.constant 0 : i32
        %dma_start3A_196 = tpu.memref_slice %arg9[%add3A_178, %dma_start3A_195] : memref<50x80xi32, #tpu.memory_space<vmem>> -> memref<1x80xi32, #tpu.memory_space<vmem>>
        %dma_start3A_197 = tpu.memref_squeeze %dma_start3A_196 : memref<1x80xi32, #tpu.memory_space<vmem>> -> memref<80xi32, #tpu.memory_space<vmem>>
        %dma_start3A_198 = arith.constant 0 : i32
        %dma_start3A_199 = arith.constant 0 : i32
        %dma_start3A_200 = tpu.memref_slice %arg11[%dma_start3A_198, %dma_start3A_199] : memref<10000x128xf32, #tpu.memory_space<vmem_shared>> -> memref<10000x128xf32, #tpu.memory_space<vmem_shared>>
        tpu.enqueue_indirect_dma source(%dma_start3A_194 : memref<80x128xf32, #tpu.memory_space<vmem>>) target(%dma_start3A_200 : memref<10000x128xf32, #tpu.memory_space<vmem_shared>>) offsets(%dma_start3A_197 : memref<80xi32, #tpu.memory_space<vmem>>) semaphore(%arg17 : memref<!tpu.dma_semaphore, #tpu.memory_space<semaphore_mem>>) {add = true}
        %ge3A_201 = arith.constant 2 : i32
        %ge3A_202 = arith.cmpi sge, %add3A_178, %ge3A_201 : i32
        %convert_element_type3A_203 = arith.extui %ge3A_202 : i1 to i32
        %cond3A_204 = arith.constant 0 : i32
        %cond3A_205 = arith.cmpi ne, %convert_element_type3A_203, %cond3A_204 : i32
        scf.if %cond3A_205 {
          %sub3A = arith.constant 2 : i32
          %sub3A_304 = arith.subi %add3A_178, %sub3A : i32
          %dma_wait3A_305 = arith.constant 3 : i32
          %dma_wait3A_306 = arith.constant 0 : i32
          %dma_wait3A_307 = arith.constant 0 : i32
          %dma_wait3A_308 = tpu.memref_slice %arg10[%dma_wait3A_305, %dma_wait3A_306, %dma_wait3A_307] : memref<4x80x128xf32, #tpu.memory_space<vmem>> -> memref<1x80x128xf32, #tpu.memory_space<vmem>>
          %dma_wait3A_309 = tpu.memref_squeeze %dma_wait3A_308 : memref<1x80x128xf32, #tpu.memory_space<vmem>> -> memref<80x128xf32, #tpu.memory_space<vmem>>
          %dma_wait3A_310 = arith.constant 0 : i32
          %dma_wait3A_311 = tpu.memref_slice %arg9[%sub3A_304, %dma_wait3A_310] : memref<50x80xi32, #tpu.memory_space<vmem>> -> memref<1x80xi32, #tpu.memory_space<vmem>>
          %dma_wait3A_312 = tpu.memref_squeeze %dma_wait3A_311 : memref<1x80xi32, #tpu.memory_space<vmem>> -> memref<80xi32, #tpu.memory_space<vmem>>
          %dma_wait3A_313 = arith.constant 0 : i32
          %dma_wait3A_314 = arith.constant 0 : i32
          %dma_wait3A_315 = tpu.memref_slice %arg11[%dma_wait3A_313, %dma_wait3A_314] : memref<10000x128xf32, #tpu.memory_space<vmem_shared>> -> memref<10000x128xf32, #tpu.memory_space<vmem_shared>>
          tpu.wait_indirect_dma semaphore(%arg19 : memref<!tpu.dma_semaphore, #tpu.memory_space<semaphore_mem>>) src(%dma_wait3A_309 : memref<80x128xf32, #tpu.memory_space<vmem>>) dst(%dma_wait3A_315 : memref<10000x128xf32, #tpu.memory_space<vmem_shared>>)
        } else {
        }
        %add3A_206 = arith.constant 2 : i32
        %add3A_207 = arith.addi %add3A_178, %add3A_206 : i32
        %eq3A_208 = arith.constant 0 : i32
        %eq3A_209 = arith.cmpi eq, %arg0, %eq3A_208 : i32
        %convert_element_type3A_210 = arith.extui %eq3A_209 : i1 to i32
        %cond3A_211 = arith.constant 0 : i32
        %cond3A_212 = arith.cmpi ne, %convert_element_type3A_210, %cond3A_211 : i32
        scf.if %cond3A_212 {
          %dma_start3A_304 = arith.constant 3 : i32
          %dma_start3A_305 = arith.constant 0 : i32
          %dma_start3A_306 = arith.constant 0 : i32
          %dma_start3A_307 = tpu.memref_slice %arg10[%dma_start3A_304, %dma_start3A_305, %dma_start3A_306] : memref<4x80x128xf32, #tpu.memory_space<vmem>> -> memref<1x80x128xf32, #tpu.memory_space<vmem>>
          %dma_start3A_308 = tpu.memref_squeeze %dma_start3A_307 : memref<1x80x128xf32, #tpu.memory_space<vmem>> -> memref<80x128xf32, #tpu.memory_space<vmem>>
          %dma_start3A_309 = arith.constant 0 : i32
          %dma_start3A_310 = tpu.memref_slice %arg8[%add3A_207, %dma_start3A_309] : memref<50x80xi32, #tpu.memory_space<vmem>> -> memref<1x80xi32, #tpu.memory_space<vmem>>
          %dma_start3A_311 = tpu.memref_squeeze %dma_start3A_310 : memref<1x80xi32, #tpu.memory_space<vmem>> -> memref<80xi32, #tpu.memory_space<vmem>>
          %dma_start3A_312 = arith.constant 0 : i32
          %dma_start3A_313 = arith.constant 0 : i32
          %dma_start3A_314 = tpu.memref_slice %arg2[%dma_start3A_312, %dma_start3A_313] : memref<10000x128xf32, #tpu.memory_space<hbm>> -> memref<10000x128xf32, #tpu.memory_space<hbm>>
          tpu.enqueue_indirect_dma source(%dma_start3A_314 : memref<10000x128xf32, #tpu.memory_space<hbm>>) target(%dma_start3A_308 : memref<80x128xf32, #tpu.memory_space<vmem>>) offsets(%dma_start3A_311 : memref<80xi32, #tpu.memory_space<vmem>>) semaphore(%arg15 : memref<!tpu.dma_semaphore, #tpu.memory_space<semaphore_mem>>)
        } else {
        }
        %eq3A_213 = arith.constant 1 : i32
        %eq3A_214 = arith.cmpi eq, %arg0, %eq3A_213 : i32
        %convert_element_type3A_215 = arith.extui %eq3A_214 : i1 to i32
        %cond3A_216 = arith.constant 0 : i32
        %cond3A_217 = arith.cmpi ne, %convert_element_type3A_215, %cond3A_216 : i32
        scf.if %cond3A_217 {
          %dma_start3A_304 = arith.constant 3 : i32
          %dma_start3A_305 = arith.constant 0 : i32
          %dma_start3A_306 = arith.constant 0 : i32
          %dma_start3A_307 = tpu.memref_slice %arg10[%dma_start3A_304, %dma_start3A_305, %dma_start3A_306] : memref<4x80x128xf32, #tpu.memory_space<vmem>> -> memref<1x80x128xf32, #tpu.memory_space<vmem>>
          %dma_start3A_308 = tpu.memref_squeeze %dma_start3A_307 : memref<1x80x128xf32, #tpu.memory_space<vmem>> -> memref<80x128xf32, #tpu.memory_space<vmem>>
          %dma_start3A_309 = arith.constant 0 : i32
          %dma_start3A_310 = tpu.memref_slice %arg8[%add3A_207, %dma_start3A_309] : memref<50x80xi32, #tpu.memory_space<vmem>> -> memref<1x80xi32, #tpu.memory_space<vmem>>
          %dma_start3A_311 = tpu.memref_squeeze %dma_start3A_310 : memref<1x80xi32, #tpu.memory_space<vmem>> -> memref<80xi32, #tpu.memory_space<vmem>>
          %dma_start3A_312 = arith.constant 0 : i32
          %dma_start3A_313 = arith.constant 0 : i32
          %dma_start3A_314 = tpu.memref_slice %arg3[%dma_start3A_312, %dma_start3A_313] : memref<10000x128xf32, #tpu.memory_space<hbm>> -> memref<10000x128xf32, #tpu.memory_space<hbm>>
          tpu.enqueue_indirect_dma source(%dma_start3A_314 : memref<10000x128xf32, #tpu.memory_space<hbm>>) target(%dma_start3A_308 : memref<80x128xf32, #tpu.memory_space<vmem>>) offsets(%dma_start3A_311 : memref<80xi32, #tpu.memory_space<vmem>>) semaphore(%arg15 : memref<!tpu.dma_semaphore, #tpu.memory_space<semaphore_mem>>)
        } else {
        }
        %mul3A_218 = arith.constant 4 : i32
        %mul3A_219 = arith.muli %scan3A_132, %mul3A_218 : i32
        %add3A_220 = arith.constant 2 : i32
        %add3A_221 = arith.addi %mul3A_219, %add3A_220 : i32
        %dma_wait3A_222 = arith.constant 2 : i32
        %dma_wait3A_223 = arith.constant 0 : i32
        %dma_wait3A_224 = arith.constant 0 : i32
        %dma_wait3A_225 = tpu.memref_slice %arg10[%dma_wait3A_222, %dma_wait3A_223, %dma_wait3A_224] : memref<4x80x128xf32, #tpu.memory_space<vmem>> -> memref<1x80x128xf32, #tpu.memory_space<vmem>>
        %dma_wait3A_226 = tpu.memref_squeeze %dma_wait3A_225 : memref<1x80x128xf32, #tpu.memory_space<vmem>> -> memref<80x128xf32, #tpu.memory_space<vmem>>
        %dma_wait3A_227 = arith.constant 0 : i32
        %dma_wait3A_228 = tpu.memref_slice %arg8[%add3A_221, %dma_wait3A_227] : memref<50x80xi32, #tpu.memory_space<vmem>> -> memref<1x80xi32, #tpu.memory_space<vmem>>
        %dma_wait3A_229 = tpu.memref_squeeze %dma_wait3A_228 : memref<1x80xi32, #tpu.memory_space<vmem>> -> memref<80xi32, #tpu.memory_space<vmem>>
        %dma_wait3A_230 = arith.constant 0 : i32
        %dma_wait3A_231 = arith.constant 0 : i32
        %dma_wait3A_232 = tpu.memref_slice %arg2[%dma_wait3A_230, %dma_wait3A_231] : memref<10000x128xf32, #tpu.memory_space<hbm>> -> memref<10000x128xf32, #tpu.memory_space<hbm>>
        tpu.wait_indirect_dma semaphore(%arg14 : memref<!tpu.dma_semaphore, #tpu.memory_space<semaphore_mem>>) src(%dma_wait3A_232 : memref<10000x128xf32, #tpu.memory_space<hbm>>) dst(%dma_wait3A_226 : memref<80x128xf32, #tpu.memory_space<vmem>>)
        %dma_start3A_233 = arith.constant 2 : i32
        %dma_start3A_234 = arith.constant 0 : i32
        %dma_start3A_235 = arith.constant 0 : i32
        %dma_start3A_236 = tpu.memref_slice %arg10[%dma_start3A_233, %dma_start3A_234, %dma_start3A_235] : memref<4x80x128xf32, #tpu.memory_space<vmem>> -> memref<1x80x128xf32, #tpu.memory_space<vmem>>
        %dma_start3A_237 = tpu.memref_squeeze %dma_start3A_236 : memref<1x80x128xf32, #tpu.memory_space<vmem>> -> memref<80x128xf32, #tpu.memory_space<vmem>>
        %dma_start3A_238 = arith.constant 0 : i32
        %dma_start3A_239 = tpu.memref_slice %arg9[%add3A_221, %dma_start3A_238] : memref<50x80xi32, #tpu.memory_space<vmem>> -> memref<1x80xi32, #tpu.memory_space<vmem>>
        %dma_start3A_240 = tpu.memref_squeeze %dma_start3A_239 : memref<1x80xi32, #tpu.memory_space<vmem>> -> memref<80xi32, #tpu.memory_space<vmem>>
        %dma_start3A_241 = arith.constant 0 : i32
        %dma_start3A_242 = arith.constant 0 : i32
        %dma_start3A_243 = tpu.memref_slice %arg11[%dma_start3A_241, %dma_start3A_242] : memref<10000x128xf32, #tpu.memory_space<vmem_shared>> -> memref<10000x128xf32, #tpu.memory_space<vmem_shared>>
        tpu.enqueue_indirect_dma source(%dma_start3A_237 : memref<80x128xf32, #tpu.memory_space<vmem>>) target(%dma_start3A_243 : memref<10000x128xf32, #tpu.memory_space<vmem_shared>>) offsets(%dma_start3A_240 : memref<80xi32, #tpu.memory_space<vmem>>) semaphore(%arg18 : memref<!tpu.dma_semaphore, #tpu.memory_space<semaphore_mem>>) {add = true}
        %ge3A_244 = arith.constant 2 : i32
        %ge3A_245 = arith.cmpi sge, %add3A_221, %ge3A_244 : i32
        %convert_element_type3A_246 = arith.extui %ge3A_245 : i1 to i32
        %cond3A_247 = arith.constant 0 : i32
        %cond3A_248 = arith.cmpi ne, %convert_element_type3A_246, %cond3A_247 : i32
        scf.if %cond3A_248 {
          %sub3A = arith.constant 2 : i32
          %sub3A_304 = arith.subi %add3A_221, %sub3A : i32
          %dma_wait3A_305 = arith.constant 0 : i32
          %dma_wait3A_306 = arith.constant 0 : i32
          %dma_wait3A_307 = arith.constant 0 : i32
          %dma_wait3A_308 = tpu.memref_slice %arg10[%dma_wait3A_305, %dma_wait3A_306, %dma_wait3A_307] : memref<4x80x128xf32, #tpu.memory_space<vmem>> -> memref<1x80x128xf32, #tpu.memory_space<vmem>>
          %dma_wait3A_309 = tpu.memref_squeeze %dma_wait3A_308 : memref<1x80x128xf32, #tpu.memory_space<vmem>> -> memref<80x128xf32, #tpu.memory_space<vmem>>
          %dma_wait3A_310 = arith.constant 0 : i32
          %dma_wait3A_311 = tpu.memref_slice %arg9[%sub3A_304, %dma_wait3A_310] : memref<50x80xi32, #tpu.memory_space<vmem>> -> memref<1x80xi32, #tpu.memory_space<vmem>>
          %dma_wait3A_312 = tpu.memref_squeeze %dma_wait3A_311 : memref<1x80xi32, #tpu.memory_space<vmem>> -> memref<80xi32, #tpu.memory_space<vmem>>
          %dma_wait3A_313 = arith.constant 0 : i32
          %dma_wait3A_314 = arith.constant 0 : i32
          %dma_wait3A_315 = tpu.memref_slice %arg11[%dma_wait3A_313, %dma_wait3A_314] : memref<10000x128xf32, #tpu.memory_space<vmem_shared>> -> memref<10000x128xf32, #tpu.memory_space<vmem_shared>>
          tpu.wait_indirect_dma semaphore(%arg16 : memref<!tpu.dma_semaphore, #tpu.memory_space<semaphore_mem>>) src(%dma_wait3A_309 : memref<80x128xf32, #tpu.memory_space<vmem>>) dst(%dma_wait3A_315 : memref<10000x128xf32, #tpu.memory_space<vmem_shared>>)
        } else {
        }
        %add3A_249 = arith.constant 2 : i32
        %add3A_250 = arith.addi %add3A_221, %add3A_249 : i32
        %eq3A_251 = arith.constant 0 : i32
        %eq3A_252 = arith.cmpi eq, %arg0, %eq3A_251 : i32
        %convert_element_type3A_253 = arith.extui %eq3A_252 : i1 to i32
        %cond3A_254 = arith.constant 0 : i32
        %cond3A_255 = arith.cmpi ne, %convert_element_type3A_253, %cond3A_254 : i32
        scf.if %cond3A_255 {
          %dma_start3A_304 = arith.constant 0 : i32
          %dma_start3A_305 = arith.constant 0 : i32
          %dma_start3A_306 = arith.constant 0 : i32
          %dma_start3A_307 = tpu.memref_slice %arg10[%dma_start3A_304, %dma_start3A_305, %dma_start3A_306] : memref<4x80x128xf32, #tpu.memory_space<vmem>> -> memref<1x80x128xf32, #tpu.memory_space<vmem>>
          %dma_start3A_308 = tpu.memref_squeeze %dma_start3A_307 : memref<1x80x128xf32, #tpu.memory_space<vmem>> -> memref<80x128xf32, #tpu.memory_space<vmem>>
          %dma_start3A_309 = arith.constant 0 : i32
          %dma_start3A_310 = tpu.memref_slice %arg8[%add3A_250, %dma_start3A_309] : memref<50x80xi32, #tpu.memory_space<vmem>> -> memref<1x80xi32, #tpu.memory_space<vmem>>
          %dma_start3A_311 = tpu.memref_squeeze %dma_start3A_310 : memref<1x80xi32, #tpu.memory_space<vmem>> -> memref<80xi32, #tpu.memory_space<vmem>>
          %dma_start3A_312 = arith.constant 0 : i32
          %dma_start3A_313 = arith.constant 0 : i32
          %dma_start3A_314 = tpu.memref_slice %arg2[%dma_start3A_312, %dma_start3A_313] : memref<10000x128xf32, #tpu.memory_space<hbm>> -> memref<10000x128xf32, #tpu.memory_space<hbm>>
          tpu.enqueue_indirect_dma source(%dma_start3A_314 : memref<10000x128xf32, #tpu.memory_space<hbm>>) target(%dma_start3A_308 : memref<80x128xf32, #tpu.memory_space<vmem>>) offsets(%dma_start3A_311 : memref<80xi32, #tpu.memory_space<vmem>>) semaphore(%arg12 : memref<!tpu.dma_semaphore, #tpu.memory_space<semaphore_mem>>)
        } else {
        }
        %eq3A_256 = arith.constant 1 : i32
        %eq3A_257 = arith.cmpi eq, %arg0, %eq3A_256 : i32
        %convert_element_type3A_258 = arith.extui %eq3A_257 : i1 to i32
        %cond3A_259 = arith.constant 0 : i32
        %cond3A_260 = arith.cmpi ne, %convert_element_type3A_258, %cond3A_259 : i32
        scf.if %cond3A_260 {
          %dma_start3A_304 = arith.constant 0 : i32
          %dma_start3A_305 = arith.constant 0 : i32
          %dma_start3A_306 = arith.constant 0 : i32
          %dma_start3A_307 = tpu.memref_slice %arg10[%dma_start3A_304, %dma_start3A_305, %dma_start3A_306] : memref<4x80x128xf32, #tpu.memory_space<vmem>> -> memref<1x80x128xf32, #tpu.memory_space<vmem>>
          %dma_start3A_308 = tpu.memref_squeeze %dma_start3A_307 : memref<1x80x128xf32, #tpu.memory_space<vmem>> -> memref<80x128xf32, #tpu.memory_space<vmem>>
          %dma_start3A_309 = arith.constant 0 : i32
          %dma_start3A_310 = tpu.memref_slice %arg8[%add3A_250, %dma_start3A_309] : memref<50x80xi32, #tpu.memory_space<vmem>> -> memref<1x80xi32, #tpu.memory_space<vmem>>
          %dma_start3A_311 = tpu.memref_squeeze %dma_start3A_310 : memref<1x80xi32, #tpu.memory_space<vmem>> -> memref<80xi32, #tpu.memory_space<vmem>>
          %dma_start3A_312 = arith.constant 0 : i32
          %dma_start3A_313 = arith.constant 0 : i32
          %dma_start3A_314 = tpu.memref_slice %arg3[%dma_start3A_312, %dma_start3A_313] : memref<10000x128xf32, #tpu.memory_space<hbm>> -> memref<10000x128xf32, #tpu.memory_space<hbm>>
          tpu.enqueue_indirect_dma source(%dma_start3A_314 : memref<10000x128xf32, #tpu.memory_space<hbm>>) target(%dma_start3A_308 : memref<80x128xf32, #tpu.memory_space<vmem>>) offsets(%dma_start3A_311 : memref<80xi32, #tpu.memory_space<vmem>>) semaphore(%arg12 : memref<!tpu.dma_semaphore, #tpu.memory_space<semaphore_mem>>)
        } else {
        }
        %mul3A_261 = arith.constant 4 : i32
        %mul3A_262 = arith.muli %scan3A_132, %mul3A_261 : i32
        %add3A_263 = arith.constant 3 : i32
        %add3A_264 = arith.addi %mul3A_262, %add3A_263 : i32
        %dma_wait3A_265 = arith.constant 3 : i32
        %dma_wait3A_266 = arith.constant 0 : i32
        %dma_wait3A_267 = arith.constant 0 : i32
        %dma_wait3A_268 = tpu.memref_slice %arg10[%dma_wait3A_265, %dma_wait3A_266, %dma_wait3A_267] : memref<4x80x128xf32, #tpu.memory_space<vmem>> -> memref<1x80x128xf32, #tpu.memory_space<vmem>>
        %dma_wait3A_269 = tpu.memref_squeeze %dma_wait3A_268 : memref<1x80x128xf32, #tpu.memory_space<vmem>> -> memref<80x128xf32, #tpu.memory_space<vmem>>
        %dma_wait3A_270 = arith.constant 0 : i32
        %dma_wait3A_271 = tpu.memref_slice %arg8[%add3A_264, %dma_wait3A_270] : memref<50x80xi32, #tpu.memory_space<vmem>> -> memref<1x80xi32, #tpu.memory_space<vmem>>
        %dma_wait3A_272 = tpu.memref_squeeze %dma_wait3A_271 : memref<1x80xi32, #tpu.memory_space<vmem>> -> memref<80xi32, #tpu.memory_space<vmem>>
        %dma_wait3A_273 = arith.constant 0 : i32
        %dma_wait3A_274 = arith.constant 0 : i32
        %dma_wait3A_275 = tpu.memref_slice %arg2[%dma_wait3A_273, %dma_wait3A_274] : memref<10000x128xf32, #tpu.memory_space<hbm>> -> memref<10000x128xf32, #tpu.memory_space<hbm>>
        tpu.wait_indirect_dma semaphore(%arg15 : memref<!tpu.dma_semaphore, #tpu.memory_space<semaphore_mem>>) src(%dma_wait3A_275 : memref<10000x128xf32, #tpu.memory_space<hbm>>) dst(%dma_wait3A_269 : memref<80x128xf32, #tpu.memory_space<vmem>>)
        %dma_start3A_276 = arith.constant 3 : i32
        %dma_start3A_277 = arith.constant 0 : i32
        %dma_start3A_278 = arith.constant 0 : i32
        %dma_start3A_279 = tpu.memref_slice %arg10[%dma_start3A_276, %dma_start3A_277, %dma_start3A_278] : memref<4x80x128xf32, #tpu.memory_space<vmem>> -> memref<1x80x128xf32, #tpu.memory_space<vmem>>
        %dma_start3A_280 = tpu.memref_squeeze %dma_start3A_279 : memref<1x80x128xf32, #tpu.memory_space<vmem>> -> memref<80x128xf32, #tpu.memory_space<vmem>>
        %dma_start3A_281 = arith.constant 0 : i32
        %dma_start3A_282 = tpu.memref_slice %arg9[%add3A_264, %dma_start3A_281] : memref<50x80xi32, #tpu.memory_space<vmem>> -> memref<1x80xi32, #tpu.memory_space<vmem>>
        %dma_start3A_283 = tpu.memref_squeeze %dma_start3A_282 : memref<1x80xi32, #tpu.memory_space<vmem>> -> memref<80xi32, #tpu.memory_space<vmem>>
        %dma_start3A_284 = arith.constant 0 : i32
        %dma_start3A_285 = arith.constant 0 : i32
        %dma_start3A_286 = tpu.memref_slice %arg11[%dma_start3A_284, %dma_start3A_285] : memref<10000x128xf32, #tpu.memory_space<vmem_shared>> -> memref<10000x128xf32, #tpu.memory_space<vmem_shared>>
        tpu.enqueue_indirect_dma source(%dma_start3A_280 : memref<80x128xf32, #tpu.memory_space<vmem>>) target(%dma_start3A_286 : memref<10000x128xf32, #tpu.memory_space<vmem_shared>>) offsets(%dma_start3A_283 : memref<80xi32, #tpu.memory_space<vmem>>) semaphore(%arg19 : memref<!tpu.dma_semaphore, #tpu.memory_space<semaphore_mem>>) {add = true}
        %ge3A_287 = arith.constant 2 : i32
        %ge3A_288 = arith.cmpi sge, %add3A_264, %ge3A_287 : i32
        %convert_element_type3A_289 = arith.extui %ge3A_288 : i1 to i32
        %cond3A_290 = arith.constant 0 : i32
        %cond3A_291 = arith.cmpi ne, %convert_element_type3A_289, %cond3A_290 : i32
        scf.if %cond3A_291 {
          %sub3A = arith.constant 2 : i32
          %sub3A_304 = arith.subi %add3A_264, %sub3A : i32
          %dma_wait3A_305 = arith.constant 1 : i32
          %dma_wait3A_306 = arith.constant 0 : i32
          %dma_wait3A_307 = arith.constant 0 : i32
          %dma_wait3A_308 = tpu.memref_slice %arg10[%dma_wait3A_305, %dma_wait3A_306, %dma_wait3A_307] : memref<4x80x128xf32, #tpu.memory_space<vmem>> -> memref<1x80x128xf32, #tpu.memory_space<vmem>>
          %dma_wait3A_309 = tpu.memref_squeeze %dma_wait3A_308 : memref<1x80x128xf32, #tpu.memory_space<vmem>> -> memref<80x128xf32, #tpu.memory_space<vmem>>
          %dma_wait3A_310 = arith.constant 0 : i32
          %dma_wait3A_311 = tpu.memref_slice %arg9[%sub3A_304, %dma_wait3A_310] : memref<50x80xi32, #tpu.memory_space<vmem>> -> memref<1x80xi32, #tpu.memory_space<vmem>>
          %dma_wait3A_312 = tpu.memref_squeeze %dma_wait3A_311 : memref<1x80xi32, #tpu.memory_space<vmem>> -> memref<80xi32, #tpu.memory_space<vmem>>
          %dma_wait3A_313 = arith.constant 0 : i32
          %dma_wait3A_314 = arith.constant 0 : i32
          %dma_wait3A_315 = tpu.memref_slice %arg11[%dma_wait3A_313, %dma_wait3A_314] : memref<10000x128xf32, #tpu.memory_space<vmem_shared>> -> memref<10000x128xf32, #tpu.memory_space<vmem_shared>>
          tpu.wait_indirect_dma semaphore(%arg17 : memref<!tpu.dma_semaphore, #tpu.memory_space<semaphore_mem>>) src(%dma_wait3A_309 : memref<80x128xf32, #tpu.memory_space<vmem>>) dst(%dma_wait3A_315 : memref<10000x128xf32, #tpu.memory_space<vmem_shared>>)
        } else {
        }
        %add3A_292 = arith.constant 2 : i32
        %add3A_293 = arith.addi %add3A_264, %add3A_292 : i32
        %eq3A_294 = arith.constant 0 : i32
        %eq3A_295 = arith.cmpi eq, %arg0, %eq3A_294 : i32
        %convert_element_type3A_296 = arith.extui %eq3A_295 : i1 to i32
        %cond3A_297 = arith.constant 0 : i32
        %cond3A_298 = arith.cmpi ne, %convert_element_type3A_296, %cond3A_297 : i32
        scf.if %cond3A_298 {
          %dma_start3A_304 = arith.constant 1 : i32
          %dma_start3A_305 = arith.constant 0 : i32
          %dma_start3A_306 = arith.constant 0 : i32
          %dma_start3A_307 = tpu.memref_slice %arg10[%dma_start3A_304, %dma_start3A_305, %dma_start3A_306] : memref<4x80x128xf32, #tpu.memory_space<vmem>> -> memref<1x80x128xf32, #tpu.memory_space<vmem>>
          %dma_start3A_308 = tpu.memref_squeeze %dma_start3A_307 : memref<1x80x128xf32, #tpu.memory_space<vmem>> -> memref<80x128xf32, #tpu.memory_space<vmem>>
          %dma_start3A_309 = arith.constant 0 : i32
          %dma_start3A_310 = tpu.memref_slice %arg8[%add3A_293, %dma_start3A_309] : memref<50x80xi32, #tpu.memory_space<vmem>> -> memref<1x80xi32, #tpu.memory_space<vmem>>
          %dma_start3A_311 = tpu.memref_squeeze %dma_start3A_310 : memref<1x80xi32, #tpu.memory_space<vmem>> -> memref<80xi32, #tpu.memory_space<vmem>>
          %dma_start3A_312 = arith.constant 0 : i32
          %dma_start3A_313 = arith.constant 0 : i32
          %dma_start3A_314 = tpu.memref_slice %arg2[%dma_start3A_312, %dma_start3A_313] : memref<10000x128xf32, #tpu.memory_space<hbm>> -> memref<10000x128xf32, #tpu.memory_space<hbm>>
          tpu.enqueue_indirect_dma source(%dma_start3A_314 : memref<10000x128xf32, #tpu.memory_space<hbm>>) target(%dma_start3A_308 : memref<80x128xf32, #tpu.memory_space<vmem>>) offsets(%dma_start3A_311 : memref<80xi32, #tpu.memory_space<vmem>>) semaphore(%arg13 : memref<!tpu.dma_semaphore, #tpu.memory_space<semaphore_mem>>)
        } else {
        }
        %eq3A_299 = arith.constant 1 : i32
        %eq3A_300 = arith.cmpi eq, %arg0, %eq3A_299 : i32
        %convert_element_type3A_301 = arith.extui %eq3A_300 : i1 to i32
        %cond3A_302 = arith.constant 0 : i32
        %cond3A_303 = arith.cmpi ne, %convert_element_type3A_301, %cond3A_302 : i32
        scf.if %cond3A_303 {
          %dma_start3A_304 = arith.constant 1 : i32
          %dma_start3A_305 = arith.constant 0 : i32
          %dma_start3A_306 = arith.constant 0 : i32
          %dma_start3A_307 = tpu.memref_slice %arg10[%dma_start3A_304, %dma_start3A_305, %dma_start3A_306] : memref<4x80x128xf32, #tpu.memory_space<vmem>> -> memref<1x80x128xf32, #tpu.memory_space<vmem>>
          %dma_start3A_308 = tpu.memref_squeeze %dma_start3A_307 : memref<1x80x128xf32, #tpu.memory_space<vmem>> -> memref<80x128xf32, #tpu.memory_space<vmem>>
          %dma_start3A_309 = arith.constant 0 : i32
          %dma_start3A_310 = tpu.memref_slice %arg8[%add3A_293, %dma_start3A_309] : memref<50x80xi32, #tpu.memory_space<vmem>> -> memref<1x80xi32, #tpu.memory_space<vmem>>
          %dma_start3A_311 = tpu.memref_squeeze %dma_start3A_310 : memref<1x80xi32, #tpu.memory_space<vmem>> -> memref<80xi32, #tpu.memory_space<vmem>>
          %dma_start3A_312 = arith.constant 0 : i32
          %dma_start3A_313 = arith.constant 0 : i32
          %dma_start3A_314 = tpu.memref_slice %arg3[%dma_start3A_312, %dma_start3A_313] : memref<10000x128xf32, #tpu.memory_space<hbm>> -> memref<10000x128xf32, #tpu.memory_space<hbm>>
          tpu.enqueue_indirect_dma source(%dma_start3A_314 : memref<10000x128xf32, #tpu.memory_space<hbm>>) target(%dma_start3A_308 : memref<80x128xf32, #tpu.memory_space<vmem>>) offsets(%dma_start3A_311 : memref<80xi32, #tpu.memory_space<vmem>>) semaphore(%arg13 : memref<!tpu.dma_semaphore, #tpu.memory_space<semaphore_mem>>)
        } else {
        }
      }
      %scan3A_37 = arith.constant 12 : i32
      %dma_wait3A = arith.constant 48 : i32
      %dma_wait3A_38 = arith.constant 0 : i32
      %dma_wait3A_39 = arith.constant 0 : i32
      %dma_wait3A_40 = arith.constant 0 : i32
      %dma_wait3A_41 = tpu.memref_slice %arg10[%dma_wait3A_38, %dma_wait3A_39, %dma_wait3A_40] : memref<4x80x128xf32, #tpu.memory_space<vmem>> -> memref<1x80x128xf32, #tpu.memory_space<vmem>>
      %dma_wait3A_42 = tpu.memref_squeeze %dma_wait3A_41 : memref<1x80x128xf32, #tpu.memory_space<vmem>> -> memref<80x128xf32, #tpu.memory_space<vmem>>
      %dma_wait3A_43 = arith.constant 0 : i32
      %dma_wait3A_44 = tpu.memref_slice %arg8[%dma_wait3A, %dma_wait3A_43] : memref<50x80xi32, #tpu.memory_space<vmem>> -> memref<1x80xi32, #tpu.memory_space<vmem>>
      %dma_wait3A_45 = tpu.memref_squeeze %dma_wait3A_44 : memref<1x80xi32, #tpu.memory_space<vmem>> -> memref<80xi32, #tpu.memory_space<vmem>>
      %dma_wait3A_46 = arith.constant 0 : i32
      %dma_wait3A_47 = arith.constant 0 : i32
      %dma_wait3A_48 = tpu.memref_slice %arg2[%dma_wait3A_46, %dma_wait3A_47] : memref<10000x128xf32, #tpu.memory_space<hbm>> -> memref<10000x128xf32, #tpu.memory_space<hbm>>
      tpu.wait_indirect_dma semaphore(%arg12 : memref<!tpu.dma_semaphore, #tpu.memory_space<semaphore_mem>>) src(%dma_wait3A_48 : memref<10000x128xf32, #tpu.memory_space<hbm>>) dst(%dma_wait3A_42 : memref<80x128xf32, #tpu.memory_space<vmem>>)
      %dma_start3A = arith.constant 0 : i32
      %dma_start3A_49 = arith.constant 48 : i32
      %dma_start3A_50 = arith.constant 0 : i32
      %dma_start3A_51 = arith.constant 0 : i32
      %dma_start3A_52 = tpu.memref_slice %arg10[%dma_start3A, %dma_start3A_50, %dma_start3A_51] : memref<4x80x128xf32, #tpu.memory_space<vmem>> -> memref<1x80x128xf32, #tpu.memory_space<vmem>>
      %dma_start3A_53 = tpu.memref_squeeze %dma_start3A_52 : memref<1x80x128xf32, #tpu.memory_space<vmem>> -> memref<80x128xf32, #tpu.memory_space<vmem>>
      %dma_start3A_54 = arith.constant 0 : i32
      %dma_start3A_55 = tpu.memref_slice %arg9[%dma_start3A_49, %dma_start3A_54] : memref<50x80xi32, #tpu.memory_space<vmem>> -> memref<1x80xi32, #tpu.memory_space<vmem>>
      %dma_start3A_56 = tpu.memref_squeeze %dma_start3A_55 : memref<1x80xi32, #tpu.memory_space<vmem>> -> memref<80xi32, #tpu.memory_space<vmem>>
      %dma_start3A_57 = arith.constant 0 : i32
      %dma_start3A_58 = arith.constant 0 : i32
      %dma_start3A_59 = tpu.memref_slice %arg11[%dma_start3A_57, %dma_start3A_58] : memref<10000x128xf32, #tpu.memory_space<vmem_shared>> -> memref<10000x128xf32, #tpu.memory_space<vmem_shared>>
      tpu.enqueue_indirect_dma source(%dma_start3A_53 : memref<80x128xf32, #tpu.memory_space<vmem>>) target(%dma_start3A_59 : memref<10000x128xf32, #tpu.memory_space<vmem_shared>>) offsets(%dma_start3A_56 : memref<80xi32, #tpu.memory_space<vmem>>) semaphore(%arg16 : memref<!tpu.dma_semaphore, #tpu.memory_space<semaphore_mem>>) {add = true}
      %dma_wait3A_60 = arith.constant 49 : i32
      %dma_wait3A_61 = arith.constant 1 : i32
      %dma_wait3A_62 = arith.constant 0 : i32
      %dma_wait3A_63 = arith.constant 0 : i32
      %dma_wait3A_64 = tpu.memref_slice %arg10[%dma_wait3A_61, %dma_wait3A_62, %dma_wait3A_63] : memref<4x80x128xf32, #tpu.memory_space<vmem>> -> memref<1x80x128xf32, #tpu.memory_space<vmem>>
      %dma_wait3A_65 = tpu.memref_squeeze %dma_wait3A_64 : memref<1x80x128xf32, #tpu.memory_space<vmem>> -> memref<80x128xf32, #tpu.memory_space<vmem>>
      %dma_wait3A_66 = arith.constant 0 : i32
      %dma_wait3A_67 = tpu.memref_slice %arg8[%dma_wait3A_60, %dma_wait3A_66] : memref<50x80xi32, #tpu.memory_space<vmem>> -> memref<1x80xi32, #tpu.memory_space<vmem>>
      %dma_wait3A_68 = tpu.memref_squeeze %dma_wait3A_67 : memref<1x80xi32, #tpu.memory_space<vmem>> -> memref<80xi32, #tpu.memory_space<vmem>>
      %dma_wait3A_69 = arith.constant 0 : i32
      %dma_wait3A_70 = arith.constant 0 : i32
      %dma_wait3A_71 = tpu.memref_slice %arg2[%dma_wait3A_69, %dma_wait3A_70] : memref<10000x128xf32, #tpu.memory_space<hbm>> -> memref<10000x128xf32, #tpu.memory_space<hbm>>
      tpu.wait_indirect_dma semaphore(%arg13 : memref<!tpu.dma_semaphore, #tpu.memory_space<semaphore_mem>>) src(%dma_wait3A_71 : memref<10000x128xf32, #tpu.memory_space<hbm>>) dst(%dma_wait3A_65 : memref<80x128xf32, #tpu.memory_space<vmem>>)
      %dma_start3A_72 = arith.constant 1 : i32
      %dma_start3A_73 = arith.constant 49 : i32
      %dma_start3A_74 = arith.constant 0 : i32
      %dma_start3A_75 = arith.constant 0 : i32
      %dma_start3A_76 = tpu.memref_slice %arg10[%dma_start3A_72, %dma_start3A_74, %dma_start3A_75] : memref<4x80x128xf32, #tpu.memory_space<vmem>> -> memref<1x80x128xf32, #tpu.memory_space<vmem>>
      %dma_start3A_77 = tpu.memref_squeeze %dma_start3A_76 : memref<1x80x128xf32, #tpu.memory_space<vmem>> -> memref<80x128xf32, #tpu.memory_space<vmem>>
      %dma_start3A_78 = arith.constant 0 : i32
      %dma_start3A_79 = tpu.memref_slice %arg9[%dma_start3A_73, %dma_start3A_78] : memref<50x80xi32, #tpu.memory_space<vmem>> -> memref<1x80xi32, #tpu.memory_space<vmem>>
      %dma_start3A_80 = tpu.memref_squeeze %dma_start3A_79 : memref<1x80xi32, #tpu.memory_space<vmem>> -> memref<80xi32, #tpu.memory_space<vmem>>
      %dma_start3A_81 = arith.constant 0 : i32
      %dma_start3A_82 = arith.constant 0 : i32
      %dma_start3A_83 = tpu.memref_slice %arg11[%dma_start3A_81, %dma_start3A_82] : memref<10000x128xf32, #tpu.memory_space<vmem_shared>> -> memref<10000x128xf32, #tpu.memory_space<vmem_shared>>
      tpu.enqueue_indirect_dma source(%dma_start3A_77 : memref<80x128xf32, #tpu.memory_space<vmem>>) target(%dma_start3A_83 : memref<10000x128xf32, #tpu.memory_space<vmem_shared>>) offsets(%dma_start3A_80 : memref<80xi32, #tpu.memory_space<vmem>>) semaphore(%arg17 : memref<!tpu.dma_semaphore, #tpu.memory_space<semaphore_mem>>) {add = true}
      %dma_wait3A_84 = arith.constant 2 : i32
      %dma_wait3A_85 = arith.constant 46 : i32
      %dma_wait3A_86 = arith.constant 0 : i32
      %dma_wait3A_87 = arith.constant 0 : i32
      %dma_wait3A_88 = tpu.memref_slice %arg10[%dma_wait3A_84, %dma_wait3A_86, %dma_wait3A_87] : memref<4x80x128xf32, #tpu.memory_space<vmem>> -> memref<1x80x128xf32, #tpu.memory_space<vmem>>
      %dma_wait3A_89 = tpu.memref_squeeze %dma_wait3A_88 : memref<1x80x128xf32, #tpu.memory_space<vmem>> -> memref<80x128xf32, #tpu.memory_space<vmem>>
      %dma_wait3A_90 = arith.constant 0 : i32
      %dma_wait3A_91 = tpu.memref_slice %arg9[%dma_wait3A_85, %dma_wait3A_90] : memref<50x80xi32, #tpu.memory_space<vmem>> -> memref<1x80xi32, #tpu.memory_space<vmem>>
      %dma_wait3A_92 = tpu.memref_squeeze %dma_wait3A_91 : memref<1x80xi32, #tpu.memory_space<vmem>> -> memref<80xi32, #tpu.memory_space<vmem>>
      %dma_wait3A_93 = arith.constant 0 : i32
      %dma_wait3A_94 = arith.constant 0 : i32
      %dma_wait3A_95 = tpu.memref_slice %arg11[%dma_wait3A_93, %dma_wait3A_94] : memref<10000x128xf32, #tpu.memory_space<vmem_shared>> -> memref<10000x128xf32, #tpu.memory_space<vmem_shared>>
      tpu.wait_indirect_dma semaphore(%arg18 : memref<!tpu.dma_semaphore, #tpu.memory_space<semaphore_mem>>) src(%dma_wait3A_89 : memref<80x128xf32, #tpu.memory_space<vmem>>) dst(%dma_wait3A_95 : memref<10000x128xf32, #tpu.memory_space<vmem_shared>>)
      %dma_wait3A_96 = arith.constant 3 : i32
      %dma_wait3A_97 = arith.constant 47 : i32
      %dma_wait3A_98 = arith.constant 0 : i32
      %dma_wait3A_99 = arith.constant 0 : i32
      %dma_wait3A_100 = tpu.memref_slice %arg10[%dma_wait3A_96, %dma_wait3A_98, %dma_wait3A_99] : memref<4x80x128xf32, #tpu.memory_space<vmem>> -> memref<1x80x128xf32, #tpu.memory_space<vmem>>
      %dma_wait3A_101 = tpu.memref_squeeze %dma_wait3A_100 : memref<1x80x128xf32, #tpu.memory_space<vmem>> -> memref<80x128xf32, #tpu.memory_space<vmem>>
      %dma_wait3A_102 = arith.constant 0 : i32
      %dma_wait3A_103 = tpu.memref_slice %arg9[%dma_wait3A_97, %dma_wait3A_102] : memref<50x80xi32, #tpu.memory_space<vmem>> -> memref<1x80xi32, #tpu.memory_space<vmem>>
      %dma_wait3A_104 = tpu.memref_squeeze %dma_wait3A_103 : memref<1x80xi32, #tpu.memory_space<vmem>> -> memref<80xi32, #tpu.memory_space<vmem>>
      %dma_wait3A_105 = arith.constant 0 : i32
      %dma_wait3A_106 = arith.constant 0 : i32
      %dma_wait3A_107 = tpu.memref_slice %arg11[%dma_wait3A_105, %dma_wait3A_106] : memref<10000x128xf32, #tpu.memory_space<vmem_shared>> -> memref<10000x128xf32, #tpu.memory_space<vmem_shared>>
      tpu.wait_indirect_dma semaphore(%arg19 : memref<!tpu.dma_semaphore, #tpu.memory_space<semaphore_mem>>) src(%dma_wait3A_101 : memref<80x128xf32, #tpu.memory_space<vmem>>) dst(%dma_wait3A_107 : memref<10000x128xf32, #tpu.memory_space<vmem_shared>>)
      %dma_wait3A_108 = arith.constant 0 : i32
      %dma_wait3A_109 = arith.constant 48 : i32
      %dma_wait3A_110 = arith.constant 0 : i32
      %dma_wait3A_111 = arith.constant 0 : i32
      %dma_wait3A_112 = tpu.memref_slice %arg10[%dma_wait3A_108, %dma_wait3A_110, %dma_wait3A_111] : memref<4x80x128xf32, #tpu.memory_space<vmem>> -> memref<1x80x128xf32, #tpu.memory_space<vmem>>
      %dma_wait3A_113 = tpu.memref_squeeze %dma_wait3A_112 : memref<1x80x128xf32, #tpu.memory_space<vmem>> -> memref<80x128xf32, #tpu.memory_space<vmem>>
      %dma_wait3A_114 = arith.constant 0 : i32
      %dma_wait3A_115 = tpu.memref_slice %arg9[%dma_wait3A_109, %dma_wait3A_114] : memref<50x80xi32, #tpu.memory_space<vmem>> -> memref<1x80xi32, #tpu.memory_space<vmem>>
      %dma_wait3A_116 = tpu.memref_squeeze %dma_wait3A_115 : memref<1x80xi32, #tpu.memory_space<vmem>> -> memref<80xi32, #tpu.memory_space<vmem>>
      %dma_wait3A_117 = arith.constant 0 : i32
      %dma_wait3A_118 = arith.constant 0 : i32
      %dma_wait3A_119 = tpu.memref_slice %arg11[%dma_wait3A_117, %dma_wait3A_118] : memref<10000x128xf32, #tpu.memory_space<vmem_shared>> -> memref<10000x128xf32, #tpu.memory_space<vmem_shared>>
      tpu.wait_indirect_dma semaphore(%arg16 : memref<!tpu.dma_semaphore, #tpu.memory_space<semaphore_mem>>) src(%dma_wait3A_113 : memref<80x128xf32, #tpu.memory_space<vmem>>) dst(%dma_wait3A_119 : memref<10000x128xf32, #tpu.memory_space<vmem_shared>>)
      %dma_wait3A_120 = arith.constant 1 : i32
      %dma_wait3A_121 = arith.constant 49 : i32
      %dma_wait3A_122 = arith.constant 0 : i32
      %dma_wait3A_123 = arith.constant 0 : i32
      %dma_wait3A_124 = tpu.memref_slice %arg10[%dma_wait3A_120, %dma_wait3A_122, %dma_wait3A_123] : memref<4x80x128xf32, #tpu.memory_space<vmem>> -> memref<1x80x128xf32, #tpu.memory_space<vmem>>
      %dma_wait3A_125 = tpu.memref_squeeze %dma_wait3A_124 : memref<1x80x128xf32, #tpu.memory_space<vmem>> -> memref<80x128xf32, #tpu.memory_space<vmem>>
      %dma_wait3A_126 = arith.constant 0 : i32
      %dma_wait3A_127 = tpu.memref_slice %arg9[%dma_wait3A_121, %dma_wait3A_126] : memref<50x80xi32, #tpu.memory_space<vmem>> -> memref<1x80xi32, #tpu.memory_space<vmem>>
      %dma_wait3A_128 = tpu.memref_squeeze %dma_wait3A_127 : memref<1x80xi32, #tpu.memory_space<vmem>> -> memref<80xi32, #tpu.memory_space<vmem>>
      %dma_wait3A_129 = arith.constant 0 : i32
      %dma_wait3A_130 = arith.constant 0 : i32
      %dma_wait3A_131 = tpu.memref_slice %arg11[%dma_wait3A_129, %dma_wait3A_130] : memref<10000x128xf32, #tpu.memory_space<vmem_shared>> -> memref<10000x128xf32, #tpu.memory_space<vmem_shared>>
      tpu.wait_indirect_dma semaphore(%arg17 : memref<!tpu.dma_semaphore, #tpu.memory_space<semaphore_mem>>) src(%dma_wait3A_125 : memref<80x128xf32, #tpu.memory_space<vmem>>) dst(%dma_wait3A_131 : memref<10000x128xf32, #tpu.memory_space<vmem_shared>>)
    }
    %scan3A_7 = arith.constant 5 : i32
    %barrier3A_8 = arith.constant 0 : index
    tpu.barrier barrier_id(%barrier3A_8)
    %mul3A_9 = arith.constant 10000 : i32
    %mul3A_10 = arith.muli %arg0, %mul3A_9 : i32
    %add3A = arith.addi %mul3A_10, %mul3A_0 : i32
    "tpu.region"() ({
      %run_scoped3A = tpu.sem_alloc : memref<!tpu.dma_semaphore, #tpu.memory_space<semaphore_mem>>
      %dma_start3A = arith.constant 0 : i32
      %dma_start3A_11 = tpu.memref_slice %arg7[%add3A, %dma_start3A] : memref<20000x128xf32, #tpu.memory_space<hbm>> -> memref<625x128xf32, #tpu.memory_space<hbm>>
      %dma_start3A_12 = arith.constant 0 : i32
      %dma_start3A_13 = tpu.memref_slice %arg11[%mul3A_0, %dma_start3A_12] : memref<10000x128xf32, #tpu.memory_space<vmem_shared>> -> memref<625x128xf32, #tpu.memory_space<vmem_shared>>
      tpu.enqueue_dma source(%dma_start3A_13 : memref<625x128xf32, #tpu.memory_space<vmem_shared>>) target(%dma_start3A_11 : memref<625x128xf32, #tpu.memory_space<hbm>>) target_semaphore(%run_scoped3A : memref<!tpu.dma_semaphore, #tpu.memory_space<semaphore_mem>>)
      %dma_wait3A = arith.constant 0 : i32
      %dma_wait3A_14 = tpu.memref_slice %arg7[%add3A, %dma_wait3A] : memref<20000x128xf32, #tpu.memory_space<hbm>> -> memref<625x128xf32, #tpu.memory_space<hbm>>
      %dma_wait3A_15 = arith.constant 0 : i32
      %dma_wait3A_16 = tpu.memref_slice %arg11[%mul3A_0, %dma_wait3A_15] : memref<10000x128xf32, #tpu.memory_space<vmem_shared>> -> memref<625x128xf32, #tpu.memory_space<vmem_shared>>
      tpu.wait_dma2 semaphore(%run_scoped3A : memref<!tpu.dma_semaphore, #tpu.memory_space<semaphore_mem>>) src(%dma_wait3A_16 : memref<625x128xf32, #tpu.memory_space<vmem_shared>>) dst(%dma_wait3A_14 : memref<625x128xf32, #tpu.memory_space<hbm>>)
      tpu.yield
    }) : () -> ()
    return
  }
}

#map = affine_map<(d0, d1) -> (0, 0)>
module attributes {stable_mosaic.version = 14 : i64} {
  func.func @sc_scatter(%arg0: i32, %arg1: i32, %arg2: memref<10000x128xf32, #tpu.memory_space<hbm>>, %arg3: memref<10000x128xf32, #tpu.memory_space<hbm>>, %arg4: memref<4000x80xi32, #tpu.memory_space<hbm>>, %arg5: memref<4000x80xi32, #tpu.memory_space<hbm>>, %arg6: memref<10000x128xf32, #tpu.memory_space<hbm>>, %arg7: memref<20000x128xf32, #tpu.memory_space<hbm>>, %arg8: memref<50x80xi32, #tpu.memory_space<vmem>>, %arg9: memref<50x80xi32, #tpu.memory_space<vmem>>, %arg10: memref<4x80x128xf32, #tpu.memory_space<vmem>>, %arg11: memref<10000x128xf32, #tpu.memory_space<vmem_shared>>, %arg12: memref<!tpu.dma_semaphore, #tpu.memory_space<semaphore_mem>>, %arg13: memref<!tpu.dma_semaphore, #tpu.memory_space<semaphore_mem>>, %arg14: memref<!tpu.dma_semaphore, #tpu.memory_space<semaphore_mem>>, %arg15: memref<!tpu.dma_semaphore, #tpu.memory_space<semaphore_mem>>, %arg16: memref<!tpu.dma_semaphore, #tpu.memory_space<semaphore_mem>>, %arg17: memref<!tpu.dma_semaphore, #tpu.memory_space<semaphore_mem>>, %arg18: memref<!tpu.dma_semaphore, #tpu.memory_space<semaphore_mem>>, %arg19: memref<!tpu.dma_semaphore, #tpu.memory_space<semaphore_mem>>) attributes {dimension_semantics = [#tpu.dimension_semantics<core_parallel>, #tpu.dimension_semantics<subcore_parallel>], iteration_bounds = array<i64: 2, 16>, scalar_prefetch = 0 : i64, scratch_operands = 12 : i64, tpu.core_type = #tpu.core_type<sc_vector_subcore>, window_params = [{transform_indices = #map}, {transform_indices = #map}, {transform_indices = #map}, {transform_indices = #map}, {transform_indices = #map}, {transform_indices = #map}]} {
    %mul3A = arith.constant 625 : i32
    %mul3A_0 = arith.muli %arg1, %mul3A : i32
    "tpu.region"() ({
      %run_scoped3A = tpu.sem_alloc : memref<!tpu.dma_semaphore, #tpu.memory_space<semaphore_mem>>
      %dma_start3A = arith.constant 0 : i32
      %dma_start3A_11 = tpu.memref_slice %arg11[%mul3A_0, %dma_start3A] : memref<10000x128xf32, #tpu.memory_space<vmem_shared>> -> memref<625x128xf32, #tpu.memory_space<vmem_shared>>
      %dma_start3A_12 = arith.constant 0 : i32
      %dma_start3A_13 = tpu.memref_slice %arg6[%mul3A_0, %dma_start3A_12] : memref<10000x128xf32, #tpu.memory_space<hbm>> -> memref<625x128xf32, #tpu.memory_space<hbm>>
      tpu.enqueue_dma source(%dma_start3A_13 : memref<625x128xf32, #tpu.memory_space<hbm>>) target(%dma_start3A_11 : memref<625x128xf32, #tpu.memory_space<vmem_shared>>) target_semaphore(%run_scoped3A : memref<!tpu.dma_semaphore, #tpu.memory_space<semaphore_mem>>)
      %dma_wait3A = arith.constant 0 : i32
      %dma_wait3A_14 = tpu.memref_slice %arg11[%mul3A_0, %dma_wait3A] : memref<10000x128xf32, #tpu.memory_space<vmem_shared>> -> memref<625x128xf32, #tpu.memory_space<vmem_shared>>
      %dma_wait3A_15 = arith.constant 0 : i32
      %dma_wait3A_16 = tpu.memref_slice %arg6[%mul3A_0, %dma_wait3A_15] : memref<10000x128xf32, #tpu.memory_space<hbm>> -> memref<625x128xf32, #tpu.memory_space<hbm>>
      tpu.wait_dma2 semaphore(%run_scoped3A : memref<!tpu.dma_semaphore, #tpu.memory_space<semaphore_mem>>) src(%dma_wait3A_16 : memref<625x128xf32, #tpu.memory_space<hbm>>) dst(%dma_wait3A_14 : memref<625x128xf32, #tpu.memory_space<vmem_shared>>)
      tpu.yield
    }) : () -> ()
    %mul3A_1 = arith.constant 250 : i32
    %mul3A_2 = arith.muli %arg1, %mul3A_1 : i32
    %barrier3A = arith.constant 0 : index
    tpu.barrier barrier_id(%barrier3A)
    %scan3A = arith.constant 0 : i32
    %scan3A_3 = arith.constant 0 : i32
    %scan3A_4 = arith.constant 5 : i32
    %scan3A_5 = arith.addi %scan3A_3, %scan3A_4 : i32
    %scan3A_6 = arith.constant 1 : i32
    scf.for %scan3A_11 = %scan3A_3 to %scan3A_5 step %scan3A_6  : i32 {
      %mul3A_12 = arith.constant 50 : i32
      %mul3A_13 = arith.muli %scan3A_11, %mul3A_12 : i32
      %add3A_14 = arith.addi %mul3A_2, %mul3A_13 : i32
      "tpu.region"() ({
        %run_scoped3A = tpu.sem_alloc : memref<!tpu.dma_semaphore, #tpu.memory_space<semaphore_mem>>
        %dma_start3A_132 = arith.constant 0 : i32
        %dma_start3A_133 = tpu.memref_slice %arg4[%add3A_14, %dma_start3A_132] : memref<4000x80xi32, #tpu.memory_space<hbm>> -> memref<50x80xi32, #tpu.memory_space<hbm>>
        %dma_start3A_134 = arith.constant 0 : i32
        %dma_start3A_135 = tpu.memref_slice %arg4[%add3A_14, %dma_start3A_134] : memref<4000x80xi32, #tpu.memory_space<hbm>> -> memref<50x80xi32, #tpu.memory_space<hbm>>
        tpu.enqueue_dma source(%dma_start3A_135 : memref<50x80xi32, #tpu.memory_space<hbm>>) target(%arg8 : memref<50x80xi32, #tpu.memory_space<vmem>>) target_semaphore(%run_scoped3A : memref<!tpu.dma_semaphore, #tpu.memory_space<semaphore_mem>>)
        %dma_wait3A_136 = arith.constant 0 : i32
        %dma_wait3A_137 = tpu.memref_slice %arg4[%add3A_14, %dma_wait3A_136] : memref<4000x80xi32, #tpu.memory_space<hbm>> -> memref<50x80xi32, #tpu.memory_space<hbm>>
        %dma_wait3A_138 = arith.constant 0 : i32
        %dma_wait3A_139 = tpu.memref_slice %arg4[%add3A_14, %dma_wait3A_138] : memref<4000x80xi32, #tpu.memory_space<hbm>> -> memref<50x80xi32, #tpu.memory_space<hbm>>
        tpu.wait_dma2 semaphore(%run_scoped3A : memref<!tpu.dma_semaphore, #tpu.memory_space<semaphore_mem>>) src(%dma_wait3A_139 : memref<50x80xi32, #tpu.memory_space<hbm>>) dst(%arg8 : memref<50x80xi32, #tpu.memory_space<vmem>>)
        tpu.yield
      }) : () -> ()
      "tpu.region"() ({
        %run_scoped3A = tpu.sem_alloc : memref<!tpu.dma_semaphore, #tpu.memory_space<semaphore_mem>>
        %dma_start3A_132 = arith.constant 0 : i32
        %dma_start3A_133 = tpu.memref_slice %arg5[%add3A_14, %dma_start3A_132] : memref<4000x80xi32, #tpu.memory_space<hbm>> -> memref<50x80xi32, #tpu.memory_space<hbm>>
        %dma_start3A_134 = arith.constant 0 : i32
        %dma_start3A_135 = tpu.memref_slice %arg5[%add3A_14, %dma_start3A_134] : memref<4000x80xi32, #tpu.memory_space<hbm>> -> memref<50x80xi32, #tpu.memory_space<hbm>>
        tpu.enqueue_dma source(%dma_start3A_135 : memref<50x80xi32, #tpu.memory_space<hbm>>) target(%arg9 : memref<50x80xi32, #tpu.memory_space<vmem>>) target_semaphore(%run_scoped3A : memref<!tpu.dma_semaphore, #tpu.memory_space<semaphore_mem>>)
        %dma_wait3A_136 = arith.constant 0 : i32
        %dma_wait3A_137 = tpu.memref_slice %arg5[%add3A_14, %dma_wait3A_136] : memref<4000x80xi32, #tpu.memory_space<hbm>> -> memref<50x80xi32, #tpu.memory_space<hbm>>
        %dma_wait3A_138 = arith.constant 0 : i32
        %dma_wait3A_139 = tpu.memref_slice %arg5[%add3A_14, %dma_wait3A_138] : memref<4000x80xi32, #tpu.memory_space<hbm>> -> memref<50x80xi32, #tpu.memory_space<hbm>>
        tpu.wait_dma2 semaphore(%run_scoped3A : memref<!tpu.dma_semaphore, #tpu.memory_space<semaphore_mem>>) src(%dma_wait3A_139 : memref<50x80xi32, #tpu.memory_space<hbm>>) dst(%arg9 : memref<50x80xi32, #tpu.memory_space<vmem>>)
        tpu.yield
      }) : () -> ()
      %eq3A = arith.constant 0 : i32
      %eq3A_15 = arith.cmpi eq, %arg0, %eq3A : i32
      %convert_element_type3A = arith.extui %eq3A_15 : i1 to i32
      %cond3A = arith.constant 0 : i32
      %cond3A_16 = arith.cmpi ne, %convert_element_type3A, %cond3A : i32
      scf.if %cond3A_16 {
        %dma_start3A_132 = arith.constant 0 : i32
        %dma_start3A_133 = arith.constant 0 : i32
        %dma_start3A_134 = arith.constant 0 : i32
        %dma_start3A_135 = arith.constant 0 : i32
        %dma_start3A_136 = tpu.memref_slice %arg10[%dma_start3A_133, %dma_start3A_134, %dma_start3A_135] : memref<4x80x128xf32, #tpu.memory_space<vmem>> -> memref<1x80x128xf32, #tpu.memory_space<vmem>>
        %dma_start3A_137 = tpu.memref_squeeze %dma_start3A_136 : memref<1x80x128xf32, #tpu.memory_space<vmem>> -> memref<80x128xf32, #tpu.memory_space<vmem>>
        %dma_start3A_138 = arith.constant 0 : i32
        %dma_start3A_139 = tpu.memref_slice %arg8[%dma_start3A_132, %dma_start3A_138] : memref<50x80xi32, #tpu.memory_space<vmem>> -> memref<1x80xi32, #tpu.memory_space<vmem>>
        %dma_start3A_140 = tpu.memref_squeeze %dma_start3A_139 : memref<1x80xi32, #tpu.memory_space<vmem>> -> memref<80xi32, #tpu.memory_space<vmem>>
        %dma_start3A_141 = arith.constant 0 : i32
        %dma_start3A_142 = arith.constant 0 : i32
        %dma_start3A_143 = tpu.memref_slice %arg2[%dma_start3A_141, %dma_start3A_142] : memref<10000x128xf32, #tpu.memory_space<hbm>> -> memref<10000x128xf32, #tpu.memory_space<hbm>>
        tpu.enqueue_indirect_dma source(%dma_start3A_143 : memref<10000x128xf32, #tpu.memory_space<hbm>>) target(%dma_start3A_137 : memref<80x128xf32, #tpu.memory_space<vmem>>) offsets(%dma_start3A_140 : memref<80xi32, #tpu.memory_space<vmem>>) semaphore(%arg12 : memref<!tpu.dma_semaphore, #tpu.memory_space<semaphore_mem>>)
      } else {
      }
      %eq3A_17 = arith.constant 1 : i32
      %eq3A_18 = arith.cmpi eq, %arg0, %eq3A_17 : i32
      %convert_element_type3A_19 = arith.extui %eq3A_18 : i1 to i32
      %cond3A_20 = arith.constant 0 : i32
      %cond3A_21 = arith.cmpi ne, %convert_element_type3A_19, %cond3A_20 : i32
      scf.if %cond3A_21 {
        %dma_start3A_132 = arith.constant 0 : i32
        %dma_start3A_133 = arith.constant 0 : i32
        %dma_start3A_134 = arith.constant 0 : i32
        %dma_start3A_135 = arith.constant 0 : i32
        %dma_start3A_136 = tpu.memref_slice %arg10[%dma_start3A_133, %dma_start3A_134, %dma_start3A_135] : memref<4x80x128xf32, #tpu.memory_space<vmem>> -> memref<1x80x128xf32, #tpu.memory_space<vmem>>
        %dma_start3A_137 = tpu.memref_squeeze %dma_start3A_136 : memref<1x80x128xf32, #tpu.memory_space<vmem>> -> memref<80x128xf32, #tpu.memory_space<vmem>>
        %dma_start3A_138 = arith.constant 0 : i32
        %dma_start3A_139 = tpu.memref_slice %arg8[%dma_start3A_132, %dma_start3A_138] : memref<50x80xi32, #tpu.memory_space<vmem>> -> memref<1x80xi32, #tpu.memory_space<vmem>>
        %dma_start3A_140 = tpu.memref_squeeze %dma_start3A_139 : memref<1x80xi32, #tpu.memory_space<vmem>> -> memref<80xi32, #tpu.memory_space<vmem>>
        %dma_start3A_141 = arith.constant 0 : i32
        %dma_start3A_142 = arith.constant 0 : i32
        %dma_start3A_143 = tpu.memref_slice %arg3[%dma_start3A_141, %dma_start3A_142] : memref<10000x128xf32, #tpu.memory_space<hbm>> -> memref<10000x128xf32, #tpu.memory_space<hbm>>
        tpu.enqueue_indirect_dma source(%dma_start3A_143 : memref<10000x128xf32, #tpu.memory_space<hbm>>) target(%dma_start3A_137 : memref<80x128xf32, #tpu.memory_space<vmem>>) offsets(%dma_start3A_140 : memref<80xi32, #tpu.memory_space<vmem>>) semaphore(%arg12 : memref<!tpu.dma_semaphore, #tpu.memory_space<semaphore_mem>>)
      } else {
      }
      %eq3A_22 = arith.constant 0 : i32
      %eq3A_23 = arith.cmpi eq, %arg0, %eq3A_22 : i32
      %convert_element_type3A_24 = arith.extui %eq3A_23 : i1 to i32
      %cond3A_25 = arith.constant 0 : i32
      %cond3A_26 = arith.cmpi ne, %convert_element_type3A_24, %cond3A_25 : i32
      scf.if %cond3A_26 {
        %dma_start3A_132 = arith.constant 1 : i32
        %dma_start3A_133 = arith.constant 1 : i32
        %dma_start3A_134 = arith.constant 0 : i32
        %dma_start3A_135 = arith.constant 0 : i32
        %dma_start3A_136 = tpu.memref_slice %arg10[%dma_start3A_133, %dma_start3A_134, %dma_start3A_135] : memref<4x80x128xf32, #tpu.memory_space<vmem>> -> memref<1x80x128xf32, #tpu.memory_space<vmem>>
        %dma_start3A_137 = tpu.memref_squeeze %dma_start3A_136 : memref<1x80x128xf32, #tpu.memory_space<vmem>> -> memref<80x128xf32, #tpu.memory_space<vmem>>
        %dma_start3A_138 = arith.constant 0 : i32
        %dma_start3A_139 = tpu.memref_slice %arg8[%dma_start3A_132, %dma_start3A_138] : memref<50x80xi32, #tpu.memory_space<vmem>> -> memref<1x80xi32, #tpu.memory_space<vmem>>
        %dma_start3A_140 = tpu.memref_squeeze %dma_start3A_139 : memref<1x80xi32, #tpu.memory_space<vmem>> -> memref<80xi32, #tpu.memory_space<vmem>>
        %dma_start3A_141 = arith.constant 0 : i32
        %dma_start3A_142 = arith.constant 0 : i32
        %dma_start3A_143 = tpu.memref_slice %arg2[%dma_start3A_141, %dma_start3A_142] : memref<10000x128xf32, #tpu.memory_space<hbm>> -> memref<10000x128xf32, #tpu.memory_space<hbm>>
        tpu.enqueue_indirect_dma source(%dma_start3A_143 : memref<10000x128xf32, #tpu.memory_space<hbm>>) target(%dma_start3A_137 : memref<80x128xf32, #tpu.memory_space<vmem>>) offsets(%dma_start3A_140 : memref<80xi32, #tpu.memory_space<vmem>>) semaphore(%arg13 : memref<!tpu.dma_semaphore, #tpu.memory_space<semaphore_mem>>)
      } else {
      }
      %eq3A_27 = arith.constant 1 : i32
      %eq3A_28 = arith.cmpi eq, %arg0, %eq3A_27 : i32
      %convert_element_type3A_29 = arith.extui %eq3A_28 : i1 to i32
      %cond3A_30 = arith.constant 0 : i32
      %cond3A_31 = arith.cmpi ne, %convert_element_type3A_29, %cond3A_30 : i32
      scf.if %cond3A_31 {
        %dma_start3A_132 = arith.constant 1 : i32
        %dma_start3A_133 = arith.constant 1 : i32
        %dma_start3A_134 = arith.constant 0 : i32
        %dma_start3A_135 = arith.constant 0 : i32
        %dma_start3A_136 = tpu.memref_slice %arg10[%dma_start3A_133, %dma_start3A_134, %dma_start3A_135] : memref<4x80x128xf32, #tpu.memory_space<vmem>> -> memref<1x80x128xf32, #tpu.memory_space<vmem>>
        %dma_start3A_137 = tpu.memref_squeeze %dma_start3A_136 : memref<1x80x128xf32, #tpu.memory_space<vmem>> -> memref<80x128xf32, #tpu.memory_space<vmem>>
        %dma_start3A_138 = arith.constant 0 : i32
        %dma_start3A_139 = tpu.memref_slice %arg8[%dma_start3A_132, %dma_start3A_138] : memref<50x80xi32, #tpu.memory_space<vmem>> -> memref<1x80xi32, #tpu.memory_space<vmem>>
        %dma_start3A_140 = tpu.memref_squeeze %dma_start3A_139 : memref<1x80xi32, #tpu.memory_space<vmem>> -> memref<80xi32, #tpu.memory_space<vmem>>
        %dma_start3A_141 = arith.constant 0 : i32
        %dma_start3A_142 = arith.constant 0 : i32
        %dma_start3A_143 = tpu.memref_slice %arg3[%dma_start3A_141, %dma_start3A_142] : memref<10000x128xf32, #tpu.memory_space<hbm>> -> memref<10000x128xf32, #tpu.memory_space<hbm>>
        tpu.enqueue_indirect_dma source(%dma_start3A_143 : memref<10000x128xf32, #tpu.memory_space<hbm>>) target(%dma_start3A_137 : memref<80x128xf32, #tpu.memory_space<vmem>>) offsets(%dma_start3A_140 : memref<80xi32, #tpu.memory_space<vmem>>) semaphore(%arg13 : memref<!tpu.dma_semaphore, #tpu.memory_space<semaphore_mem>>)
      } else {
      }
      %scan3A_32 = arith.constant 0 : i32
      %scan3A_33 = arith.constant 0 : i32
      %scan3A_34 = arith.constant 12 : i32
      %scan3A_35 = arith.addi %scan3A_33, %scan3A_34 : i32
      %scan3A_36 = arith.constant 1 : i32
      scf.for %scan3A_132 = %scan3A_33 to %scan3A_35 step %scan3A_36  : i32 {
        %mul3A_133 = arith.constant 4 : i32
        %mul3A_134 = arith.muli %scan3A_132, %mul3A_133 : i32
        %add3A_135 = arith.constant 0 : i32
        %add3A_136 = arith.addi %mul3A_134, %add3A_135 : i32
        %dma_wait3A_137 = arith.constant 0 : i32
        %dma_wait3A_138 = arith.constant 0 : i32
        %dma_wait3A_139 = arith.constant 0 : i32
        %dma_wait3A_140 = tpu.memref_slice %arg10[%dma_wait3A_137, %dma_wait3A_138, %dma_wait3A_139] : memref<4x80x128xf32, #tpu.memory_space<vmem>> -> memref<1x80x128xf32, #tpu.memory_space<vmem>>
        %dma_wait3A_141 = tpu.memref_squeeze %dma_wait3A_140 : memref<1x80x128xf32, #tpu.memory_space<vmem>> -> memref<80x128xf32, #tpu.memory_space<vmem>>
        %dma_wait3A_142 = arith.constant 0 : i32
        %dma_wait3A_143 = tpu.memref_slice %arg8[%add3A_136, %dma_wait3A_142] : memref<50x80xi32, #tpu.memory_space<vmem>> -> memref<1x80xi32, #tpu.memory_space<vmem>>
        %dma_wait3A_144 = tpu.memref_squeeze %dma_wait3A_143 : memref<1x80xi32, #tpu.memory_space<vmem>> -> memref<80xi32, #tpu.memory_space<vmem>>
        %dma_wait3A_145 = arith.constant 0 : i32
        %dma_wait3A_146 = arith.constant 0 : i32
        %dma_wait3A_147 = tpu.memref_slice %arg2[%dma_wait3A_145, %dma_wait3A_146] : memref<10000x128xf32, #tpu.memory_space<hbm>> -> memref<10000x128xf32, #tpu.memory_space<hbm>>
        tpu.wait_indirect_dma semaphore(%arg12 : memref<!tpu.dma_semaphore, #tpu.memory_space<semaphore_mem>>) src(%dma_wait3A_147 : memref<10000x128xf32, #tpu.memory_space<hbm>>) dst(%dma_wait3A_141 : memref<80x128xf32, #tpu.memory_space<vmem>>)
        %dma_start3A_148 = arith.constant 0 : i32
        %dma_start3A_149 = arith.constant 0 : i32
        %dma_start3A_150 = arith.constant 0 : i32
        %dma_start3A_151 = tpu.memref_slice %arg10[%dma_start3A_148, %dma_start3A_149, %dma_start3A_150] : memref<4x80x128xf32, #tpu.memory_space<vmem>> -> memref<1x80x128xf32, #tpu.memory_space<vmem>>
        %dma_start3A_152 = tpu.memref_squeeze %dma_start3A_151 : memref<1x80x128xf32, #tpu.memory_space<vmem>> -> memref<80x128xf32, #tpu.memory_space<vmem>>
        %dma_start3A_153 = arith.constant 0 : i32
        %dma_start3A_154 = tpu.memref_slice %arg9[%add3A_136, %dma_start3A_153] : memref<50x80xi32, #tpu.memory_space<vmem>> -> memref<1x80xi32, #tpu.memory_space<vmem>>
        %dma_start3A_155 = tpu.memref_squeeze %dma_start3A_154 : memref<1x80xi32, #tpu.memory_space<vmem>> -> memref<80xi32, #tpu.memory_space<vmem>>
        %dma_start3A_156 = arith.constant 0 : i32
        %dma_start3A_157 = arith.constant 0 : i32
        %dma_start3A_158 = tpu.memref_slice %arg11[%dma_start3A_156, %dma_start3A_157] : memref<10000x128xf32, #tpu.memory_space<vmem_shared>> -> memref<10000x128xf32, #tpu.memory_space<vmem_shared>>
        tpu.enqueue_indirect_dma source(%dma_start3A_152 : memref<80x128xf32, #tpu.memory_space<vmem>>) target(%dma_start3A_158 : memref<10000x128xf32, #tpu.memory_space<vmem_shared>>) offsets(%dma_start3A_155 : memref<80xi32, #tpu.memory_space<vmem>>) semaphore(%arg16 : memref<!tpu.dma_semaphore, #tpu.memory_space<semaphore_mem>>) {add = true}
        %ge3A = arith.constant 2 : i32
        %ge3A_159 = arith.cmpi sge, %add3A_136, %ge3A : i32
        %convert_element_type3A_160 = arith.extui %ge3A_159 : i1 to i32
        %cond3A_161 = arith.constant 0 : i32
        %cond3A_162 = arith.cmpi ne, %convert_element_type3A_160, %cond3A_161 : i32
        scf.if %cond3A_162 {
          %sub3A = arith.constant 2 : i32
          %sub3A_304 = arith.subi %add3A_136, %sub3A : i32
          %dma_wait3A_305 = arith.constant 2 : i32
          %dma_wait3A_306 = arith.constant 0 : i32
          %dma_wait3A_307 = arith.constant 0 : i32
          %dma_wait3A_308 = tpu.memref_slice %arg10[%dma_wait3A_305, %dma_wait3A_306, %dma_wait3A_307] : memref<4x80x128xf32, #tpu.memory_space<vmem>> -> memref<1x80x128xf32, #tpu.memory_space<vmem>>
          %dma_wait3A_309 = tpu.memref_squeeze %dma_wait3A_308 : memref<1x80x128xf32, #tpu.memory_space<vmem>> -> memref<80x128xf32, #tpu.memory_space<vmem>>
          %dma_wait3A_310 = arith.constant 0 : i32
          %dma_wait3A_311 = tpu.memref_slice %arg9[%sub3A_304, %dma_wait3A_310] : memref<50x80xi32, #tpu.memory_space<vmem>> -> memref<1x80xi32, #tpu.memory_space<vmem>>
          %dma_wait3A_312 = tpu.memref_squeeze %dma_wait3A_311 : memref<1x80xi32, #tpu.memory_space<vmem>> -> memref<80xi32, #tpu.memory_space<vmem>>
          %dma_wait3A_313 = arith.constant 0 : i32
          %dma_wait3A_314 = arith.constant 0 : i32
          %dma_wait3A_315 = tpu.memref_slice %arg11[%dma_wait3A_313, %dma_wait3A_314] : memref<10000x128xf32, #tpu.memory_space<vmem_shared>> -> memref<10000x128xf32, #tpu.memory_space<vmem_shared>>
          tpu.wait_indirect_dma semaphore(%arg18 : memref<!tpu.dma_semaphore, #tpu.memory_space<semaphore_mem>>) src(%dma_wait3A_309 : memref<80x128xf32, #tpu.memory_space<vmem>>) dst(%dma_wait3A_315 : memref<10000x128xf32, #tpu.memory_space<vmem_shared>>)
        } else {
        }
        %add3A_163 = arith.constant 2 : i32
        %add3A_164 = arith.addi %add3A_136, %add3A_163 : i32
        %eq3A_165 = arith.constant 0 : i32
        %eq3A_166 = arith.cmpi eq, %arg0, %eq3A_165 : i32
        %convert_element_type3A_167 = arith.extui %eq3A_166 : i1 to i32
        %cond3A_168 = arith.constant 0 : i32
        %cond3A_169 = arith.cmpi ne, %convert_element_type3A_167, %cond3A_168 : i32
        scf.if %cond3A_169 {
          %dma_start3A_304 = arith.constant 2 : i32
          %dma_start3A_305 = arith.constant 0 : i32
          %dma_start3A_306 = arith.constant 0 : i32
          %dma_start3A_307 = tpu.memref_slice %arg10[%dma_start3A_304, %dma_start3A_305, %dma_start3A_306] : memref<4x80x128xf32, #tpu.memory_space<vmem>> -> memref<1x80x128xf32, #tpu.memory_space<vmem>>
          %dma_start3A_308 = tpu.memref_squeeze %dma_start3A_307 : memref<1x80x128xf32, #tpu.memory_space<vmem>> -> memref<80x128xf32, #tpu.memory_space<vmem>>
          %dma_start3A_309 = arith.constant 0 : i32
          %dma_start3A_310 = tpu.memref_slice %arg8[%add3A_164, %dma_start3A_309] : memref<50x80xi32, #tpu.memory_space<vmem>> -> memref<1x80xi32, #tpu.memory_space<vmem>>
          %dma_start3A_311 = tpu.memref_squeeze %dma_start3A_310 : memref<1x80xi32, #tpu.memory_space<vmem>> -> memref<80xi32, #tpu.memory_space<vmem>>
          %dma_start3A_312 = arith.constant 0 : i32
          %dma_start3A_313 = arith.constant 0 : i32
          %dma_start3A_314 = tpu.memref_slice %arg2[%dma_start3A_312, %dma_start3A_313] : memref<10000x128xf32, #tpu.memory_space<hbm>> -> memref<10000x128xf32, #tpu.memory_space<hbm>>
          tpu.enqueue_indirect_dma source(%dma_start3A_314 : memref<10000x128xf32, #tpu.memory_space<hbm>>) target(%dma_start3A_308 : memref<80x128xf32, #tpu.memory_space<vmem>>) offsets(%dma_start3A_311 : memref<80xi32, #tpu.memory_space<vmem>>) semaphore(%arg14 : memref<!tpu.dma_semaphore, #tpu.memory_space<semaphore_mem>>)
        } else {
        }
        %eq3A_170 = arith.constant 1 : i32
        %eq3A_171 = arith.cmpi eq, %arg0, %eq3A_170 : i32
        %convert_element_type3A_172 = arith.extui %eq3A_171 : i1 to i32
        %cond3A_173 = arith.constant 0 : i32
        %cond3A_174 = arith.cmpi ne, %convert_element_type3A_172, %cond3A_173 : i32
        scf.if %cond3A_174 {
          %dma_start3A_304 = arith.constant 2 : i32
          %dma_start3A_305 = arith.constant 0 : i32
          %dma_start3A_306 = arith.constant 0 : i32
          %dma_start3A_307 = tpu.memref_slice %arg10[%dma_start3A_304, %dma_start3A_305, %dma_start3A_306] : memref<4x80x128xf32, #tpu.memory_space<vmem>> -> memref<1x80x128xf32, #tpu.memory_space<vmem>>
          %dma_start3A_308 = tpu.memref_squeeze %dma_start3A_307 : memref<1x80x128xf32, #tpu.memory_space<vmem>> -> memref<80x128xf32, #tpu.memory_space<vmem>>
          %dma_start3A_309 = arith.constant 0 : i32
          %dma_start3A_310 = tpu.memref_slice %arg8[%add3A_164, %dma_start3A_309] : memref<50x80xi32, #tpu.memory_space<vmem>> -> memref<1x80xi32, #tpu.memory_space<vmem>>
          %dma_start3A_311 = tpu.memref_squeeze %dma_start3A_310 : memref<1x80xi32, #tpu.memory_space<vmem>> -> memref<80xi32, #tpu.memory_space<vmem>>
          %dma_start3A_312 = arith.constant 0 : i32
          %dma_start3A_313 = arith.constant 0 : i32
          %dma_start3A_314 = tpu.memref_slice %arg3[%dma_start3A_312, %dma_start3A_313] : memref<10000x128xf32, #tpu.memory_space<hbm>> -> memref<10000x128xf32, #tpu.memory_space<hbm>>
          tpu.enqueue_indirect_dma source(%dma_start3A_314 : memref<10000x128xf32, #tpu.memory_space<hbm>>) target(%dma_start3A_308 : memref<80x128xf32, #tpu.memory_space<vmem>>) offsets(%dma_start3A_311 : memref<80xi32, #tpu.memory_space<vmem>>) semaphore(%arg14 : memref<!tpu.dma_semaphore, #tpu.memory_space<semaphore_mem>>)
        } else {
        }
        %mul3A_175 = arith.constant 4 : i32
        %mul3A_176 = arith.muli %scan3A_132, %mul3A_175 : i32
        %add3A_177 = arith.constant 1 : i32
        %add3A_178 = arith.addi %mul3A_176, %add3A_177 : i32
        %dma_wait3A_179 = arith.constant 1 : i32
        %dma_wait3A_180 = arith.constant 0 : i32
        %dma_wait3A_181 = arith.constant 0 : i32
        %dma_wait3A_182 = tpu.memref_slice %arg10[%dma_wait3A_179, %dma_wait3A_180, %dma_wait3A_181] : memref<4x80x128xf32, #tpu.memory_space<vmem>> -> memref<1x80x128xf32, #tpu.memory_space<vmem>>
        %dma_wait3A_183 = tpu.memref_squeeze %dma_wait3A_182 : memref<1x80x128xf32, #tpu.memory_space<vmem>> -> memref<80x128xf32, #tpu.memory_space<vmem>>
        %dma_wait3A_184 = arith.constant 0 : i32
        %dma_wait3A_185 = tpu.memref_slice %arg8[%add3A_178, %dma_wait3A_184] : memref<50x80xi32, #tpu.memory_space<vmem>> -> memref<1x80xi32, #tpu.memory_space<vmem>>
        %dma_wait3A_186 = tpu.memref_squeeze %dma_wait3A_185 : memref<1x80xi32, #tpu.memory_space<vmem>> -> memref<80xi32, #tpu.memory_space<vmem>>
        %dma_wait3A_187 = arith.constant 0 : i32
        %dma_wait3A_188 = arith.constant 0 : i32
        %dma_wait3A_189 = tpu.memref_slice %arg2[%dma_wait3A_187, %dma_wait3A_188] : memref<10000x128xf32, #tpu.memory_space<hbm>> -> memref<10000x128xf32, #tpu.memory_space<hbm>>
        tpu.wait_indirect_dma semaphore(%arg13 : memref<!tpu.dma_semaphore, #tpu.memory_space<semaphore_mem>>) src(%dma_wait3A_189 : memref<10000x128xf32, #tpu.memory_space<hbm>>) dst(%dma_wait3A_183 : memref<80x128xf32, #tpu.memory_space<vmem>>)
        %dma_start3A_190 = arith.constant 1 : i32
        %dma_start3A_191 = arith.constant 0 : i32
        %dma_start3A_192 = arith.constant 0 : i32
        %dma_start3A_193 = tpu.memref_slice %arg10[%dma_start3A_190, %dma_start3A_191, %dma_start3A_192] : memref<4x80x128xf32, #tpu.memory_space<vmem>> -> memref<1x80x128xf32, #tpu.memory_space<vmem>>
        %dma_start3A_194 = tpu.memref_squeeze %dma_start3A_193 : memref<1x80x128xf32, #tpu.memory_space<vmem>> -> memref<80x128xf32, #tpu.memory_space<vmem>>
        %dma_start3A_195 = arith.constant 0 : i32
        %dma_start3A_196 = tpu.memref_slice %arg9[%add3A_178, %dma_start3A_195] : memref<50x80xi32, #tpu.memory_space<vmem>> -> memref<1x80xi32, #tpu.memory_space<vmem>>
        %dma_start3A_197 = tpu.memref_squeeze %dma_start3A_196 : memref<1x80xi32, #tpu.memory_space<vmem>> -> memref<80xi32, #tpu.memory_space<vmem>>
        %dma_start3A_198 = arith.constant 0 : i32
        %dma_start3A_199 = arith.constant 0 : i32
        %dma_start3A_200 = tpu.memref_slice %arg11[%dma_start3A_198, %dma_start3A_199] : memref<10000x128xf32, #tpu.memory_space<vmem_shared>> -> memref<10000x128xf32, #tpu.memory_space<vmem_shared>>
        tpu.enqueue_indirect_dma source(%dma_start3A_194 : memref<80x128xf32, #tpu.memory_space<vmem>>) target(%dma_start3A_200 : memref<10000x128xf32, #tpu.memory_space<vmem_shared>>) offsets(%dma_start3A_197 : memref<80xi32, #tpu.memory_space<vmem>>) semaphore(%arg17 : memref<!tpu.dma_semaphore, #tpu.memory_space<semaphore_mem>>) {add = true}
        %ge3A_201 = arith.constant 2 : i32
        %ge3A_202 = arith.cmpi sge, %add3A_178, %ge3A_201 : i32
        %convert_element_type3A_203 = arith.extui %ge3A_202 : i1 to i32
        %cond3A_204 = arith.constant 0 : i32
        %cond3A_205 = arith.cmpi ne, %convert_element_type3A_203, %cond3A_204 : i32
        scf.if %cond3A_205 {
          %sub3A = arith.constant 2 : i32
          %sub3A_304 = arith.subi %add3A_178, %sub3A : i32
          %dma_wait3A_305 = arith.constant 3 : i32
          %dma_wait3A_306 = arith.constant 0 : i32
          %dma_wait3A_307 = arith.constant 0 : i32
          %dma_wait3A_308 = tpu.memref_slice %arg10[%dma_wait3A_305, %dma_wait3A_306, %dma_wait3A_307] : memref<4x80x128xf32, #tpu.memory_space<vmem>> -> memref<1x80x128xf32, #tpu.memory_space<vmem>>
          %dma_wait3A_309 = tpu.memref_squeeze %dma_wait3A_308 : memref<1x80x128xf32, #tpu.memory_space<vmem>> -> memref<80x128xf32, #tpu.memory_space<vmem>>
          %dma_wait3A_310 = arith.constant 0 : i32
          %dma_wait3A_311 = tpu.memref_slice %arg9[%sub3A_304, %dma_wait3A_310] : memref<50x80xi32, #tpu.memory_space<vmem>> -> memref<1x80xi32, #tpu.memory_space<vmem>>
          %dma_wait3A_312 = tpu.memref_squeeze %dma_wait3A_311 : memref<1x80xi32, #tpu.memory_space<vmem>> -> memref<80xi32, #tpu.memory_space<vmem>>
          %dma_wait3A_313 = arith.constant 0 : i32
          %dma_wait3A_314 = arith.constant 0 : i32
          %dma_wait3A_315 = tpu.memref_slice %arg11[%dma_wait3A_313, %dma_wait3A_314] : memref<10000x128xf32, #tpu.memory_space<vmem_shared>> -> memref<10000x128xf32, #tpu.memory_space<vmem_shared>>
          tpu.wait_indirect_dma semaphore(%arg19 : memref<!tpu.dma_semaphore, #tpu.memory_space<semaphore_mem>>) src(%dma_wait3A_309 : memref<80x128xf32, #tpu.memory_space<vmem>>) dst(%dma_wait3A_315 : memref<10000x128xf32, #tpu.memory_space<vmem_shared>>)
        } else {
        }
        %add3A_206 = arith.constant 2 : i32
        %add3A_207 = arith.addi %add3A_178, %add3A_206 : i32
        %eq3A_208 = arith.constant 0 : i32
        %eq3A_209 = arith.cmpi eq, %arg0, %eq3A_208 : i32
        %convert_element_type3A_210 = arith.extui %eq3A_209 : i1 to i32
        %cond3A_211 = arith.constant 0 : i32
        %cond3A_212 = arith.cmpi ne, %convert_element_type3A_210, %cond3A_211 : i32
        scf.if %cond3A_212 {
          %dma_start3A_304 = arith.constant 3 : i32
          %dma_start3A_305 = arith.constant 0 : i32
          %dma_start3A_306 = arith.constant 0 : i32
          %dma_start3A_307 = tpu.memref_slice %arg10[%dma_start3A_304, %dma_start3A_305, %dma_start3A_306] : memref<4x80x128xf32, #tpu.memory_space<vmem>> -> memref<1x80x128xf32, #tpu.memory_space<vmem>>
          %dma_start3A_308 = tpu.memref_squeeze %dma_start3A_307 : memref<1x80x128xf32, #tpu.memory_space<vmem>> -> memref<80x128xf32, #tpu.memory_space<vmem>>
          %dma_start3A_309 = arith.constant 0 : i32
          %dma_start3A_310 = tpu.memref_slice %arg8[%add3A_207, %dma_start3A_309] : memref<50x80xi32, #tpu.memory_space<vmem>> -> memref<1x80xi32, #tpu.memory_space<vmem>>
          %dma_start3A_311 = tpu.memref_squeeze %dma_start3A_310 : memref<1x80xi32, #tpu.memory_space<vmem>> -> memref<80xi32, #tpu.memory_space<vmem>>
          %dma_start3A_312 = arith.constant 0 : i32
          %dma_start3A_313 = arith.constant 0 : i32
          %dma_start3A_314 = tpu.memref_slice %arg2[%dma_start3A_312, %dma_start3A_313] : memref<10000x128xf32, #tpu.memory_space<hbm>> -> memref<10000x128xf32, #tpu.memory_space<hbm>>
          tpu.enqueue_indirect_dma source(%dma_start3A_314 : memref<10000x128xf32, #tpu.memory_space<hbm>>) target(%dma_start3A_308 : memref<80x128xf32, #tpu.memory_space<vmem>>) offsets(%dma_start3A_311 : memref<80xi32, #tpu.memory_space<vmem>>) semaphore(%arg15 : memref<!tpu.dma_semaphore, #tpu.memory_space<semaphore_mem>>)
        } else {
        }
        %eq3A_213 = arith.constant 1 : i32
        %eq3A_214 = arith.cmpi eq, %arg0, %eq3A_213 : i32
        %convert_element_type3A_215 = arith.extui %eq3A_214 : i1 to i32
        %cond3A_216 = arith.constant 0 : i32
        %cond3A_217 = arith.cmpi ne, %convert_element_type3A_215, %cond3A_216 : i32
        scf.if %cond3A_217 {
          %dma_start3A_304 = arith.constant 3 : i32
          %dma_start3A_305 = arith.constant 0 : i32
          %dma_start3A_306 = arith.constant 0 : i32
          %dma_start3A_307 = tpu.memref_slice %arg10[%dma_start3A_304, %dma_start3A_305, %dma_start3A_306] : memref<4x80x128xf32, #tpu.memory_space<vmem>> -> memref<1x80x128xf32, #tpu.memory_space<vmem>>
          %dma_start3A_308 = tpu.memref_squeeze %dma_start3A_307 : memref<1x80x128xf32, #tpu.memory_space<vmem>> -> memref<80x128xf32, #tpu.memory_space<vmem>>
          %dma_start3A_309 = arith.constant 0 : i32
          %dma_start3A_310 = tpu.memref_slice %arg8[%add3A_207, %dma_start3A_309] : memref<50x80xi32, #tpu.memory_space<vmem>> -> memref<1x80xi32, #tpu.memory_space<vmem>>
          %dma_start3A_311 = tpu.memref_squeeze %dma_start3A_310 : memref<1x80xi32, #tpu.memory_space<vmem>> -> memref<80xi32, #tpu.memory_space<vmem>>
          %dma_start3A_312 = arith.constant 0 : i32
          %dma_start3A_313 = arith.constant 0 : i32
          %dma_start3A_314 = tpu.memref_slice %arg3[%dma_start3A_312, %dma_start3A_313] : memref<10000x128xf32, #tpu.memory_space<hbm>> -> memref<10000x128xf32, #tpu.memory_space<hbm>>
          tpu.enqueue_indirect_dma source(%dma_start3A_314 : memref<10000x128xf32, #tpu.memory_space<hbm>>) target(%dma_start3A_308 : memref<80x128xf32, #tpu.memory_space<vmem>>) offsets(%dma_start3A_311 : memref<80xi32, #tpu.memory_space<vmem>>) semaphore(%arg15 : memref<!tpu.dma_semaphore, #tpu.memory_space<semaphore_mem>>)
        } else {
        }
        %mul3A_218 = arith.constant 4 : i32
        %mul3A_219 = arith.muli %scan3A_132, %mul3A_218 : i32
        %add3A_220 = arith.constant 2 : i32
        %add3A_221 = arith.addi %mul3A_219, %add3A_220 : i32
        %dma_wait3A_222 = arith.constant 2 : i32
        %dma_wait3A_223 = arith.constant 0 : i32
        %dma_wait3A_224 = arith.constant 0 : i32
        %dma_wait3A_225 = tpu.memref_slice %arg10[%dma_wait3A_222, %dma_wait3A_223, %dma_wait3A_224] : memref<4x80x128xf32, #tpu.memory_space<vmem>> -> memref<1x80x128xf32, #tpu.memory_space<vmem>>
        %dma_wait3A_226 = tpu.memref_squeeze %dma_wait3A_225 : memref<1x80x128xf32, #tpu.memory_space<vmem>> -> memref<80x128xf32, #tpu.memory_space<vmem>>
        %dma_wait3A_227 = arith.constant 0 : i32
        %dma_wait3A_228 = tpu.memref_slice %arg8[%add3A_221, %dma_wait3A_227] : memref<50x80xi32, #tpu.memory_space<vmem>> -> memref<1x80xi32, #tpu.memory_space<vmem>>
        %dma_wait3A_229 = tpu.memref_squeeze %dma_wait3A_228 : memref<1x80xi32, #tpu.memory_space<vmem>> -> memref<80xi32, #tpu.memory_space<vmem>>
        %dma_wait3A_230 = arith.constant 0 : i32
        %dma_wait3A_231 = arith.constant 0 : i32
        %dma_wait3A_232 = tpu.memref_slice %arg2[%dma_wait3A_230, %dma_wait3A_231] : memref<10000x128xf32, #tpu.memory_space<hbm>> -> memref<10000x128xf32, #tpu.memory_space<hbm>>
        tpu.wait_indirect_dma semaphore(%arg14 : memref<!tpu.dma_semaphore, #tpu.memory_space<semaphore_mem>>) src(%dma_wait3A_232 : memref<10000x128xf32, #tpu.memory_space<hbm>>) dst(%dma_wait3A_226 : memref<80x128xf32, #tpu.memory_space<vmem>>)
        %dma_start3A_233 = arith.constant 2 : i32
        %dma_start3A_234 = arith.constant 0 : i32
        %dma_start3A_235 = arith.constant 0 : i32
        %dma_start3A_236 = tpu.memref_slice %arg10[%dma_start3A_233, %dma_start3A_234, %dma_start3A_235] : memref<4x80x128xf32, #tpu.memory_space<vmem>> -> memref<1x80x128xf32, #tpu.memory_space<vmem>>
        %dma_start3A_237 = tpu.memref_squeeze %dma_start3A_236 : memref<1x80x128xf32, #tpu.memory_space<vmem>> -> memref<80x128xf32, #tpu.memory_space<vmem>>
        %dma_start3A_238 = arith.constant 0 : i32
        %dma_start3A_239 = tpu.memref_slice %arg9[%add3A_221, %dma_start3A_238] : memref<50x80xi32, #tpu.memory_space<vmem>> -> memref<1x80xi32, #tpu.memory_space<vmem>>
        %dma_start3A_240 = tpu.memref_squeeze %dma_start3A_239 : memref<1x80xi32, #tpu.memory_space<vmem>> -> memref<80xi32, #tpu.memory_space<vmem>>
        %dma_start3A_241 = arith.constant 0 : i32
        %dma_start3A_242 = arith.constant 0 : i32
        %dma_start3A_243 = tpu.memref_slice %arg11[%dma_start3A_241, %dma_start3A_242] : memref<10000x128xf32, #tpu.memory_space<vmem_shared>> -> memref<10000x128xf32, #tpu.memory_space<vmem_shared>>
        tpu.enqueue_indirect_dma source(%dma_start3A_237 : memref<80x128xf32, #tpu.memory_space<vmem>>) target(%dma_start3A_243 : memref<10000x128xf32, #tpu.memory_space<vmem_shared>>) offsets(%dma_start3A_240 : memref<80xi32, #tpu.memory_space<vmem>>) semaphore(%arg18 : memref<!tpu.dma_semaphore, #tpu.memory_space<semaphore_mem>>) {add = true}
        %ge3A_244 = arith.constant 2 : i32
        %ge3A_245 = arith.cmpi sge, %add3A_221, %ge3A_244 : i32
        %convert_element_type3A_246 = arith.extui %ge3A_245 : i1 to i32
        %cond3A_247 = arith.constant 0 : i32
        %cond3A_248 = arith.cmpi ne, %convert_element_type3A_246, %cond3A_247 : i32
        scf.if %cond3A_248 {
          %sub3A = arith.constant 2 : i32
          %sub3A_304 = arith.subi %add3A_221, %sub3A : i32
          %dma_wait3A_305 = arith.constant 0 : i32
          %dma_wait3A_306 = arith.constant 0 : i32
          %dma_wait3A_307 = arith.constant 0 : i32
          %dma_wait3A_308 = tpu.memref_slice %arg10[%dma_wait3A_305, %dma_wait3A_306, %dma_wait3A_307] : memref<4x80x128xf32, #tpu.memory_space<vmem>> -> memref<1x80x128xf32, #tpu.memory_space<vmem>>
          %dma_wait3A_309 = tpu.memref_squeeze %dma_wait3A_308 : memref<1x80x128xf32, #tpu.memory_space<vmem>> -> memref<80x128xf32, #tpu.memory_space<vmem>>
          %dma_wait3A_310 = arith.constant 0 : i32
          %dma_wait3A_311 = tpu.memref_slice %arg9[%sub3A_304, %dma_wait3A_310] : memref<50x80xi32, #tpu.memory_space<vmem>> -> memref<1x80xi32, #tpu.memory_space<vmem>>
          %dma_wait3A_312 = tpu.memref_squeeze %dma_wait3A_311 : memref<1x80xi32, #tpu.memory_space<vmem>> -> memref<80xi32, #tpu.memory_space<vmem>>
          %dma_wait3A_313 = arith.constant 0 : i32
          %dma_wait3A_314 = arith.constant 0 : i32
          %dma_wait3A_315 = tpu.memref_slice %arg11[%dma_wait3A_313, %dma_wait3A_314] : memref<10000x128xf32, #tpu.memory_space<vmem_shared>> -> memref<10000x128xf32, #tpu.memory_space<vmem_shared>>
          tpu.wait_indirect_dma semaphore(%arg16 : memref<!tpu.dma_semaphore, #tpu.memory_space<semaphore_mem>>) src(%dma_wait3A_309 : memref<80x128xf32, #tpu.memory_space<vmem>>) dst(%dma_wait3A_315 : memref<10000x128xf32, #tpu.memory_space<vmem_shared>>)
        } else {
        }
        %add3A_249 = arith.constant 2 : i32
        %add3A_250 = arith.addi %add3A_221, %add3A_249 : i32
        %eq3A_251 = arith.constant 0 : i32
        %eq3A_252 = arith.cmpi eq, %arg0, %eq3A_251 : i32
        %convert_element_type3A_253 = arith.extui %eq3A_252 : i1 to i32
        %cond3A_254 = arith.constant 0 : i32
        %cond3A_255 = arith.cmpi ne, %convert_element_type3A_253, %cond3A_254 : i32
        scf.if %cond3A_255 {
          %dma_start3A_304 = arith.constant 0 : i32
          %dma_start3A_305 = arith.constant 0 : i32
          %dma_start3A_306 = arith.constant 0 : i32
          %dma_start3A_307 = tpu.memref_slice %arg10[%dma_start3A_304, %dma_start3A_305, %dma_start3A_306] : memref<4x80x128xf32, #tpu.memory_space<vmem>> -> memref<1x80x128xf32, #tpu.memory_space<vmem>>
          %dma_start3A_308 = tpu.memref_squeeze %dma_start3A_307 : memref<1x80x128xf32, #tpu.memory_space<vmem>> -> memref<80x128xf32, #tpu.memory_space<vmem>>
          %dma_start3A_309 = arith.constant 0 : i32
          %dma_start3A_310 = tpu.memref_slice %arg8[%add3A_250, %dma_start3A_309] : memref<50x80xi32, #tpu.memory_space<vmem>> -> memref<1x80xi32, #tpu.memory_space<vmem>>
          %dma_start3A_311 = tpu.memref_squeeze %dma_start3A_310 : memref<1x80xi32, #tpu.memory_space<vmem>> -> memref<80xi32, #tpu.memory_space<vmem>>
          %dma_start3A_312 = arith.constant 0 : i32
          %dma_start3A_313 = arith.constant 0 : i32
          %dma_start3A_314 = tpu.memref_slice %arg2[%dma_start3A_312, %dma_start3A_313] : memref<10000x128xf32, #tpu.memory_space<hbm>> -> memref<10000x128xf32, #tpu.memory_space<hbm>>
          tpu.enqueue_indirect_dma source(%dma_start3A_314 : memref<10000x128xf32, #tpu.memory_space<hbm>>) target(%dma_start3A_308 : memref<80x128xf32, #tpu.memory_space<vmem>>) offsets(%dma_start3A_311 : memref<80xi32, #tpu.memory_space<vmem>>) semaphore(%arg12 : memref<!tpu.dma_semaphore, #tpu.memory_space<semaphore_mem>>)
        } else {
        }
        %eq3A_256 = arith.constant 1 : i32
        %eq3A_257 = arith.cmpi eq, %arg0, %eq3A_256 : i32
        %convert_element_type3A_258 = arith.extui %eq3A_257 : i1 to i32
        %cond3A_259 = arith.constant 0 : i32
        %cond3A_260 = arith.cmpi ne, %convert_element_type3A_258, %cond3A_259 : i32
        scf.if %cond3A_260 {
          %dma_start3A_304 = arith.constant 0 : i32
          %dma_start3A_305 = arith.constant 0 : i32
          %dma_start3A_306 = arith.constant 0 : i32
          %dma_start3A_307 = tpu.memref_slice %arg10[%dma_start3A_304, %dma_start3A_305, %dma_start3A_306] : memref<4x80x128xf32, #tpu.memory_space<vmem>> -> memref<1x80x128xf32, #tpu.memory_space<vmem>>
          %dma_start3A_308 = tpu.memref_squeeze %dma_start3A_307 : memref<1x80x128xf32, #tpu.memory_space<vmem>> -> memref<80x128xf32, #tpu.memory_space<vmem>>
          %dma_start3A_309 = arith.constant 0 : i32
          %dma_start3A_310 = tpu.memref_slice %arg8[%add3A_250, %dma_start3A_309] : memref<50x80xi32, #tpu.memory_space<vmem>> -> memref<1x80xi32, #tpu.memory_space<vmem>>
          %dma_start3A_311 = tpu.memref_squeeze %dma_start3A_310 : memref<1x80xi32, #tpu.memory_space<vmem>> -> memref<80xi32, #tpu.memory_space<vmem>>
          %dma_start3A_312 = arith.constant 0 : i32
          %dma_start3A_313 = arith.constant 0 : i32
          %dma_start3A_314 = tpu.memref_slice %arg3[%dma_start3A_312, %dma_start3A_313] : memref<10000x128xf32, #tpu.memory_space<hbm>> -> memref<10000x128xf32, #tpu.memory_space<hbm>>
          tpu.enqueue_indirect_dma source(%dma_start3A_314 : memref<10000x128xf32, #tpu.memory_space<hbm>>) target(%dma_start3A_308 : memref<80x128xf32, #tpu.memory_space<vmem>>) offsets(%dma_start3A_311 : memref<80xi32, #tpu.memory_space<vmem>>) semaphore(%arg12 : memref<!tpu.dma_semaphore, #tpu.memory_space<semaphore_mem>>)
        } else {
        }
        %mul3A_261 = arith.constant 4 : i32
        %mul3A_262 = arith.muli %scan3A_132, %mul3A_261 : i32
        %add3A_263 = arith.constant 3 : i32
        %add3A_264 = arith.addi %mul3A_262, %add3A_263 : i32
        %dma_wait3A_265 = arith.constant 3 : i32
        %dma_wait3A_266 = arith.constant 0 : i32
        %dma_wait3A_267 = arith.constant 0 : i32
        %dma_wait3A_268 = tpu.memref_slice %arg10[%dma_wait3A_265, %dma_wait3A_266, %dma_wait3A_267] : memref<4x80x128xf32, #tpu.memory_space<vmem>> -> memref<1x80x128xf32, #tpu.memory_space<vmem>>
        %dma_wait3A_269 = tpu.memref_squeeze %dma_wait3A_268 : memref<1x80x128xf32, #tpu.memory_space<vmem>> -> memref<80x128xf32, #tpu.memory_space<vmem>>
        %dma_wait3A_270 = arith.constant 0 : i32
        %dma_wait3A_271 = tpu.memref_slice %arg8[%add3A_264, %dma_wait3A_270] : memref<50x80xi32, #tpu.memory_space<vmem>> -> memref<1x80xi32, #tpu.memory_space<vmem>>
        %dma_wait3A_272 = tpu.memref_squeeze %dma_wait3A_271 : memref<1x80xi32, #tpu.memory_space<vmem>> -> memref<80xi32, #tpu.memory_space<vmem>>
        %dma_wait3A_273 = arith.constant 0 : i32
        %dma_wait3A_274 = arith.constant 0 : i32
        %dma_wait3A_275 = tpu.memref_slice %arg2[%dma_wait3A_273, %dma_wait3A_274] : memref<10000x128xf32, #tpu.memory_space<hbm>> -> memref<10000x128xf32, #tpu.memory_space<hbm>>
        tpu.wait_indirect_dma semaphore(%arg15 : memref<!tpu.dma_semaphore, #tpu.memory_space<semaphore_mem>>) src(%dma_wait3A_275 : memref<10000x128xf32, #tpu.memory_space<hbm>>) dst(%dma_wait3A_269 : memref<80x128xf32, #tpu.memory_space<vmem>>)
        %dma_start3A_276 = arith.constant 3 : i32
        %dma_start3A_277 = arith.constant 0 : i32
        %dma_start3A_278 = arith.constant 0 : i32
        %dma_start3A_279 = tpu.memref_slice %arg10[%dma_start3A_276, %dma_start3A_277, %dma_start3A_278] : memref<4x80x128xf32, #tpu.memory_space<vmem>> -> memref<1x80x128xf32, #tpu.memory_space<vmem>>
        %dma_start3A_280 = tpu.memref_squeeze %dma_start3A_279 : memref<1x80x128xf32, #tpu.memory_space<vmem>> -> memref<80x128xf32, #tpu.memory_space<vmem>>
        %dma_start3A_281 = arith.constant 0 : i32
        %dma_start3A_282 = tpu.memref_slice %arg9[%add3A_264, %dma_start3A_281] : memref<50x80xi32, #tpu.memory_space<vmem>> -> memref<1x80xi32, #tpu.memory_space<vmem>>
        %dma_start3A_283 = tpu.memref_squeeze %dma_start3A_282 : memref<1x80xi32, #tpu.memory_space<vmem>> -> memref<80xi32, #tpu.memory_space<vmem>>
        %dma_start3A_284 = arith.constant 0 : i32
        %dma_start3A_285 = arith.constant 0 : i32
        %dma_start3A_286 = tpu.memref_slice %arg11[%dma_start3A_284, %dma_start3A_285] : memref<10000x128xf32, #tpu.memory_space<vmem_shared>> -> memref<10000x128xf32, #tpu.memory_space<vmem_shared>>
        tpu.enqueue_indirect_dma source(%dma_start3A_280 : memref<80x128xf32, #tpu.memory_space<vmem>>) target(%dma_start3A_286 : memref<10000x128xf32, #tpu.memory_space<vmem_shared>>) offsets(%dma_start3A_283 : memref<80xi32, #tpu.memory_space<vmem>>) semaphore(%arg19 : memref<!tpu.dma_semaphore, #tpu.memory_space<semaphore_mem>>) {add = true}
        %ge3A_287 = arith.constant 2 : i32
        %ge3A_288 = arith.cmpi sge, %add3A_264, %ge3A_287 : i32
        %convert_element_type3A_289 = arith.extui %ge3A_288 : i1 to i32
        %cond3A_290 = arith.constant 0 : i32
        %cond3A_291 = arith.cmpi ne, %convert_element_type3A_289, %cond3A_290 : i32
        scf.if %cond3A_291 {
          %sub3A = arith.constant 2 : i32
          %sub3A_304 = arith.subi %add3A_264, %sub3A : i32
          %dma_wait3A_305 = arith.constant 1 : i32
          %dma_wait3A_306 = arith.constant 0 : i32
          %dma_wait3A_307 = arith.constant 0 : i32
          %dma_wait3A_308 = tpu.memref_slice %arg10[%dma_wait3A_305, %dma_wait3A_306, %dma_wait3A_307] : memref<4x80x128xf32, #tpu.memory_space<vmem>> -> memref<1x80x128xf32, #tpu.memory_space<vmem>>
          %dma_wait3A_309 = tpu.memref_squeeze %dma_wait3A_308 : memref<1x80x128xf32, #tpu.memory_space<vmem>> -> memref<80x128xf32, #tpu.memory_space<vmem>>
          %dma_wait3A_310 = arith.constant 0 : i32
          %dma_wait3A_311 = tpu.memref_slice %arg9[%sub3A_304, %dma_wait3A_310] : memref<50x80xi32, #tpu.memory_space<vmem>> -> memref<1x80xi32, #tpu.memory_space<vmem>>
          %dma_wait3A_312 = tpu.memref_squeeze %dma_wait3A_311 : memref<1x80xi32, #tpu.memory_space<vmem>> -> memref<80xi32, #tpu.memory_space<vmem>>
          %dma_wait3A_313 = arith.constant 0 : i32
          %dma_wait3A_314 = arith.constant 0 : i32
          %dma_wait3A_315 = tpu.memref_slice %arg11[%dma_wait3A_313, %dma_wait3A_314] : memref<10000x128xf32, #tpu.memory_space<vmem_shared>> -> memref<10000x128xf32, #tpu.memory_space<vmem_shared>>
          tpu.wait_indirect_dma semaphore(%arg17 : memref<!tpu.dma_semaphore, #tpu.memory_space<semaphore_mem>>) src(%dma_wait3A_309 : memref<80x128xf32, #tpu.memory_space<vmem>>) dst(%dma_wait3A_315 : memref<10000x128xf32, #tpu.memory_space<vmem_shared>>)
        } else {
        }
        %add3A_292 = arith.constant 2 : i32
        %add3A_293 = arith.addi %add3A_264, %add3A_292 : i32
        %eq3A_294 = arith.constant 0 : i32
        %eq3A_295 = arith.cmpi eq, %arg0, %eq3A_294 : i32
        %convert_element_type3A_296 = arith.extui %eq3A_295 : i1 to i32
        %cond3A_297 = arith.constant 0 : i32
        %cond3A_298 = arith.cmpi ne, %convert_element_type3A_296, %cond3A_297 : i32
        scf.if %cond3A_298 {
          %dma_start3A_304 = arith.constant 1 : i32
          %dma_start3A_305 = arith.constant 0 : i32
          %dma_start3A_306 = arith.constant 0 : i32
          %dma_start3A_307 = tpu.memref_slice %arg10[%dma_start3A_304, %dma_start3A_305, %dma_start3A_306] : memref<4x80x128xf32, #tpu.memory_space<vmem>> -> memref<1x80x128xf32, #tpu.memory_space<vmem>>
          %dma_start3A_308 = tpu.memref_squeeze %dma_start3A_307 : memref<1x80x128xf32, #tpu.memory_space<vmem>> -> memref<80x128xf32, #tpu.memory_space<vmem>>
          %dma_start3A_309 = arith.constant 0 : i32
          %dma_start3A_310 = tpu.memref_slice %arg8[%add3A_293, %dma_start3A_309] : memref<50x80xi32, #tpu.memory_space<vmem>> -> memref<1x80xi32, #tpu.memory_space<vmem>>
          %dma_start3A_311 = tpu.memref_squeeze %dma_start3A_310 : memref<1x80xi32, #tpu.memory_space<vmem>> -> memref<80xi32, #tpu.memory_space<vmem>>
          %dma_start3A_312 = arith.constant 0 : i32
          %dma_start3A_313 = arith.constant 0 : i32
          %dma_start3A_314 = tpu.memref_slice %arg2[%dma_start3A_312, %dma_start3A_313] : memref<10000x128xf32, #tpu.memory_space<hbm>> -> memref<10000x128xf32, #tpu.memory_space<hbm>>
          tpu.enqueue_indirect_dma source(%dma_start3A_314 : memref<10000x128xf32, #tpu.memory_space<hbm>>) target(%dma_start3A_308 : memref<80x128xf32, #tpu.memory_space<vmem>>) offsets(%dma_start3A_311 : memref<80xi32, #tpu.memory_space<vmem>>) semaphore(%arg13 : memref<!tpu.dma_semaphore, #tpu.memory_space<semaphore_mem>>)
        } else {
        }
        %eq3A_299 = arith.constant 1 : i32
        %eq3A_300 = arith.cmpi eq, %arg0, %eq3A_299 : i32
        %convert_element_type3A_301 = arith.extui %eq3A_300 : i1 to i32
        %cond3A_302 = arith.constant 0 : i32
        %cond3A_303 = arith.cmpi ne, %convert_element_type3A_301, %cond3A_302 : i32
        scf.if %cond3A_303 {
          %dma_start3A_304 = arith.constant 1 : i32
          %dma_start3A_305 = arith.constant 0 : i32
          %dma_start3A_306 = arith.constant 0 : i32
          %dma_start3A_307 = tpu.memref_slice %arg10[%dma_start3A_304, %dma_start3A_305, %dma_start3A_306] : memref<4x80x128xf32, #tpu.memory_space<vmem>> -> memref<1x80x128xf32, #tpu.memory_space<vmem>>
          %dma_start3A_308 = tpu.memref_squeeze %dma_start3A_307 : memref<1x80x128xf32, #tpu.memory_space<vmem>> -> memref<80x128xf32, #tpu.memory_space<vmem>>
          %dma_start3A_309 = arith.constant 0 : i32
          %dma_start3A_310 = tpu.memref_slice %arg8[%add3A_293, %dma_start3A_309] : memref<50x80xi32, #tpu.memory_space<vmem>> -> memref<1x80xi32, #tpu.memory_space<vmem>>
          %dma_start3A_311 = tpu.memref_squeeze %dma_start3A_310 : memref<1x80xi32, #tpu.memory_space<vmem>> -> memref<80xi32, #tpu.memory_space<vmem>>
          %dma_start3A_312 = arith.constant 0 : i32
          %dma_start3A_313 = arith.constant 0 : i32
          %dma_start3A_314 = tpu.memref_slice %arg3[%dma_start3A_312, %dma_start3A_313] : memref<10000x128xf32, #tpu.memory_space<hbm>> -> memref<10000x128xf32, #tpu.memory_space<hbm>>
          tpu.enqueue_indirect_dma source(%dma_start3A_314 : memref<10000x128xf32, #tpu.memory_space<hbm>>) target(%dma_start3A_308 : memref<80x128xf32, #tpu.memory_space<vmem>>) offsets(%dma_start3A_311 : memref<80xi32, #tpu.memory_space<vmem>>) semaphore(%arg13 : memref<!tpu.dma_semaphore, #tpu.memory_space<semaphore_mem>>)
        } else {
        }
      }
      %scan3A_37 = arith.constant 12 : i32
      %dma_wait3A = arith.constant 48 : i32
      %dma_wait3A_38 = arith.constant 0 : i32
      %dma_wait3A_39 = arith.constant 0 : i32
      %dma_wait3A_40 = arith.constant 0 : i32
      %dma_wait3A_41 = tpu.memref_slice %arg10[%dma_wait3A_38, %dma_wait3A_39, %dma_wait3A_40] : memref<4x80x128xf32, #tpu.memory_space<vmem>> -> memref<1x80x128xf32, #tpu.memory_space<vmem>>
      %dma_wait3A_42 = tpu.memref_squeeze %dma_wait3A_41 : memref<1x80x128xf32, #tpu.memory_space<vmem>> -> memref<80x128xf32, #tpu.memory_space<vmem>>
      %dma_wait3A_43 = arith.constant 0 : i32
      %dma_wait3A_44 = tpu.memref_slice %arg8[%dma_wait3A, %dma_wait3A_43] : memref<50x80xi32, #tpu.memory_space<vmem>> -> memref<1x80xi32, #tpu.memory_space<vmem>>
      %dma_wait3A_45 = tpu.memref_squeeze %dma_wait3A_44 : memref<1x80xi32, #tpu.memory_space<vmem>> -> memref<80xi32, #tpu.memory_space<vmem>>
      %dma_wait3A_46 = arith.constant 0 : i32
      %dma_wait3A_47 = arith.constant 0 : i32
      %dma_wait3A_48 = tpu.memref_slice %arg2[%dma_wait3A_46, %dma_wait3A_47] : memref<10000x128xf32, #tpu.memory_space<hbm>> -> memref<10000x128xf32, #tpu.memory_space<hbm>>
      tpu.wait_indirect_dma semaphore(%arg12 : memref<!tpu.dma_semaphore, #tpu.memory_space<semaphore_mem>>) src(%dma_wait3A_48 : memref<10000x128xf32, #tpu.memory_space<hbm>>) dst(%dma_wait3A_42 : memref<80x128xf32, #tpu.memory_space<vmem>>)
      %dma_start3A = arith.constant 0 : i32
      %dma_start3A_49 = arith.constant 48 : i32
      %dma_start3A_50 = arith.constant 0 : i32
      %dma_start3A_51 = arith.constant 0 : i32
      %dma_start3A_52 = tpu.memref_slice %arg10[%dma_start3A, %dma_start3A_50, %dma_start3A_51] : memref<4x80x128xf32, #tpu.memory_space<vmem>> -> memref<1x80x128xf32, #tpu.memory_space<vmem>>
      %dma_start3A_53 = tpu.memref_squeeze %dma_start3A_52 : memref<1x80x128xf32, #tpu.memory_space<vmem>> -> memref<80x128xf32, #tpu.memory_space<vmem>>
      %dma_start3A_54 = arith.constant 0 : i32
      %dma_start3A_55 = tpu.memref_slice %arg9[%dma_start3A_49, %dma_start3A_54] : memref<50x80xi32, #tpu.memory_space<vmem>> -> memref<1x80xi32, #tpu.memory_space<vmem>>
      %dma_start3A_56 = tpu.memref_squeeze %dma_start3A_55 : memref<1x80xi32, #tpu.memory_space<vmem>> -> memref<80xi32, #tpu.memory_space<vmem>>
      %dma_start3A_57 = arith.constant 0 : i32
      %dma_start3A_58 = arith.constant 0 : i32
      %dma_start3A_59 = tpu.memref_slice %arg11[%dma_start3A_57, %dma_start3A_58] : memref<10000x128xf32, #tpu.memory_space<vmem_shared>> -> memref<10000x128xf32, #tpu.memory_space<vmem_shared>>
      tpu.enqueue_indirect_dma source(%dma_start3A_53 : memref<80x128xf32, #tpu.memory_space<vmem>>) target(%dma_start3A_59 : memref<10000x128xf32, #tpu.memory_space<vmem_shared>>) offsets(%dma_start3A_56 : memref<80xi32, #tpu.memory_space<vmem>>) semaphore(%arg16 : memref<!tpu.dma_semaphore, #tpu.memory_space<semaphore_mem>>) {add = true}
      %dma_wait3A_60 = arith.constant 49 : i32
      %dma_wait3A_61 = arith.constant 1 : i32
      %dma_wait3A_62 = arith.constant 0 : i32
      %dma_wait3A_63 = arith.constant 0 : i32
      %dma_wait3A_64 = tpu.memref_slice %arg10[%dma_wait3A_61, %dma_wait3A_62, %dma_wait3A_63] : memref<4x80x128xf32, #tpu.memory_space<vmem>> -> memref<1x80x128xf32, #tpu.memory_space<vmem>>
      %dma_wait3A_65 = tpu.memref_squeeze %dma_wait3A_64 : memref<1x80x128xf32, #tpu.memory_space<vmem>> -> memref<80x128xf32, #tpu.memory_space<vmem>>
      %dma_wait3A_66 = arith.constant 0 : i32
      %dma_wait3A_67 = tpu.memref_slice %arg8[%dma_wait3A_60, %dma_wait3A_66] : memref<50x80xi32, #tpu.memory_space<vmem>> -> memref<1x80xi32, #tpu.memory_space<vmem>>
      %dma_wait3A_68 = tpu.memref_squeeze %dma_wait3A_67 : memref<1x80xi32, #tpu.memory_space<vmem>> -> memref<80xi32, #tpu.memory_space<vmem>>
      %dma_wait3A_69 = arith.constant 0 : i32
      %dma_wait3A_70 = arith.constant 0 : i32
      %dma_wait3A_71 = tpu.memref_slice %arg2[%dma_wait3A_69, %dma_wait3A_70] : memref<10000x128xf32, #tpu.memory_space<hbm>> -> memref<10000x128xf32, #tpu.memory_space<hbm>>
      tpu.wait_indirect_dma semaphore(%arg13 : memref<!tpu.dma_semaphore, #tpu.memory_space<semaphore_mem>>) src(%dma_wait3A_71 : memref<10000x128xf32, #tpu.memory_space<hbm>>) dst(%dma_wait3A_65 : memref<80x128xf32, #tpu.memory_space<vmem>>)
      %dma_start3A_72 = arith.constant 1 : i32
      %dma_start3A_73 = arith.constant 49 : i32
      %dma_start3A_74 = arith.constant 0 : i32
      %dma_start3A_75 = arith.constant 0 : i32
      %dma_start3A_76 = tpu.memref_slice %arg10[%dma_start3A_72, %dma_start3A_74, %dma_start3A_75] : memref<4x80x128xf32, #tpu.memory_space<vmem>> -> memref<1x80x128xf32, #tpu.memory_space<vmem>>
      %dma_start3A_77 = tpu.memref_squeeze %dma_start3A_76 : memref<1x80x128xf32, #tpu.memory_space<vmem>> -> memref<80x128xf32, #tpu.memory_space<vmem>>
      %dma_start3A_78 = arith.constant 0 : i32
      %dma_start3A_79 = tpu.memref_slice %arg9[%dma_start3A_73, %dma_start3A_78] : memref<50x80xi32, #tpu.memory_space<vmem>> -> memref<1x80xi32, #tpu.memory_space<vmem>>
      %dma_start3A_80 = tpu.memref_squeeze %dma_start3A_79 : memref<1x80xi32, #tpu.memory_space<vmem>> -> memref<80xi32, #tpu.memory_space<vmem>>
      %dma_start3A_81 = arith.constant 0 : i32
      %dma_start3A_82 = arith.constant 0 : i32
      %dma_start3A_83 = tpu.memref_slice %arg11[%dma_start3A_81, %dma_start3A_82] : memref<10000x128xf32, #tpu.memory_space<vmem_shared>> -> memref<10000x128xf32, #tpu.memory_space<vmem_shared>>
      tpu.enqueue_indirect_dma source(%dma_start3A_77 : memref<80x128xf32, #tpu.memory_space<vmem>>) target(%dma_start3A_83 : memref<10000x128xf32, #tpu.memory_space<vmem_shared>>) offsets(%dma_start3A_80 : memref<80xi32, #tpu.memory_space<vmem>>) semaphore(%arg17 : memref<!tpu.dma_semaphore, #tpu.memory_space<semaphore_mem>>) {add = true}
      %dma_wait3A_84 = arith.constant 2 : i32
      %dma_wait3A_85 = arith.constant 46 : i32
      %dma_wait3A_86 = arith.constant 0 : i32
      %dma_wait3A_87 = arith.constant 0 : i32
      %dma_wait3A_88 = tpu.memref_slice %arg10[%dma_wait3A_84, %dma_wait3A_86, %dma_wait3A_87] : memref<4x80x128xf32, #tpu.memory_space<vmem>> -> memref<1x80x128xf32, #tpu.memory_space<vmem>>
      %dma_wait3A_89 = tpu.memref_squeeze %dma_wait3A_88 : memref<1x80x128xf32, #tpu.memory_space<vmem>> -> memref<80x128xf32, #tpu.memory_space<vmem>>
      %dma_wait3A_90 = arith.constant 0 : i32
      %dma_wait3A_91 = tpu.memref_slice %arg9[%dma_wait3A_85, %dma_wait3A_90] : memref<50x80xi32, #tpu.memory_space<vmem>> -> memref<1x80xi32, #tpu.memory_space<vmem>>
      %dma_wait3A_92 = tpu.memref_squeeze %dma_wait3A_91 : memref<1x80xi32, #tpu.memory_space<vmem>> -> memref<80xi32, #tpu.memory_space<vmem>>
      %dma_wait3A_93 = arith.constant 0 : i32
      %dma_wait3A_94 = arith.constant 0 : i32
      %dma_wait3A_95 = tpu.memref_slice %arg11[%dma_wait3A_93, %dma_wait3A_94] : memref<10000x128xf32, #tpu.memory_space<vmem_shared>> -> memref<10000x128xf32, #tpu.memory_space<vmem_shared>>
      tpu.wait_indirect_dma semaphore(%arg18 : memref<!tpu.dma_semaphore, #tpu.memory_space<semaphore_mem>>) src(%dma_wait3A_89 : memref<80x128xf32, #tpu.memory_space<vmem>>) dst(%dma_wait3A_95 : memref<10000x128xf32, #tpu.memory_space<vmem_shared>>)
      %dma_wait3A_96 = arith.constant 3 : i32
      %dma_wait3A_97 = arith.constant 47 : i32
      %dma_wait3A_98 = arith.constant 0 : i32
      %dma_wait3A_99 = arith.constant 0 : i32
      %dma_wait3A_100 = tpu.memref_slice %arg10[%dma_wait3A_96, %dma_wait3A_98, %dma_wait3A_99] : memref<4x80x128xf32, #tpu.memory_space<vmem>> -> memref<1x80x128xf32, #tpu.memory_space<vmem>>
      %dma_wait3A_101 = tpu.memref_squeeze %dma_wait3A_100 : memref<1x80x128xf32, #tpu.memory_space<vmem>> -> memref<80x128xf32, #tpu.memory_space<vmem>>
      %dma_wait3A_102 = arith.constant 0 : i32
      %dma_wait3A_103 = tpu.memref_slice %arg9[%dma_wait3A_97, %dma_wait3A_102] : memref<50x80xi32, #tpu.memory_space<vmem>> -> memref<1x80xi32, #tpu.memory_space<vmem>>
      %dma_wait3A_104 = tpu.memref_squeeze %dma_wait3A_103 : memref<1x80xi32, #tpu.memory_space<vmem>> -> memref<80xi32, #tpu.memory_space<vmem>>
      %dma_wait3A_105 = arith.constant 0 : i32
      %dma_wait3A_106 = arith.constant 0 : i32
      %dma_wait3A_107 = tpu.memref_slice %arg11[%dma_wait3A_105, %dma_wait3A_106] : memref<10000x128xf32, #tpu.memory_space<vmem_shared>> -> memref<10000x128xf32, #tpu.memory_space<vmem_shared>>
      tpu.wait_indirect_dma semaphore(%arg19 : memref<!tpu.dma_semaphore, #tpu.memory_space<semaphore_mem>>) src(%dma_wait3A_101 : memref<80x128xf32, #tpu.memory_space<vmem>>) dst(%dma_wait3A_107 : memref<10000x128xf32, #tpu.memory_space<vmem_shared>>)
      %dma_wait3A_108 = arith.constant 0 : i32
      %dma_wait3A_109 = arith.constant 48 : i32
      %dma_wait3A_110 = arith.constant 0 : i32
      %dma_wait3A_111 = arith.constant 0 : i32
      %dma_wait3A_112 = tpu.memref_slice %arg10[%dma_wait3A_108, %dma_wait3A_110, %dma_wait3A_111] : memref<4x80x128xf32, #tpu.memory_space<vmem>> -> memref<1x80x128xf32, #tpu.memory_space<vmem>>
      %dma_wait3A_113 = tpu.memref_squeeze %dma_wait3A_112 : memref<1x80x128xf32, #tpu.memory_space<vmem>> -> memref<80x128xf32, #tpu.memory_space<vmem>>
      %dma_wait3A_114 = arith.constant 0 : i32
      %dma_wait3A_115 = tpu.memref_slice %arg9[%dma_wait3A_109, %dma_wait3A_114] : memref<50x80xi32, #tpu.memory_space<vmem>> -> memref<1x80xi32, #tpu.memory_space<vmem>>
      %dma_wait3A_116 = tpu.memref_squeeze %dma_wait3A_115 : memref<1x80xi32, #tpu.memory_space<vmem>> -> memref<80xi32, #tpu.memory_space<vmem>>
      %dma_wait3A_117 = arith.constant 0 : i32
      %dma_wait3A_118 = arith.constant 0 : i32
      %dma_wait3A_119 = tpu.memref_slice %arg11[%dma_wait3A_117, %dma_wait3A_118] : memref<10000x128xf32, #tpu.memory_space<vmem_shared>> -> memref<10000x128xf32, #tpu.memory_space<vmem_shared>>
      tpu.wait_indirect_dma semaphore(%arg16 : memref<!tpu.dma_semaphore, #tpu.memory_space<semaphore_mem>>) src(%dma_wait3A_113 : memref<80x128xf32, #tpu.memory_space<vmem>>) dst(%dma_wait3A_119 : memref<10000x128xf32, #tpu.memory_space<vmem_shared>>)
      %dma_wait3A_120 = arith.constant 1 : i32
      %dma_wait3A_121 = arith.constant 49 : i32
      %dma_wait3A_122 = arith.constant 0 : i32
      %dma_wait3A_123 = arith.constant 0 : i32
      %dma_wait3A_124 = tpu.memref_slice %arg10[%dma_wait3A_120, %dma_wait3A_122, %dma_wait3A_123] : memref<4x80x128xf32, #tpu.memory_space<vmem>> -> memref<1x80x128xf32, #tpu.memory_space<vmem>>
      %dma_wait3A_125 = tpu.memref_squeeze %dma_wait3A_124 : memref<1x80x128xf32, #tpu.memory_space<vmem>> -> memref<80x128xf32, #tpu.memory_space<vmem>>
      %dma_wait3A_126 = arith.constant 0 : i32
      %dma_wait3A_127 = tpu.memref_slice %arg9[%dma_wait3A_121, %dma_wait3A_126] : memref<50x80xi32, #tpu.memory_space<vmem>> -> memref<1x80xi32, #tpu.memory_space<vmem>>
      %dma_wait3A_128 = tpu.memref_squeeze %dma_wait3A_127 : memref<1x80xi32, #tpu.memory_space<vmem>> -> memref<80xi32, #tpu.memory_space<vmem>>
      %dma_wait3A_129 = arith.constant 0 : i32
      %dma_wait3A_130 = arith.constant 0 : i32
      %dma_wait3A_131 = tpu.memref_slice %arg11[%dma_wait3A_129, %dma_wait3A_130] : memref<10000x128xf32, #tpu.memory_space<vmem_shared>> -> memref<10000x128xf32, #tpu.memory_space<vmem_shared>>
      tpu.wait_indirect_dma semaphore(%arg17 : memref<!tpu.dma_semaphore, #tpu.memory_space<semaphore_mem>>) src(%dma_wait3A_125 : memref<80x128xf32, #tpu.memory_space<vmem>>) dst(%dma_wait3A_131 : memref<10000x128xf32, #tpu.memory_space<vmem_shared>>)
    }
    %scan3A_7 = arith.constant 5 : i32
    %barrier3A_8 = arith.constant 0 : index
    tpu.barrier barrier_id(%barrier3A_8)
    %mul3A_9 = arith.constant 10000 : i32
    %mul3A_10 = arith.muli %arg0, %mul3A_9 : i32
    %add3A = arith.addi %mul3A_10, %mul3A_0 : i32
    "tpu.region"() ({
      %run_scoped3A = tpu.sem_alloc : memref<!tpu.dma_semaphore, #tpu.memory_space<semaphore_mem>>
      %dma_start3A = arith.constant 0 : i32
      %dma_start3A_11 = tpu.memref_slice %arg7[%add3A, %dma_start3A] : memref<20000x128xf32, #tpu.memory_space<hbm>> -> memref<625x128xf32, #tpu.memory_space<hbm>>
      %dma_start3A_12 = arith.constant 0 : i32
      %dma_start3A_13 = tpu.memref_slice %arg11[%mul3A_0, %dma_start3A_12] : memref<10000x128xf32, #tpu.memory_space<vmem_shared>> -> memref<625x128xf32, #tpu.memory_space<vmem_shared>>
      tpu.enqueue_dma source(%dma_start3A_13 : memref<625x128xf32, #tpu.memory_space<vmem_shared>>) target(%dma_start3A_11 : memref<625x128xf32, #tpu.memory_space<hbm>>) target_semaphore(%run_scoped3A : memref<!tpu.dma_semaphore, #tpu.memory_space<semaphore_mem>>)
      %dma_wait3A = arith.constant 0 : i32
      %dma_wait3A_14 = tpu.memref_slice %arg7[%add3A, %dma_wait3A] : memref<20000x128xf32, #tpu.memory_space<hbm>> -> memref<625x128xf32, #tpu.memory_space<hbm>>
      %dma_wait3A_15 = arith.constant 0 : i32
      %dma_wait3A_16 = tpu.memref_slice %arg11[%mul3A_0, %dma_wait3A_15] : memref<10000x128xf32, #tpu.memory_space<vmem_shared>> -> memref<625x128xf32, #tpu.memory_space<vmem_shared>>
      tpu.wait_dma2 semaphore(%run_scoped3A : memref<!tpu.dma_semaphore, #tpu.memory_space<semaphore_mem>>) src(%dma_wait3A_16 : memref<625x128xf32, #tpu.memory_space<vmem_shared>>) dst(%dma_wait3A_14 : memref<625x128xf32, #tpu.memory_space<hbm>>)
      tpu.yield
    }) : () -> ()
    return
  }
}

#map = affine_map<(d0, d1) -> (0, 0)>
module attributes {stable_mosaic.version = 14 : i64} {
  func.func @sc_scatter(%arg0: i32, %arg1: i32, %arg2: memref<10000x128xf32, #tpu.memory_space<hbm>>, %arg3: memref<10000x128xf32, #tpu.memory_space<hbm>>, %arg4: memref<4000x80xi32, #tpu.memory_space<hbm>>, %arg5: memref<4000x80xi32, #tpu.memory_space<hbm>>, %arg6: memref<10000x128xf32, #tpu.memory_space<hbm>>, %arg7: memref<20000x128xf32, #tpu.memory_space<hbm>>, %arg8: memref<50x80xi32, #tpu.memory_space<vmem>>, %arg9: memref<50x80xi32, #tpu.memory_space<vmem>>, %arg10: memref<4x80x128xf32, #tpu.memory_space<vmem>>, %arg11: memref<10000x128xf32, #tpu.memory_space<vmem_shared>>, %arg12: memref<!tpu.dma_semaphore, #tpu.memory_space<semaphore_mem>>, %arg13: memref<!tpu.dma_semaphore, #tpu.memory_space<semaphore_mem>>, %arg14: memref<!tpu.dma_semaphore, #tpu.memory_space<semaphore_mem>>, %arg15: memref<!tpu.dma_semaphore, #tpu.memory_space<semaphore_mem>>, %arg16: memref<!tpu.dma_semaphore, #tpu.memory_space<semaphore_mem>>, %arg17: memref<!tpu.dma_semaphore, #tpu.memory_space<semaphore_mem>>, %arg18: memref<!tpu.dma_semaphore, #tpu.memory_space<semaphore_mem>>, %arg19: memref<!tpu.dma_semaphore, #tpu.memory_space<semaphore_mem>>) attributes {dimension_semantics = [#tpu.dimension_semantics<core_parallel>, #tpu.dimension_semantics<subcore_parallel>], iteration_bounds = array<i64: 2, 16>, scalar_prefetch = 0 : i64, scratch_operands = 12 : i64, tpu.core_type = #tpu.core_type<sc_vector_subcore>, window_params = [{transform_indices = #map}, {transform_indices = #map}, {transform_indices = #map}, {transform_indices = #map}, {transform_indices = #map}, {transform_indices = #map}]} {
    %mul3A = arith.constant 625 : i32
    %mul3A_0 = arith.muli %arg1, %mul3A : i32
    "tpu.region"() ({
      %run_scoped3A = tpu.sem_alloc : memref<!tpu.dma_semaphore, #tpu.memory_space<semaphore_mem>>
      %dma_start3A = arith.constant 0 : i32
      %dma_start3A_11 = tpu.memref_slice %arg11[%mul3A_0, %dma_start3A] : memref<10000x128xf32, #tpu.memory_space<vmem_shared>> -> memref<625x128xf32, #tpu.memory_space<vmem_shared>>
      %dma_start3A_12 = arith.constant 0 : i32
      %dma_start3A_13 = tpu.memref_slice %arg6[%mul3A_0, %dma_start3A_12] : memref<10000x128xf32, #tpu.memory_space<hbm>> -> memref<625x128xf32, #tpu.memory_space<hbm>>
      tpu.enqueue_dma source(%dma_start3A_13 : memref<625x128xf32, #tpu.memory_space<hbm>>) target(%dma_start3A_11 : memref<625x128xf32, #tpu.memory_space<vmem_shared>>) target_semaphore(%run_scoped3A : memref<!tpu.dma_semaphore, #tpu.memory_space<semaphore_mem>>)
      %dma_wait3A = arith.constant 0 : i32
      %dma_wait3A_14 = tpu.memref_slice %arg11[%mul3A_0, %dma_wait3A] : memref<10000x128xf32, #tpu.memory_space<vmem_shared>> -> memref<625x128xf32, #tpu.memory_space<vmem_shared>>
      %dma_wait3A_15 = arith.constant 0 : i32
      %dma_wait3A_16 = tpu.memref_slice %arg6[%mul3A_0, %dma_wait3A_15] : memref<10000x128xf32, #tpu.memory_space<hbm>> -> memref<625x128xf32, #tpu.memory_space<hbm>>
      tpu.wait_dma2 semaphore(%run_scoped3A : memref<!tpu.dma_semaphore, #tpu.memory_space<semaphore_mem>>) src(%dma_wait3A_16 : memref<625x128xf32, #tpu.memory_space<hbm>>) dst(%dma_wait3A_14 : memref<625x128xf32, #tpu.memory_space<vmem_shared>>)
      tpu.yield
    }) : () -> ()
    %mul3A_1 = arith.constant 250 : i32
    %mul3A_2 = arith.muli %arg1, %mul3A_1 : i32
    %barrier3A = arith.constant 0 : index
    tpu.barrier barrier_id(%barrier3A)
    %scan3A = arith.constant 0 : i32
    %scan3A_3 = arith.constant 0 : i32
    %scan3A_4 = arith.constant 5 : i32
    %scan3A_5 = arith.addi %scan3A_3, %scan3A_4 : i32
    %scan3A_6 = arith.constant 1 : i32
    scf.for %scan3A_11 = %scan3A_3 to %scan3A_5 step %scan3A_6  : i32 {
      %mul3A_12 = arith.constant 50 : i32
      %mul3A_13 = arith.muli %scan3A_11, %mul3A_12 : i32
      %add3A_14 = arith.addi %mul3A_2, %mul3A_13 : i32
      "tpu.region"() ({
        %run_scoped3A = tpu.sem_alloc : memref<!tpu.dma_semaphore, #tpu.memory_space<semaphore_mem>>
        %dma_start3A_132 = arith.constant 0 : i32
        %dma_start3A_133 = tpu.memref_slice %arg4[%add3A_14, %dma_start3A_132] : memref<4000x80xi32, #tpu.memory_space<hbm>> -> memref<50x80xi32, #tpu.memory_space<hbm>>
        %dma_start3A_134 = arith.constant 0 : i32
        %dma_start3A_135 = tpu.memref_slice %arg4[%add3A_14, %dma_start3A_134] : memref<4000x80xi32, #tpu.memory_space<hbm>> -> memref<50x80xi32, #tpu.memory_space<hbm>>
        tpu.enqueue_dma source(%dma_start3A_135 : memref<50x80xi32, #tpu.memory_space<hbm>>) target(%arg8 : memref<50x80xi32, #tpu.memory_space<vmem>>) target_semaphore(%run_scoped3A : memref<!tpu.dma_semaphore, #tpu.memory_space<semaphore_mem>>)
        %dma_wait3A_136 = arith.constant 0 : i32
        %dma_wait3A_137 = tpu.memref_slice %arg4[%add3A_14, %dma_wait3A_136] : memref<4000x80xi32, #tpu.memory_space<hbm>> -> memref<50x80xi32, #tpu.memory_space<hbm>>
        %dma_wait3A_138 = arith.constant 0 : i32
        %dma_wait3A_139 = tpu.memref_slice %arg4[%add3A_14, %dma_wait3A_138] : memref<4000x80xi32, #tpu.memory_space<hbm>> -> memref<50x80xi32, #tpu.memory_space<hbm>>
        tpu.wait_dma2 semaphore(%run_scoped3A : memref<!tpu.dma_semaphore, #tpu.memory_space<semaphore_mem>>) src(%dma_wait3A_139 : memref<50x80xi32, #tpu.memory_space<hbm>>) dst(%arg8 : memref<50x80xi32, #tpu.memory_space<vmem>>)
        tpu.yield
      }) : () -> ()
      "tpu.region"() ({
        %run_scoped3A = tpu.sem_alloc : memref<!tpu.dma_semaphore, #tpu.memory_space<semaphore_mem>>
        %dma_start3A_132 = arith.constant 0 : i32
        %dma_start3A_133 = tpu.memref_slice %arg5[%add3A_14, %dma_start3A_132] : memref<4000x80xi32, #tpu.memory_space<hbm>> -> memref<50x80xi32, #tpu.memory_space<hbm>>
        %dma_start3A_134 = arith.constant 0 : i32
        %dma_start3A_135 = tpu.memref_slice %arg5[%add3A_14, %dma_start3A_134] : memref<4000x80xi32, #tpu.memory_space<hbm>> -> memref<50x80xi32, #tpu.memory_space<hbm>>
        tpu.enqueue_dma source(%dma_start3A_135 : memref<50x80xi32, #tpu.memory_space<hbm>>) target(%arg9 : memref<50x80xi32, #tpu.memory_space<vmem>>) target_semaphore(%run_scoped3A : memref<!tpu.dma_semaphore, #tpu.memory_space<semaphore_mem>>)
        %dma_wait3A_136 = arith.constant 0 : i32
        %dma_wait3A_137 = tpu.memref_slice %arg5[%add3A_14, %dma_wait3A_136] : memref<4000x80xi32, #tpu.memory_space<hbm>> -> memref<50x80xi32, #tpu.memory_space<hbm>>
        %dma_wait3A_138 = arith.constant 0 : i32
        %dma_wait3A_139 = tpu.memref_slice %arg5[%add3A_14, %dma_wait3A_138] : memref<4000x80xi32, #tpu.memory_space<hbm>> -> memref<50x80xi32, #tpu.memory_space<hbm>>
        tpu.wait_dma2 semaphore(%run_scoped3A : memref<!tpu.dma_semaphore, #tpu.memory_space<semaphore_mem>>) src(%dma_wait3A_139 : memref<50x80xi32, #tpu.memory_space<hbm>>) dst(%arg9 : memref<50x80xi32, #tpu.memory_space<vmem>>)
        tpu.yield
      }) : () -> ()
      %eq3A = arith.constant 0 : i32
      %eq3A_15 = arith.cmpi eq, %arg0, %eq3A : i32
      %convert_element_type3A = arith.extui %eq3A_15 : i1 to i32
      %cond3A = arith.constant 0 : i32
      %cond3A_16 = arith.cmpi ne, %convert_element_type3A, %cond3A : i32
      scf.if %cond3A_16 {
        %dma_start3A_132 = arith.constant 0 : i32
        %dma_start3A_133 = arith.constant 0 : i32
        %dma_start3A_134 = arith.constant 0 : i32
        %dma_start3A_135 = arith.constant 0 : i32
        %dma_start3A_136 = tpu.memref_slice %arg10[%dma_start3A_133, %dma_start3A_134, %dma_start3A_135] : memref<4x80x128xf32, #tpu.memory_space<vmem>> -> memref<1x80x128xf32, #tpu.memory_space<vmem>>
        %dma_start3A_137 = tpu.memref_squeeze %dma_start3A_136 : memref<1x80x128xf32, #tpu.memory_space<vmem>> -> memref<80x128xf32, #tpu.memory_space<vmem>>
        %dma_start3A_138 = arith.constant 0 : i32
        %dma_start3A_139 = tpu.memref_slice %arg8[%dma_start3A_132, %dma_start3A_138] : memref<50x80xi32, #tpu.memory_space<vmem>> -> memref<1x80xi32, #tpu.memory_space<vmem>>
        %dma_start3A_140 = tpu.memref_squeeze %dma_start3A_139 : memref<1x80xi32, #tpu.memory_space<vmem>> -> memref<80xi32, #tpu.memory_space<vmem>>
        %dma_start3A_141 = arith.constant 0 : i32
        %dma_start3A_142 = arith.constant 0 : i32
        %dma_start3A_143 = tpu.memref_slice %arg2[%dma_start3A_141, %dma_start3A_142] : memref<10000x128xf32, #tpu.memory_space<hbm>> -> memref<10000x128xf32, #tpu.memory_space<hbm>>
        tpu.enqueue_indirect_dma source(%dma_start3A_143 : memref<10000x128xf32, #tpu.memory_space<hbm>>) target(%dma_start3A_137 : memref<80x128xf32, #tpu.memory_space<vmem>>) offsets(%dma_start3A_140 : memref<80xi32, #tpu.memory_space<vmem>>) semaphore(%arg12 : memref<!tpu.dma_semaphore, #tpu.memory_space<semaphore_mem>>)
      } else {
      }
      %eq3A_17 = arith.constant 1 : i32
      %eq3A_18 = arith.cmpi eq, %arg0, %eq3A_17 : i32
      %convert_element_type3A_19 = arith.extui %eq3A_18 : i1 to i32
      %cond3A_20 = arith.constant 0 : i32
      %cond3A_21 = arith.cmpi ne, %convert_element_type3A_19, %cond3A_20 : i32
      scf.if %cond3A_21 {
        %dma_start3A_132 = arith.constant 0 : i32
        %dma_start3A_133 = arith.constant 0 : i32
        %dma_start3A_134 = arith.constant 0 : i32
        %dma_start3A_135 = arith.constant 0 : i32
        %dma_start3A_136 = tpu.memref_slice %arg10[%dma_start3A_133, %dma_start3A_134, %dma_start3A_135] : memref<4x80x128xf32, #tpu.memory_space<vmem>> -> memref<1x80x128xf32, #tpu.memory_space<vmem>>
        %dma_start3A_137 = tpu.memref_squeeze %dma_start3A_136 : memref<1x80x128xf32, #tpu.memory_space<vmem>> -> memref<80x128xf32, #tpu.memory_space<vmem>>
        %dma_start3A_138 = arith.constant 0 : i32
        %dma_start3A_139 = tpu.memref_slice %arg8[%dma_start3A_132, %dma_start3A_138] : memref<50x80xi32, #tpu.memory_space<vmem>> -> memref<1x80xi32, #tpu.memory_space<vmem>>
        %dma_start3A_140 = tpu.memref_squeeze %dma_start3A_139 : memref<1x80xi32, #tpu.memory_space<vmem>> -> memref<80xi32, #tpu.memory_space<vmem>>
        %dma_start3A_141 = arith.constant 0 : i32
        %dma_start3A_142 = arith.constant 0 : i32
        %dma_start3A_143 = tpu.memref_slice %arg3[%dma_start3A_141, %dma_start3A_142] : memref<10000x128xf32, #tpu.memory_space<hbm>> -> memref<10000x128xf32, #tpu.memory_space<hbm>>
        tpu.enqueue_indirect_dma source(%dma_start3A_143 : memref<10000x128xf32, #tpu.memory_space<hbm>>) target(%dma_start3A_137 : memref<80x128xf32, #tpu.memory_space<vmem>>) offsets(%dma_start3A_140 : memref<80xi32, #tpu.memory_space<vmem>>) semaphore(%arg12 : memref<!tpu.dma_semaphore, #tpu.memory_space<semaphore_mem>>)
      } else {
      }
      %eq3A_22 = arith.constant 0 : i32
      %eq3A_23 = arith.cmpi eq, %arg0, %eq3A_22 : i32
      %convert_element_type3A_24 = arith.extui %eq3A_23 : i1 to i32
      %cond3A_25 = arith.constant 0 : i32
      %cond3A_26 = arith.cmpi ne, %convert_element_type3A_24, %cond3A_25 : i32
      scf.if %cond3A_26 {
        %dma_start3A_132 = arith.constant 1 : i32
        %dma_start3A_133 = arith.constant 1 : i32
        %dma_start3A_134 = arith.constant 0 : i32
        %dma_start3A_135 = arith.constant 0 : i32
        %dma_start3A_136 = tpu.memref_slice %arg10[%dma_start3A_133, %dma_start3A_134, %dma_start3A_135] : memref<4x80x128xf32, #tpu.memory_space<vmem>> -> memref<1x80x128xf32, #tpu.memory_space<vmem>>
        %dma_start3A_137 = tpu.memref_squeeze %dma_start3A_136 : memref<1x80x128xf32, #tpu.memory_space<vmem>> -> memref<80x128xf32, #tpu.memory_space<vmem>>
        %dma_start3A_138 = arith.constant 0 : i32
        %dma_start3A_139 = tpu.memref_slice %arg8[%dma_start3A_132, %dma_start3A_138] : memref<50x80xi32, #tpu.memory_space<vmem>> -> memref<1x80xi32, #tpu.memory_space<vmem>>
        %dma_start3A_140 = tpu.memref_squeeze %dma_start3A_139 : memref<1x80xi32, #tpu.memory_space<vmem>> -> memref<80xi32, #tpu.memory_space<vmem>>
        %dma_start3A_141 = arith.constant 0 : i32
        %dma_start3A_142 = arith.constant 0 : i32
        %dma_start3A_143 = tpu.memref_slice %arg2[%dma_start3A_141, %dma_start3A_142] : memref<10000x128xf32, #tpu.memory_space<hbm>> -> memref<10000x128xf32, #tpu.memory_space<hbm>>
        tpu.enqueue_indirect_dma source(%dma_start3A_143 : memref<10000x128xf32, #tpu.memory_space<hbm>>) target(%dma_start3A_137 : memref<80x128xf32, #tpu.memory_space<vmem>>) offsets(%dma_start3A_140 : memref<80xi32, #tpu.memory_space<vmem>>) semaphore(%arg13 : memref<!tpu.dma_semaphore, #tpu.memory_space<semaphore_mem>>)
      } else {
      }
      %eq3A_27 = arith.constant 1 : i32
      %eq3A_28 = arith.cmpi eq, %arg0, %eq3A_27 : i32
      %convert_element_type3A_29 = arith.extui %eq3A_28 : i1 to i32
      %cond3A_30 = arith.constant 0 : i32
      %cond3A_31 = arith.cmpi ne, %convert_element_type3A_29, %cond3A_30 : i32
      scf.if %cond3A_31 {
        %dma_start3A_132 = arith.constant 1 : i32
        %dma_start3A_133 = arith.constant 1 : i32
        %dma_start3A_134 = arith.constant 0 : i32
        %dma_start3A_135 = arith.constant 0 : i32
        %dma_start3A_136 = tpu.memref_slice %arg10[%dma_start3A_133, %dma_start3A_134, %dma_start3A_135] : memref<4x80x128xf32, #tpu.memory_space<vmem>> -> memref<1x80x128xf32, #tpu.memory_space<vmem>>
        %dma_start3A_137 = tpu.memref_squeeze %dma_start3A_136 : memref<1x80x128xf32, #tpu.memory_space<vmem>> -> memref<80x128xf32, #tpu.memory_space<vmem>>
        %dma_start3A_138 = arith.constant 0 : i32
        %dma_start3A_139 = tpu.memref_slice %arg8[%dma_start3A_132, %dma_start3A_138] : memref<50x80xi32, #tpu.memory_space<vmem>> -> memref<1x80xi32, #tpu.memory_space<vmem>>
        %dma_start3A_140 = tpu.memref_squeeze %dma_start3A_139 : memref<1x80xi32, #tpu.memory_space<vmem>> -> memref<80xi32, #tpu.memory_space<vmem>>
        %dma_start3A_141 = arith.constant 0 : i32
        %dma_start3A_142 = arith.constant 0 : i32
        %dma_start3A_143 = tpu.memref_slice %arg3[%dma_start3A_141, %dma_start3A_142] : memref<10000x128xf32, #tpu.memory_space<hbm>> -> memref<10000x128xf32, #tpu.memory_space<hbm>>
        tpu.enqueue_indirect_dma source(%dma_start3A_143 : memref<10000x128xf32, #tpu.memory_space<hbm>>) target(%dma_start3A_137 : memref<80x128xf32, #tpu.memory_space<vmem>>) offsets(%dma_start3A_140 : memref<80xi32, #tpu.memory_space<vmem>>) semaphore(%arg13 : memref<!tpu.dma_semaphore, #tpu.memory_space<semaphore_mem>>)
      } else {
      }
      %scan3A_32 = arith.constant 0 : i32
      %scan3A_33 = arith.constant 0 : i32
      %scan3A_34 = arith.constant 12 : i32
      %scan3A_35 = arith.addi %scan3A_33, %scan3A_34 : i32
      %scan3A_36 = arith.constant 1 : i32
      scf.for %scan3A_132 = %scan3A_33 to %scan3A_35 step %scan3A_36  : i32 {
        %mul3A_133 = arith.constant 4 : i32
        %mul3A_134 = arith.muli %scan3A_132, %mul3A_133 : i32
        %add3A_135 = arith.constant 0 : i32
        %add3A_136 = arith.addi %mul3A_134, %add3A_135 : i32
        %dma_wait3A_137 = arith.constant 0 : i32
        %dma_wait3A_138 = arith.constant 0 : i32
        %dma_wait3A_139 = arith.constant 0 : i32
        %dma_wait3A_140 = tpu.memref_slice %arg10[%dma_wait3A_137, %dma_wait3A_138, %dma_wait3A_139] : memref<4x80x128xf32, #tpu.memory_space<vmem>> -> memref<1x80x128xf32, #tpu.memory_space<vmem>>
        %dma_wait3A_141 = tpu.memref_squeeze %dma_wait3A_140 : memref<1x80x128xf32, #tpu.memory_space<vmem>> -> memref<80x128xf32, #tpu.memory_space<vmem>>
        %dma_wait3A_142 = arith.constant 0 : i32
        %dma_wait3A_143 = tpu.memref_slice %arg8[%add3A_136, %dma_wait3A_142] : memref<50x80xi32, #tpu.memory_space<vmem>> -> memref<1x80xi32, #tpu.memory_space<vmem>>
        %dma_wait3A_144 = tpu.memref_squeeze %dma_wait3A_143 : memref<1x80xi32, #tpu.memory_space<vmem>> -> memref<80xi32, #tpu.memory_space<vmem>>
        %dma_wait3A_145 = arith.constant 0 : i32
        %dma_wait3A_146 = arith.constant 0 : i32
        %dma_wait3A_147 = tpu.memref_slice %arg2[%dma_wait3A_145, %dma_wait3A_146] : memref<10000x128xf32, #tpu.memory_space<hbm>> -> memref<10000x128xf32, #tpu.memory_space<hbm>>
        tpu.wait_indirect_dma semaphore(%arg12 : memref<!tpu.dma_semaphore, #tpu.memory_space<semaphore_mem>>) src(%dma_wait3A_147 : memref<10000x128xf32, #tpu.memory_space<hbm>>) dst(%dma_wait3A_141 : memref<80x128xf32, #tpu.memory_space<vmem>>)
        %dma_start3A_148 = arith.constant 0 : i32
        %dma_start3A_149 = arith.constant 0 : i32
        %dma_start3A_150 = arith.constant 0 : i32
        %dma_start3A_151 = tpu.memref_slice %arg10[%dma_start3A_148, %dma_start3A_149, %dma_start3A_150] : memref<4x80x128xf32, #tpu.memory_space<vmem>> -> memref<1x80x128xf32, #tpu.memory_space<vmem>>
        %dma_start3A_152 = tpu.memref_squeeze %dma_start3A_151 : memref<1x80x128xf32, #tpu.memory_space<vmem>> -> memref<80x128xf32, #tpu.memory_space<vmem>>
        %dma_start3A_153 = arith.constant 0 : i32
        %dma_start3A_154 = tpu.memref_slice %arg9[%add3A_136, %dma_start3A_153] : memref<50x80xi32, #tpu.memory_space<vmem>> -> memref<1x80xi32, #tpu.memory_space<vmem>>
        %dma_start3A_155 = tpu.memref_squeeze %dma_start3A_154 : memref<1x80xi32, #tpu.memory_space<vmem>> -> memref<80xi32, #tpu.memory_space<vmem>>
        %dma_start3A_156 = arith.constant 0 : i32
        %dma_start3A_157 = arith.constant 0 : i32
        %dma_start3A_158 = tpu.memref_slice %arg11[%dma_start3A_156, %dma_start3A_157] : memref<10000x128xf32, #tpu.memory_space<vmem_shared>> -> memref<10000x128xf32, #tpu.memory_space<vmem_shared>>
        tpu.enqueue_indirect_dma source(%dma_start3A_152 : memref<80x128xf32, #tpu.memory_space<vmem>>) target(%dma_start3A_158 : memref<10000x128xf32, #tpu.memory_space<vmem_shared>>) offsets(%dma_start3A_155 : memref<80xi32, #tpu.memory_space<vmem>>) semaphore(%arg16 : memref<!tpu.dma_semaphore, #tpu.memory_space<semaphore_mem>>) {add = true}
        %ge3A = arith.constant 2 : i32
        %ge3A_159 = arith.cmpi sge, %add3A_136, %ge3A : i32
        %convert_element_type3A_160 = arith.extui %ge3A_159 : i1 to i32
        %cond3A_161 = arith.constant 0 : i32
        %cond3A_162 = arith.cmpi ne, %convert_element_type3A_160, %cond3A_161 : i32
        scf.if %cond3A_162 {
          %sub3A = arith.constant 2 : i32
          %sub3A_304 = arith.subi %add3A_136, %sub3A : i32
          %dma_wait3A_305 = arith.constant 2 : i32
          %dma_wait3A_306 = arith.constant 0 : i32
          %dma_wait3A_307 = arith.constant 0 : i32
          %dma_wait3A_308 = tpu.memref_slice %arg10[%dma_wait3A_305, %dma_wait3A_306, %dma_wait3A_307] : memref<4x80x128xf32, #tpu.memory_space<vmem>> -> memref<1x80x128xf32, #tpu.memory_space<vmem>>
          %dma_wait3A_309 = tpu.memref_squeeze %dma_wait3A_308 : memref<1x80x128xf32, #tpu.memory_space<vmem>> -> memref<80x128xf32, #tpu.memory_space<vmem>>
          %dma_wait3A_310 = arith.constant 0 : i32
          %dma_wait3A_311 = tpu.memref_slice %arg9[%sub3A_304, %dma_wait3A_310] : memref<50x80xi32, #tpu.memory_space<vmem>> -> memref<1x80xi32, #tpu.memory_space<vmem>>
          %dma_wait3A_312 = tpu.memref_squeeze %dma_wait3A_311 : memref<1x80xi32, #tpu.memory_space<vmem>> -> memref<80xi32, #tpu.memory_space<vmem>>
          %dma_wait3A_313 = arith.constant 0 : i32
          %dma_wait3A_314 = arith.constant 0 : i32
          %dma_wait3A_315 = tpu.memref_slice %arg11[%dma_wait3A_313, %dma_wait3A_314] : memref<10000x128xf32, #tpu.memory_space<vmem_shared>> -> memref<10000x128xf32, #tpu.memory_space<vmem_shared>>
          tpu.wait_indirect_dma semaphore(%arg18 : memref<!tpu.dma_semaphore, #tpu.memory_space<semaphore_mem>>) src(%dma_wait3A_309 : memref<80x128xf32, #tpu.memory_space<vmem>>) dst(%dma_wait3A_315 : memref<10000x128xf32, #tpu.memory_space<vmem_shared>>)
        } else {
        }
        %add3A_163 = arith.constant 2 : i32
        %add3A_164 = arith.addi %add3A_136, %add3A_163 : i32
        %eq3A_165 = arith.constant 0 : i32
        %eq3A_166 = arith.cmpi eq, %arg0, %eq3A_165 : i32
        %convert_element_type3A_167 = arith.extui %eq3A_166 : i1 to i32
        %cond3A_168 = arith.constant 0 : i32
        %cond3A_169 = arith.cmpi ne, %convert_element_type3A_167, %cond3A_168 : i32
        scf.if %cond3A_169 {
          %dma_start3A_304 = arith.constant 2 : i32
          %dma_start3A_305 = arith.constant 0 : i32
          %dma_start3A_306 = arith.constant 0 : i32
          %dma_start3A_307 = tpu.memref_slice %arg10[%dma_start3A_304, %dma_start3A_305, %dma_start3A_306] : memref<4x80x128xf32, #tpu.memory_space<vmem>> -> memref<1x80x128xf32, #tpu.memory_space<vmem>>
          %dma_start3A_308 = tpu.memref_squeeze %dma_start3A_307 : memref<1x80x128xf32, #tpu.memory_space<vmem>> -> memref<80x128xf32, #tpu.memory_space<vmem>>
          %dma_start3A_309 = arith.constant 0 : i32
          %dma_start3A_310 = tpu.memref_slice %arg8[%add3A_164, %dma_start3A_309] : memref<50x80xi32, #tpu.memory_space<vmem>> -> memref<1x80xi32, #tpu.memory_space<vmem>>
          %dma_start3A_311 = tpu.memref_squeeze %dma_start3A_310 : memref<1x80xi32, #tpu.memory_space<vmem>> -> memref<80xi32, #tpu.memory_space<vmem>>
          %dma_start3A_312 = arith.constant 0 : i32
          %dma_start3A_313 = arith.constant 0 : i32
          %dma_start3A_314 = tpu.memref_slice %arg2[%dma_start3A_312, %dma_start3A_313] : memref<10000x128xf32, #tpu.memory_space<hbm>> -> memref<10000x128xf32, #tpu.memory_space<hbm>>
          tpu.enqueue_indirect_dma source(%dma_start3A_314 : memref<10000x128xf32, #tpu.memory_space<hbm>>) target(%dma_start3A_308 : memref<80x128xf32, #tpu.memory_space<vmem>>) offsets(%dma_start3A_311 : memref<80xi32, #tpu.memory_space<vmem>>) semaphore(%arg14 : memref<!tpu.dma_semaphore, #tpu.memory_space<semaphore_mem>>)
        } else {
        }
        %eq3A_170 = arith.constant 1 : i32
        %eq3A_171 = arith.cmpi eq, %arg0, %eq3A_170 : i32
        %convert_element_type3A_172 = arith.extui %eq3A_171 : i1 to i32
        %cond3A_173 = arith.constant 0 : i32
        %cond3A_174 = arith.cmpi ne, %convert_element_type3A_172, %cond3A_173 : i32
        scf.if %cond3A_174 {
          %dma_start3A_304 = arith.constant 2 : i32
          %dma_start3A_305 = arith.constant 0 : i32
          %dma_start3A_306 = arith.constant 0 : i32
          %dma_start3A_307 = tpu.memref_slice %arg10[%dma_start3A_304, %dma_start3A_305, %dma_start3A_306] : memref<4x80x128xf32, #tpu.memory_space<vmem>> -> memref<1x80x128xf32, #tpu.memory_space<vmem>>
          %dma_start3A_308 = tpu.memref_squeeze %dma_start3A_307 : memref<1x80x128xf32, #tpu.memory_space<vmem>> -> memref<80x128xf32, #tpu.memory_space<vmem>>
          %dma_start3A_309 = arith.constant 0 : i32
          %dma_start3A_310 = tpu.memref_slice %arg8[%add3A_164, %dma_start3A_309] : memref<50x80xi32, #tpu.memory_space<vmem>> -> memref<1x80xi32, #tpu.memory_space<vmem>>
          %dma_start3A_311 = tpu.memref_squeeze %dma_start3A_310 : memref<1x80xi32, #tpu.memory_space<vmem>> -> memref<80xi32, #tpu.memory_space<vmem>>
          %dma_start3A_312 = arith.constant 0 : i32
          %dma_start3A_313 = arith.constant 0 : i32
          %dma_start3A_314 = tpu.memref_slice %arg3[%dma_start3A_312, %dma_start3A_313] : memref<10000x128xf32, #tpu.memory_space<hbm>> -> memref<10000x128xf32, #tpu.memory_space<hbm>>
          tpu.enqueue_indirect_dma source(%dma_start3A_314 : memref<10000x128xf32, #tpu.memory_space<hbm>>) target(%dma_start3A_308 : memref<80x128xf32, #tpu.memory_space<vmem>>) offsets(%dma_start3A_311 : memref<80xi32, #tpu.memory_space<vmem>>) semaphore(%arg14 : memref<!tpu.dma_semaphore, #tpu.memory_space<semaphore_mem>>)
        } else {
        }
        %mul3A_175 = arith.constant 4 : i32
        %mul3A_176 = arith.muli %scan3A_132, %mul3A_175 : i32
        %add3A_177 = arith.constant 1 : i32
        %add3A_178 = arith.addi %mul3A_176, %add3A_177 : i32
        %dma_wait3A_179 = arith.constant 1 : i32
        %dma_wait3A_180 = arith.constant 0 : i32
        %dma_wait3A_181 = arith.constant 0 : i32
        %dma_wait3A_182 = tpu.memref_slice %arg10[%dma_wait3A_179, %dma_wait3A_180, %dma_wait3A_181] : memref<4x80x128xf32, #tpu.memory_space<vmem>> -> memref<1x80x128xf32, #tpu.memory_space<vmem>>
        %dma_wait3A_183 = tpu.memref_squeeze %dma_wait3A_182 : memref<1x80x128xf32, #tpu.memory_space<vmem>> -> memref<80x128xf32, #tpu.memory_space<vmem>>
        %dma_wait3A_184 = arith.constant 0 : i32
        %dma_wait3A_185 = tpu.memref_slice %arg8[%add3A_178, %dma_wait3A_184] : memref<50x80xi32, #tpu.memory_space<vmem>> -> memref<1x80xi32, #tpu.memory_space<vmem>>
        %dma_wait3A_186 = tpu.memref_squeeze %dma_wait3A_185 : memref<1x80xi32, #tpu.memory_space<vmem>> -> memref<80xi32, #tpu.memory_space<vmem>>
        %dma_wait3A_187 = arith.constant 0 : i32
        %dma_wait3A_188 = arith.constant 0 : i32
        %dma_wait3A_189 = tpu.memref_slice %arg2[%dma_wait3A_187, %dma_wait3A_188] : memref<10000x128xf32, #tpu.memory_space<hbm>> -> memref<10000x128xf32, #tpu.memory_space<hbm>>
        tpu.wait_indirect_dma semaphore(%arg13 : memref<!tpu.dma_semaphore, #tpu.memory_space<semaphore_mem>>) src(%dma_wait3A_189 : memref<10000x128xf32, #tpu.memory_space<hbm>>) dst(%dma_wait3A_183 : memref<80x128xf32, #tpu.memory_space<vmem>>)
        %dma_start3A_190 = arith.constant 1 : i32
        %dma_start3A_191 = arith.constant 0 : i32
        %dma_start3A_192 = arith.constant 0 : i32
        %dma_start3A_193 = tpu.memref_slice %arg10[%dma_start3A_190, %dma_start3A_191, %dma_start3A_192] : memref<4x80x128xf32, #tpu.memory_space<vmem>> -> memref<1x80x128xf32, #tpu.memory_space<vmem>>
        %dma_start3A_194 = tpu.memref_squeeze %dma_start3A_193 : memref<1x80x128xf32, #tpu.memory_space<vmem>> -> memref<80x128xf32, #tpu.memory_space<vmem>>
        %dma_start3A_195 = arith.constant 0 : i32
        %dma_start3A_196 = tpu.memref_slice %arg9[%add3A_178, %dma_start3A_195] : memref<50x80xi32, #tpu.memory_space<vmem>> -> memref<1x80xi32, #tpu.memory_space<vmem>>
        %dma_start3A_197 = tpu.memref_squeeze %dma_start3A_196 : memref<1x80xi32, #tpu.memory_space<vmem>> -> memref<80xi32, #tpu.memory_space<vmem>>
        %dma_start3A_198 = arith.constant 0 : i32
        %dma_start3A_199 = arith.constant 0 : i32
        %dma_start3A_200 = tpu.memref_slice %arg11[%dma_start3A_198, %dma_start3A_199] : memref<10000x128xf32, #tpu.memory_space<vmem_shared>> -> memref<10000x128xf32, #tpu.memory_space<vmem_shared>>
        tpu.enqueue_indirect_dma source(%dma_start3A_194 : memref<80x128xf32, #tpu.memory_space<vmem>>) target(%dma_start3A_200 : memref<10000x128xf32, #tpu.memory_space<vmem_shared>>) offsets(%dma_start3A_197 : memref<80xi32, #tpu.memory_space<vmem>>) semaphore(%arg17 : memref<!tpu.dma_semaphore, #tpu.memory_space<semaphore_mem>>) {add = true}
        %ge3A_201 = arith.constant 2 : i32
        %ge3A_202 = arith.cmpi sge, %add3A_178, %ge3A_201 : i32
        %convert_element_type3A_203 = arith.extui %ge3A_202 : i1 to i32
        %cond3A_204 = arith.constant 0 : i32
        %cond3A_205 = arith.cmpi ne, %convert_element_type3A_203, %cond3A_204 : i32
        scf.if %cond3A_205 {
          %sub3A = arith.constant 2 : i32
          %sub3A_304 = arith.subi %add3A_178, %sub3A : i32
          %dma_wait3A_305 = arith.constant 3 : i32
          %dma_wait3A_306 = arith.constant 0 : i32
          %dma_wait3A_307 = arith.constant 0 : i32
          %dma_wait3A_308 = tpu.memref_slice %arg10[%dma_wait3A_305, %dma_wait3A_306, %dma_wait3A_307] : memref<4x80x128xf32, #tpu.memory_space<vmem>> -> memref<1x80x128xf32, #tpu.memory_space<vmem>>
          %dma_wait3A_309 = tpu.memref_squeeze %dma_wait3A_308 : memref<1x80x128xf32, #tpu.memory_space<vmem>> -> memref<80x128xf32, #tpu.memory_space<vmem>>
          %dma_wait3A_310 = arith.constant 0 : i32
          %dma_wait3A_311 = tpu.memref_slice %arg9[%sub3A_304, %dma_wait3A_310] : memref<50x80xi32, #tpu.memory_space<vmem>> -> memref<1x80xi32, #tpu.memory_space<vmem>>
          %dma_wait3A_312 = tpu.memref_squeeze %dma_wait3A_311 : memref<1x80xi32, #tpu.memory_space<vmem>> -> memref<80xi32, #tpu.memory_space<vmem>>
          %dma_wait3A_313 = arith.constant 0 : i32
          %dma_wait3A_314 = arith.constant 0 : i32
          %dma_wait3A_315 = tpu.memref_slice %arg11[%dma_wait3A_313, %dma_wait3A_314] : memref<10000x128xf32, #tpu.memory_space<vmem_shared>> -> memref<10000x128xf32, #tpu.memory_space<vmem_shared>>
          tpu.wait_indirect_dma semaphore(%arg19 : memref<!tpu.dma_semaphore, #tpu.memory_space<semaphore_mem>>) src(%dma_wait3A_309 : memref<80x128xf32, #tpu.memory_space<vmem>>) dst(%dma_wait3A_315 : memref<10000x128xf32, #tpu.memory_space<vmem_shared>>)
        } else {
        }
        %add3A_206 = arith.constant 2 : i32
        %add3A_207 = arith.addi %add3A_178, %add3A_206 : i32
        %eq3A_208 = arith.constant 0 : i32
        %eq3A_209 = arith.cmpi eq, %arg0, %eq3A_208 : i32
        %convert_element_type3A_210 = arith.extui %eq3A_209 : i1 to i32
        %cond3A_211 = arith.constant 0 : i32
        %cond3A_212 = arith.cmpi ne, %convert_element_type3A_210, %cond3A_211 : i32
        scf.if %cond3A_212 {
          %dma_start3A_304 = arith.constant 3 : i32
          %dma_start3A_305 = arith.constant 0 : i32
          %dma_start3A_306 = arith.constant 0 : i32
          %dma_start3A_307 = tpu.memref_slice %arg10[%dma_start3A_304, %dma_start3A_305, %dma_start3A_306] : memref<4x80x128xf32, #tpu.memory_space<vmem>> -> memref<1x80x128xf32, #tpu.memory_space<vmem>>
          %dma_start3A_308 = tpu.memref_squeeze %dma_start3A_307 : memref<1x80x128xf32, #tpu.memory_space<vmem>> -> memref<80x128xf32, #tpu.memory_space<vmem>>
          %dma_start3A_309 = arith.constant 0 : i32
          %dma_start3A_310 = tpu.memref_slice %arg8[%add3A_207, %dma_start3A_309] : memref<50x80xi32, #tpu.memory_space<vmem>> -> memref<1x80xi32, #tpu.memory_space<vmem>>
          %dma_start3A_311 = tpu.memref_squeeze %dma_start3A_310 : memref<1x80xi32, #tpu.memory_space<vmem>> -> memref<80xi32, #tpu.memory_space<vmem>>
          %dma_start3A_312 = arith.constant 0 : i32
          %dma_start3A_313 = arith.constant 0 : i32
          %dma_start3A_314 = tpu.memref_slice %arg2[%dma_start3A_312, %dma_start3A_313] : memref<10000x128xf32, #tpu.memory_space<hbm>> -> memref<10000x128xf32, #tpu.memory_space<hbm>>
          tpu.enqueue_indirect_dma source(%dma_start3A_314 : memref<10000x128xf32, #tpu.memory_space<hbm>>) target(%dma_start3A_308 : memref<80x128xf32, #tpu.memory_space<vmem>>) offsets(%dma_start3A_311 : memref<80xi32, #tpu.memory_space<vmem>>) semaphore(%arg15 : memref<!tpu.dma_semaphore, #tpu.memory_space<semaphore_mem>>)
        } else {
        }
        %eq3A_213 = arith.constant 1 : i32
        %eq3A_214 = arith.cmpi eq, %arg0, %eq3A_213 : i32
        %convert_element_type3A_215 = arith.extui %eq3A_214 : i1 to i32
        %cond3A_216 = arith.constant 0 : i32
        %cond3A_217 = arith.cmpi ne, %convert_element_type3A_215, %cond3A_216 : i32
        scf.if %cond3A_217 {
          %dma_start3A_304 = arith.constant 3 : i32
          %dma_start3A_305 = arith.constant 0 : i32
          %dma_start3A_306 = arith.constant 0 : i32
          %dma_start3A_307 = tpu.memref_slice %arg10[%dma_start3A_304, %dma_start3A_305, %dma_start3A_306] : memref<4x80x128xf32, #tpu.memory_space<vmem>> -> memref<1x80x128xf32, #tpu.memory_space<vmem>>
          %dma_start3A_308 = tpu.memref_squeeze %dma_start3A_307 : memref<1x80x128xf32, #tpu.memory_space<vmem>> -> memref<80x128xf32, #tpu.memory_space<vmem>>
          %dma_start3A_309 = arith.constant 0 : i32
          %dma_start3A_310 = tpu.memref_slice %arg8[%add3A_207, %dma_start3A_309] : memref<50x80xi32, #tpu.memory_space<vmem>> -> memref<1x80xi32, #tpu.memory_space<vmem>>
          %dma_start3A_311 = tpu.memref_squeeze %dma_start3A_310 : memref<1x80xi32, #tpu.memory_space<vmem>> -> memref<80xi32, #tpu.memory_space<vmem>>
          %dma_start3A_312 = arith.constant 0 : i32
          %dma_start3A_313 = arith.constant 0 : i32
          %dma_start3A_314 = tpu.memref_slice %arg3[%dma_start3A_312, %dma_start3A_313] : memref<10000x128xf32, #tpu.memory_space<hbm>> -> memref<10000x128xf32, #tpu.memory_space<hbm>>
          tpu.enqueue_indirect_dma source(%dma_start3A_314 : memref<10000x128xf32, #tpu.memory_space<hbm>>) target(%dma_start3A_308 : memref<80x128xf32, #tpu.memory_space<vmem>>) offsets(%dma_start3A_311 : memref<80xi32, #tpu.memory_space<vmem>>) semaphore(%arg15 : memref<!tpu.dma_semaphore, #tpu.memory_space<semaphore_mem>>)
        } else {
        }
        %mul3A_218 = arith.constant 4 : i32
        %mul3A_219 = arith.muli %scan3A_132, %mul3A_218 : i32
        %add3A_220 = arith.constant 2 : i32
        %add3A_221 = arith.addi %mul3A_219, %add3A_220 : i32
        %dma_wait3A_222 = arith.constant 2 : i32
        %dma_wait3A_223 = arith.constant 0 : i32
        %dma_wait3A_224 = arith.constant 0 : i32
        %dma_wait3A_225 = tpu.memref_slice %arg10[%dma_wait3A_222, %dma_wait3A_223, %dma_wait3A_224] : memref<4x80x128xf32, #tpu.memory_space<vmem>> -> memref<1x80x128xf32, #tpu.memory_space<vmem>>
        %dma_wait3A_226 = tpu.memref_squeeze %dma_wait3A_225 : memref<1x80x128xf32, #tpu.memory_space<vmem>> -> memref<80x128xf32, #tpu.memory_space<vmem>>
        %dma_wait3A_227 = arith.constant 0 : i32
        %dma_wait3A_228 = tpu.memref_slice %arg8[%add3A_221, %dma_wait3A_227] : memref<50x80xi32, #tpu.memory_space<vmem>> -> memref<1x80xi32, #tpu.memory_space<vmem>>
        %dma_wait3A_229 = tpu.memref_squeeze %dma_wait3A_228 : memref<1x80xi32, #tpu.memory_space<vmem>> -> memref<80xi32, #tpu.memory_space<vmem>>
        %dma_wait3A_230 = arith.constant 0 : i32
        %dma_wait3A_231 = arith.constant 0 : i32
        %dma_wait3A_232 = tpu.memref_slice %arg2[%dma_wait3A_230, %dma_wait3A_231] : memref<10000x128xf32, #tpu.memory_space<hbm>> -> memref<10000x128xf32, #tpu.memory_space<hbm>>
        tpu.wait_indirect_dma semaphore(%arg14 : memref<!tpu.dma_semaphore, #tpu.memory_space<semaphore_mem>>) src(%dma_wait3A_232 : memref<10000x128xf32, #tpu.memory_space<hbm>>) dst(%dma_wait3A_226 : memref<80x128xf32, #tpu.memory_space<vmem>>)
        %dma_start3A_233 = arith.constant 2 : i32
        %dma_start3A_234 = arith.constant 0 : i32
        %dma_start3A_235 = arith.constant 0 : i32
        %dma_start3A_236 = tpu.memref_slice %arg10[%dma_start3A_233, %dma_start3A_234, %dma_start3A_235] : memref<4x80x128xf32, #tpu.memory_space<vmem>> -> memref<1x80x128xf32, #tpu.memory_space<vmem>>
        %dma_start3A_237 = tpu.memref_squeeze %dma_start3A_236 : memref<1x80x128xf32, #tpu.memory_space<vmem>> -> memref<80x128xf32, #tpu.memory_space<vmem>>
        %dma_start3A_238 = arith.constant 0 : i32
        %dma_start3A_239 = tpu.memref_slice %arg9[%add3A_221, %dma_start3A_238] : memref<50x80xi32, #tpu.memory_space<vmem>> -> memref<1x80xi32, #tpu.memory_space<vmem>>
        %dma_start3A_240 = tpu.memref_squeeze %dma_start3A_239 : memref<1x80xi32, #tpu.memory_space<vmem>> -> memref<80xi32, #tpu.memory_space<vmem>>
        %dma_start3A_241 = arith.constant 0 : i32
        %dma_start3A_242 = arith.constant 0 : i32
        %dma_start3A_243 = tpu.memref_slice %arg11[%dma_start3A_241, %dma_start3A_242] : memref<10000x128xf32, #tpu.memory_space<vmem_shared>> -> memref<10000x128xf32, #tpu.memory_space<vmem_shared>>
        tpu.enqueue_indirect_dma source(%dma_start3A_237 : memref<80x128xf32, #tpu.memory_space<vmem>>) target(%dma_start3A_243 : memref<10000x128xf32, #tpu.memory_space<vmem_shared>>) offsets(%dma_start3A_240 : memref<80xi32, #tpu.memory_space<vmem>>) semaphore(%arg18 : memref<!tpu.dma_semaphore, #tpu.memory_space<semaphore_mem>>) {add = true}
        %ge3A_244 = arith.constant 2 : i32
        %ge3A_245 = arith.cmpi sge, %add3A_221, %ge3A_244 : i32
        %convert_element_type3A_246 = arith.extui %ge3A_245 : i1 to i32
        %cond3A_247 = arith.constant 0 : i32
        %cond3A_248 = arith.cmpi ne, %convert_element_type3A_246, %cond3A_247 : i32
        scf.if %cond3A_248 {
          %sub3A = arith.constant 2 : i32
          %sub3A_304 = arith.subi %add3A_221, %sub3A : i32
          %dma_wait3A_305 = arith.constant 0 : i32
          %dma_wait3A_306 = arith.constant 0 : i32
          %dma_wait3A_307 = arith.constant 0 : i32
          %dma_wait3A_308 = tpu.memref_slice %arg10[%dma_wait3A_305, %dma_wait3A_306, %dma_wait3A_307] : memref<4x80x128xf32, #tpu.memory_space<vmem>> -> memref<1x80x128xf32, #tpu.memory_space<vmem>>
          %dma_wait3A_309 = tpu.memref_squeeze %dma_wait3A_308 : memref<1x80x128xf32, #tpu.memory_space<vmem>> -> memref<80x128xf32, #tpu.memory_space<vmem>>
          %dma_wait3A_310 = arith.constant 0 : i32
          %dma_wait3A_311 = tpu.memref_slice %arg9[%sub3A_304, %dma_wait3A_310] : memref<50x80xi32, #tpu.memory_space<vmem>> -> memref<1x80xi32, #tpu.memory_space<vmem>>
          %dma_wait3A_312 = tpu.memref_squeeze %dma_wait3A_311 : memref<1x80xi32, #tpu.memory_space<vmem>> -> memref<80xi32, #tpu.memory_space<vmem>>
          %dma_wait3A_313 = arith.constant 0 : i32
          %dma_wait3A_314 = arith.constant 0 : i32
          %dma_wait3A_315 = tpu.memref_slice %arg11[%dma_wait3A_313, %dma_wait3A_314] : memref<10000x128xf32, #tpu.memory_space<vmem_shared>> -> memref<10000x128xf32, #tpu.memory_space<vmem_shared>>
          tpu.wait_indirect_dma semaphore(%arg16 : memref<!tpu.dma_semaphore, #tpu.memory_space<semaphore_mem>>) src(%dma_wait3A_309 : memref<80x128xf32, #tpu.memory_space<vmem>>) dst(%dma_wait3A_315 : memref<10000x128xf32, #tpu.memory_space<vmem_shared>>)
        } else {
        }
        %add3A_249 = arith.constant 2 : i32
        %add3A_250 = arith.addi %add3A_221, %add3A_249 : i32
        %eq3A_251 = arith.constant 0 : i32
        %eq3A_252 = arith.cmpi eq, %arg0, %eq3A_251 : i32
        %convert_element_type3A_253 = arith.extui %eq3A_252 : i1 to i32
        %cond3A_254 = arith.constant 0 : i32
        %cond3A_255 = arith.cmpi ne, %convert_element_type3A_253, %cond3A_254 : i32
        scf.if %cond3A_255 {
          %dma_start3A_304 = arith.constant 0 : i32
          %dma_start3A_305 = arith.constant 0 : i32
          %dma_start3A_306 = arith.constant 0 : i32
          %dma_start3A_307 = tpu.memref_slice %arg10[%dma_start3A_304, %dma_start3A_305, %dma_start3A_306] : memref<4x80x128xf32, #tpu.memory_space<vmem>> -> memref<1x80x128xf32, #tpu.memory_space<vmem>>
          %dma_start3A_308 = tpu.memref_squeeze %dma_start3A_307 : memref<1x80x128xf32, #tpu.memory_space<vmem>> -> memref<80x128xf32, #tpu.memory_space<vmem>>
          %dma_start3A_309 = arith.constant 0 : i32
          %dma_start3A_310 = tpu.memref_slice %arg8[%add3A_250, %dma_start3A_309] : memref<50x80xi32, #tpu.memory_space<vmem>> -> memref<1x80xi32, #tpu.memory_space<vmem>>
          %dma_start3A_311 = tpu.memref_squeeze %dma_start3A_310 : memref<1x80xi32, #tpu.memory_space<vmem>> -> memref<80xi32, #tpu.memory_space<vmem>>
          %dma_start3A_312 = arith.constant 0 : i32
          %dma_start3A_313 = arith.constant 0 : i32
          %dma_start3A_314 = tpu.memref_slice %arg2[%dma_start3A_312, %dma_start3A_313] : memref<10000x128xf32, #tpu.memory_space<hbm>> -> memref<10000x128xf32, #tpu.memory_space<hbm>>
          tpu.enqueue_indirect_dma source(%dma_start3A_314 : memref<10000x128xf32, #tpu.memory_space<hbm>>) target(%dma_start3A_308 : memref<80x128xf32, #tpu.memory_space<vmem>>) offsets(%dma_start3A_311 : memref<80xi32, #tpu.memory_space<vmem>>) semaphore(%arg12 : memref<!tpu.dma_semaphore, #tpu.memory_space<semaphore_mem>>)
        } else {
        }
        %eq3A_256 = arith.constant 1 : i32
        %eq3A_257 = arith.cmpi eq, %arg0, %eq3A_256 : i32
        %convert_element_type3A_258 = arith.extui %eq3A_257 : i1 to i32
        %cond3A_259 = arith.constant 0 : i32
        %cond3A_260 = arith.cmpi ne, %convert_element_type3A_258, %cond3A_259 : i32
        scf.if %cond3A_260 {
          %dma_start3A_304 = arith.constant 0 : i32
          %dma_start3A_305 = arith.constant 0 : i32
          %dma_start3A_306 = arith.constant 0 : i32
          %dma_start3A_307 = tpu.memref_slice %arg10[%dma_start3A_304, %dma_start3A_305, %dma_start3A_306] : memref<4x80x128xf32, #tpu.memory_space<vmem>> -> memref<1x80x128xf32, #tpu.memory_space<vmem>>
          %dma_start3A_308 = tpu.memref_squeeze %dma_start3A_307 : memref<1x80x128xf32, #tpu.memory_space<vmem>> -> memref<80x128xf32, #tpu.memory_space<vmem>>
          %dma_start3A_309 = arith.constant 0 : i32
          %dma_start3A_310 = tpu.memref_slice %arg8[%add3A_250, %dma_start3A_309] : memref<50x80xi32, #tpu.memory_space<vmem>> -> memref<1x80xi32, #tpu.memory_space<vmem>>
          %dma_start3A_311 = tpu.memref_squeeze %dma_start3A_310 : memref<1x80xi32, #tpu.memory_space<vmem>> -> memref<80xi32, #tpu.memory_space<vmem>>
          %dma_start3A_312 = arith.constant 0 : i32
          %dma_start3A_313 = arith.constant 0 : i32
          %dma_start3A_314 = tpu.memref_slice %arg3[%dma_start3A_312, %dma_start3A_313] : memref<10000x128xf32, #tpu.memory_space<hbm>> -> memref<10000x128xf32, #tpu.memory_space<hbm>>
          tpu.enqueue_indirect_dma source(%dma_start3A_314 : memref<10000x128xf32, #tpu.memory_space<hbm>>) target(%dma_start3A_308 : memref<80x128xf32, #tpu.memory_space<vmem>>) offsets(%dma_start3A_311 : memref<80xi32, #tpu.memory_space<vmem>>) semaphore(%arg12 : memref<!tpu.dma_semaphore, #tpu.memory_space<semaphore_mem>>)
        } else {
        }
        %mul3A_261 = arith.constant 4 : i32
        %mul3A_262 = arith.muli %scan3A_132, %mul3A_261 : i32
        %add3A_263 = arith.constant 3 : i32
        %add3A_264 = arith.addi %mul3A_262, %add3A_263 : i32
        %dma_wait3A_265 = arith.constant 3 : i32
        %dma_wait3A_266 = arith.constant 0 : i32
        %dma_wait3A_267 = arith.constant 0 : i32
        %dma_wait3A_268 = tpu.memref_slice %arg10[%dma_wait3A_265, %dma_wait3A_266, %dma_wait3A_267] : memref<4x80x128xf32, #tpu.memory_space<vmem>> -> memref<1x80x128xf32, #tpu.memory_space<vmem>>
        %dma_wait3A_269 = tpu.memref_squeeze %dma_wait3A_268 : memref<1x80x128xf32, #tpu.memory_space<vmem>> -> memref<80x128xf32, #tpu.memory_space<vmem>>
        %dma_wait3A_270 = arith.constant 0 : i32
        %dma_wait3A_271 = tpu.memref_slice %arg8[%add3A_264, %dma_wait3A_270] : memref<50x80xi32, #tpu.memory_space<vmem>> -> memref<1x80xi32, #tpu.memory_space<vmem>>
        %dma_wait3A_272 = tpu.memref_squeeze %dma_wait3A_271 : memref<1x80xi32, #tpu.memory_space<vmem>> -> memref<80xi32, #tpu.memory_space<vmem>>
        %dma_wait3A_273 = arith.constant 0 : i32
        %dma_wait3A_274 = arith.constant 0 : i32
        %dma_wait3A_275 = tpu.memref_slice %arg2[%dma_wait3A_273, %dma_wait3A_274] : memref<10000x128xf32, #tpu.memory_space<hbm>> -> memref<10000x128xf32, #tpu.memory_space<hbm>>
        tpu.wait_indirect_dma semaphore(%arg15 : memref<!tpu.dma_semaphore, #tpu.memory_space<semaphore_mem>>) src(%dma_wait3A_275 : memref<10000x128xf32, #tpu.memory_space<hbm>>) dst(%dma_wait3A_269 : memref<80x128xf32, #tpu.memory_space<vmem>>)
        %dma_start3A_276 = arith.constant 3 : i32
        %dma_start3A_277 = arith.constant 0 : i32
        %dma_start3A_278 = arith.constant 0 : i32
        %dma_start3A_279 = tpu.memref_slice %arg10[%dma_start3A_276, %dma_start3A_277, %dma_start3A_278] : memref<4x80x128xf32, #tpu.memory_space<vmem>> -> memref<1x80x128xf32, #tpu.memory_space<vmem>>
        %dma_start3A_280 = tpu.memref_squeeze %dma_start3A_279 : memref<1x80x128xf32, #tpu.memory_space<vmem>> -> memref<80x128xf32, #tpu.memory_space<vmem>>
        %dma_start3A_281 = arith.constant 0 : i32
        %dma_start3A_282 = tpu.memref_slice %arg9[%add3A_264, %dma_start3A_281] : memref<50x80xi32, #tpu.memory_space<vmem>> -> memref<1x80xi32, #tpu.memory_space<vmem>>
        %dma_start3A_283 = tpu.memref_squeeze %dma_start3A_282 : memref<1x80xi32, #tpu.memory_space<vmem>> -> memref<80xi32, #tpu.memory_space<vmem>>
        %dma_start3A_284 = arith.constant 0 : i32
        %dma_start3A_285 = arith.constant 0 : i32
        %dma_start3A_286 = tpu.memref_slice %arg11[%dma_start3A_284, %dma_start3A_285] : memref<10000x128xf32, #tpu.memory_space<vmem_shared>> -> memref<10000x128xf32, #tpu.memory_space<vmem_shared>>
        tpu.enqueue_indirect_dma source(%dma_start3A_280 : memref<80x128xf32, #tpu.memory_space<vmem>>) target(%dma_start3A_286 : memref<10000x128xf32, #tpu.memory_space<vmem_shared>>) offsets(%dma_start3A_283 : memref<80xi32, #tpu.memory_space<vmem>>) semaphore(%arg19 : memref<!tpu.dma_semaphore, #tpu.memory_space<semaphore_mem>>) {add = true}
        %ge3A_287 = arith.constant 2 : i32
        %ge3A_288 = arith.cmpi sge, %add3A_264, %ge3A_287 : i32
        %convert_element_type3A_289 = arith.extui %ge3A_288 : i1 to i32
        %cond3A_290 = arith.constant 0 : i32
        %cond3A_291 = arith.cmpi ne, %convert_element_type3A_289, %cond3A_290 : i32
        scf.if %cond3A_291 {
          %sub3A = arith.constant 2 : i32
          %sub3A_304 = arith.subi %add3A_264, %sub3A : i32
          %dma_wait3A_305 = arith.constant 1 : i32
          %dma_wait3A_306 = arith.constant 0 : i32
          %dma_wait3A_307 = arith.constant 0 : i32
          %dma_wait3A_308 = tpu.memref_slice %arg10[%dma_wait3A_305, %dma_wait3A_306, %dma_wait3A_307] : memref<4x80x128xf32, #tpu.memory_space<vmem>> -> memref<1x80x128xf32, #tpu.memory_space<vmem>>
          %dma_wait3A_309 = tpu.memref_squeeze %dma_wait3A_308 : memref<1x80x128xf32, #tpu.memory_space<vmem>> -> memref<80x128xf32, #tpu.memory_space<vmem>>
          %dma_wait3A_310 = arith.constant 0 : i32
          %dma_wait3A_311 = tpu.memref_slice %arg9[%sub3A_304, %dma_wait3A_310] : memref<50x80xi32, #tpu.memory_space<vmem>> -> memref<1x80xi32, #tpu.memory_space<vmem>>
          %dma_wait3A_312 = tpu.memref_squeeze %dma_wait3A_311 : memref<1x80xi32, #tpu.memory_space<vmem>> -> memref<80xi32, #tpu.memory_space<vmem>>
          %dma_wait3A_313 = arith.constant 0 : i32
          %dma_wait3A_314 = arith.constant 0 : i32
          %dma_wait3A_315 = tpu.memref_slice %arg11[%dma_wait3A_313, %dma_wait3A_314] : memref<10000x128xf32, #tpu.memory_space<vmem_shared>> -> memref<10000x128xf32, #tpu.memory_space<vmem_shared>>
          tpu.wait_indirect_dma semaphore(%arg17 : memref<!tpu.dma_semaphore, #tpu.memory_space<semaphore_mem>>) src(%dma_wait3A_309 : memref<80x128xf32, #tpu.memory_space<vmem>>) dst(%dma_wait3A_315 : memref<10000x128xf32, #tpu.memory_space<vmem_shared>>)
        } else {
        }
        %add3A_292 = arith.constant 2 : i32
        %add3A_293 = arith.addi %add3A_264, %add3A_292 : i32
        %eq3A_294 = arith.constant 0 : i32
        %eq3A_295 = arith.cmpi eq, %arg0, %eq3A_294 : i32
        %convert_element_type3A_296 = arith.extui %eq3A_295 : i1 to i32
        %cond3A_297 = arith.constant 0 : i32
        %cond3A_298 = arith.cmpi ne, %convert_element_type3A_296, %cond3A_297 : i32
        scf.if %cond3A_298 {
          %dma_start3A_304 = arith.constant 1 : i32
          %dma_start3A_305 = arith.constant 0 : i32
          %dma_start3A_306 = arith.constant 0 : i32
          %dma_start3A_307 = tpu.memref_slice %arg10[%dma_start3A_304, %dma_start3A_305, %dma_start3A_306] : memref<4x80x128xf32, #tpu.memory_space<vmem>> -> memref<1x80x128xf32, #tpu.memory_space<vmem>>
          %dma_start3A_308 = tpu.memref_squeeze %dma_start3A_307 : memref<1x80x128xf32, #tpu.memory_space<vmem>> -> memref<80x128xf32, #tpu.memory_space<vmem>>
          %dma_start3A_309 = arith.constant 0 : i32
          %dma_start3A_310 = tpu.memref_slice %arg8[%add3A_293, %dma_start3A_309] : memref<50x80xi32, #tpu.memory_space<vmem>> -> memref<1x80xi32, #tpu.memory_space<vmem>>
          %dma_start3A_311 = tpu.memref_squeeze %dma_start3A_310 : memref<1x80xi32, #tpu.memory_space<vmem>> -> memref<80xi32, #tpu.memory_space<vmem>>
          %dma_start3A_312 = arith.constant 0 : i32
          %dma_start3A_313 = arith.constant 0 : i32
          %dma_start3A_314 = tpu.memref_slice %arg2[%dma_start3A_312, %dma_start3A_313] : memref<10000x128xf32, #tpu.memory_space<hbm>> -> memref<10000x128xf32, #tpu.memory_space<hbm>>
          tpu.enqueue_indirect_dma source(%dma_start3A_314 : memref<10000x128xf32, #tpu.memory_space<hbm>>) target(%dma_start3A_308 : memref<80x128xf32, #tpu.memory_space<vmem>>) offsets(%dma_start3A_311 : memref<80xi32, #tpu.memory_space<vmem>>) semaphore(%arg13 : memref<!tpu.dma_semaphore, #tpu.memory_space<semaphore_mem>>)
        } else {
        }
        %eq3A_299 = arith.constant 1 : i32
        %eq3A_300 = arith.cmpi eq, %arg0, %eq3A_299 : i32
        %convert_element_type3A_301 = arith.extui %eq3A_300 : i1 to i32
        %cond3A_302 = arith.constant 0 : i32
        %cond3A_303 = arith.cmpi ne, %convert_element_type3A_301, %cond3A_302 : i32
        scf.if %cond3A_303 {
          %dma_start3A_304 = arith.constant 1 : i32
          %dma_start3A_305 = arith.constant 0 : i32
          %dma_start3A_306 = arith.constant 0 : i32
          %dma_start3A_307 = tpu.memref_slice %arg10[%dma_start3A_304, %dma_start3A_305, %dma_start3A_306] : memref<4x80x128xf32, #tpu.memory_space<vmem>> -> memref<1x80x128xf32, #tpu.memory_space<vmem>>
          %dma_start3A_308 = tpu.memref_squeeze %dma_start3A_307 : memref<1x80x128xf32, #tpu.memory_space<vmem>> -> memref<80x128xf32, #tpu.memory_space<vmem>>
          %dma_start3A_309 = arith.constant 0 : i32
          %dma_start3A_310 = tpu.memref_slice %arg8[%add3A_293, %dma_start3A_309] : memref<50x80xi32, #tpu.memory_space<vmem>> -> memref<1x80xi32, #tpu.memory_space<vmem>>
          %dma_start3A_311 = tpu.memref_squeeze %dma_start3A_310 : memref<1x80xi32, #tpu.memory_space<vmem>> -> memref<80xi32, #tpu.memory_space<vmem>>
          %dma_start3A_312 = arith.constant 0 : i32
          %dma_start3A_313 = arith.constant 0 : i32
          %dma_start3A_314 = tpu.memref_slice %arg3[%dma_start3A_312, %dma_start3A_313] : memref<10000x128xf32, #tpu.memory_space<hbm>> -> memref<10000x128xf32, #tpu.memory_space<hbm>>
          tpu.enqueue_indirect_dma source(%dma_start3A_314 : memref<10000x128xf32, #tpu.memory_space<hbm>>) target(%dma_start3A_308 : memref<80x128xf32, #tpu.memory_space<vmem>>) offsets(%dma_start3A_311 : memref<80xi32, #tpu.memory_space<vmem>>) semaphore(%arg13 : memref<!tpu.dma_semaphore, #tpu.memory_space<semaphore_mem>>)
        } else {
        }
      }
      %scan3A_37 = arith.constant 12 : i32
      %dma_wait3A = arith.constant 48 : i32
      %dma_wait3A_38 = arith.constant 0 : i32
      %dma_wait3A_39 = arith.constant 0 : i32
      %dma_wait3A_40 = arith.constant 0 : i32
      %dma_wait3A_41 = tpu.memref_slice %arg10[%dma_wait3A_38, %dma_wait3A_39, %dma_wait3A_40] : memref<4x80x128xf32, #tpu.memory_space<vmem>> -> memref<1x80x128xf32, #tpu.memory_space<vmem>>
      %dma_wait3A_42 = tpu.memref_squeeze %dma_wait3A_41 : memref<1x80x128xf32, #tpu.memory_space<vmem>> -> memref<80x128xf32, #tpu.memory_space<vmem>>
      %dma_wait3A_43 = arith.constant 0 : i32
      %dma_wait3A_44 = tpu.memref_slice %arg8[%dma_wait3A, %dma_wait3A_43] : memref<50x80xi32, #tpu.memory_space<vmem>> -> memref<1x80xi32, #tpu.memory_space<vmem>>
      %dma_wait3A_45 = tpu.memref_squeeze %dma_wait3A_44 : memref<1x80xi32, #tpu.memory_space<vmem>> -> memref<80xi32, #tpu.memory_space<vmem>>
      %dma_wait3A_46 = arith.constant 0 : i32
      %dma_wait3A_47 = arith.constant 0 : i32
      %dma_wait3A_48 = tpu.memref_slice %arg2[%dma_wait3A_46, %dma_wait3A_47] : memref<10000x128xf32, #tpu.memory_space<hbm>> -> memref<10000x128xf32, #tpu.memory_space<hbm>>
      tpu.wait_indirect_dma semaphore(%arg12 : memref<!tpu.dma_semaphore, #tpu.memory_space<semaphore_mem>>) src(%dma_wait3A_48 : memref<10000x128xf32, #tpu.memory_space<hbm>>) dst(%dma_wait3A_42 : memref<80x128xf32, #tpu.memory_space<vmem>>)
      %dma_start3A = arith.constant 0 : i32
      %dma_start3A_49 = arith.constant 48 : i32
      %dma_start3A_50 = arith.constant 0 : i32
      %dma_start3A_51 = arith.constant 0 : i32
      %dma_start3A_52 = tpu.memref_slice %arg10[%dma_start3A, %dma_start3A_50, %dma_start3A_51] : memref<4x80x128xf32, #tpu.memory_space<vmem>> -> memref<1x80x128xf32, #tpu.memory_space<vmem>>
      %dma_start3A_53 = tpu.memref_squeeze %dma_start3A_52 : memref<1x80x128xf32, #tpu.memory_space<vmem>> -> memref<80x128xf32, #tpu.memory_space<vmem>>
      %dma_start3A_54 = arith.constant 0 : i32
      %dma_start3A_55 = tpu.memref_slice %arg9[%dma_start3A_49, %dma_start3A_54] : memref<50x80xi32, #tpu.memory_space<vmem>> -> memref<1x80xi32, #tpu.memory_space<vmem>>
      %dma_start3A_56 = tpu.memref_squeeze %dma_start3A_55 : memref<1x80xi32, #tpu.memory_space<vmem>> -> memref<80xi32, #tpu.memory_space<vmem>>
      %dma_start3A_57 = arith.constant 0 : i32
      %dma_start3A_58 = arith.constant 0 : i32
      %dma_start3A_59 = tpu.memref_slice %arg11[%dma_start3A_57, %dma_start3A_58] : memref<10000x128xf32, #tpu.memory_space<vmem_shared>> -> memref<10000x128xf32, #tpu.memory_space<vmem_shared>>
      tpu.enqueue_indirect_dma source(%dma_start3A_53 : memref<80x128xf32, #tpu.memory_space<vmem>>) target(%dma_start3A_59 : memref<10000x128xf32, #tpu.memory_space<vmem_shared>>) offsets(%dma_start3A_56 : memref<80xi32, #tpu.memory_space<vmem>>) semaphore(%arg16 : memref<!tpu.dma_semaphore, #tpu.memory_space<semaphore_mem>>) {add = true}
      %dma_wait3A_60 = arith.constant 49 : i32
      %dma_wait3A_61 = arith.constant 1 : i32
      %dma_wait3A_62 = arith.constant 0 : i32
      %dma_wait3A_63 = arith.constant 0 : i32
      %dma_wait3A_64 = tpu.memref_slice %arg10[%dma_wait3A_61, %dma_wait3A_62, %dma_wait3A_63] : memref<4x80x128xf32, #tpu.memory_space<vmem>> -> memref<1x80x128xf32, #tpu.memory_space<vmem>>
      %dma_wait3A_65 = tpu.memref_squeeze %dma_wait3A_64 : memref<1x80x128xf32, #tpu.memory_space<vmem>> -> memref<80x128xf32, #tpu.memory_space<vmem>>
      %dma_wait3A_66 = arith.constant 0 : i32
      %dma_wait3A_67 = tpu.memref_slice %arg8[%dma_wait3A_60, %dma_wait3A_66] : memref<50x80xi32, #tpu.memory_space<vmem>> -> memref<1x80xi32, #tpu.memory_space<vmem>>
      %dma_wait3A_68 = tpu.memref_squeeze %dma_wait3A_67 : memref<1x80xi32, #tpu.memory_space<vmem>> -> memref<80xi32, #tpu.memory_space<vmem>>
      %dma_wait3A_69 = arith.constant 0 : i32
      %dma_wait3A_70 = arith.constant 0 : i32
      %dma_wait3A_71 = tpu.memref_slice %arg2[%dma_wait3A_69, %dma_wait3A_70] : memref<10000x128xf32, #tpu.memory_space<hbm>> -> memref<10000x128xf32, #tpu.memory_space<hbm>>
      tpu.wait_indirect_dma semaphore(%arg13 : memref<!tpu.dma_semaphore, #tpu.memory_space<semaphore_mem>>) src(%dma_wait3A_71 : memref<10000x128xf32, #tpu.memory_space<hbm>>) dst(%dma_wait3A_65 : memref<80x128xf32, #tpu.memory_space<vmem>>)
      %dma_start3A_72 = arith.constant 1 : i32
      %dma_start3A_73 = arith.constant 49 : i32
      %dma_start3A_74 = arith.constant 0 : i32
      %dma_start3A_75 = arith.constant 0 : i32
      %dma_start3A_76 = tpu.memref_slice %arg10[%dma_start3A_72, %dma_start3A_74, %dma_start3A_75] : memref<4x80x128xf32, #tpu.memory_space<vmem>> -> memref<1x80x128xf32, #tpu.memory_space<vmem>>
      %dma_start3A_77 = tpu.memref_squeeze %dma_start3A_76 : memref<1x80x128xf32, #tpu.memory_space<vmem>> -> memref<80x128xf32, #tpu.memory_space<vmem>>
      %dma_start3A_78 = arith.constant 0 : i32
      %dma_start3A_79 = tpu.memref_slice %arg9[%dma_start3A_73, %dma_start3A_78] : memref<50x80xi32, #tpu.memory_space<vmem>> -> memref<1x80xi32, #tpu.memory_space<vmem>>
      %dma_start3A_80 = tpu.memref_squeeze %dma_start3A_79 : memref<1x80xi32, #tpu.memory_space<vmem>> -> memref<80xi32, #tpu.memory_space<vmem>>
      %dma_start3A_81 = arith.constant 0 : i32
      %dma_start3A_82 = arith.constant 0 : i32
      %dma_start3A_83 = tpu.memref_slice %arg11[%dma_start3A_81, %dma_start3A_82] : memref<10000x128xf32, #tpu.memory_space<vmem_shared>> -> memref<10000x128xf32, #tpu.memory_space<vmem_shared>>
      tpu.enqueue_indirect_dma source(%dma_start3A_77 : memref<80x128xf32, #tpu.memory_space<vmem>>) target(%dma_start3A_83 : memref<10000x128xf32, #tpu.memory_space<vmem_shared>>) offsets(%dma_start3A_80 : memref<80xi32, #tpu.memory_space<vmem>>) semaphore(%arg17 : memref<!tpu.dma_semaphore, #tpu.memory_space<semaphore_mem>>) {add = true}
      %dma_wait3A_84 = arith.constant 2 : i32
      %dma_wait3A_85 = arith.constant 46 : i32
      %dma_wait3A_86 = arith.constant 0 : i32
      %dma_wait3A_87 = arith.constant 0 : i32
      %dma_wait3A_88 = tpu.memref_slice %arg10[%dma_wait3A_84, %dma_wait3A_86, %dma_wait3A_87] : memref<4x80x128xf32, #tpu.memory_space<vmem>> -> memref<1x80x128xf32, #tpu.memory_space<vmem>>
      %dma_wait3A_89 = tpu.memref_squeeze %dma_wait3A_88 : memref<1x80x128xf32, #tpu.memory_space<vmem>> -> memref<80x128xf32, #tpu.memory_space<vmem>>
      %dma_wait3A_90 = arith.constant 0 : i32
      %dma_wait3A_91 = tpu.memref_slice %arg9[%dma_wait3A_85, %dma_wait3A_90] : memref<50x80xi32, #tpu.memory_space<vmem>> -> memref<1x80xi32, #tpu.memory_space<vmem>>
      %dma_wait3A_92 = tpu.memref_squeeze %dma_wait3A_91 : memref<1x80xi32, #tpu.memory_space<vmem>> -> memref<80xi32, #tpu.memory_space<vmem>>
      %dma_wait3A_93 = arith.constant 0 : i32
      %dma_wait3A_94 = arith.constant 0 : i32
      %dma_wait3A_95 = tpu.memref_slice %arg11[%dma_wait3A_93, %dma_wait3A_94] : memref<10000x128xf32, #tpu.memory_space<vmem_shared>> -> memref<10000x128xf32, #tpu.memory_space<vmem_shared>>
      tpu.wait_indirect_dma semaphore(%arg18 : memref<!tpu.dma_semaphore, #tpu.memory_space<semaphore_mem>>) src(%dma_wait3A_89 : memref<80x128xf32, #tpu.memory_space<vmem>>) dst(%dma_wait3A_95 : memref<10000x128xf32, #tpu.memory_space<vmem_shared>>)
      %dma_wait3A_96 = arith.constant 3 : i32
      %dma_wait3A_97 = arith.constant 47 : i32
      %dma_wait3A_98 = arith.constant 0 : i32
      %dma_wait3A_99 = arith.constant 0 : i32
      %dma_wait3A_100 = tpu.memref_slice %arg10[%dma_wait3A_96, %dma_wait3A_98, %dma_wait3A_99] : memref<4x80x128xf32, #tpu.memory_space<vmem>> -> memref<1x80x128xf32, #tpu.memory_space<vmem>>
      %dma_wait3A_101 = tpu.memref_squeeze %dma_wait3A_100 : memref<1x80x128xf32, #tpu.memory_space<vmem>> -> memref<80x128xf32, #tpu.memory_space<vmem>>
      %dma_wait3A_102 = arith.constant 0 : i32
      %dma_wait3A_103 = tpu.memref_slice %arg9[%dma_wait3A_97, %dma_wait3A_102] : memref<50x80xi32, #tpu.memory_space<vmem>> -> memref<1x80xi32, #tpu.memory_space<vmem>>
      %dma_wait3A_104 = tpu.memref_squeeze %dma_wait3A_103 : memref<1x80xi32, #tpu.memory_space<vmem>> -> memref<80xi32, #tpu.memory_space<vmem>>
      %dma_wait3A_105 = arith.constant 0 : i32
      %dma_wait3A_106 = arith.constant 0 : i32
      %dma_wait3A_107 = tpu.memref_slice %arg11[%dma_wait3A_105, %dma_wait3A_106] : memref<10000x128xf32, #tpu.memory_space<vmem_shared>> -> memref<10000x128xf32, #tpu.memory_space<vmem_shared>>
      tpu.wait_indirect_dma semaphore(%arg19 : memref<!tpu.dma_semaphore, #tpu.memory_space<semaphore_mem>>) src(%dma_wait3A_101 : memref<80x128xf32, #tpu.memory_space<vmem>>) dst(%dma_wait3A_107 : memref<10000x128xf32, #tpu.memory_space<vmem_shared>>)
      %dma_wait3A_108 = arith.constant 0 : i32
      %dma_wait3A_109 = arith.constant 48 : i32
      %dma_wait3A_110 = arith.constant 0 : i32
      %dma_wait3A_111 = arith.constant 0 : i32
      %dma_wait3A_112 = tpu.memref_slice %arg10[%dma_wait3A_108, %dma_wait3A_110, %dma_wait3A_111] : memref<4x80x128xf32, #tpu.memory_space<vmem>> -> memref<1x80x128xf32, #tpu.memory_space<vmem>>
      %dma_wait3A_113 = tpu.memref_squeeze %dma_wait3A_112 : memref<1x80x128xf32, #tpu.memory_space<vmem>> -> memref<80x128xf32, #tpu.memory_space<vmem>>
      %dma_wait3A_114 = arith.constant 0 : i32
      %dma_wait3A_115 = tpu.memref_slice %arg9[%dma_wait3A_109, %dma_wait3A_114] : memref<50x80xi32, #tpu.memory_space<vmem>> -> memref<1x80xi32, #tpu.memory_space<vmem>>
      %dma_wait3A_116 = tpu.memref_squeeze %dma_wait3A_115 : memref<1x80xi32, #tpu.memory_space<vmem>> -> memref<80xi32, #tpu.memory_space<vmem>>
      %dma_wait3A_117 = arith.constant 0 : i32
      %dma_wait3A_118 = arith.constant 0 : i32
      %dma_wait3A_119 = tpu.memref_slice %arg11[%dma_wait3A_117, %dma_wait3A_118] : memref<10000x128xf32, #tpu.memory_space<vmem_shared>> -> memref<10000x128xf32, #tpu.memory_space<vmem_shared>>
      tpu.wait_indirect_dma semaphore(%arg16 : memref<!tpu.dma_semaphore, #tpu.memory_space<semaphore_mem>>) src(%dma_wait3A_113 : memref<80x128xf32, #tpu.memory_space<vmem>>) dst(%dma_wait3A_119 : memref<10000x128xf32, #tpu.memory_space<vmem_shared>>)
      %dma_wait3A_120 = arith.constant 1 : i32
      %dma_wait3A_121 = arith.constant 49 : i32
      %dma_wait3A_122 = arith.constant 0 : i32
      %dma_wait3A_123 = arith.constant 0 : i32
      %dma_wait3A_124 = tpu.memref_slice %arg10[%dma_wait3A_120, %dma_wait3A_122, %dma_wait3A_123] : memref<4x80x128xf32, #tpu.memory_space<vmem>> -> memref<1x80x128xf32, #tpu.memory_space<vmem>>
      %dma_wait3A_125 = tpu.memref_squeeze %dma_wait3A_124 : memref<1x80x128xf32, #tpu.memory_space<vmem>> -> memref<80x128xf32, #tpu.memory_space<vmem>>
      %dma_wait3A_126 = arith.constant 0 : i32
      %dma_wait3A_127 = tpu.memref_slice %arg9[%dma_wait3A_121, %dma_wait3A_126] : memref<50x80xi32, #tpu.memory_space<vmem>> -> memref<1x80xi32, #tpu.memory_space<vmem>>
      %dma_wait3A_128 = tpu.memref_squeeze %dma_wait3A_127 : memref<1x80xi32, #tpu.memory_space<vmem>> -> memref<80xi32, #tpu.memory_space<vmem>>
      %dma_wait3A_129 = arith.constant 0 : i32
      %dma_wait3A_130 = arith.constant 0 : i32
      %dma_wait3A_131 = tpu.memref_slice %arg11[%dma_wait3A_129, %dma_wait3A_130] : memref<10000x128xf32, #tpu.memory_space<vmem_shared>> -> memref<10000x128xf32, #tpu.memory_space<vmem_shared>>
      tpu.wait_indirect_dma semaphore(%arg17 : memref<!tpu.dma_semaphore, #tpu.memory_space<semaphore_mem>>) src(%dma_wait3A_125 : memref<80x128xf32, #tpu.memory_space<vmem>>) dst(%dma_wait3A_131 : memref<10000x128xf32, #tpu.memory_space<vmem_shared>>)
    }
    %scan3A_7 = arith.constant 5 : i32
    %barrier3A_8 = arith.constant 0 : index
    tpu.barrier barrier_id(%barrier3A_8)
    %mul3A_9 = arith.constant 10000 : i32
    %mul3A_10 = arith.muli %arg0, %mul3A_9 : i32
    %add3A = arith.addi %mul3A_10, %mul3A_0 : i32
    "tpu.region"() ({
      %run_scoped3A = tpu.sem_alloc : memref<!tpu.dma_semaphore, #tpu.memory_space<semaphore_mem>>
      %dma_start3A = arith.constant 0 : i32
      %dma_start3A_11 = tpu.memref_slice %arg7[%add3A, %dma_start3A] : memref<20000x128xf32, #tpu.memory_space<hbm>> -> memref<625x128xf32, #tpu.memory_space<hbm>>
      %dma_start3A_12 = arith.constant 0 : i32
      %dma_start3A_13 = tpu.memref_slice %arg11[%mul3A_0, %dma_start3A_12] : memref<10000x128xf32, #tpu.memory_space<vmem_shared>> -> memref<625x128xf32, #tpu.memory_space<vmem_shared>>
      tpu.enqueue_dma source(%dma_start3A_13 : memref<625x128xf32, #tpu.memory_space<vmem_shared>>) target(%dma_start3A_11 : memref<625x128xf32, #tpu.memory_space<hbm>>) target_semaphore(%run_scoped3A : memref<!tpu.dma_semaphore, #tpu.memory_space<semaphore_mem>>)
      %dma_wait3A = arith.constant 0 : i32
      %dma_wait3A_14 = tpu.memref_slice %arg7[%add3A, %dma_wait3A] : memref<20000x128xf32, #tpu.memory_space<hbm>> -> memref<625x128xf32, #tpu.memory_space<hbm>>
      %dma_wait3A_15 = arith.constant 0 : i32
      %dma_wait3A_16 = tpu.memref_slice %arg11[%mul3A_0, %dma_wait3A_15] : memref<10000x128xf32, #tpu.memory_space<vmem_shared>> -> memref<625x128xf32, #tpu.memory_space<vmem_shared>>
      tpu.wait_dma2 semaphore(%run_scoped3A : memref<!tpu.dma_semaphore, #tpu.memory_space<semaphore_mem>>) src(%dma_wait3A_16 : memref<625x128xf32, #tpu.memory_space<vmem_shared>>) dst(%dma_wait3A_14 : memref<625x128xf32, #tpu.memory_space<hbm>>)
      tpu.yield
    }) : () -> ()
    return
  }
}

#map = affine_map<(d0, d1) -> (0, 0)>
module attributes {stable_mosaic.version = 14 : i64} {
  func.func @sc_scatter(%arg0: i32, %arg1: i32, %arg2: memref<10000x128xf32, #tpu.memory_space<hbm>>, %arg3: memref<10000x128xf32, #tpu.memory_space<hbm>>, %arg4: memref<4000x80xi32, #tpu.memory_space<hbm>>, %arg5: memref<4000x80xi32, #tpu.memory_space<hbm>>, %arg6: memref<10000x128xf32, #tpu.memory_space<hbm>>, %arg7: memref<20000x128xf32, #tpu.memory_space<hbm>>, %arg8: memref<50x80xi32, #tpu.memory_space<vmem>>, %arg9: memref<50x80xi32, #tpu.memory_space<vmem>>, %arg10: memref<4x80x128xf32, #tpu.memory_space<vmem>>, %arg11: memref<10000x128xf32, #tpu.memory_space<vmem_shared>>, %arg12: memref<!tpu.dma_semaphore, #tpu.memory_space<semaphore_mem>>, %arg13: memref<!tpu.dma_semaphore, #tpu.memory_space<semaphore_mem>>, %arg14: memref<!tpu.dma_semaphore, #tpu.memory_space<semaphore_mem>>, %arg15: memref<!tpu.dma_semaphore, #tpu.memory_space<semaphore_mem>>, %arg16: memref<!tpu.dma_semaphore, #tpu.memory_space<semaphore_mem>>, %arg17: memref<!tpu.dma_semaphore, #tpu.memory_space<semaphore_mem>>, %arg18: memref<!tpu.dma_semaphore, #tpu.memory_space<semaphore_mem>>, %arg19: memref<!tpu.dma_semaphore, #tpu.memory_space<semaphore_mem>>) attributes {dimension_semantics = [#tpu.dimension_semantics<core_parallel>, #tpu.dimension_semantics<subcore_parallel>], iteration_bounds = array<i64: 2, 16>, scalar_prefetch = 0 : i64, scratch_operands = 12 : i64, tpu.core_type = #tpu.core_type<sc_vector_subcore>, window_params = [{transform_indices = #map}, {transform_indices = #map}, {transform_indices = #map}, {transform_indices = #map}, {transform_indices = #map}, {transform_indices = #map}]} {
    %mul3A = arith.constant 625 : i32
    %mul3A_0 = arith.muli %arg1, %mul3A : i32
    "tpu.region"() ({
      %run_scoped3A = tpu.sem_alloc : memref<!tpu.dma_semaphore, #tpu.memory_space<semaphore_mem>>
      %dma_start3A = arith.constant 0 : i32
      %dma_start3A_11 = tpu.memref_slice %arg11[%mul3A_0, %dma_start3A] : memref<10000x128xf32, #tpu.memory_space<vmem_shared>> -> memref<625x128xf32, #tpu.memory_space<vmem_shared>>
      %dma_start3A_12 = arith.constant 0 : i32
      %dma_start3A_13 = tpu.memref_slice %arg6[%mul3A_0, %dma_start3A_12] : memref<10000x128xf32, #tpu.memory_space<hbm>> -> memref<625x128xf32, #tpu.memory_space<hbm>>
      tpu.enqueue_dma source(%dma_start3A_13 : memref<625x128xf32, #tpu.memory_space<hbm>>) target(%dma_start3A_11 : memref<625x128xf32, #tpu.memory_space<vmem_shared>>) target_semaphore(%run_scoped3A : memref<!tpu.dma_semaphore, #tpu.memory_space<semaphore_mem>>)
      %dma_wait3A = arith.constant 0 : i32
      %dma_wait3A_14 = tpu.memref_slice %arg11[%mul3A_0, %dma_wait3A] : memref<10000x128xf32, #tpu.memory_space<vmem_shared>> -> memref<625x128xf32, #tpu.memory_space<vmem_shared>>
      %dma_wait3A_15 = arith.constant 0 : i32
      %dma_wait3A_16 = tpu.memref_slice %arg6[%mul3A_0, %dma_wait3A_15] : memref<10000x128xf32, #tpu.memory_space<hbm>> -> memref<625x128xf32, #tpu.memory_space<hbm>>
      tpu.wait_dma2 semaphore(%run_scoped3A : memref<!tpu.dma_semaphore, #tpu.memory_space<semaphore_mem>>) src(%dma_wait3A_16 : memref<625x128xf32, #tpu.memory_space<hbm>>) dst(%dma_wait3A_14 : memref<625x128xf32, #tpu.memory_space<vmem_shared>>)
      tpu.yield
    }) : () -> ()
    %mul3A_1 = arith.constant 250 : i32
    %mul3A_2 = arith.muli %arg1, %mul3A_1 : i32
    %barrier3A = arith.constant 0 : index
    tpu.barrier barrier_id(%barrier3A)
    %scan3A = arith.constant 0 : i32
    %scan3A_3 = arith.constant 0 : i32
    %scan3A_4 = arith.constant 5 : i32
    %scan3A_5 = arith.addi %scan3A_3, %scan3A_4 : i32
    %scan3A_6 = arith.constant 1 : i32
    scf.for %scan3A_11 = %scan3A_3 to %scan3A_5 step %scan3A_6  : i32 {
      %mul3A_12 = arith.constant 50 : i32
      %mul3A_13 = arith.muli %scan3A_11, %mul3A_12 : i32
      %add3A_14 = arith.addi %mul3A_2, %mul3A_13 : i32
      "tpu.region"() ({
        %run_scoped3A = tpu.sem_alloc : memref<!tpu.dma_semaphore, #tpu.memory_space<semaphore_mem>>
        %dma_start3A_132 = arith.constant 0 : i32
        %dma_start3A_133 = tpu.memref_slice %arg4[%add3A_14, %dma_start3A_132] : memref<4000x80xi32, #tpu.memory_space<hbm>> -> memref<50x80xi32, #tpu.memory_space<hbm>>
        %dma_start3A_134 = arith.constant 0 : i32
        %dma_start3A_135 = tpu.memref_slice %arg4[%add3A_14, %dma_start3A_134] : memref<4000x80xi32, #tpu.memory_space<hbm>> -> memref<50x80xi32, #tpu.memory_space<hbm>>
        tpu.enqueue_dma source(%dma_start3A_135 : memref<50x80xi32, #tpu.memory_space<hbm>>) target(%arg8 : memref<50x80xi32, #tpu.memory_space<vmem>>) target_semaphore(%run_scoped3A : memref<!tpu.dma_semaphore, #tpu.memory_space<semaphore_mem>>)
        %dma_wait3A_136 = arith.constant 0 : i32
        %dma_wait3A_137 = tpu.memref_slice %arg4[%add3A_14, %dma_wait3A_136] : memref<4000x80xi32, #tpu.memory_space<hbm>> -> memref<50x80xi32, #tpu.memory_space<hbm>>
        %dma_wait3A_138 = arith.constant 0 : i32
        %dma_wait3A_139 = tpu.memref_slice %arg4[%add3A_14, %dma_wait3A_138] : memref<4000x80xi32, #tpu.memory_space<hbm>> -> memref<50x80xi32, #tpu.memory_space<hbm>>
        tpu.wait_dma2 semaphore(%run_scoped3A : memref<!tpu.dma_semaphore, #tpu.memory_space<semaphore_mem>>) src(%dma_wait3A_139 : memref<50x80xi32, #tpu.memory_space<hbm>>) dst(%arg8 : memref<50x80xi32, #tpu.memory_space<vmem>>)
        tpu.yield
      }) : () -> ()
      "tpu.region"() ({
        %run_scoped3A = tpu.sem_alloc : memref<!tpu.dma_semaphore, #tpu.memory_space<semaphore_mem>>
        %dma_start3A_132 = arith.constant 0 : i32
        %dma_start3A_133 = tpu.memref_slice %arg5[%add3A_14, %dma_start3A_132] : memref<4000x80xi32, #tpu.memory_space<hbm>> -> memref<50x80xi32, #tpu.memory_space<hbm>>
        %dma_start3A_134 = arith.constant 0 : i32
        %dma_start3A_135 = tpu.memref_slice %arg5[%add3A_14, %dma_start3A_134] : memref<4000x80xi32, #tpu.memory_space<hbm>> -> memref<50x80xi32, #tpu.memory_space<hbm>>
        tpu.enqueue_dma source(%dma_start3A_135 : memref<50x80xi32, #tpu.memory_space<hbm>>) target(%arg9 : memref<50x80xi32, #tpu.memory_space<vmem>>) target_semaphore(%run_scoped3A : memref<!tpu.dma_semaphore, #tpu.memory_space<semaphore_mem>>)
        %dma_wait3A_136 = arith.constant 0 : i32
        %dma_wait3A_137 = tpu.memref_slice %arg5[%add3A_14, %dma_wait3A_136] : memref<4000x80xi32, #tpu.memory_space<hbm>> -> memref<50x80xi32, #tpu.memory_space<hbm>>
        %dma_wait3A_138 = arith.constant 0 : i32
        %dma_wait3A_139 = tpu.memref_slice %arg5[%add3A_14, %dma_wait3A_138] : memref<4000x80xi32, #tpu.memory_space<hbm>> -> memref<50x80xi32, #tpu.memory_space<hbm>>
        tpu.wait_dma2 semaphore(%run_scoped3A : memref<!tpu.dma_semaphore, #tpu.memory_space<semaphore_mem>>) src(%dma_wait3A_139 : memref<50x80xi32, #tpu.memory_space<hbm>>) dst(%arg9 : memref<50x80xi32, #tpu.memory_space<vmem>>)
        tpu.yield
      }) : () -> ()
      %eq3A = arith.constant 0 : i32
      %eq3A_15 = arith.cmpi eq, %arg0, %eq3A : i32
      %convert_element_type3A = arith.extui %eq3A_15 : i1 to i32
      %cond3A = arith.constant 0 : i32
      %cond3A_16 = arith.cmpi ne, %convert_element_type3A, %cond3A : i32
      scf.if %cond3A_16 {
        %dma_start3A_132 = arith.constant 0 : i32
        %dma_start3A_133 = arith.constant 0 : i32
        %dma_start3A_134 = arith.constant 0 : i32
        %dma_start3A_135 = arith.constant 0 : i32
        %dma_start3A_136 = tpu.memref_slice %arg10[%dma_start3A_133, %dma_start3A_134, %dma_start3A_135] : memref<4x80x128xf32, #tpu.memory_space<vmem>> -> memref<1x80x128xf32, #tpu.memory_space<vmem>>
        %dma_start3A_137 = tpu.memref_squeeze %dma_start3A_136 : memref<1x80x128xf32, #tpu.memory_space<vmem>> -> memref<80x128xf32, #tpu.memory_space<vmem>>
        %dma_start3A_138 = arith.constant 0 : i32
        %dma_start3A_139 = tpu.memref_slice %arg8[%dma_start3A_132, %dma_start3A_138] : memref<50x80xi32, #tpu.memory_space<vmem>> -> memref<1x80xi32, #tpu.memory_space<vmem>>
        %dma_start3A_140 = tpu.memref_squeeze %dma_start3A_139 : memref<1x80xi32, #tpu.memory_space<vmem>> -> memref<80xi32, #tpu.memory_space<vmem>>
        %dma_start3A_141 = arith.constant 0 : i32
        %dma_start3A_142 = arith.constant 0 : i32
        %dma_start3A_143 = tpu.memref_slice %arg2[%dma_start3A_141, %dma_start3A_142] : memref<10000x128xf32, #tpu.memory_space<hbm>> -> memref<10000x128xf32, #tpu.memory_space<hbm>>
        tpu.enqueue_indirect_dma source(%dma_start3A_143 : memref<10000x128xf32, #tpu.memory_space<hbm>>) target(%dma_start3A_137 : memref<80x128xf32, #tpu.memory_space<vmem>>) offsets(%dma_start3A_140 : memref<80xi32, #tpu.memory_space<vmem>>) semaphore(%arg12 : memref<!tpu.dma_semaphore, #tpu.memory_space<semaphore_mem>>)
      } else {
      }
      %eq3A_17 = arith.constant 1 : i32
      %eq3A_18 = arith.cmpi eq, %arg0, %eq3A_17 : i32
      %convert_element_type3A_19 = arith.extui %eq3A_18 : i1 to i32
      %cond3A_20 = arith.constant 0 : i32
      %cond3A_21 = arith.cmpi ne, %convert_element_type3A_19, %cond3A_20 : i32
      scf.if %cond3A_21 {
        %dma_start3A_132 = arith.constant 0 : i32
        %dma_start3A_133 = arith.constant 0 : i32
        %dma_start3A_134 = arith.constant 0 : i32
        %dma_start3A_135 = arith.constant 0 : i32
        %dma_start3A_136 = tpu.memref_slice %arg10[%dma_start3A_133, %dma_start3A_134, %dma_start3A_135] : memref<4x80x128xf32, #tpu.memory_space<vmem>> -> memref<1x80x128xf32, #tpu.memory_space<vmem>>
        %dma_start3A_137 = tpu.memref_squeeze %dma_start3A_136 : memref<1x80x128xf32, #tpu.memory_space<vmem>> -> memref<80x128xf32, #tpu.memory_space<vmem>>
        %dma_start3A_138 = arith.constant 0 : i32
        %dma_start3A_139 = tpu.memref_slice %arg8[%dma_start3A_132, %dma_start3A_138] : memref<50x80xi32, #tpu.memory_space<vmem>> -> memref<1x80xi32, #tpu.memory_space<vmem>>
        %dma_start3A_140 = tpu.memref_squeeze %dma_start3A_139 : memref<1x80xi32, #tpu.memory_space<vmem>> -> memref<80xi32, #tpu.memory_space<vmem>>
        %dma_start3A_141 = arith.constant 0 : i32
        %dma_start3A_142 = arith.constant 0 : i32
        %dma_start3A_143 = tpu.memref_slice %arg3[%dma_start3A_141, %dma_start3A_142] : memref<10000x128xf32, #tpu.memory_space<hbm>> -> memref<10000x128xf32, #tpu.memory_space<hbm>>
        tpu.enqueue_indirect_dma source(%dma_start3A_143 : memref<10000x128xf32, #tpu.memory_space<hbm>>) target(%dma_start3A_137 : memref<80x128xf32, #tpu.memory_space<vmem>>) offsets(%dma_start3A_140 : memref<80xi32, #tpu.memory_space<vmem>>) semaphore(%arg12 : memref<!tpu.dma_semaphore, #tpu.memory_space<semaphore_mem>>)
      } else {
      }
      %eq3A_22 = arith.constant 0 : i32
      %eq3A_23 = arith.cmpi eq, %arg0, %eq3A_22 : i32
      %convert_element_type3A_24 = arith.extui %eq3A_23 : i1 to i32
      %cond3A_25 = arith.constant 0 : i32
      %cond3A_26 = arith.cmpi ne, %convert_element_type3A_24, %cond3A_25 : i32
      scf.if %cond3A_26 {
        %dma_start3A_132 = arith.constant 1 : i32
        %dma_start3A_133 = arith.constant 1 : i32
        %dma_start3A_134 = arith.constant 0 : i32
        %dma_start3A_135 = arith.constant 0 : i32
        %dma_start3A_136 = tpu.memref_slice %arg10[%dma_start3A_133, %dma_start3A_134, %dma_start3A_135] : memref<4x80x128xf32, #tpu.memory_space<vmem>> -> memref<1x80x128xf32, #tpu.memory_space<vmem>>
        %dma_start3A_137 = tpu.memref_squeeze %dma_start3A_136 : memref<1x80x128xf32, #tpu.memory_space<vmem>> -> memref<80x128xf32, #tpu.memory_space<vmem>>
        %dma_start3A_138 = arith.constant 0 : i32
        %dma_start3A_139 = tpu.memref_slice %arg8[%dma_start3A_132, %dma_start3A_138] : memref<50x80xi32, #tpu.memory_space<vmem>> -> memref<1x80xi32, #tpu.memory_space<vmem>>
        %dma_start3A_140 = tpu.memref_squeeze %dma_start3A_139 : memref<1x80xi32, #tpu.memory_space<vmem>> -> memref<80xi32, #tpu.memory_space<vmem>>
        %dma_start3A_141 = arith.constant 0 : i32
        %dma_start3A_142 = arith.constant 0 : i32
        %dma_start3A_143 = tpu.memref_slice %arg2[%dma_start3A_141, %dma_start3A_142] : memref<10000x128xf32, #tpu.memory_space<hbm>> -> memref<10000x128xf32, #tpu.memory_space<hbm>>
        tpu.enqueue_indirect_dma source(%dma_start3A_143 : memref<10000x128xf32, #tpu.memory_space<hbm>>) target(%dma_start3A_137 : memref<80x128xf32, #tpu.memory_space<vmem>>) offsets(%dma_start3A_140 : memref<80xi32, #tpu.memory_space<vmem>>) semaphore(%arg13 : memref<!tpu.dma_semaphore, #tpu.memory_space<semaphore_mem>>)
      } else {
      }
      %eq3A_27 = arith.constant 1 : i32
      %eq3A_28 = arith.cmpi eq, %arg0, %eq3A_27 : i32
      %convert_element_type3A_29 = arith.extui %eq3A_28 : i1 to i32
      %cond3A_30 = arith.constant 0 : i32
      %cond3A_31 = arith.cmpi ne, %convert_element_type3A_29, %cond3A_30 : i32
      scf.if %cond3A_31 {
        %dma_start3A_132 = arith.constant 1 : i32
        %dma_start3A_133 = arith.constant 1 : i32
        %dma_start3A_134 = arith.constant 0 : i32
        %dma_start3A_135 = arith.constant 0 : i32
        %dma_start3A_136 = tpu.memref_slice %arg10[%dma_start3A_133, %dma_start3A_134, %dma_start3A_135] : memref<4x80x128xf32, #tpu.memory_space<vmem>> -> memref<1x80x128xf32, #tpu.memory_space<vmem>>
        %dma_start3A_137 = tpu.memref_squeeze %dma_start3A_136 : memref<1x80x128xf32, #tpu.memory_space<vmem>> -> memref<80x128xf32, #tpu.memory_space<vmem>>
        %dma_start3A_138 = arith.constant 0 : i32
        %dma_start3A_139 = tpu.memref_slice %arg8[%dma_start3A_132, %dma_start3A_138] : memref<50x80xi32, #tpu.memory_space<vmem>> -> memref<1x80xi32, #tpu.memory_space<vmem>>
        %dma_start3A_140 = tpu.memref_squeeze %dma_start3A_139 : memref<1x80xi32, #tpu.memory_space<vmem>> -> memref<80xi32, #tpu.memory_space<vmem>>
        %dma_start3A_141 = arith.constant 0 : i32
        %dma_start3A_142 = arith.constant 0 : i32
        %dma_start3A_143 = tpu.memref_slice %arg3[%dma_start3A_141, %dma_start3A_142] : memref<10000x128xf32, #tpu.memory_space<hbm>> -> memref<10000x128xf32, #tpu.memory_space<hbm>>
        tpu.enqueue_indirect_dma source(%dma_start3A_143 : memref<10000x128xf32, #tpu.memory_space<hbm>>) target(%dma_start3A_137 : memref<80x128xf32, #tpu.memory_space<vmem>>) offsets(%dma_start3A_140 : memref<80xi32, #tpu.memory_space<vmem>>) semaphore(%arg13 : memref<!tpu.dma_semaphore, #tpu.memory_space<semaphore_mem>>)
      } else {
      }
      %scan3A_32 = arith.constant 0 : i32
      %scan3A_33 = arith.constant 0 : i32
      %scan3A_34 = arith.constant 12 : i32
      %scan3A_35 = arith.addi %scan3A_33, %scan3A_34 : i32
      %scan3A_36 = arith.constant 1 : i32
      scf.for %scan3A_132 = %scan3A_33 to %scan3A_35 step %scan3A_36  : i32 {
        %mul3A_133 = arith.constant 4 : i32
        %mul3A_134 = arith.muli %scan3A_132, %mul3A_133 : i32
        %add3A_135 = arith.constant 0 : i32
        %add3A_136 = arith.addi %mul3A_134, %add3A_135 : i32
        %dma_wait3A_137 = arith.constant 0 : i32
        %dma_wait3A_138 = arith.constant 0 : i32
        %dma_wait3A_139 = arith.constant 0 : i32
        %dma_wait3A_140 = tpu.memref_slice %arg10[%dma_wait3A_137, %dma_wait3A_138, %dma_wait3A_139] : memref<4x80x128xf32, #tpu.memory_space<vmem>> -> memref<1x80x128xf32, #tpu.memory_space<vmem>>
        %dma_wait3A_141 = tpu.memref_squeeze %dma_wait3A_140 : memref<1x80x128xf32, #tpu.memory_space<vmem>> -> memref<80x128xf32, #tpu.memory_space<vmem>>
        %dma_wait3A_142 = arith.constant 0 : i32
        %dma_wait3A_143 = tpu.memref_slice %arg8[%add3A_136, %dma_wait3A_142] : memref<50x80xi32, #tpu.memory_space<vmem>> -> memref<1x80xi32, #tpu.memory_space<vmem>>
        %dma_wait3A_144 = tpu.memref_squeeze %dma_wait3A_143 : memref<1x80xi32, #tpu.memory_space<vmem>> -> memref<80xi32, #tpu.memory_space<vmem>>
        %dma_wait3A_145 = arith.constant 0 : i32
        %dma_wait3A_146 = arith.constant 0 : i32
        %dma_wait3A_147 = tpu.memref_slice %arg2[%dma_wait3A_145, %dma_wait3A_146] : memref<10000x128xf32, #tpu.memory_space<hbm>> -> memref<10000x128xf32, #tpu.memory_space<hbm>>
        tpu.wait_indirect_dma semaphore(%arg12 : memref<!tpu.dma_semaphore, #tpu.memory_space<semaphore_mem>>) src(%dma_wait3A_147 : memref<10000x128xf32, #tpu.memory_space<hbm>>) dst(%dma_wait3A_141 : memref<80x128xf32, #tpu.memory_space<vmem>>)
        %dma_start3A_148 = arith.constant 0 : i32
        %dma_start3A_149 = arith.constant 0 : i32
        %dma_start3A_150 = arith.constant 0 : i32
        %dma_start3A_151 = tpu.memref_slice %arg10[%dma_start3A_148, %dma_start3A_149, %dma_start3A_150] : memref<4x80x128xf32, #tpu.memory_space<vmem>> -> memref<1x80x128xf32, #tpu.memory_space<vmem>>
        %dma_start3A_152 = tpu.memref_squeeze %dma_start3A_151 : memref<1x80x128xf32, #tpu.memory_space<vmem>> -> memref<80x128xf32, #tpu.memory_space<vmem>>
        %dma_start3A_153 = arith.constant 0 : i32
        %dma_start3A_154 = tpu.memref_slice %arg9[%add3A_136, %dma_start3A_153] : memref<50x80xi32, #tpu.memory_space<vmem>> -> memref<1x80xi32, #tpu.memory_space<vmem>>
        %dma_start3A_155 = tpu.memref_squeeze %dma_start3A_154 : memref<1x80xi32, #tpu.memory_space<vmem>> -> memref<80xi32, #tpu.memory_space<vmem>>
        %dma_start3A_156 = arith.constant 0 : i32
        %dma_start3A_157 = arith.constant 0 : i32
        %dma_start3A_158 = tpu.memref_slice %arg11[%dma_start3A_156, %dma_start3A_157] : memref<10000x128xf32, #tpu.memory_space<vmem_shared>> -> memref<10000x128xf32, #tpu.memory_space<vmem_shared>>
        tpu.enqueue_indirect_dma source(%dma_start3A_152 : memref<80x128xf32, #tpu.memory_space<vmem>>) target(%dma_start3A_158 : memref<10000x128xf32, #tpu.memory_space<vmem_shared>>) offsets(%dma_start3A_155 : memref<80xi32, #tpu.memory_space<vmem>>) semaphore(%arg16 : memref<!tpu.dma_semaphore, #tpu.memory_space<semaphore_mem>>) {add = true}
        %ge3A = arith.constant 2 : i32
        %ge3A_159 = arith.cmpi sge, %add3A_136, %ge3A : i32
        %convert_element_type3A_160 = arith.extui %ge3A_159 : i1 to i32
        %cond3A_161 = arith.constant 0 : i32
        %cond3A_162 = arith.cmpi ne, %convert_element_type3A_160, %cond3A_161 : i32
        scf.if %cond3A_162 {
          %sub3A = arith.constant 2 : i32
          %sub3A_304 = arith.subi %add3A_136, %sub3A : i32
          %dma_wait3A_305 = arith.constant 2 : i32
          %dma_wait3A_306 = arith.constant 0 : i32
          %dma_wait3A_307 = arith.constant 0 : i32
          %dma_wait3A_308 = tpu.memref_slice %arg10[%dma_wait3A_305, %dma_wait3A_306, %dma_wait3A_307] : memref<4x80x128xf32, #tpu.memory_space<vmem>> -> memref<1x80x128xf32, #tpu.memory_space<vmem>>
          %dma_wait3A_309 = tpu.memref_squeeze %dma_wait3A_308 : memref<1x80x128xf32, #tpu.memory_space<vmem>> -> memref<80x128xf32, #tpu.memory_space<vmem>>
          %dma_wait3A_310 = arith.constant 0 : i32
          %dma_wait3A_311 = tpu.memref_slice %arg9[%sub3A_304, %dma_wait3A_310] : memref<50x80xi32, #tpu.memory_space<vmem>> -> memref<1x80xi32, #tpu.memory_space<vmem>>
          %dma_wait3A_312 = tpu.memref_squeeze %dma_wait3A_311 : memref<1x80xi32, #tpu.memory_space<vmem>> -> memref<80xi32, #tpu.memory_space<vmem>>
          %dma_wait3A_313 = arith.constant 0 : i32
          %dma_wait3A_314 = arith.constant 0 : i32
          %dma_wait3A_315 = tpu.memref_slice %arg11[%dma_wait3A_313, %dma_wait3A_314] : memref<10000x128xf32, #tpu.memory_space<vmem_shared>> -> memref<10000x128xf32, #tpu.memory_space<vmem_shared>>
          tpu.wait_indirect_dma semaphore(%arg18 : memref<!tpu.dma_semaphore, #tpu.memory_space<semaphore_mem>>) src(%dma_wait3A_309 : memref<80x128xf32, #tpu.memory_space<vmem>>) dst(%dma_wait3A_315 : memref<10000x128xf32, #tpu.memory_space<vmem_shared>>)
        } else {
        }
        %add3A_163 = arith.constant 2 : i32
        %add3A_164 = arith.addi %add3A_136, %add3A_163 : i32
        %eq3A_165 = arith.constant 0 : i32
        %eq3A_166 = arith.cmpi eq, %arg0, %eq3A_165 : i32
        %convert_element_type3A_167 = arith.extui %eq3A_166 : i1 to i32
        %cond3A_168 = arith.constant 0 : i32
        %cond3A_169 = arith.cmpi ne, %convert_element_type3A_167, %cond3A_168 : i32
        scf.if %cond3A_169 {
          %dma_start3A_304 = arith.constant 2 : i32
          %dma_start3A_305 = arith.constant 0 : i32
          %dma_start3A_306 = arith.constant 0 : i32
          %dma_start3A_307 = tpu.memref_slice %arg10[%dma_start3A_304, %dma_start3A_305, %dma_start3A_306] : memref<4x80x128xf32, #tpu.memory_space<vmem>> -> memref<1x80x128xf32, #tpu.memory_space<vmem>>
          %dma_start3A_308 = tpu.memref_squeeze %dma_start3A_307 : memref<1x80x128xf32, #tpu.memory_space<vmem>> -> memref<80x128xf32, #tpu.memory_space<vmem>>
          %dma_start3A_309 = arith.constant 0 : i32
          %dma_start3A_310 = tpu.memref_slice %arg8[%add3A_164, %dma_start3A_309] : memref<50x80xi32, #tpu.memory_space<vmem>> -> memref<1x80xi32, #tpu.memory_space<vmem>>
          %dma_start3A_311 = tpu.memref_squeeze %dma_start3A_310 : memref<1x80xi32, #tpu.memory_space<vmem>> -> memref<80xi32, #tpu.memory_space<vmem>>
          %dma_start3A_312 = arith.constant 0 : i32
          %dma_start3A_313 = arith.constant 0 : i32
          %dma_start3A_314 = tpu.memref_slice %arg2[%dma_start3A_312, %dma_start3A_313] : memref<10000x128xf32, #tpu.memory_space<hbm>> -> memref<10000x128xf32, #tpu.memory_space<hbm>>
          tpu.enqueue_indirect_dma source(%dma_start3A_314 : memref<10000x128xf32, #tpu.memory_space<hbm>>) target(%dma_start3A_308 : memref<80x128xf32, #tpu.memory_space<vmem>>) offsets(%dma_start3A_311 : memref<80xi32, #tpu.memory_space<vmem>>) semaphore(%arg14 : memref<!tpu.dma_semaphore, #tpu.memory_space<semaphore_mem>>)
        } else {
        }
        %eq3A_170 = arith.constant 1 : i32
        %eq3A_171 = arith.cmpi eq, %arg0, %eq3A_170 : i32
        %convert_element_type3A_172 = arith.extui %eq3A_171 : i1 to i32
        %cond3A_173 = arith.constant 0 : i32
        %cond3A_174 = arith.cmpi ne, %convert_element_type3A_172, %cond3A_173 : i32
        scf.if %cond3A_174 {
          %dma_start3A_304 = arith.constant 2 : i32
          %dma_start3A_305 = arith.constant 0 : i32
          %dma_start3A_306 = arith.constant 0 : i32
          %dma_start3A_307 = tpu.memref_slice %arg10[%dma_start3A_304, %dma_start3A_305, %dma_start3A_306] : memref<4x80x128xf32, #tpu.memory_space<vmem>> -> memref<1x80x128xf32, #tpu.memory_space<vmem>>
          %dma_start3A_308 = tpu.memref_squeeze %dma_start3A_307 : memref<1x80x128xf32, #tpu.memory_space<vmem>> -> memref<80x128xf32, #tpu.memory_space<vmem>>
          %dma_start3A_309 = arith.constant 0 : i32
          %dma_start3A_310 = tpu.memref_slice %arg8[%add3A_164, %dma_start3A_309] : memref<50x80xi32, #tpu.memory_space<vmem>> -> memref<1x80xi32, #tpu.memory_space<vmem>>
          %dma_start3A_311 = tpu.memref_squeeze %dma_start3A_310 : memref<1x80xi32, #tpu.memory_space<vmem>> -> memref<80xi32, #tpu.memory_space<vmem>>
          %dma_start3A_312 = arith.constant 0 : i32
          %dma_start3A_313 = arith.constant 0 : i32
          %dma_start3A_314 = tpu.memref_slice %arg3[%dma_start3A_312, %dma_start3A_313] : memref<10000x128xf32, #tpu.memory_space<hbm>> -> memref<10000x128xf32, #tpu.memory_space<hbm>>
          tpu.enqueue_indirect_dma source(%dma_start3A_314 : memref<10000x128xf32, #tpu.memory_space<hbm>>) target(%dma_start3A_308 : memref<80x128xf32, #tpu.memory_space<vmem>>) offsets(%dma_start3A_311 : memref<80xi32, #tpu.memory_space<vmem>>) semaphore(%arg14 : memref<!tpu.dma_semaphore, #tpu.memory_space<semaphore_mem>>)
        } else {
        }
        %mul3A_175 = arith.constant 4 : i32
        %mul3A_176 = arith.muli %scan3A_132, %mul3A_175 : i32
        %add3A_177 = arith.constant 1 : i32
        %add3A_178 = arith.addi %mul3A_176, %add3A_177 : i32
        %dma_wait3A_179 = arith.constant 1 : i32
        %dma_wait3A_180 = arith.constant 0 : i32
        %dma_wait3A_181 = arith.constant 0 : i32
        %dma_wait3A_182 = tpu.memref_slice %arg10[%dma_wait3A_179, %dma_wait3A_180, %dma_wait3A_181] : memref<4x80x128xf32, #tpu.memory_space<vmem>> -> memref<1x80x128xf32, #tpu.memory_space<vmem>>
        %dma_wait3A_183 = tpu.memref_squeeze %dma_wait3A_182 : memref<1x80x128xf32, #tpu.memory_space<vmem>> -> memref<80x128xf32, #tpu.memory_space<vmem>>
        %dma_wait3A_184 = arith.constant 0 : i32
        %dma_wait3A_185 = tpu.memref_slice %arg8[%add3A_178, %dma_wait3A_184] : memref<50x80xi32, #tpu.memory_space<vmem>> -> memref<1x80xi32, #tpu.memory_space<vmem>>
        %dma_wait3A_186 = tpu.memref_squeeze %dma_wait3A_185 : memref<1x80xi32, #tpu.memory_space<vmem>> -> memref<80xi32, #tpu.memory_space<vmem>>
        %dma_wait3A_187 = arith.constant 0 : i32
        %dma_wait3A_188 = arith.constant 0 : i32
        %dma_wait3A_189 = tpu.memref_slice %arg2[%dma_wait3A_187, %dma_wait3A_188] : memref<10000x128xf32, #tpu.memory_space<hbm>> -> memref<10000x128xf32, #tpu.memory_space<hbm>>
        tpu.wait_indirect_dma semaphore(%arg13 : memref<!tpu.dma_semaphore, #tpu.memory_space<semaphore_mem>>) src(%dma_wait3A_189 : memref<10000x128xf32, #tpu.memory_space<hbm>>) dst(%dma_wait3A_183 : memref<80x128xf32, #tpu.memory_space<vmem>>)
        %dma_start3A_190 = arith.constant 1 : i32
        %dma_start3A_191 = arith.constant 0 : i32
        %dma_start3A_192 = arith.constant 0 : i32
        %dma_start3A_193 = tpu.memref_slice %arg10[%dma_start3A_190, %dma_start3A_191, %dma_start3A_192] : memref<4x80x128xf32, #tpu.memory_space<vmem>> -> memref<1x80x128xf32, #tpu.memory_space<vmem>>
        %dma_start3A_194 = tpu.memref_squeeze %dma_start3A_193 : memref<1x80x128xf32, #tpu.memory_space<vmem>> -> memref<80x128xf32, #tpu.memory_space<vmem>>
        %dma_start3A_195 = arith.constant 0 : i32
        %dma_start3A_196 = tpu.memref_slice %arg9[%add3A_178, %dma_start3A_195] : memref<50x80xi32, #tpu.memory_space<vmem>> -> memref<1x80xi32, #tpu.memory_space<vmem>>
        %dma_start3A_197 = tpu.memref_squeeze %dma_start3A_196 : memref<1x80xi32, #tpu.memory_space<vmem>> -> memref<80xi32, #tpu.memory_space<vmem>>
        %dma_start3A_198 = arith.constant 0 : i32
        %dma_start3A_199 = arith.constant 0 : i32
        %dma_start3A_200 = tpu.memref_slice %arg11[%dma_start3A_198, %dma_start3A_199] : memref<10000x128xf32, #tpu.memory_space<vmem_shared>> -> memref<10000x128xf32, #tpu.memory_space<vmem_shared>>
        tpu.enqueue_indirect_dma source(%dma_start3A_194 : memref<80x128xf32, #tpu.memory_space<vmem>>) target(%dma_start3A_200 : memref<10000x128xf32, #tpu.memory_space<vmem_shared>>) offsets(%dma_start3A_197 : memref<80xi32, #tpu.memory_space<vmem>>) semaphore(%arg17 : memref<!tpu.dma_semaphore, #tpu.memory_space<semaphore_mem>>) {add = true}
        %ge3A_201 = arith.constant 2 : i32
        %ge3A_202 = arith.cmpi sge, %add3A_178, %ge3A_201 : i32
        %convert_element_type3A_203 = arith.extui %ge3A_202 : i1 to i32
        %cond3A_204 = arith.constant 0 : i32
        %cond3A_205 = arith.cmpi ne, %convert_element_type3A_203, %cond3A_204 : i32
        scf.if %cond3A_205 {
          %sub3A = arith.constant 2 : i32
          %sub3A_304 = arith.subi %add3A_178, %sub3A : i32
          %dma_wait3A_305 = arith.constant 3 : i32
          %dma_wait3A_306 = arith.constant 0 : i32
          %dma_wait3A_307 = arith.constant 0 : i32
          %dma_wait3A_308 = tpu.memref_slice %arg10[%dma_wait3A_305, %dma_wait3A_306, %dma_wait3A_307] : memref<4x80x128xf32, #tpu.memory_space<vmem>> -> memref<1x80x128xf32, #tpu.memory_space<vmem>>
          %dma_wait3A_309 = tpu.memref_squeeze %dma_wait3A_308 : memref<1x80x128xf32, #tpu.memory_space<vmem>> -> memref<80x128xf32, #tpu.memory_space<vmem>>
          %dma_wait3A_310 = arith.constant 0 : i32
          %dma_wait3A_311 = tpu.memref_slice %arg9[%sub3A_304, %dma_wait3A_310] : memref<50x80xi32, #tpu.memory_space<vmem>> -> memref<1x80xi32, #tpu.memory_space<vmem>>
          %dma_wait3A_312 = tpu.memref_squeeze %dma_wait3A_311 : memref<1x80xi32, #tpu.memory_space<vmem>> -> memref<80xi32, #tpu.memory_space<vmem>>
          %dma_wait3A_313 = arith.constant 0 : i32
          %dma_wait3A_314 = arith.constant 0 : i32
          %dma_wait3A_315 = tpu.memref_slice %arg11[%dma_wait3A_313, %dma_wait3A_314] : memref<10000x128xf32, #tpu.memory_space<vmem_shared>> -> memref<10000x128xf32, #tpu.memory_space<vmem_shared>>
          tpu.wait_indirect_dma semaphore(%arg19 : memref<!tpu.dma_semaphore, #tpu.memory_space<semaphore_mem>>) src(%dma_wait3A_309 : memref<80x128xf32, #tpu.memory_space<vmem>>) dst(%dma_wait3A_315 : memref<10000x128xf32, #tpu.memory_space<vmem_shared>>)
        } else {
        }
        %add3A_206 = arith.constant 2 : i32
        %add3A_207 = arith.addi %add3A_178, %add3A_206 : i32
        %eq3A_208 = arith.constant 0 : i32
        %eq3A_209 = arith.cmpi eq, %arg0, %eq3A_208 : i32
        %convert_element_type3A_210 = arith.extui %eq3A_209 : i1 to i32
        %cond3A_211 = arith.constant 0 : i32
        %cond3A_212 = arith.cmpi ne, %convert_element_type3A_210, %cond3A_211 : i32
        scf.if %cond3A_212 {
          %dma_start3A_304 = arith.constant 3 : i32
          %dma_start3A_305 = arith.constant 0 : i32
          %dma_start3A_306 = arith.constant 0 : i32
          %dma_start3A_307 = tpu.memref_slice %arg10[%dma_start3A_304, %dma_start3A_305, %dma_start3A_306] : memref<4x80x128xf32, #tpu.memory_space<vmem>> -> memref<1x80x128xf32, #tpu.memory_space<vmem>>
          %dma_start3A_308 = tpu.memref_squeeze %dma_start3A_307 : memref<1x80x128xf32, #tpu.memory_space<vmem>> -> memref<80x128xf32, #tpu.memory_space<vmem>>
          %dma_start3A_309 = arith.constant 0 : i32
          %dma_start3A_310 = tpu.memref_slice %arg8[%add3A_207, %dma_start3A_309] : memref<50x80xi32, #tpu.memory_space<vmem>> -> memref<1x80xi32, #tpu.memory_space<vmem>>
          %dma_start3A_311 = tpu.memref_squeeze %dma_start3A_310 : memref<1x80xi32, #tpu.memory_space<vmem>> -> memref<80xi32, #tpu.memory_space<vmem>>
          %dma_start3A_312 = arith.constant 0 : i32
          %dma_start3A_313 = arith.constant 0 : i32
          %dma_start3A_314 = tpu.memref_slice %arg2[%dma_start3A_312, %dma_start3A_313] : memref<10000x128xf32, #tpu.memory_space<hbm>> -> memref<10000x128xf32, #tpu.memory_space<hbm>>
          tpu.enqueue_indirect_dma source(%dma_start3A_314 : memref<10000x128xf32, #tpu.memory_space<hbm>>) target(%dma_start3A_308 : memref<80x128xf32, #tpu.memory_space<vmem>>) offsets(%dma_start3A_311 : memref<80xi32, #tpu.memory_space<vmem>>) semaphore(%arg15 : memref<!tpu.dma_semaphore, #tpu.memory_space<semaphore_mem>>)
        } else {
        }
        %eq3A_213 = arith.constant 1 : i32
        %eq3A_214 = arith.cmpi eq, %arg0, %eq3A_213 : i32
        %convert_element_type3A_215 = arith.extui %eq3A_214 : i1 to i32
        %cond3A_216 = arith.constant 0 : i32
        %cond3A_217 = arith.cmpi ne, %convert_element_type3A_215, %cond3A_216 : i32
        scf.if %cond3A_217 {
          %dma_start3A_304 = arith.constant 3 : i32
          %dma_start3A_305 = arith.constant 0 : i32
          %dma_start3A_306 = arith.constant 0 : i32
          %dma_start3A_307 = tpu.memref_slice %arg10[%dma_start3A_304, %dma_start3A_305, %dma_start3A_306] : memref<4x80x128xf32, #tpu.memory_space<vmem>> -> memref<1x80x128xf32, #tpu.memory_space<vmem>>
          %dma_start3A_308 = tpu.memref_squeeze %dma_start3A_307 : memref<1x80x128xf32, #tpu.memory_space<vmem>> -> memref<80x128xf32, #tpu.memory_space<vmem>>
          %dma_start3A_309 = arith.constant 0 : i32
          %dma_start3A_310 = tpu.memref_slice %arg8[%add3A_207, %dma_start3A_309] : memref<50x80xi32, #tpu.memory_space<vmem>> -> memref<1x80xi32, #tpu.memory_space<vmem>>
          %dma_start3A_311 = tpu.memref_squeeze %dma_start3A_310 : memref<1x80xi32, #tpu.memory_space<vmem>> -> memref<80xi32, #tpu.memory_space<vmem>>
          %dma_start3A_312 = arith.constant 0 : i32
          %dma_start3A_313 = arith.constant 0 : i32
          %dma_start3A_314 = tpu.memref_slice %arg3[%dma_start3A_312, %dma_start3A_313] : memref<10000x128xf32, #tpu.memory_space<hbm>> -> memref<10000x128xf32, #tpu.memory_space<hbm>>
          tpu.enqueue_indirect_dma source(%dma_start3A_314 : memref<10000x128xf32, #tpu.memory_space<hbm>>) target(%dma_start3A_308 : memref<80x128xf32, #tpu.memory_space<vmem>>) offsets(%dma_start3A_311 : memref<80xi32, #tpu.memory_space<vmem>>) semaphore(%arg15 : memref<!tpu.dma_semaphore, #tpu.memory_space<semaphore_mem>>)
        } else {
        }
        %mul3A_218 = arith.constant 4 : i32
        %mul3A_219 = arith.muli %scan3A_132, %mul3A_218 : i32
        %add3A_220 = arith.constant 2 : i32
        %add3A_221 = arith.addi %mul3A_219, %add3A_220 : i32
        %dma_wait3A_222 = arith.constant 2 : i32
        %dma_wait3A_223 = arith.constant 0 : i32
        %dma_wait3A_224 = arith.constant 0 : i32
        %dma_wait3A_225 = tpu.memref_slice %arg10[%dma_wait3A_222, %dma_wait3A_223, %dma_wait3A_224] : memref<4x80x128xf32, #tpu.memory_space<vmem>> -> memref<1x80x128xf32, #tpu.memory_space<vmem>>
        %dma_wait3A_226 = tpu.memref_squeeze %dma_wait3A_225 : memref<1x80x128xf32, #tpu.memory_space<vmem>> -> memref<80x128xf32, #tpu.memory_space<vmem>>
        %dma_wait3A_227 = arith.constant 0 : i32
        %dma_wait3A_228 = tpu.memref_slice %arg8[%add3A_221, %dma_wait3A_227] : memref<50x80xi32, #tpu.memory_space<vmem>> -> memref<1x80xi32, #tpu.memory_space<vmem>>
        %dma_wait3A_229 = tpu.memref_squeeze %dma_wait3A_228 : memref<1x80xi32, #tpu.memory_space<vmem>> -> memref<80xi32, #tpu.memory_space<vmem>>
        %dma_wait3A_230 = arith.constant 0 : i32
        %dma_wait3A_231 = arith.constant 0 : i32
        %dma_wait3A_232 = tpu.memref_slice %arg2[%dma_wait3A_230, %dma_wait3A_231] : memref<10000x128xf32, #tpu.memory_space<hbm>> -> memref<10000x128xf32, #tpu.memory_space<hbm>>
        tpu.wait_indirect_dma semaphore(%arg14 : memref<!tpu.dma_semaphore, #tpu.memory_space<semaphore_mem>>) src(%dma_wait3A_232 : memref<10000x128xf32, #tpu.memory_space<hbm>>) dst(%dma_wait3A_226 : memref<80x128xf32, #tpu.memory_space<vmem>>)
        %dma_start3A_233 = arith.constant 2 : i32
        %dma_start3A_234 = arith.constant 0 : i32
        %dma_start3A_235 = arith.constant 0 : i32
        %dma_start3A_236 = tpu.memref_slice %arg10[%dma_start3A_233, %dma_start3A_234, %dma_start3A_235] : memref<4x80x128xf32, #tpu.memory_space<vmem>> -> memref<1x80x128xf32, #tpu.memory_space<vmem>>
        %dma_start3A_237 = tpu.memref_squeeze %dma_start3A_236 : memref<1x80x128xf32, #tpu.memory_space<vmem>> -> memref<80x128xf32, #tpu.memory_space<vmem>>
        %dma_start3A_238 = arith.constant 0 : i32
        %dma_start3A_239 = tpu.memref_slice %arg9[%add3A_221, %dma_start3A_238] : memref<50x80xi32, #tpu.memory_space<vmem>> -> memref<1x80xi32, #tpu.memory_space<vmem>>
        %dma_start3A_240 = tpu.memref_squeeze %dma_start3A_239 : memref<1x80xi32, #tpu.memory_space<vmem>> -> memref<80xi32, #tpu.memory_space<vmem>>
        %dma_start3A_241 = arith.constant 0 : i32
        %dma_start3A_242 = arith.constant 0 : i32
        %dma_start3A_243 = tpu.memref_slice %arg11[%dma_start3A_241, %dma_start3A_242] : memref<10000x128xf32, #tpu.memory_space<vmem_shared>> -> memref<10000x128xf32, #tpu.memory_space<vmem_shared>>
        tpu.enqueue_indirect_dma source(%dma_start3A_237 : memref<80x128xf32, #tpu.memory_space<vmem>>) target(%dma_start3A_243 : memref<10000x128xf32, #tpu.memory_space<vmem_shared>>) offsets(%dma_start3A_240 : memref<80xi32, #tpu.memory_space<vmem>>) semaphore(%arg18 : memref<!tpu.dma_semaphore, #tpu.memory_space<semaphore_mem>>) {add = true}
        %ge3A_244 = arith.constant 2 : i32
        %ge3A_245 = arith.cmpi sge, %add3A_221, %ge3A_244 : i32
        %convert_element_type3A_246 = arith.extui %ge3A_245 : i1 to i32
        %cond3A_247 = arith.constant 0 : i32
        %cond3A_248 = arith.cmpi ne, %convert_element_type3A_246, %cond3A_247 : i32
        scf.if %cond3A_248 {
          %sub3A = arith.constant 2 : i32
          %sub3A_304 = arith.subi %add3A_221, %sub3A : i32
          %dma_wait3A_305 = arith.constant 0 : i32
          %dma_wait3A_306 = arith.constant 0 : i32
          %dma_wait3A_307 = arith.constant 0 : i32
          %dma_wait3A_308 = tpu.memref_slice %arg10[%dma_wait3A_305, %dma_wait3A_306, %dma_wait3A_307] : memref<4x80x128xf32, #tpu.memory_space<vmem>> -> memref<1x80x128xf32, #tpu.memory_space<vmem>>
          %dma_wait3A_309 = tpu.memref_squeeze %dma_wait3A_308 : memref<1x80x128xf32, #tpu.memory_space<vmem>> -> memref<80x128xf32, #tpu.memory_space<vmem>>
          %dma_wait3A_310 = arith.constant 0 : i32
          %dma_wait3A_311 = tpu.memref_slice %arg9[%sub3A_304, %dma_wait3A_310] : memref<50x80xi32, #tpu.memory_space<vmem>> -> memref<1x80xi32, #tpu.memory_space<vmem>>
          %dma_wait3A_312 = tpu.memref_squeeze %dma_wait3A_311 : memref<1x80xi32, #tpu.memory_space<vmem>> -> memref<80xi32, #tpu.memory_space<vmem>>
          %dma_wait3A_313 = arith.constant 0 : i32
          %dma_wait3A_314 = arith.constant 0 : i32
          %dma_wait3A_315 = tpu.memref_slice %arg11[%dma_wait3A_313, %dma_wait3A_314] : memref<10000x128xf32, #tpu.memory_space<vmem_shared>> -> memref<10000x128xf32, #tpu.memory_space<vmem_shared>>
          tpu.wait_indirect_dma semaphore(%arg16 : memref<!tpu.dma_semaphore, #tpu.memory_space<semaphore_mem>>) src(%dma_wait3A_309 : memref<80x128xf32, #tpu.memory_space<vmem>>) dst(%dma_wait3A_315 : memref<10000x128xf32, #tpu.memory_space<vmem_shared>>)
        } else {
        }
        %add3A_249 = arith.constant 2 : i32
        %add3A_250 = arith.addi %add3A_221, %add3A_249 : i32
        %eq3A_251 = arith.constant 0 : i32
        %eq3A_252 = arith.cmpi eq, %arg0, %eq3A_251 : i32
        %convert_element_type3A_253 = arith.extui %eq3A_252 : i1 to i32
        %cond3A_254 = arith.constant 0 : i32
        %cond3A_255 = arith.cmpi ne, %convert_element_type3A_253, %cond3A_254 : i32
        scf.if %cond3A_255 {
          %dma_start3A_304 = arith.constant 0 : i32
          %dma_start3A_305 = arith.constant 0 : i32
          %dma_start3A_306 = arith.constant 0 : i32
          %dma_start3A_307 = tpu.memref_slice %arg10[%dma_start3A_304, %dma_start3A_305, %dma_start3A_306] : memref<4x80x128xf32, #tpu.memory_space<vmem>> -> memref<1x80x128xf32, #tpu.memory_space<vmem>>
          %dma_start3A_308 = tpu.memref_squeeze %dma_start3A_307 : memref<1x80x128xf32, #tpu.memory_space<vmem>> -> memref<80x128xf32, #tpu.memory_space<vmem>>
          %dma_start3A_309 = arith.constant 0 : i32
          %dma_start3A_310 = tpu.memref_slice %arg8[%add3A_250, %dma_start3A_309] : memref<50x80xi32, #tpu.memory_space<vmem>> -> memref<1x80xi32, #tpu.memory_space<vmem>>
          %dma_start3A_311 = tpu.memref_squeeze %dma_start3A_310 : memref<1x80xi32, #tpu.memory_space<vmem>> -> memref<80xi32, #tpu.memory_space<vmem>>
          %dma_start3A_312 = arith.constant 0 : i32
          %dma_start3A_313 = arith.constant 0 : i32
          %dma_start3A_314 = tpu.memref_slice %arg2[%dma_start3A_312, %dma_start3A_313] : memref<10000x128xf32, #tpu.memory_space<hbm>> -> memref<10000x128xf32, #tpu.memory_space<hbm>>
          tpu.enqueue_indirect_dma source(%dma_start3A_314 : memref<10000x128xf32, #tpu.memory_space<hbm>>) target(%dma_start3A_308 : memref<80x128xf32, #tpu.memory_space<vmem>>) offsets(%dma_start3A_311 : memref<80xi32, #tpu.memory_space<vmem>>) semaphore(%arg12 : memref<!tpu.dma_semaphore, #tpu.memory_space<semaphore_mem>>)
        } else {
        }
        %eq3A_256 = arith.constant 1 : i32
        %eq3A_257 = arith.cmpi eq, %arg0, %eq3A_256 : i32
        %convert_element_type3A_258 = arith.extui %eq3A_257 : i1 to i32
        %cond3A_259 = arith.constant 0 : i32
        %cond3A_260 = arith.cmpi ne, %convert_element_type3A_258, %cond3A_259 : i32
        scf.if %cond3A_260 {
          %dma_start3A_304 = arith.constant 0 : i32
          %dma_start3A_305 = arith.constant 0 : i32
          %dma_start3A_306 = arith.constant 0 : i32
          %dma_start3A_307 = tpu.memref_slice %arg10[%dma_start3A_304, %dma_start3A_305, %dma_start3A_306] : memref<4x80x128xf32, #tpu.memory_space<vmem>> -> memref<1x80x128xf32, #tpu.memory_space<vmem>>
          %dma_start3A_308 = tpu.memref_squeeze %dma_start3A_307 : memref<1x80x128xf32, #tpu.memory_space<vmem>> -> memref<80x128xf32, #tpu.memory_space<vmem>>
          %dma_start3A_309 = arith.constant 0 : i32
          %dma_start3A_310 = tpu.memref_slice %arg8[%add3A_250, %dma_start3A_309] : memref<50x80xi32, #tpu.memory_space<vmem>> -> memref<1x80xi32, #tpu.memory_space<vmem>>
          %dma_start3A_311 = tpu.memref_squeeze %dma_start3A_310 : memref<1x80xi32, #tpu.memory_space<vmem>> -> memref<80xi32, #tpu.memory_space<vmem>>
          %dma_start3A_312 = arith.constant 0 : i32
          %dma_start3A_313 = arith.constant 0 : i32
          %dma_start3A_314 = tpu.memref_slice %arg3[%dma_start3A_312, %dma_start3A_313] : memref<10000x128xf32, #tpu.memory_space<hbm>> -> memref<10000x128xf32, #tpu.memory_space<hbm>>
          tpu.enqueue_indirect_dma source(%dma_start3A_314 : memref<10000x128xf32, #tpu.memory_space<hbm>>) target(%dma_start3A_308 : memref<80x128xf32, #tpu.memory_space<vmem>>) offsets(%dma_start3A_311 : memref<80xi32, #tpu.memory_space<vmem>>) semaphore(%arg12 : memref<!tpu.dma_semaphore, #tpu.memory_space<semaphore_mem>>)
        } else {
        }
        %mul3A_261 = arith.constant 4 : i32
        %mul3A_262 = arith.muli %scan3A_132, %mul3A_261 : i32
        %add3A_263 = arith.constant 3 : i32
        %add3A_264 = arith.addi %mul3A_262, %add3A_263 : i32
        %dma_wait3A_265 = arith.constant 3 : i32
        %dma_wait3A_266 = arith.constant 0 : i32
        %dma_wait3A_267 = arith.constant 0 : i32
        %dma_wait3A_268 = tpu.memref_slice %arg10[%dma_wait3A_265, %dma_wait3A_266, %dma_wait3A_267] : memref<4x80x128xf32, #tpu.memory_space<vmem>> -> memref<1x80x128xf32, #tpu.memory_space<vmem>>
        %dma_wait3A_269 = tpu.memref_squeeze %dma_wait3A_268 : memref<1x80x128xf32, #tpu.memory_space<vmem>> -> memref<80x128xf32, #tpu.memory_space<vmem>>
        %dma_wait3A_270 = arith.constant 0 : i32
        %dma_wait3A_271 = tpu.memref_slice %arg8[%add3A_264, %dma_wait3A_270] : memref<50x80xi32, #tpu.memory_space<vmem>> -> memref<1x80xi32, #tpu.memory_space<vmem>>
        %dma_wait3A_272 = tpu.memref_squeeze %dma_wait3A_271 : memref<1x80xi32, #tpu.memory_space<vmem>> -> memref<80xi32, #tpu.memory_space<vmem>>
        %dma_wait3A_273 = arith.constant 0 : i32
        %dma_wait3A_274 = arith.constant 0 : i32
        %dma_wait3A_275 = tpu.memref_slice %arg2[%dma_wait3A_273, %dma_wait3A_274] : memref<10000x128xf32, #tpu.memory_space<hbm>> -> memref<10000x128xf32, #tpu.memory_space<hbm>>
        tpu.wait_indirect_dma semaphore(%arg15 : memref<!tpu.dma_semaphore, #tpu.memory_space<semaphore_mem>>) src(%dma_wait3A_275 : memref<10000x128xf32, #tpu.memory_space<hbm>>) dst(%dma_wait3A_269 : memref<80x128xf32, #tpu.memory_space<vmem>>)
        %dma_start3A_276 = arith.constant 3 : i32
        %dma_start3A_277 = arith.constant 0 : i32
        %dma_start3A_278 = arith.constant 0 : i32
        %dma_start3A_279 = tpu.memref_slice %arg10[%dma_start3A_276, %dma_start3A_277, %dma_start3A_278] : memref<4x80x128xf32, #tpu.memory_space<vmem>> -> memref<1x80x128xf32, #tpu.memory_space<vmem>>
        %dma_start3A_280 = tpu.memref_squeeze %dma_start3A_279 : memref<1x80x128xf32, #tpu.memory_space<vmem>> -> memref<80x128xf32, #tpu.memory_space<vmem>>
        %dma_start3A_281 = arith.constant 0 : i32
        %dma_start3A_282 = tpu.memref_slice %arg9[%add3A_264, %dma_start3A_281] : memref<50x80xi32, #tpu.memory_space<vmem>> -> memref<1x80xi32, #tpu.memory_space<vmem>>
        %dma_start3A_283 = tpu.memref_squeeze %dma_start3A_282 : memref<1x80xi32, #tpu.memory_space<vmem>> -> memref<80xi32, #tpu.memory_space<vmem>>
        %dma_start3A_284 = arith.constant 0 : i32
        %dma_start3A_285 = arith.constant 0 : i32
        %dma_start3A_286 = tpu.memref_slice %arg11[%dma_start3A_284, %dma_start3A_285] : memref<10000x128xf32, #tpu.memory_space<vmem_shared>> -> memref<10000x128xf32, #tpu.memory_space<vmem_shared>>
        tpu.enqueue_indirect_dma source(%dma_start3A_280 : memref<80x128xf32, #tpu.memory_space<vmem>>) target(%dma_start3A_286 : memref<10000x128xf32, #tpu.memory_space<vmem_shared>>) offsets(%dma_start3A_283 : memref<80xi32, #tpu.memory_space<vmem>>) semaphore(%arg19 : memref<!tpu.dma_semaphore, #tpu.memory_space<semaphore_mem>>) {add = true}
        %ge3A_287 = arith.constant 2 : i32
        %ge3A_288 = arith.cmpi sge, %add3A_264, %ge3A_287 : i32
        %convert_element_type3A_289 = arith.extui %ge3A_288 : i1 to i32
        %cond3A_290 = arith.constant 0 : i32
        %cond3A_291 = arith.cmpi ne, %convert_element_type3A_289, %cond3A_290 : i32
        scf.if %cond3A_291 {
          %sub3A = arith.constant 2 : i32
          %sub3A_304 = arith.subi %add3A_264, %sub3A : i32
          %dma_wait3A_305 = arith.constant 1 : i32
          %dma_wait3A_306 = arith.constant 0 : i32
          %dma_wait3A_307 = arith.constant 0 : i32
          %dma_wait3A_308 = tpu.memref_slice %arg10[%dma_wait3A_305, %dma_wait3A_306, %dma_wait3A_307] : memref<4x80x128xf32, #tpu.memory_space<vmem>> -> memref<1x80x128xf32, #tpu.memory_space<vmem>>
          %dma_wait3A_309 = tpu.memref_squeeze %dma_wait3A_308 : memref<1x80x128xf32, #tpu.memory_space<vmem>> -> memref<80x128xf32, #tpu.memory_space<vmem>>
          %dma_wait3A_310 = arith.constant 0 : i32
          %dma_wait3A_311 = tpu.memref_slice %arg9[%sub3A_304, %dma_wait3A_310] : memref<50x80xi32, #tpu.memory_space<vmem>> -> memref<1x80xi32, #tpu.memory_space<vmem>>
          %dma_wait3A_312 = tpu.memref_squeeze %dma_wait3A_311 : memref<1x80xi32, #tpu.memory_space<vmem>> -> memref<80xi32, #tpu.memory_space<vmem>>
          %dma_wait3A_313 = arith.constant 0 : i32
          %dma_wait3A_314 = arith.constant 0 : i32
          %dma_wait3A_315 = tpu.memref_slice %arg11[%dma_wait3A_313, %dma_wait3A_314] : memref<10000x128xf32, #tpu.memory_space<vmem_shared>> -> memref<10000x128xf32, #tpu.memory_space<vmem_shared>>
          tpu.wait_indirect_dma semaphore(%arg17 : memref<!tpu.dma_semaphore, #tpu.memory_space<semaphore_mem>>) src(%dma_wait3A_309 : memref<80x128xf32, #tpu.memory_space<vmem>>) dst(%dma_wait3A_315 : memref<10000x128xf32, #tpu.memory_space<vmem_shared>>)
        } else {
        }
        %add3A_292 = arith.constant 2 : i32
        %add3A_293 = arith.addi %add3A_264, %add3A_292 : i32
        %eq3A_294 = arith.constant 0 : i32
        %eq3A_295 = arith.cmpi eq, %arg0, %eq3A_294 : i32
        %convert_element_type3A_296 = arith.extui %eq3A_295 : i1 to i32
        %cond3A_297 = arith.constant 0 : i32
        %cond3A_298 = arith.cmpi ne, %convert_element_type3A_296, %cond3A_297 : i32
        scf.if %cond3A_298 {
          %dma_start3A_304 = arith.constant 1 : i32
          %dma_start3A_305 = arith.constant 0 : i32
          %dma_start3A_306 = arith.constant 0 : i32
          %dma_start3A_307 = tpu.memref_slice %arg10[%dma_start3A_304, %dma_start3A_305, %dma_start3A_306] : memref<4x80x128xf32, #tpu.memory_space<vmem>> -> memref<1x80x128xf32, #tpu.memory_space<vmem>>
          %dma_start3A_308 = tpu.memref_squeeze %dma_start3A_307 : memref<1x80x128xf32, #tpu.memory_space<vmem>> -> memref<80x128xf32, #tpu.memory_space<vmem>>
          %dma_start3A_309 = arith.constant 0 : i32
          %dma_start3A_310 = tpu.memref_slice %arg8[%add3A_293, %dma_start3A_309] : memref<50x80xi32, #tpu.memory_space<vmem>> -> memref<1x80xi32, #tpu.memory_space<vmem>>
          %dma_start3A_311 = tpu.memref_squeeze %dma_start3A_310 : memref<1x80xi32, #tpu.memory_space<vmem>> -> memref<80xi32, #tpu.memory_space<vmem>>
          %dma_start3A_312 = arith.constant 0 : i32
          %dma_start3A_313 = arith.constant 0 : i32
          %dma_start3A_314 = tpu.memref_slice %arg2[%dma_start3A_312, %dma_start3A_313] : memref<10000x128xf32, #tpu.memory_space<hbm>> -> memref<10000x128xf32, #tpu.memory_space<hbm>>
          tpu.enqueue_indirect_dma source(%dma_start3A_314 : memref<10000x128xf32, #tpu.memory_space<hbm>>) target(%dma_start3A_308 : memref<80x128xf32, #tpu.memory_space<vmem>>) offsets(%dma_start3A_311 : memref<80xi32, #tpu.memory_space<vmem>>) semaphore(%arg13 : memref<!tpu.dma_semaphore, #tpu.memory_space<semaphore_mem>>)
        } else {
        }
        %eq3A_299 = arith.constant 1 : i32
        %eq3A_300 = arith.cmpi eq, %arg0, %eq3A_299 : i32
        %convert_element_type3A_301 = arith.extui %eq3A_300 : i1 to i32
        %cond3A_302 = arith.constant 0 : i32
        %cond3A_303 = arith.cmpi ne, %convert_element_type3A_301, %cond3A_302 : i32
        scf.if %cond3A_303 {
          %dma_start3A_304 = arith.constant 1 : i32
          %dma_start3A_305 = arith.constant 0 : i32
          %dma_start3A_306 = arith.constant 0 : i32
          %dma_start3A_307 = tpu.memref_slice %arg10[%dma_start3A_304, %dma_start3A_305, %dma_start3A_306] : memref<4x80x128xf32, #tpu.memory_space<vmem>> -> memref<1x80x128xf32, #tpu.memory_space<vmem>>
          %dma_start3A_308 = tpu.memref_squeeze %dma_start3A_307 : memref<1x80x128xf32, #tpu.memory_space<vmem>> -> memref<80x128xf32, #tpu.memory_space<vmem>>
          %dma_start3A_309 = arith.constant 0 : i32
          %dma_start3A_310 = tpu.memref_slice %arg8[%add3A_293, %dma_start3A_309] : memref<50x80xi32, #tpu.memory_space<vmem>> -> memref<1x80xi32, #tpu.memory_space<vmem>>
          %dma_start3A_311 = tpu.memref_squeeze %dma_start3A_310 : memref<1x80xi32, #tpu.memory_space<vmem>> -> memref<80xi32, #tpu.memory_space<vmem>>
          %dma_start3A_312 = arith.constant 0 : i32
          %dma_start3A_313 = arith.constant 0 : i32
          %dma_start3A_314 = tpu.memref_slice %arg3[%dma_start3A_312, %dma_start3A_313] : memref<10000x128xf32, #tpu.memory_space<hbm>> -> memref<10000x128xf32, #tpu.memory_space<hbm>>
          tpu.enqueue_indirect_dma source(%dma_start3A_314 : memref<10000x128xf32, #tpu.memory_space<hbm>>) target(%dma_start3A_308 : memref<80x128xf32, #tpu.memory_space<vmem>>) offsets(%dma_start3A_311 : memref<80xi32, #tpu.memory_space<vmem>>) semaphore(%arg13 : memref<!tpu.dma_semaphore, #tpu.memory_space<semaphore_mem>>)
        } else {
        }
      }
      %scan3A_37 = arith.constant 12 : i32
      %dma_wait3A = arith.constant 48 : i32
      %dma_wait3A_38 = arith.constant 0 : i32
      %dma_wait3A_39 = arith.constant 0 : i32
      %dma_wait3A_40 = arith.constant 0 : i32
      %dma_wait3A_41 = tpu.memref_slice %arg10[%dma_wait3A_38, %dma_wait3A_39, %dma_wait3A_40] : memref<4x80x128xf32, #tpu.memory_space<vmem>> -> memref<1x80x128xf32, #tpu.memory_space<vmem>>
      %dma_wait3A_42 = tpu.memref_squeeze %dma_wait3A_41 : memref<1x80x128xf32, #tpu.memory_space<vmem>> -> memref<80x128xf32, #tpu.memory_space<vmem>>
      %dma_wait3A_43 = arith.constant 0 : i32
      %dma_wait3A_44 = tpu.memref_slice %arg8[%dma_wait3A, %dma_wait3A_43] : memref<50x80xi32, #tpu.memory_space<vmem>> -> memref<1x80xi32, #tpu.memory_space<vmem>>
      %dma_wait3A_45 = tpu.memref_squeeze %dma_wait3A_44 : memref<1x80xi32, #tpu.memory_space<vmem>> -> memref<80xi32, #tpu.memory_space<vmem>>
      %dma_wait3A_46 = arith.constant 0 : i32
      %dma_wait3A_47 = arith.constant 0 : i32
      %dma_wait3A_48 = tpu.memref_slice %arg2[%dma_wait3A_46, %dma_wait3A_47] : memref<10000x128xf32, #tpu.memory_space<hbm>> -> memref<10000x128xf32, #tpu.memory_space<hbm>>
      tpu.wait_indirect_dma semaphore(%arg12 : memref<!tpu.dma_semaphore, #tpu.memory_space<semaphore_mem>>) src(%dma_wait3A_48 : memref<10000x128xf32, #tpu.memory_space<hbm>>) dst(%dma_wait3A_42 : memref<80x128xf32, #tpu.memory_space<vmem>>)
      %dma_start3A = arith.constant 0 : i32
      %dma_start3A_49 = arith.constant 48 : i32
      %dma_start3A_50 = arith.constant 0 : i32
      %dma_start3A_51 = arith.constant 0 : i32
      %dma_start3A_52 = tpu.memref_slice %arg10[%dma_start3A, %dma_start3A_50, %dma_start3A_51] : memref<4x80x128xf32, #tpu.memory_space<vmem>> -> memref<1x80x128xf32, #tpu.memory_space<vmem>>
      %dma_start3A_53 = tpu.memref_squeeze %dma_start3A_52 : memref<1x80x128xf32, #tpu.memory_space<vmem>> -> memref<80x128xf32, #tpu.memory_space<vmem>>
      %dma_start3A_54 = arith.constant 0 : i32
      %dma_start3A_55 = tpu.memref_slice %arg9[%dma_start3A_49, %dma_start3A_54] : memref<50x80xi32, #tpu.memory_space<vmem>> -> memref<1x80xi32, #tpu.memory_space<vmem>>
      %dma_start3A_56 = tpu.memref_squeeze %dma_start3A_55 : memref<1x80xi32, #tpu.memory_space<vmem>> -> memref<80xi32, #tpu.memory_space<vmem>>
      %dma_start3A_57 = arith.constant 0 : i32
      %dma_start3A_58 = arith.constant 0 : i32
      %dma_start3A_59 = tpu.memref_slice %arg11[%dma_start3A_57, %dma_start3A_58] : memref<10000x128xf32, #tpu.memory_space<vmem_shared>> -> memref<10000x128xf32, #tpu.memory_space<vmem_shared>>
      tpu.enqueue_indirect_dma source(%dma_start3A_53 : memref<80x128xf32, #tpu.memory_space<vmem>>) target(%dma_start3A_59 : memref<10000x128xf32, #tpu.memory_space<vmem_shared>>) offsets(%dma_start3A_56 : memref<80xi32, #tpu.memory_space<vmem>>) semaphore(%arg16 : memref<!tpu.dma_semaphore, #tpu.memory_space<semaphore_mem>>) {add = true}
      %dma_wait3A_60 = arith.constant 49 : i32
      %dma_wait3A_61 = arith.constant 1 : i32
      %dma_wait3A_62 = arith.constant 0 : i32
      %dma_wait3A_63 = arith.constant 0 : i32
      %dma_wait3A_64 = tpu.memref_slice %arg10[%dma_wait3A_61, %dma_wait3A_62, %dma_wait3A_63] : memref<4x80x128xf32, #tpu.memory_space<vmem>> -> memref<1x80x128xf32, #tpu.memory_space<vmem>>
      %dma_wait3A_65 = tpu.memref_squeeze %dma_wait3A_64 : memref<1x80x128xf32, #tpu.memory_space<vmem>> -> memref<80x128xf32, #tpu.memory_space<vmem>>
      %dma_wait3A_66 = arith.constant 0 : i32
      %dma_wait3A_67 = tpu.memref_slice %arg8[%dma_wait3A_60, %dma_wait3A_66] : memref<50x80xi32, #tpu.memory_space<vmem>> -> memref<1x80xi32, #tpu.memory_space<vmem>>
      %dma_wait3A_68 = tpu.memref_squeeze %dma_wait3A_67 : memref<1x80xi32, #tpu.memory_space<vmem>> -> memref<80xi32, #tpu.memory_space<vmem>>
      %dma_wait3A_69 = arith.constant 0 : i32
      %dma_wait3A_70 = arith.constant 0 : i32
      %dma_wait3A_71 = tpu.memref_slice %arg2[%dma_wait3A_69, %dma_wait3A_70] : memref<10000x128xf32, #tpu.memory_space<hbm>> -> memref<10000x128xf32, #tpu.memory_space<hbm>>
      tpu.wait_indirect_dma semaphore(%arg13 : memref<!tpu.dma_semaphore, #tpu.memory_space<semaphore_mem>>) src(%dma_wait3A_71 : memref<10000x128xf32, #tpu.memory_space<hbm>>) dst(%dma_wait3A_65 : memref<80x128xf32, #tpu.memory_space<vmem>>)
      %dma_start3A_72 = arith.constant 1 : i32
      %dma_start3A_73 = arith.constant 49 : i32
      %dma_start3A_74 = arith.constant 0 : i32
      %dma_start3A_75 = arith.constant 0 : i32
      %dma_start3A_76 = tpu.memref_slice %arg10[%dma_start3A_72, %dma_start3A_74, %dma_start3A_75] : memref<4x80x128xf32, #tpu.memory_space<vmem>> -> memref<1x80x128xf32, #tpu.memory_space<vmem>>
      %dma_start3A_77 = tpu.memref_squeeze %dma_start3A_76 : memref<1x80x128xf32, #tpu.memory_space<vmem>> -> memref<80x128xf32, #tpu.memory_space<vmem>>
      %dma_start3A_78 = arith.constant 0 : i32
      %dma_start3A_79 = tpu.memref_slice %arg9[%dma_start3A_73, %dma_start3A_78] : memref<50x80xi32, #tpu.memory_space<vmem>> -> memref<1x80xi32, #tpu.memory_space<vmem>>
      %dma_start3A_80 = tpu.memref_squeeze %dma_start3A_79 : memref<1x80xi32, #tpu.memory_space<vmem>> -> memref<80xi32, #tpu.memory_space<vmem>>
      %dma_start3A_81 = arith.constant 0 : i32
      %dma_start3A_82 = arith.constant 0 : i32
      %dma_start3A_83 = tpu.memref_slice %arg11[%dma_start3A_81, %dma_start3A_82] : memref<10000x128xf32, #tpu.memory_space<vmem_shared>> -> memref<10000x128xf32, #tpu.memory_space<vmem_shared>>
      tpu.enqueue_indirect_dma source(%dma_start3A_77 : memref<80x128xf32, #tpu.memory_space<vmem>>) target(%dma_start3A_83 : memref<10000x128xf32, #tpu.memory_space<vmem_shared>>) offsets(%dma_start3A_80 : memref<80xi32, #tpu.memory_space<vmem>>) semaphore(%arg17 : memref<!tpu.dma_semaphore, #tpu.memory_space<semaphore_mem>>) {add = true}
      %dma_wait3A_84 = arith.constant 2 : i32
      %dma_wait3A_85 = arith.constant 46 : i32
      %dma_wait3A_86 = arith.constant 0 : i32
      %dma_wait3A_87 = arith.constant 0 : i32
      %dma_wait3A_88 = tpu.memref_slice %arg10[%dma_wait3A_84, %dma_wait3A_86, %dma_wait3A_87] : memref<4x80x128xf32, #tpu.memory_space<vmem>> -> memref<1x80x128xf32, #tpu.memory_space<vmem>>
      %dma_wait3A_89 = tpu.memref_squeeze %dma_wait3A_88 : memref<1x80x128xf32, #tpu.memory_space<vmem>> -> memref<80x128xf32, #tpu.memory_space<vmem>>
      %dma_wait3A_90 = arith.constant 0 : i32
      %dma_wait3A_91 = tpu.memref_slice %arg9[%dma_wait3A_85, %dma_wait3A_90] : memref<50x80xi32, #tpu.memory_space<vmem>> -> memref<1x80xi32, #tpu.memory_space<vmem>>
      %dma_wait3A_92 = tpu.memref_squeeze %dma_wait3A_91 : memref<1x80xi32, #tpu.memory_space<vmem>> -> memref<80xi32, #tpu.memory_space<vmem>>
      %dma_wait3A_93 = arith.constant 0 : i32
      %dma_wait3A_94 = arith.constant 0 : i32
      %dma_wait3A_95 = tpu.memref_slice %arg11[%dma_wait3A_93, %dma_wait3A_94] : memref<10000x128xf32, #tpu.memory_space<vmem_shared>> -> memref<10000x128xf32, #tpu.memory_space<vmem_shared>>
      tpu.wait_indirect_dma semaphore(%arg18 : memref<!tpu.dma_semaphore, #tpu.memory_space<semaphore_mem>>) src(%dma_wait3A_89 : memref<80x128xf32, #tpu.memory_space<vmem>>) dst(%dma_wait3A_95 : memref<10000x128xf32, #tpu.memory_space<vmem_shared>>)
      %dma_wait3A_96 = arith.constant 3 : i32
      %dma_wait3A_97 = arith.constant 47 : i32
      %dma_wait3A_98 = arith.constant 0 : i32
      %dma_wait3A_99 = arith.constant 0 : i32
      %dma_wait3A_100 = tpu.memref_slice %arg10[%dma_wait3A_96, %dma_wait3A_98, %dma_wait3A_99] : memref<4x80x128xf32, #tpu.memory_space<vmem>> -> memref<1x80x128xf32, #tpu.memory_space<vmem>>
      %dma_wait3A_101 = tpu.memref_squeeze %dma_wait3A_100 : memref<1x80x128xf32, #tpu.memory_space<vmem>> -> memref<80x128xf32, #tpu.memory_space<vmem>>
      %dma_wait3A_102 = arith.constant 0 : i32
      %dma_wait3A_103 = tpu.memref_slice %arg9[%dma_wait3A_97, %dma_wait3A_102] : memref<50x80xi32, #tpu.memory_space<vmem>> -> memref<1x80xi32, #tpu.memory_space<vmem>>
      %dma_wait3A_104 = tpu.memref_squeeze %dma_wait3A_103 : memref<1x80xi32, #tpu.memory_space<vmem>> -> memref<80xi32, #tpu.memory_space<vmem>>
      %dma_wait3A_105 = arith.constant 0 : i32
      %dma_wait3A_106 = arith.constant 0 : i32
      %dma_wait3A_107 = tpu.memref_slice %arg11[%dma_wait3A_105, %dma_wait3A_106] : memref<10000x128xf32, #tpu.memory_space<vmem_shared>> -> memref<10000x128xf32, #tpu.memory_space<vmem_shared>>
      tpu.wait_indirect_dma semaphore(%arg19 : memref<!tpu.dma_semaphore, #tpu.memory_space<semaphore_mem>>) src(%dma_wait3A_101 : memref<80x128xf32, #tpu.memory_space<vmem>>) dst(%dma_wait3A_107 : memref<10000x128xf32, #tpu.memory_space<vmem_shared>>)
      %dma_wait3A_108 = arith.constant 0 : i32
      %dma_wait3A_109 = arith.constant 48 : i32
      %dma_wait3A_110 = arith.constant 0 : i32
      %dma_wait3A_111 = arith.constant 0 : i32
      %dma_wait3A_112 = tpu.memref_slice %arg10[%dma_wait3A_108, %dma_wait3A_110, %dma_wait3A_111] : memref<4x80x128xf32, #tpu.memory_space<vmem>> -> memref<1x80x128xf32, #tpu.memory_space<vmem>>
      %dma_wait3A_113 = tpu.memref_squeeze %dma_wait3A_112 : memref<1x80x128xf32, #tpu.memory_space<vmem>> -> memref<80x128xf32, #tpu.memory_space<vmem>>
      %dma_wait3A_114 = arith.constant 0 : i32
      %dma_wait3A_115 = tpu.memref_slice %arg9[%dma_wait3A_109, %dma_wait3A_114] : memref<50x80xi32, #tpu.memory_space<vmem>> -> memref<1x80xi32, #tpu.memory_space<vmem>>
      %dma_wait3A_116 = tpu.memref_squeeze %dma_wait3A_115 : memref<1x80xi32, #tpu.memory_space<vmem>> -> memref<80xi32, #tpu.memory_space<vmem>>
      %dma_wait3A_117 = arith.constant 0 : i32
      %dma_wait3A_118 = arith.constant 0 : i32
      %dma_wait3A_119 = tpu.memref_slice %arg11[%dma_wait3A_117, %dma_wait3A_118] : memref<10000x128xf32, #tpu.memory_space<vmem_shared>> -> memref<10000x128xf32, #tpu.memory_space<vmem_shared>>
      tpu.wait_indirect_dma semaphore(%arg16 : memref<!tpu.dma_semaphore, #tpu.memory_space<semaphore_mem>>) src(%dma_wait3A_113 : memref<80x128xf32, #tpu.memory_space<vmem>>) dst(%dma_wait3A_119 : memref<10000x128xf32, #tpu.memory_space<vmem_shared>>)
      %dma_wait3A_120 = arith.constant 1 : i32
      %dma_wait3A_121 = arith.constant 49 : i32
      %dma_wait3A_122 = arith.constant 0 : i32
      %dma_wait3A_123 = arith.constant 0 : i32
      %dma_wait3A_124 = tpu.memref_slice %arg10[%dma_wait3A_120, %dma_wait3A_122, %dma_wait3A_123] : memref<4x80x128xf32, #tpu.memory_space<vmem>> -> memref<1x80x128xf32, #tpu.memory_space<vmem>>
      %dma_wait3A_125 = tpu.memref_squeeze %dma_wait3A_124 : memref<1x80x128xf32, #tpu.memory_space<vmem>> -> memref<80x128xf32, #tpu.memory_space<vmem>>
      %dma_wait3A_126 = arith.constant 0 : i32
      %dma_wait3A_127 = tpu.memref_slice %arg9[%dma_wait3A_121, %dma_wait3A_126] : memref<50x80xi32, #tpu.memory_space<vmem>> -> memref<1x80xi32, #tpu.memory_space<vmem>>
      %dma_wait3A_128 = tpu.memref_squeeze %dma_wait3A_127 : memref<1x80xi32, #tpu.memory_space<vmem>> -> memref<80xi32, #tpu.memory_space<vmem>>
      %dma_wait3A_129 = arith.constant 0 : i32
      %dma_wait3A_130 = arith.constant 0 : i32
      %dma_wait3A_131 = tpu.memref_slice %arg11[%dma_wait3A_129, %dma_wait3A_130] : memref<10000x128xf32, #tpu.memory_space<vmem_shared>> -> memref<10000x128xf32, #tpu.memory_space<vmem_shared>>
      tpu.wait_indirect_dma semaphore(%arg17 : memref<!tpu.dma_semaphore, #tpu.memory_space<semaphore_mem>>) src(%dma_wait3A_125 : memref<80x128xf32, #tpu.memory_space<vmem>>) dst(%dma_wait3A_131 : memref<10000x128xf32, #tpu.memory_space<vmem_shared>>)
    }
    %scan3A_7 = arith.constant 5 : i32
    %barrier3A_8 = arith.constant 0 : index
    tpu.barrier barrier_id(%barrier3A_8)
    %mul3A_9 = arith.constant 10000 : i32
    %mul3A_10 = arith.muli %arg0, %mul3A_9 : i32
    %add3A = arith.addi %mul3A_10, %mul3A_0 : i32
    "tpu.region"() ({
      %run_scoped3A = tpu.sem_alloc : memref<!tpu.dma_semaphore, #tpu.memory_space<semaphore_mem>>
      %dma_start3A = arith.constant 0 : i32
      %dma_start3A_11 = tpu.memref_slice %arg7[%add3A, %dma_start3A] : memref<20000x128xf32, #tpu.memory_space<hbm>> -> memref<625x128xf32, #tpu.memory_space<hbm>>
      %dma_start3A_12 = arith.constant 0 : i32
      %dma_start3A_13 = tpu.memref_slice %arg11[%mul3A_0, %dma_start3A_12] : memref<10000x128xf32, #tpu.memory_space<vmem_shared>> -> memref<625x128xf32, #tpu.memory_space<vmem_shared>>
      tpu.enqueue_dma source(%dma_start3A_13 : memref<625x128xf32, #tpu.memory_space<vmem_shared>>) target(%dma_start3A_11 : memref<625x128xf32, #tpu.memory_space<hbm>>) target_semaphore(%run_scoped3A : memref<!tpu.dma_semaphore, #tpu.memory_space<semaphore_mem>>)
      %dma_wait3A = arith.constant 0 : i32
      %dma_wait3A_14 = tpu.memref_slice %arg7[%add3A, %dma_wait3A] : memref<20000x128xf32, #tpu.memory_space<hbm>> -> memref<625x128xf32, #tpu.memory_space<hbm>>
      %dma_wait3A_15 = arith.constant 0 : i32
      %dma_wait3A_16 = tpu.memref_slice %arg11[%mul3A_0, %dma_wait3A_15] : memref<10000x128xf32, #tpu.memory_space<vmem_shared>> -> memref<625x128xf32, #tpu.memory_space<vmem_shared>>
      tpu.wait_dma2 semaphore(%run_scoped3A : memref<!tpu.dma_semaphore, #tpu.memory_space<semaphore_mem>>) src(%dma_wait3A_16 : memref<625x128xf32, #tpu.memory_space<vmem_shared>>) dst(%dma_wait3A_14 : memref<625x128xf32, #tpu.memory_space<hbm>>)
      tpu.yield
    }) : () -> ()
    return
  }
}

module attributes {stable_mosaic.version = 14 : i64} {
  func.func @_xw1_flat_body(%arg0: i32, %arg1: memref<1000x128xf32, #tpu.memory_space<vmem>>, %arg2: memref<128x256xf32, #tpu.memory_space<vmem>>, %arg3: memref<1x256xf32, #tpu.memory_space<vmem>>, %arg4: memref<1000x256xf32, #tpu.memory_space<vmem>>) attributes {dimension_semantics = [#tpu.dimension_semantics<parallel>], iteration_bounds = array<i64: 10>, scalar_prefetch = 0 : i64, scratch_operands = 0 : i64, tpu.core_type = #tpu.core_type<tc>, window_params = [{transform_indices = @transform_0, window_bounds = array<i64: 1000, 128>}, {pipeline_mode = #tpu.pipeline_mode<synchronous>, transform_indices = @transform_1, window_bounds = array<i64: 128, 256>}, {pipeline_mode = #tpu.pipeline_mode<synchronous>, transform_indices = @transform_2, window_bounds = array<i64: 1, 256>}, {transform_indices = @transform_3, window_bounds = array<i64: 1000, 256>}]} {
    %get3A = arith.constant 0 : index
    %get3A_0 = arith.constant 0 : index
    %get3A_1 = vector.load %arg1[%get3A, %get3A_0] : memref<1000x128xf32, #tpu.memory_space<vmem>>, vector<1000x128xf32>
    %get3A_2 = arith.constant 0 : index
    %get3A_3 = arith.constant 0 : index
    %get3A_4 = vector.load %arg2[%get3A_2, %get3A_3] : memref<128x256xf32, #tpu.memory_space<vmem>>, vector<128x256xf32>
    %dot_general3A = arith.constant dense<0.000000e+00> : vector<1000x256xf32>
    %dot_general3A_5 = tpu.matmul %get3A_1, %get3A_4, %dot_general3A {dimension_numbers = #tpu.dot_dimension_numbers<[1], [0], [0], [1], [0, 0, 1, 1], [], []>, transpose_lhs_hint = false} : vector<1000x128xf32>, vector<128x256xf32>, vector<1000x256xf32> -> vector<1000x256xf32>
    %get3A_6 = arith.constant 0 : index
    %get3A_7 = arith.constant 0 : index
    %get3A_8 = vector.load %arg3[%get3A_6, %get3A_7] : memref<1x256xf32, #tpu.memory_space<vmem>>, vector<1x256xf32>
    %add3A = vector.broadcast %get3A_8 : vector<1x256xf32> to vector<1000x256xf32>
    %add3A_9 = arith.addf %dot_general3A_5, %add3A : vector<1000x256xf32>
    %swap3A = arith.constant 0 : index
    %swap3A_10 = arith.constant 0 : index
    %swap3A_11 = vector.load %arg4[%swap3A, %swap3A_10] : memref<1000x256xf32, #tpu.memory_space<vmem>>, vector<1000x256xf32>
    tpu.vector_store %arg4[%swap3A, %swap3A_10], %add3A_9 {strides = array<i32>} : memref<1000x256xf32, #tpu.memory_space<vmem>>, vector<1000x256xf32>,
    return
  }
  func.func @transform_0(%arg0: i32) -> (i32, i32) {
    %c0_i32 = arith.constant 0 : i32
    %c0_i32_0 = arith.constant 0 : i32
    return %arg0, %c0_i32 : i32, i32
  }
  func.func @transform_1(%arg0: i32) -> (i32, i32) {
    %c0_i32 = arith.constant 0 : i32
    %c0_i32_0 = arith.constant 0 : i32
    %c0_i32_1 = arith.constant 0 : i32
    return %c0_i32, %c0_i32_0 : i32, i32
  }
  func.func @transform_2(%arg0: i32) -> (i32, i32) {
    %c0_i32 = arith.constant 0 : i32
    %c0_i32_0 = arith.constant 0 : i32
    %c0_i32_1 = arith.constant 0 : i32
    return %c0_i32, %c0_i32_0 : i32, i32
  }
  func.func @transform_3(%arg0: i32) -> (i32, i32) {
    %c0_i32 = arith.constant 0 : i32
    %c0_i32_0 = arith.constant 0 : i32
    return %arg0, %c0_i32 : i32, i32
  }
}

module attributes {stable_mosaic.version = 14 : i64} {
  func.func @_mlp_body(%arg0: i32, %arg1: memref<1000x256xf32, #tpu.memory_space<vmem>>, %arg2: memref<1000x128xf32, #tpu.memory_space<vmem>>, %arg3: memref<1000x128xf32, #tpu.memory_space<vmem>>, %arg4: memref<128x256xf32, #tpu.memory_space<vmem>>, %arg5: memref<256x256xf32, #tpu.memory_space<vmem>>, %arg6: memref<1x256xf32, #tpu.memory_space<vmem>>, %arg7: memref<1000x256xf32, #tpu.memory_space<vmem>>, %arg8: memref<8x256xf32, #tpu.memory_space<vmem>>) attributes {dimension_semantics = [#tpu.dimension_semantics<arbitrary>], iteration_bounds = array<i64: 10>, scalar_prefetch = 0 : i64, scratch_operands = 0 : i64, tpu.core_type = #tpu.core_type<tc>, window_params = [{transform_indices = @transform_0, window_bounds = array<i64: 1000, 256>}, {transform_indices = @transform_1, window_bounds = array<i64: 1000, 128>}, {transform_indices = @transform_2, window_bounds = array<i64: 1000, 128>}, {pipeline_mode = #tpu.pipeline_mode<synchronous>, transform_indices = @transform_3, window_bounds = array<i64: 128, 256>}, {pipeline_mode = #tpu.pipeline_mode<synchronous>, transform_indices = @transform_4, window_bounds = array<i64: 256, 256>}, {pipeline_mode = #tpu.pipeline_mode<synchronous>, transform_indices = @transform_5, window_bounds = array<i64: 1, 256>}, {transform_indices = @transform_6, window_bounds = array<i64: 1000, 256>}, {pipeline_mode = #tpu.pipeline_mode<synchronous>, transform_indices = @transform_7, window_bounds = array<i64: 8, 256>}]} {
    %get3A = arith.constant 0 : index
    %get3A_0 = arith.constant 0 : index
    %get3A_1 = vector.load %arg2[%get3A, %get3A_0] : memref<1000x128xf32, #tpu.memory_space<vmem>>, vector<1000x128xf32>
    %get3A_2 = arith.constant 0 : index
    %get3A_3 = arith.constant 0 : index
    %get3A_4 = vector.load %arg1[%get3A_2, %get3A_3] : memref<1000x256xf32, #tpu.memory_space<vmem>>, vector<1000x256xf32>
    %get3A_5 = arith.constant 0 : index
    %get3A_6 = arith.constant 0 : index
    %get3A_7 = vector.load %arg4[%get3A_5, %get3A_6] : memref<128x256xf32, #tpu.memory_space<vmem>>, vector<128x256xf32>
    %dot_general3A = arith.constant dense<0.000000e+00> : vector<1000x256xf32>
    %dot_general3A_8 = tpu.matmul %get3A_1, %get3A_7, %dot_general3A {dimension_numbers = #tpu.dot_dimension_numbers<[1], [0], [0], [1], [0, 0, 1, 1], [], []>, transpose_lhs_hint = false} : vector<1000x128xf32>, vector<128x256xf32>, vector<1000x256xf32> -> vector<1000x256xf32>
    %add3A = arith.addf %get3A_4, %dot_general3A_8 : vector<1000x256xf32>
    %max3A = arith.constant 0.000000e+00 : f32
    %max3A_9 = vector.broadcast %max3A : f32 to vector<1000x256xf32>
    %max3A_10 = arith.maximumf %add3A, %max3A_9 : vector<1000x256xf32>
    %get3A_11 = arith.constant 0 : index
    %get3A_12 = arith.constant 0 : index
    %get3A_13 = vector.load %arg5[%get3A_11, %get3A_12] : memref<256x256xf32, #tpu.memory_space<vmem>>, vector<256x256xf32>
    %dot_general3A_14 = arith.constant dense<0.000000e+00> : vector<1000x256xf32>
    %dot_general3A_15 = tpu.matmul %max3A_10, %get3A_13, %dot_general3A_14 {dimension_numbers = #tpu.dot_dimension_numbers<[1], [0], [0], [1], [0, 0, 1, 1], [], []>, transpose_lhs_hint = false} : vector<1000x256xf32>, vector<256x256xf32>, vector<1000x256xf32> -> vector<1000x256xf32>
    %get3A_16 = arith.constant 0 : index
    %get3A_17 = arith.constant 0 : index
    %get3A_18 = vector.load %arg6[%get3A_16, %get3A_17] : memref<1x256xf32, #tpu.memory_space<vmem>>, vector<1x256xf32>
    %add3A_19 = vector.broadcast %get3A_18 : vector<1x256xf32> to vector<1000x256xf32>
    %add3A_20 = arith.addf %dot_general3A_15, %add3A_19 : vector<1000x256xf32>
    %swap3A = arith.constant 0 : index
    %swap3A_21 = arith.constant 0 : index
    %swap3A_22 = vector.load %arg7[%swap3A, %swap3A_21] : memref<1000x256xf32, #tpu.memory_space<vmem>>, vector<1000x256xf32>
    tpu.vector_store %arg7[%swap3A, %swap3A_21], %add3A_20 {strides = array<i32>} : memref<1000x256xf32, #tpu.memory_space<vmem>>, vector<1000x256xf32>,
    %reduce_sum3A = arith.constant dense<0.000000e+00> : vector<256xf32>
    %reduce_sum3A_23 = vector.multi_reduction <add>, %add3A_20, %reduce_sum3A [0] : vector<1000x256xf32> to vector<256xf32>
    %broadcast_in_dim3A = vector.shape_cast %reduce_sum3A_23 : vector<256xf32> to vector<1x256xf32>
    %mul3A = arith.mulf %add3A_20, %add3A_20 : vector<1000x256xf32>
    %reduce_sum3A_24 = arith.constant dense<0.000000e+00> : vector<256xf32>
    %reduce_sum3A_25 = vector.multi_reduction <add>, %mul3A, %reduce_sum3A_24 [0] : vector<1000x256xf32> to vector<256xf32>
    %broadcast_in_dim3A_26 = vector.shape_cast %reduce_sum3A_25 : vector<256xf32> to vector<1x256xf32>
    %broadcast_in_dim3A_27 = arith.constant 0.000000e+00 : f32
    %broadcast_in_dim3A_28 = vector.broadcast %broadcast_in_dim3A_27 : f32 to vector<6x256xf32>
    %concatenate3A = tpu.concatenate %broadcast_in_dim3A, %broadcast_in_dim3A_26, %broadcast_in_dim3A_28 in 0 : vector<1x256xf32>, vector<1x256xf32>, vector<6x256xf32> -> vector<8x256xf32>
    %eq3A = arith.constant 0 : i32
    %eq3A_29 = arith.cmpi eq, %arg0, %eq3A : i32
    %convert_element_type3A = arith.extui %eq3A_29 : i1 to i32
    %cond3A = arith.constant 0 : i32
    %cond3A_30 = arith.cmpi ne, %convert_element_type3A, %cond3A : i32
    scf.if %cond3A_30 {
      %swap3A_35 = arith.constant 0 : index
      %swap3A_36 = arith.constant 0 : index
      %swap3A_37 = vector.load %arg8[%swap3A_35, %swap3A_36] : memref<8x256xf32, #tpu.memory_space<vmem>>, vector<8x256xf32>
      tpu.vector_store %arg8[%swap3A_35, %swap3A_36], %concatenate3A {strides = array<i32>} : memref<8x256xf32, #tpu.memory_space<vmem>>, vector<8x256xf32>,
    } else {
    }
    %gt3A = arith.constant 0 : i32
    %gt3A_31 = arith.cmpi sgt, %arg0, %gt3A : i32
    %convert_element_type3A_32 = arith.extui %gt3A_31 : i1 to i32
    %cond3A_33 = arith.constant 0 : i32
    %cond3A_34 = arith.cmpi ne, %convert_element_type3A_32, %cond3A_33 : i32
    scf.if %cond3A_34 {
      %get3A_35 = arith.constant 0 : index
      %get3A_36 = arith.constant 0 : index
      %get3A_37 = vector.load %arg8[%get3A_35, %get3A_36] : memref<8x256xf32, #tpu.memory_space<vmem>>, vector<8x256xf32>
      %add3A_38 = arith.addf %get3A_37, %concatenate3A : vector<8x256xf32>
      %swap3A_39 = arith.constant 0 : index
      %swap3A_40 = arith.constant 0 : index
      %swap3A_41 = vector.load %arg8[%swap3A_39, %swap3A_40] : memref<8x256xf32, #tpu.memory_space<vmem>>, vector<8x256xf32>
      tpu.vector_store %arg8[%swap3A_39, %swap3A_40], %add3A_38 {strides = array<i32>} : memref<8x256xf32, #tpu.memory_space<vmem>>, vector<8x256xf32>,
    } else {
    }
    return
  }
  func.func @transform_0(%arg0: i32) -> (i32, i32) {
    %c0_i32 = arith.constant 0 : i32
    %c0_i32_0 = arith.constant 0 : i32
    return %arg0, %c0_i32 : i32, i32
  }
  func.func @transform_1(%arg0: i32) -> (i32, i32) {
    %c0_i32 = arith.constant 0 : i32
    %c0_i32_0 = arith.constant 0 : i32
    return %arg0, %c0_i32 : i32, i32
  }
  func.func @transform_2(%arg0: i32) -> (i32, i32) {
    %c0_i32 = arith.constant 0 : i32
    %c0_i32_0 = arith.constant 0 : i32
    return %arg0, %c0_i32 : i32, i32
  }
  func.func @transform_3(%arg0: i32) -> (i32, i32) {
    %c0_i32 = arith.constant 0 : i32
    %c0_i32_0 = arith.constant 0 : i32
    %c0_i32_1 = arith.constant 0 : i32
    return %c0_i32, %c0_i32_0 : i32, i32
  }
  func.func @transform_4(%arg0: i32) -> (i32, i32) {
    %c0_i32 = arith.constant 0 : i32
    %c0_i32_0 = arith.constant 0 : i32
    %c0_i32_1 = arith.constant 0 : i32
    return %c0_i32, %c0_i32_0 : i32, i32
  }
  func.func @transform_5(%arg0: i32) -> (i32, i32) {
    %c0_i32 = arith.constant 0 : i32
    %c0_i32_0 = arith.constant 0 : i32
    %c0_i32_1 = arith.constant 0 : i32
    return %c0_i32, %c0_i32_0 : i32, i32
  }
  func.func @transform_6(%arg0: i32) -> (i32, i32) {
    %c0_i32 = arith.constant 0 : i32
    %c0_i32_0 = arith.constant 0 : i32
    return %arg0, %c0_i32 : i32, i32
  }
  func.func @transform_7(%arg0: i32) -> (i32, i32) {
    %c0_i32 = arith.constant 0 : i32
    %c0_i32_0 = arith.constant 0 : i32
    %c0_i32_1 = arith.constant 0 : i32
    return %c0_i32, %c0_i32_0 : i32, i32
  }
}

module attributes {stable_mosaic.version = 14 : i64} {
  func.func @_bn_body(%arg0: i32, %arg1: memref<1000x256xf32, #tpu.memory_space<vmem>>, %arg2: memref<8x256xf32, #tpu.memory_space<vmem>>, %arg3: memref<1x256xf32, #tpu.memory_space<vmem>>, %arg4: memref<1x256xf32, #tpu.memory_space<vmem>>, %arg5: memref<1000x128xf32, #tpu.memory_space<vmem>>, %arg6: memref<1000x128xf32, #tpu.memory_space<vmem>>) attributes {dimension_semantics = [#tpu.dimension_semantics<parallel>], iteration_bounds = array<i64: 10>, scalar_prefetch = 0 : i64, scratch_operands = 0 : i64, tpu.core_type = #tpu.core_type<tc>, window_params = [{transform_indices = @transform_0, window_bounds = array<i64: 1000, 256>}, {pipeline_mode = #tpu.pipeline_mode<synchronous>, transform_indices = @transform_1, window_bounds = array<i64: 8, 256>}, {pipeline_mode = #tpu.pipeline_mode<synchronous>, transform_indices = @transform_2, window_bounds = array<i64: 1, 256>}, {pipeline_mode = #tpu.pipeline_mode<synchronous>, transform_indices = @transform_3, window_bounds = array<i64: 1, 256>}, {transform_indices = @transform_4, window_bounds = array<i64: 1000, 128>}, {transform_indices = @transform_5, window_bounds = array<i64: 1000, 128>}]} {
    %get3A = arith.constant 0 : index
    %get3A_0 = arith.constant 0 : index
    %get3A_1 = vector.load %arg2[%get3A, %get3A_0] : memref<8x256xf32, #tpu.memory_space<vmem>>, vector<1x256xf32>
    %mul3A = arith.constant 9.99999974E-5 : f32
    %mul3A_2 = vector.broadcast %mul3A : f32 to vector<1x256xf32>
    %mul3A_3 = arith.mulf %get3A_1, %mul3A_2 : vector<1x256xf32>
    %get3A_4 = arith.constant 1 : index
    %get3A_5 = arith.constant 0 : index
    %get3A_6 = vector.load %arg2[%get3A_4, %get3A_5] : memref<8x256xf32, #tpu.memory_space<vmem>>, vector<1x256xf32>
    %mul3A_7 = arith.constant 9.99999974E-5 : f32
    %mul3A_8 = vector.broadcast %mul3A_7 : f32 to vector<1x256xf32>
    %mul3A_9 = arith.mulf %get3A_6, %mul3A_8 : vector<1x256xf32>
    %mul3A_10 = arith.mulf %mul3A_3, %mul3A_3 : vector<1x256xf32>
    %sub3A = arith.subf %mul3A_9, %mul3A_10 : vector<1x256xf32>
    %get3A_11 = arith.constant 0 : index
    %get3A_12 = arith.constant 0 : index
    %get3A_13 = vector.load %arg3[%get3A_11, %get3A_12] : memref<1x256xf32, #tpu.memory_space<vmem>>, vector<1x256xf32>
    %add3A = arith.constant 9.99999974E-6 : f32
    %add3A_14 = vector.broadcast %add3A : f32 to vector<1x256xf32>
    %add3A_15 = arith.addf %sub3A, %add3A_14 : vector<1x256xf32>
    %rsqrt3A = math.rsqrt %add3A_15 : vector<1x256xf32>
    %mul3A_16 = arith.mulf %get3A_13, %rsqrt3A : vector<1x256xf32>
    %get3A_17 = arith.constant 0 : index
    %get3A_18 = arith.constant 0 : index
    %get3A_19 = vector.load %arg1[%get3A_17, %get3A_18] : memref<1000x256xf32, #tpu.memory_space<vmem>>, vector<1000x256xf32>
    %sub3A_20 = vector.broadcast %mul3A_3 : vector<1x256xf32> to vector<1000x256xf32>
    %sub3A_21 = arith.subf %get3A_19, %sub3A_20 : vector<1000x256xf32>
    %mul3A_22 = vector.broadcast %mul3A_16 : vector<1x256xf32> to vector<1000x256xf32>
    %mul3A_23 = arith.mulf %sub3A_21, %mul3A_22 : vector<1000x256xf32>
    %get3A_24 = arith.constant 0 : index
    %get3A_25 = arith.constant 0 : index
    %get3A_26 = vector.load %arg4[%get3A_24, %get3A_25] : memref<1x256xf32, #tpu.memory_space<vmem>>, vector<1x256xf32>
    %add3A_27 = vector.broadcast %get3A_26 : vector<1x256xf32> to vector<1000x256xf32>
    %add3A_28 = arith.addf %mul3A_23, %add3A_27 : vector<1000x256xf32>
    %max3A = arith.constant 0.000000e+00 : f32
    %max3A_29 = vector.broadcast %max3A : f32 to vector<1000x256xf32>
    %max3A_30 = arith.maximumf %add3A_28, %max3A_29 : vector<1000x256xf32>
    %slice3A = vector.extract_strided_slice %max3A_30 {offsets = [0, 0], sizes = [1000, 128], strides = [1, 1]} : vector<1000x256xf32> to vector<1000x128xf32>
    %swap3A = arith.constant 0 : index
    %swap3A_31 = arith.constant 0 : index
    %swap3A_32 = vector.load %arg5[%swap3A, %swap3A_31] : memref<1000x128xf32, #tpu.memory_space<vmem>>, vector<1000x128xf32>
    tpu.vector_store %arg5[%swap3A, %swap3A_31], %slice3A {strides = array<i32>} : memref<1000x128xf32, #tpu.memory_space<vmem>>, vector<1000x128xf32>,
    %slice3A_33 = vector.extract_strided_slice %max3A_30 {offsets = [0, 128], sizes = [1000, 128], strides = [1, 1]} : vector<1000x256xf32> to vector<1000x128xf32>
    %swap3A_34 = arith.constant 0 : index
    %swap3A_35 = arith.constant 0 : index
    %swap3A_36 = vector.load %arg6[%swap3A_34, %swap3A_35] : memref<1000x128xf32, #tpu.memory_space<vmem>>, vector<1000x128xf32>
    tpu.vector_store %arg6[%swap3A_34, %swap3A_35], %slice3A_33 {strides = array<i32>} : memref<1000x128xf32, #tpu.memory_space<vmem>>, vector<1000x128xf32>,
    return
  }
  func.func @transform_0(%arg0: i32) -> (i32, i32) {
    %c0_i32 = arith.constant 0 : i32
    %c0_i32_0 = arith.constant 0 : i32
    return %arg0, %c0_i32 : i32, i32
  }
  func.func @transform_1(%arg0: i32) -> (i32, i32) {
    %c0_i32 = arith.constant 0 : i32
    %c0_i32_0 = arith.constant 0 : i32
    %c0_i32_1 = arith.constant 0 : i32
    return %c0_i32, %c0_i32_0 : i32, i32
  }
  func.func @transform_2(%arg0: i32) -> (i32, i32) {
    %c0_i32 = arith.constant 0 : i32
    %c0_i32_0 = arith.constant 0 : i32
    %c0_i32_1 = arith.constant 0 : i32
    return %c0_i32, %c0_i32_0 : i32, i32
  }
  func.func @transform_3(%arg0: i32) -> (i32, i32) {
    %c0_i32 = arith.constant 0 : i32
    %c0_i32_0 = arith.constant 0 : i32
    %c0_i32_1 = arith.constant 0 : i32
    return %c0_i32, %c0_i32_0 : i32, i32
  }
  func.func @transform_4(%arg0: i32) -> (i32, i32) {
    %c0_i32 = arith.constant 0 : i32
    %c0_i32_0 = arith.constant 0 : i32
    return %arg0, %c0_i32 : i32, i32
  }
  func.func @transform_5(%arg0: i32) -> (i32, i32) {
    %c0_i32 = arith.constant 0 : i32
    %c0_i32_0 = arith.constant 0 : i32
    return %arg0, %c0_i32 : i32, i32
  }
}

module attributes {stable_mosaic.version = 14 : i64} {
  func.func @_xw1_halves_body(%arg0: i32, %arg1: memref<1000x128xf32, #tpu.memory_space<vmem>>, %arg2: memref<1000x128xf32, #tpu.memory_space<vmem>>, %arg3: memref<256x256xf32, #tpu.memory_space<vmem>>, %arg4: memref<1x256xf32, #tpu.memory_space<vmem>>, %arg5: memref<1000x256xf32, #tpu.memory_space<vmem>>) attributes {dimension_semantics = [#tpu.dimension_semantics<parallel>], iteration_bounds = array<i64: 10>, scalar_prefetch = 0 : i64, scratch_operands = 0 : i64, tpu.core_type = #tpu.core_type<tc>, window_params = [{transform_indices = @transform_0, window_bounds = array<i64: 1000, 128>}, {transform_indices = @transform_1, window_bounds = array<i64: 1000, 128>}, {pipeline_mode = #tpu.pipeline_mode<synchronous>, transform_indices = @transform_2, window_bounds = array<i64: 256, 256>}, {pipeline_mode = #tpu.pipeline_mode<synchronous>, transform_indices = @transform_3, window_bounds = array<i64: 1, 256>}, {transform_indices = @transform_4, window_bounds = array<i64: 1000, 256>}]} {
    %get3A = arith.constant 0 : index
    %get3A_0 = arith.constant 0 : index
    %get3A_1 = vector.load %arg1[%get3A, %get3A_0] : memref<1000x128xf32, #tpu.memory_space<vmem>>, vector<1000x128xf32>
    %get3A_2 = arith.constant 0 : index
    %get3A_3 = arith.constant 0 : index
    %get3A_4 = vector.load %arg2[%get3A_2, %get3A_3] : memref<1000x128xf32, #tpu.memory_space<vmem>>, vector<1000x128xf32>
    %concatenate3A = tpu.concatenate %get3A_1, %get3A_4 in 1 : vector<1000x128xf32>, vector<1000x128xf32> -> vector<1000x256xf32>
    %get3A_5 = arith.constant 0 : index
    %get3A_6 = arith.constant 0 : index
    %get3A_7 = vector.load %arg3[%get3A_5, %get3A_6] : memref<256x256xf32, #tpu.memory_space<vmem>>, vector<256x256xf32>
    %dot_general3A = arith.constant dense<0.000000e+00> : vector<1000x256xf32>
    %dot_general3A_8 = tpu.matmul %concatenate3A, %get3A_7, %dot_general3A {dimension_numbers = #tpu.dot_dimension_numbers<[1], [0], [0], [1], [0, 0, 1, 1], [], []>, transpose_lhs_hint = false} : vector<1000x256xf32>, vector<256x256xf32>, vector<1000x256xf32> -> vector<1000x256xf32>
    %get3A_9 = arith.constant 0 : index
    %get3A_10 = arith.constant 0 : index
    %get3A_11 = vector.load %arg4[%get3A_9, %get3A_10] : memref<1x256xf32, #tpu.memory_space<vmem>>, vector<1x256xf32>
    %add3A = vector.broadcast %get3A_11 : vector<1x256xf32> to vector<1000x256xf32>
    %add3A_12 = arith.addf %dot_general3A_8, %add3A : vector<1000x256xf32>
    %swap3A = arith.constant 0 : index
    %swap3A_13 = arith.constant 0 : index
    %swap3A_14 = vector.load %arg5[%swap3A, %swap3A_13] : memref<1000x256xf32, #tpu.memory_space<vmem>>, vector<1000x256xf32>
    tpu.vector_store %arg5[%swap3A, %swap3A_13], %add3A_12 {strides = array<i32>} : memref<1000x256xf32, #tpu.memory_space<vmem>>, vector<1000x256xf32>,
    return
  }
  func.func @transform_0(%arg0: i32) -> (i32, i32) {
    %c0_i32 = arith.constant 0 : i32
    %c0_i32_0 = arith.constant 0 : i32
    return %arg0, %c0_i32 : i32, i32
  }
  func.func @transform_1(%arg0: i32) -> (i32, i32) {
    %c0_i32 = arith.constant 0 : i32
    %c0_i32_0 = arith.constant 0 : i32
    return %arg0, %c0_i32 : i32, i32
  }
  func.func @transform_2(%arg0: i32) -> (i32, i32) {
    %c0_i32 = arith.constant 0 : i32
    %c0_i32_0 = arith.constant 0 : i32
    %c0_i32_1 = arith.constant 0 : i32
    return %c0_i32, %c0_i32_0 : i32, i32
  }
  func.func @transform_3(%arg0: i32) -> (i32, i32) {
    %c0_i32 = arith.constant 0 : i32
    %c0_i32_0 = arith.constant 0 : i32
    %c0_i32_1 = arith.constant 0 : i32
    return %c0_i32, %c0_i32_0 : i32, i32
  }
  func.func @transform_4(%arg0: i32) -> (i32, i32) {
    %c0_i32 = arith.constant 0 : i32
    %c0_i32_0 = arith.constant 0 : i32
    return %arg0, %c0_i32 : i32, i32
  }
}

module attributes {stable_mosaic.version = 14 : i64} {
  func.func @_mlp_body(%arg0: i32, %arg1: memref<1000x256xf32, #tpu.memory_space<vmem>>, %arg2: memref<1000x128xf32, #tpu.memory_space<vmem>>, %arg3: memref<1000x128xf32, #tpu.memory_space<vmem>>, %arg4: memref<256x256xf32, #tpu.memory_space<vmem>>, %arg5: memref<256x256xf32, #tpu.memory_space<vmem>>, %arg6: memref<1x256xf32, #tpu.memory_space<vmem>>, %arg7: memref<1000x256xf32, #tpu.memory_space<vmem>>, %arg8: memref<8x256xf32, #tpu.memory_space<vmem>>) attributes {dimension_semantics = [#tpu.dimension_semantics<arbitrary>], iteration_bounds = array<i64: 10>, scalar_prefetch = 0 : i64, scratch_operands = 0 : i64, tpu.core_type = #tpu.core_type<tc>, window_params = [{transform_indices = @transform_0, window_bounds = array<i64: 1000, 256>}, {transform_indices = @transform_1, window_bounds = array<i64: 1000, 128>}, {transform_indices = @transform_2, window_bounds = array<i64: 1000, 128>}, {pipeline_mode = #tpu.pipeline_mode<synchronous>, transform_indices = @transform_3, window_bounds = array<i64: 256, 256>}, {pipeline_mode = #tpu.pipeline_mode<synchronous>, transform_indices = @transform_4, window_bounds = array<i64: 256, 256>}, {pipeline_mode = #tpu.pipeline_mode<synchronous>, transform_indices = @transform_5, window_bounds = array<i64: 1, 256>}, {transform_indices = @transform_6, window_bounds = array<i64: 1000, 256>}, {pipeline_mode = #tpu.pipeline_mode<synchronous>, transform_indices = @transform_7, window_bounds = array<i64: 8, 256>}]} {
    %get3A = arith.constant 0 : index
    %get3A_0 = arith.constant 0 : index
    %get3A_1 = vector.load %arg2[%get3A, %get3A_0] : memref<1000x128xf32, #tpu.memory_space<vmem>>, vector<1000x128xf32>
    %get3A_2 = arith.constant 0 : index
    %get3A_3 = arith.constant 0 : index
    %get3A_4 = vector.load %arg3[%get3A_2, %get3A_3] : memref<1000x128xf32, #tpu.memory_space<vmem>>, vector<1000x128xf32>
    %concatenate3A = tpu.concatenate %get3A_1, %get3A_4 in 1 : vector<1000x128xf32>, vector<1000x128xf32> -> vector<1000x256xf32>
    %get3A_5 = arith.constant 0 : index
    %get3A_6 = arith.constant 0 : index
    %get3A_7 = vector.load %arg1[%get3A_5, %get3A_6] : memref<1000x256xf32, #tpu.memory_space<vmem>>, vector<1000x256xf32>
    %get3A_8 = arith.constant 0 : index
    %get3A_9 = arith.constant 0 : index
    %get3A_10 = vector.load %arg4[%get3A_8, %get3A_9] : memref<256x256xf32, #tpu.memory_space<vmem>>, vector<256x256xf32>
    %dot_general3A = arith.constant dense<0.000000e+00> : vector<1000x256xf32>
    %dot_general3A_11 = tpu.matmul %concatenate3A, %get3A_10, %dot_general3A {dimension_numbers = #tpu.dot_dimension_numbers<[1], [0], [0], [1], [0, 0, 1, 1], [], []>, transpose_lhs_hint = false} : vector<1000x256xf32>, vector<256x256xf32>, vector<1000x256xf32> -> vector<1000x256xf32>
    %add3A = arith.addf %get3A_7, %dot_general3A_11 : vector<1000x256xf32>
    %max3A = arith.constant 0.000000e+00 : f32
    %max3A_12 = vector.broadcast %max3A : f32 to vector<1000x256xf32>
    %max3A_13 = arith.maximumf %add3A, %max3A_12 : vector<1000x256xf32>
    %get3A_14 = arith.constant 0 : index
    %get3A_15 = arith.constant 0 : index
    %get3A_16 = vector.load %arg5[%get3A_14, %get3A_15] : memref<256x256xf32, #tpu.memory_space<vmem>>, vector<256x256xf32>
    %dot_general3A_17 = arith.constant dense<0.000000e+00> : vector<1000x256xf32>
    %dot_general3A_18 = tpu.matmul %max3A_13, %get3A_16, %dot_general3A_17 {dimension_numbers = #tpu.dot_dimension_numbers<[1], [0], [0], [1], [0, 0, 1, 1], [], []>, transpose_lhs_hint = false} : vector<1000x256xf32>, vector<256x256xf32>, vector<1000x256xf32> -> vector<1000x256xf32>
    %get3A_19 = arith.constant 0 : index
    %get3A_20 = arith.constant 0 : index
    %get3A_21 = vector.load %arg6[%get3A_19, %get3A_20] : memref<1x256xf32, #tpu.memory_space<vmem>>, vector<1x256xf32>
    %add3A_22 = vector.broadcast %get3A_21 : vector<1x256xf32> to vector<1000x256xf32>
    %add3A_23 = arith.addf %dot_general3A_18, %add3A_22 : vector<1000x256xf32>
    %swap3A = arith.constant 0 : index
    %swap3A_24 = arith.constant 0 : index
    %swap3A_25 = vector.load %arg7[%swap3A, %swap3A_24] : memref<1000x256xf32, #tpu.memory_space<vmem>>, vector<1000x256xf32>
    tpu.vector_store %arg7[%swap3A, %swap3A_24], %add3A_23 {strides = array<i32>} : memref<1000x256xf32, #tpu.memory_space<vmem>>, vector<1000x256xf32>,
    %reduce_sum3A = arith.constant dense<0.000000e+00> : vector<256xf32>
    %reduce_sum3A_26 = vector.multi_reduction <add>, %add3A_23, %reduce_sum3A [0] : vector<1000x256xf32> to vector<256xf32>
    %broadcast_in_dim3A = vector.shape_cast %reduce_sum3A_26 : vector<256xf32> to vector<1x256xf32>
    %mul3A = arith.mulf %add3A_23, %add3A_23 : vector<1000x256xf32>
    %reduce_sum3A_27 = arith.constant dense<0.000000e+00> : vector<256xf32>
    %reduce_sum3A_28 = vector.multi_reduction <add>, %mul3A, %reduce_sum3A_27 [0] : vector<1000x256xf32> to vector<256xf32>
    %broadcast_in_dim3A_29 = vector.shape_cast %reduce_sum3A_28 : vector<256xf32> to vector<1x256xf32>
    %broadcast_in_dim3A_30 = arith.constant 0.000000e+00 : f32
    %broadcast_in_dim3A_31 = vector.broadcast %broadcast_in_dim3A_30 : f32 to vector<6x256xf32>
    %concatenate3A_32 = tpu.concatenate %broadcast_in_dim3A, %broadcast_in_dim3A_29, %broadcast_in_dim3A_31 in 0 : vector<1x256xf32>, vector<1x256xf32>, vector<6x256xf32> -> vector<8x256xf32>
    %eq3A = arith.constant 0 : i32
    %eq3A_33 = arith.cmpi eq, %arg0, %eq3A : i32
    %convert_element_type3A = arith.extui %eq3A_33 : i1 to i32
    %cond3A = arith.constant 0 : i32
    %cond3A_34 = arith.cmpi ne, %convert_element_type3A, %cond3A : i32
    scf.if %cond3A_34 {
      %swap3A_39 = arith.constant 0 : index
      %swap3A_40 = arith.constant 0 : index
      %swap3A_41 = vector.load %arg8[%swap3A_39, %swap3A_40] : memref<8x256xf32, #tpu.memory_space<vmem>>, vector<8x256xf32>
      tpu.vector_store %arg8[%swap3A_39, %swap3A_40], %concatenate3A_32 {strides = array<i32>} : memref<8x256xf32, #tpu.memory_space<vmem>>, vector<8x256xf32>,
    } else {
    }
    %gt3A = arith.constant 0 : i32
    %gt3A_35 = arith.cmpi sgt, %arg0, %gt3A : i32
    %convert_element_type3A_36 = arith.extui %gt3A_35 : i1 to i32
    %cond3A_37 = arith.constant 0 : i32
    %cond3A_38 = arith.cmpi ne, %convert_element_type3A_36, %cond3A_37 : i32
    scf.if %cond3A_38 {
      %get3A_39 = arith.constant 0 : index
      %get3A_40 = arith.constant 0 : index
      %get3A_41 = vector.load %arg8[%get3A_39, %get3A_40] : memref<8x256xf32, #tpu.memory_space<vmem>>, vector<8x256xf32>
      %add3A_42 = arith.addf %get3A_41, %concatenate3A_32 : vector<8x256xf32>
      %swap3A_43 = arith.constant 0 : index
      %swap3A_44 = arith.constant 0 : index
      %swap3A_45 = vector.load %arg8[%swap3A_43, %swap3A_44] : memref<8x256xf32, #tpu.memory_space<vmem>>, vector<8x256xf32>
      tpu.vector_store %arg8[%swap3A_43, %swap3A_44], %add3A_42 {strides = array<i32>} : memref<8x256xf32, #tpu.memory_space<vmem>>, vector<8x256xf32>,
    } else {
    }
    return
  }
  func.func @transform_0(%arg0: i32) -> (i32, i32) {
    %c0_i32 = arith.constant 0 : i32
    %c0_i32_0 = arith.constant 0 : i32
    return %arg0, %c0_i32 : i32, i32
  }
  func.func @transform_1(%arg0: i32) -> (i32, i32) {
    %c0_i32 = arith.constant 0 : i32
    %c0_i32_0 = arith.constant 0 : i32
    return %arg0, %c0_i32 : i32, i32
  }
  func.func @transform_2(%arg0: i32) -> (i32, i32) {
    %add3A = arith.constant 10 : i32
    %add3A_0 = arith.addi %arg0, %add3A : i32
    %c0_i32 = arith.constant 0 : i32
    %c0_i32_1 = arith.constant 0 : i32
    return %add3A_0, %c0_i32 : i32, i32
  }
  func.func @transform_3(%arg0: i32) -> (i32, i32) {
    %c0_i32 = arith.constant 0 : i32
    %c0_i32_0 = arith.constant 0 : i32
    %c0_i32_1 = arith.constant 0 : i32
    return %c0_i32, %c0_i32_0 : i32, i32
  }
  func.func @transform_4(%arg0: i32) -> (i32, i32) {
    %c0_i32 = arith.constant 0 : i32
    %c0_i32_0 = arith.constant 0 : i32
    %c0_i32_1 = arith.constant 0 : i32
    return %c0_i32, %c0_i32_0 : i32, i32
  }
  func.func @transform_5(%arg0: i32) -> (i32, i32) {
    %c0_i32 = arith.constant 0 : i32
    %c0_i32_0 = arith.constant 0 : i32
    %c0_i32_1 = arith.constant 0 : i32
    return %c0_i32, %c0_i32_0 : i32, i32
  }
  func.func @transform_6(%arg0: i32) -> (i32, i32) {
    %c0_i32 = arith.constant 0 : i32
    %c0_i32_0 = arith.constant 0 : i32
    return %arg0, %c0_i32 : i32, i32
  }
  func.func @transform_7(%arg0: i32) -> (i32, i32) {
    %c0_i32 = arith.constant 0 : i32
    %c0_i32_0 = arith.constant 0 : i32
    %c0_i32_1 = arith.constant 0 : i32
    return %c0_i32, %c0_i32_0 : i32, i32
  }
}

module attributes {stable_mosaic.version = 14 : i64} {
  func.func @_bn_pool_body(%arg0: i32, %arg1: memref<1000x256xf32, #tpu.memory_space<vmem>>, %arg2: memref<8x256xf32, #tpu.memory_space<vmem>>, %arg3: memref<1x256xf32, #tpu.memory_space<vmem>>, %arg4: memref<1x256xf32, #tpu.memory_space<vmem>>, %arg5: memref<1000x1xi32, #tpu.memory_space<vmem>>, %arg6: memref<64x256xf32, #tpu.memory_space<vmem>>, %arg7: memref<64x256xf32, #tpu.memory_space<vmem>>, %arg8: memref<64x256xf32, #tpu.memory_space<vmem>>) attributes {dimension_semantics = [#tpu.dimension_semantics<arbitrary>], iteration_bounds = array<i64: 10>, scalar_prefetch = 0 : i64, scratch_operands = 2 : i64, tpu.core_type = #tpu.core_type<tc>, window_params = [{transform_indices = @transform_0, window_bounds = array<i64: 1000, 256>}, {pipeline_mode = #tpu.pipeline_mode<synchronous>, transform_indices = @transform_1, window_bounds = array<i64: 8, 256>}, {pipeline_mode = #tpu.pipeline_mode<synchronous>, transform_indices = @transform_2, window_bounds = array<i64: 1, 256>}, {pipeline_mode = #tpu.pipeline_mode<synchronous>, transform_indices = @transform_3, window_bounds = array<i64: 1, 256>}, {transform_indices = @transform_4, window_bounds = array<i64: 1000, 1>}, {pipeline_mode = #tpu.pipeline_mode<synchronous>, transform_indices = @transform_5, window_bounds = array<i64: 64, 256>}]} {
    %get3A = arith.constant 0 : index
    %get3A_0 = arith.constant 0 : index
    %get3A_1 = vector.load %arg2[%get3A, %get3A_0] : memref<8x256xf32, #tpu.memory_space<vmem>>, vector<1x256xf32>
    %mul3A = arith.constant 9.99999974E-5 : f32
    %mul3A_2 = vector.broadcast %mul3A : f32 to vector<1x256xf32>
    %mul3A_3 = arith.mulf %get3A_1, %mul3A_2 : vector<1x256xf32>
    %get3A_4 = arith.constant 1 : index
    %get3A_5 = arith.constant 0 : index
    %get3A_6 = vector.load %arg2[%get3A_4, %get3A_5] : memref<8x256xf32, #tpu.memory_space<vmem>>, vector<1x256xf32>
    %mul3A_7 = arith.constant 9.99999974E-5 : f32
    %mul3A_8 = vector.broadcast %mul3A_7 : f32 to vector<1x256xf32>
    %mul3A_9 = arith.mulf %get3A_6, %mul3A_8 : vector<1x256xf32>
    %mul3A_10 = arith.mulf %mul3A_3, %mul3A_3 : vector<1x256xf32>
    %sub3A = arith.subf %mul3A_9, %mul3A_10 : vector<1x256xf32>
    %get3A_11 = arith.constant 0 : index
    %get3A_12 = arith.constant 0 : index
    %get3A_13 = vector.load %arg3[%get3A_11, %get3A_12] : memref<1x256xf32, #tpu.memory_space<vmem>>, vector<1x256xf32>
    %add3A = arith.constant 9.99999974E-6 : f32
    %add3A_14 = vector.broadcast %add3A : f32 to vector<1x256xf32>
    %add3A_15 = arith.addf %sub3A, %add3A_14 : vector<1x256xf32>
    %rsqrt3A = math.rsqrt %add3A_15 : vector<1x256xf32>
    %mul3A_16 = arith.mulf %get3A_13, %rsqrt3A : vector<1x256xf32>
    %get3A_17 = arith.constant 0 : index
    %get3A_18 = arith.constant 0 : index
    %get3A_19 = vector.load %arg1[%get3A_17, %get3A_18] : memref<1000x256xf32, #tpu.memory_space<vmem>>, vector<1000x256xf32>
    %sub3A_20 = vector.broadcast %mul3A_3 : vector<1x256xf32> to vector<1000x256xf32>
    %sub3A_21 = arith.subf %get3A_19, %sub3A_20 : vector<1000x256xf32>
    %mul3A_22 = vector.broadcast %mul3A_16 : vector<1x256xf32> to vector<1000x256xf32>
    %mul3A_23 = arith.mulf %sub3A_21, %mul3A_22 : vector<1000x256xf32>
    %get3A_24 = arith.constant 0 : index
    %get3A_25 = arith.constant 0 : index
    %get3A_26 = vector.load %arg4[%get3A_24, %get3A_25] : memref<1x256xf32, #tpu.memory_space<vmem>>, vector<1x256xf32>
    %add3A_27 = vector.broadcast %get3A_26 : vector<1x256xf32> to vector<1000x256xf32>
    %add3A_28 = arith.addf %mul3A_23, %add3A_27 : vector<1000x256xf32>
    %max3A = arith.constant 0.000000e+00 : f32
    %max3A_29 = vector.broadcast %max3A : f32 to vector<1000x256xf32>
    %max3A_30 = arith.maximumf %add3A_28, %max3A_29 : vector<1000x256xf32>
    %iota3A = tpu.iota {dimensions = array<i32: 1>} : vector<1x64xi32>
    %get3A_31 = arith.constant 0 : index
    %get3A_32 = arith.constant 0 : index
    %get3A_33 = vector.load %arg5[%get3A_31, %get3A_32] : memref<1000x1xi32, #tpu.memory_space<vmem>>, vector<1000x1xi32>
    %eq3A = vector.broadcast %get3A_33 : vector<1000x1xi32> to vector<1000x64xi32>
    %eq3A_34 = vector.broadcast %iota3A : vector<1x64xi32> to vector<1000x64xi32>
    %eq3A_35 = arith.cmpi eq, %eq3A, %eq3A_34 : vector<1000x64xi32>
    %convert_element_type3A = arith.extui %eq3A_35 : vector<1000x64xi1> to vector<1000x64xi32>
    %convert_element_type3A_36 = arith.sitofp %convert_element_type3A : vector<1000x64xi32> to vector<1000x64xf32>
    %dot_general3A = arith.constant dense<0.000000e+00> : vector<64x256xf32>
    %dot_general3A_37 = tpu.matmul %convert_element_type3A_36, %max3A_30, %dot_general3A {dimension_numbers = #tpu.dot_dimension_numbers<[0], [0], [1], [1], [0, 1, 1, 1], [], []>, transpose_lhs_hint = false} : vector<1000x64xf32>, vector<1000x256xf32>, vector<64x256xf32> -> vector<64x256xf32>
    %broadcast_in_dim3A = arith.constant 1.000000e+00 : f32
    %broadcast_in_dim3A_38 = vector.broadcast %broadcast_in_dim3A : f32 to vector<1000x256xf32>
    %dot_general3A_39 = arith.constant dense<0.000000e+00> : vector<64x256xf32>
    %dot_general3A_40 = tpu.matmul %convert_element_type3A_36, %broadcast_in_dim3A_38, %dot_general3A_39 {dimension_numbers = #tpu.dot_dimension_numbers<[0], [0], [1], [1], [0, 1, 1, 1], [], []>, transpose_lhs_hint = false} : vector<1000x64xf32>, vector<1000x256xf32>, vector<64x256xf32> -> vector<64x256xf32>
    %eq3A_41 = arith.constant 0 : i32
    %eq3A_42 = arith.cmpi eq, %arg0, %eq3A_41 : i32
    %convert_element_type3A_43 = arith.extui %eq3A_42 : i1 to i32
    %cond3A = arith.constant 0 : i32
    %cond3A_44 = arith.cmpi ne, %convert_element_type3A_43, %cond3A : i32
    scf.if %cond3A_44 {
      %swap3A = arith.constant 0 : index
      %swap3A_54 = arith.constant 0 : index
      %swap3A_55 = vector.load %arg7[%swap3A, %swap3A_54] : memref<64x256xf32, #tpu.memory_space<vmem>>, vector<64x256xf32>
      tpu.vector_store %arg7[%swap3A, %swap3A_54], %dot_general3A_37 {strides = array<i32>} : memref<64x256xf32, #tpu.memory_space<vmem>>, vector<64x256xf32>,
      %swap3A_56 = arith.constant 0 : index
      %swap3A_57 = arith.constant 0 : index
      %swap3A_58 = vector.load %arg8[%swap3A_56, %swap3A_57] : memref<64x256xf32, #tpu.memory_space<vmem>>, vector<64x256xf32>
      tpu.vector_store %arg8[%swap3A_56, %swap3A_57], %dot_general3A_40 {strides = array<i32>} : memref<64x256xf32, #tpu.memory_space<vmem>>, vector<64x256xf32>,
    } else {
    }
    %gt3A = arith.constant 0 : i32
    %gt3A_45 = arith.cmpi sgt, %arg0, %gt3A : i32
    %convert_element_type3A_46 = arith.extui %gt3A_45 : i1 to i32
    %cond3A_47 = arith.constant 0 : i32
    %cond3A_48 = arith.cmpi ne, %convert_element_type3A_46, %cond3A_47 : i32
    scf.if %cond3A_48 {
      %get3A_54 = arith.constant 0 : index
      %get3A_55 = arith.constant 0 : index
      %get3A_56 = vector.load %arg7[%get3A_54, %get3A_55] : memref<64x256xf32, #tpu.memory_space<vmem>>, vector<64x256xf32>
      %add3A_57 = arith.addf %get3A_56, %dot_general3A_37 : vector<64x256xf32>
      %swap3A = arith.constant 0 : index
      %swap3A_58 = arith.constant 0 : index
      %swap3A_59 = vector.load %arg7[%swap3A, %swap3A_58] : memref<64x256xf32, #tpu.memory_space<vmem>>, vector<64x256xf32>
      tpu.vector_store %arg7[%swap3A, %swap3A_58], %add3A_57 {strides = array<i32>} : memref<64x256xf32, #tpu.memory_space<vmem>>, vector<64x256xf32>,
      %get3A_60 = arith.constant 0 : index
      %get3A_61 = arith.constant 0 : index
      %get3A_62 = vector.load %arg8[%get3A_60, %get3A_61] : memref<64x256xf32, #tpu.memory_space<vmem>>, vector<64x256xf32>
      %add3A_63 = arith.addf %get3A_62, %dot_general3A_40 : vector<64x256xf32>
      %swap3A_64 = arith.constant 0 : index
      %swap3A_65 = arith.constant 0 : index
      %swap3A_66 = vector.load %arg8[%swap3A_64, %swap3A_65] : memref<64x256xf32, #tpu.memory_space<vmem>>, vector<64x256xf32>
      tpu.vector_store %arg8[%swap3A_64, %swap3A_65], %add3A_63 {strides = array<i32>} : memref<64x256xf32, #tpu.memory_space<vmem>>, vector<64x256xf32>,
    } else {
    }
    %eq3A_49 = arith.constant 9 : i32
    %eq3A_50 = arith.cmpi eq, %arg0, %eq3A_49 : i32
    %convert_element_type3A_51 = arith.extui %eq3A_50 : i1 to i32
    %cond3A_52 = arith.constant 0 : i32
    %cond3A_53 = arith.cmpi ne, %convert_element_type3A_51, %cond3A_52 : i32
    scf.if %cond3A_53 {
      %get3A_54 = arith.constant 0 : index
      %get3A_55 = arith.constant 0 : index
      %get3A_56 = vector.load %arg7[%get3A_54, %get3A_55] : memref<64x256xf32, #tpu.memory_space<vmem>>, vector<64x256xf32>
      %get3A_57 = arith.constant 0 : index
      %get3A_58 = arith.constant 0 : index
      %get3A_59 = vector.load %arg8[%get3A_57, %get3A_58] : memref<64x256xf32, #tpu.memory_space<vmem>>, vector<64x256xf32>
      %max3A_60 = arith.constant 1.000000e+00 : f32
      %max3A_61 = vector.broadcast %max3A_60 : f32 to vector<64x256xf32>
      %max3A_62 = arith.maximumf %get3A_59, %max3A_61 : vector<64x256xf32>
      %div3A = arith.divf %get3A_56, %max3A_62 : vector<64x256xf32>
      %swap3A = arith.constant 0 : index
      %swap3A_63 = arith.constant 0 : index
      %swap3A_64 = vector.load %arg6[%swap3A, %swap3A_63] : memref<64x256xf32, #tpu.memory_space<vmem>>, vector<64x256xf32>
      tpu.vector_store %arg6[%swap3A, %swap3A_63], %div3A {strides = array<i32>} : memref<64x256xf32, #tpu.memory_space<vmem>>, vector<64x256xf32>,
    } else {
    }
    return
  }
  func.func @transform_0(%arg0: i32) -> (i32, i32) {
    %c0_i32 = arith.constant 0 : i32
    %c0_i32_0 = arith.constant 0 : i32
    return %arg0, %c0_i32 : i32, i32
  }
  func.func @transform_1(%arg0: i32) -> (i32, i32) {
    %c0_i32 = arith.constant 0 : i32
    %c0_i32_0 = arith.constant 0 : i32
    %c0_i32_1 = arith.constant 0 : i32
    return %c0_i32, %c0_i32_0 : i32, i32
  }
  func.func @transform_2(%arg0: i32) -> (i32, i32) {
    %c0_i32 = arith.constant 0 : i32
    %c0_i32_0 = arith.constant 0 : i32
    %c0_i32_1 = arith.constant 0 : i32
    return %c0_i32, %c0_i32_0 : i32, i32
  }
  func.func @transform_3(%arg0: i32) -> (i32, i32) {
    %c0_i32 = arith.constant 0 : i32
    %c0_i32_0 = arith.constant 0 : i32
    %c0_i32_1 = arith.constant 0 : i32
    return %c0_i32, %c0_i32_0 : i32, i32
  }
  func.func @transform_4(%arg0: i32) -> (i32, i32) {
    %c0_i32 = arith.constant 0 : i32
    %c0_i32_0 = arith.constant 0 : i32
    return %arg0, %c0_i32 : i32, i32
  }
  func.func @transform_5(%arg0: i32) -> (i32, i32) {
    %c0_i32 = arith.constant 0 : i32
    %c0_i32_0 = arith.constant 0 : i32
    %c0_i32_1 = arith.constant 0 : i32
    return %c0_i32, %c0_i32_0 : i32, i32
  }
}

</mosaic_0001>

<sc_bundles>
// kernel: kernel.22.cloned.1.call-start
scs
__scs_entry_jumppad:
0x0: {  	(pc) =	sbr.rel $0x88, $3  }
0x1: {  	(tag) =	ssettag $0x0;
	lr =	simm.s32 $0x1  }
0x2: {  	[smem:$0x3F80] =	sst lr;
	_ =	strace $0xD0000000  }
0x3: {  	_ = 	snop  }
0x4: {  	_ = 	snop  }
0x5: {  	_ = 	snop  }
0x6: {  	_ = 	snop  }
0x7: {  	_ = 	snop  }
__scs_overlays_trampoline_lowered:
0x8: {  	[smem:$0x3F8F] =	sst s0  }
0x9: {  	[smem:$0x3F90] =	sst s1  }
0xa: {  	[smem:$0x3F91] =	sst s2  }
0xb: {  	[smem:$0x3F92] =	sst s3  }
0xc: {  	[smem:$0x3F93] =	sst s4  }
0xd: {  	[smem:$0x3F94] =	sst s5  }
0xe: {  	[smem:$0x3F95] =	sst s6  }
0xf: {  	[smem:$0x3F96] =	sst s7  }
0x10: {  	[smem:$0x3F97] =	sst s8  }
0x11: {  	[smem:$0x3F98] =	sst s9;
	s0 =	simm.s32 @!p0 $0x0  }
0x12: {  	s1 =	sld [smem:$0x3F7E];
	s0 =	simm.s32 @p0 $0x1  }
0x13: {  	[smem:$0x3F99] =	sst s0;
	s0 =	simm.s32 @!p1 $0x0  }
0x14: {  	s2 =	sld [smem:$0x3F7D];
	s0 =	simm.s32 @p1 $0x1  }
0x15: {  	[smem:$0x3F9A] =	sst s0;
	s0 =	simm.s32 @!p2 $0x0  }
0x16: {  	s3 =	sld [smem:$0x3FDB];
	s0 =	simm.s32 @p2 $0x1  }
0x17: {  	s4 =	simm.s32 $0x1BF5;
	[smem:$0x3F9C] =	sst s0  }
0x18: {  	s0 =	sld [smem:$0x3F7F];
	_ =	swait.ge [sflag:s4], $0x0  }
0x19: {  	s7 =	sld [smem:$0x3F80]  }
0x1a: {  	s8 =	sadd.s32 $0xFFFFE003, lr  }
0x1b: {  	s9 =	sadd.s32 $0xFFFFFEF7, lr;
	s5 =	simm.s32 $0xFFFFFFFF;
	p2 =	slt.u32 s8, $0xFFFFF086  }
0x1c: {  	p1 =	slt.u32 s9, $0xF7A;
	s5 =	simm.s32 @!p2 $0x0  }
0x1d: {  	s5 =	simm.s32 @p1 $0x1;
	p0 =	seq.s32 s7, s2  }
0x1e: {  	s7 =	smul.u32 @!p0 $0xF7A, s2;
	p2 =	seq.s32 @!p0 s5, $0x0  }
0x1f: {  	s9 =	smul.u32 $0xF7A, s1;
	s8 =	simm.s32 @!p0 $0x1BF5;
	p2 =	por !p2, p0  }
0x20: {  	[sflag:s8] =	ssyncset.s32 @!p0 $0xFFFFF086;
	s6 =	sadd.s32 @!p0 s3, s7;
	s7 =	simm.s32 @!p0 $0x108  }
0x21: {  	s3 =	sadd.s32 s3, s9;
	s6 =	sadd.s32 @!p0 $0x88, s6;
	s7 =	simm.s32 @p2 $0x1082  }
0x22: {  	[simem:s7], [sflag:s8] =	dma.local @!p0 [hbm:s6], $0xF7A  }
0x23: {  	s9 =	sor.u32 $0xD0000000, s2;
	s6 =	simm.s32 $0x108;
	_ =	swait.ge @!p0 [sflag:s8], $0x0  }
0x24: {  	s3 =	sadd.s32 $0x88, s3;
	s6 =	simm.s32 @!p1 $0x1082;
	[sflag:s4] =	ssyncset.s32 $0xFFFFF086  }
0x25: {  	[simem:s6], [sflag:s4] =	dma.local [hbm:s3], $0xF7A  }
0x26: {  	[smem:$0x3F80] =	sst s1;
	(tag) =	ssettag s2;
	_ =	strace s9  }
0x27: {  	s1 =	sld [smem:$0x3F90]  }
0x28: {  	s2 =	sld [smem:$0x3F91]  }
0x29: {  	s4 =	sld [smem:$0x3F93]  }
0x2a: {  	p0 =	seq.s32 s5, $0x0;
	s5 =	sld [smem:$0x3F94]  }
0x2b: {  	s6 =	sld [smem:$0x3F95]  }
0x2c: {  	s7 =	sld [smem:$0x3F96]  }
0x2d: {  	s3 =	simm.s32 $0x108;
	s8 =	sld [smem:$0x3F97]  }
0x2e: {  	s3 =	simm.s32 @!p0 $0x1082;
	s9 =	sld [smem:$0x3F98]  }
0x2f: {  	lr =	sadd.s32 s0, s3;
	s0 =	sld [smem:$0x3F8F]  }
0x30: {  	s3 =	sld [smem:$0x3F92]  }
0x31: {  	[smem:$0x3F9B] =	sst s10  }
0x32: {  	s10 =	sld [smem:$0x3F99];
	_ =	sdelay $0x3  }
0x33: {  	p0 =	seq.s32 s10, $0x1;
	s10 =	sld [smem:$0x3F9B];
	_ =	sdelay $0x3  }
0x34: {  	[smem:$0x3F9B] =	sst s10  }
0x35: {  	s10 =	sld [smem:$0x3F9A];
	_ =	sdelay $0x3  }
0x36: {  	p1 =	seq.s32 s10, $0x1;
	s10 =	sld [smem:$0x3F9B];
	_ =	sdelay $0x3  }
0x37: {  	[smem:$0x3F9B] =	sst s10  }
0x38: {  	s10 =	sld [smem:$0x3F9C]  }
0x39: {  	_ = 	snop;
	(pc) =	sbr.ind lr, $3  }
0x3a: {  	_ = 	snop  }
0x3b: {  	_ = 	snop  }
0x3c: {  	p2 =	seq.s32 s10, $0x1;
	s10 =	sld [smem:$0x3F9B]  }
0x3d: {  	_ =	shalt  }
0x3e: {  	_ =	shalt  }
0x3f: {  	_ =	shalt  }
0x40: {  	_ =	shalt  }
0x41: {  	_ =	shalt  }
0x42: {  	_ =	shalt  }
0x43: {  	_ =	shalt  }
0x44: {  	_ =	shalt  }
0x45: {  	_ =	shalt  }
0x46: {  	_ =	shalt  }
0x47: {  	_ =	shalt  }
0x48: {  	_ =	shalt  }
0x49: {  	_ =	shalt  }
0x4a: {  	_ =	shalt  }
0x4b: {  	_ =	shalt  }
0x4c: {  	_ =	shalt  }
0x4d: {  	_ =	shalt  }
0x4e: {  	_ =	shalt  }
0x4f: {  	_ =	shalt  }
0x50: {  	_ =	shalt  }
0x51: {  	_ =	shalt  }
0x52: {  	_ =	shalt  }
0x53: {  	_ =	shalt  }
0x54: {  	_ =	shalt  }
0x55: {  	_ =	shalt  }
0x56: {  	_ =	shalt  }
0x57: {  	_ =	shalt  }
0x58: {  	_ =	shalt  }
0x59: {  	_ =	shalt  }
0x5a: {  	_ =	shalt  }
0x5b: {  	_ =	shalt  }
0x5c: {  	_ =	shalt  }
0x5d: {  	_ =	shalt  }
0x5e: {  	_ =	shalt  }
0x5f: {  	_ =	shalt  }
0x60: {  	_ =	shalt  }
0x61: {  	_ =	shalt  }
0x62: {  	_ =	shalt  }
0x63: {  	_ =	shalt  }
0x64: {  	_ =	shalt  }
0x65: {  	_ =	shalt  }
0x66: {  	_ =	shalt  }
0x67: {  	_ =	shalt  }
0x68: {  	_ =	shalt  }
0x69: {  	_ =	shalt  }
0x6a: {  	_ =	shalt  }
0x6b: {  	_ =	shalt  }
0x6c: {  	_ =	shalt  }
0x6d: {  	_ =	shalt  }
0x6e: {  	_ =	shalt  }
0x6f: {  	_ =	shalt  }
0x70: {  	_ =	shalt  }
0x71: {  	_ =	shalt  }
0x72: {  	_ =	shalt  }
0x73: {  	_ =	shalt  }
0x74: {  	_ =	shalt  }
0x75: {  	_ =	shalt  }
0x76: {  	_ =	shalt  }
0x77: {  	_ =	shalt  }
0x78: {  	_ =	shalt  }
0x79: {  	_ =	shalt  }
0x7a: {  	_ =	shalt  }
0x7b: {  	_ =	shalt  }
0x7c: {  	_ =	shalt  }
0x7d: {  	_ =	shalt  }
0x7e: {  	_ =	shalt  }
0x7f: {  	_ =	shalt  }
0x80: {  	_ =	shalt  }
0x81: {  	_ =	shalt  }
0x82: {  	_ =	shalt  }
0x83: {  	_ =	shalt  }
0x84: {  	_ =	shalt  }
0x85: {  	_ =	shalt  }
0x86: {  	_ =	shalt  }
0x87: {  	_ =	shalt  }
.Lfunc_end0:
.L_simem_size_0:
called_computation_lowered:
.L_overlay_start_0:
0x88: {  	s2 =	sld [smem:$0x3FD9]  }
0x89: {  	s3 =	sld [smem:$0x3FFE];
	_ =	sdelay $0x1  }
0x8a: {  	s1 =	srdreg.scid  }
0x8b: {  	s0 =	sand.u32 $0x1, s1  }
0x8c: {  	s16 =	sshll.u32 s0, $0xA;
	s2 =	sadd.s32 s3, s2  }
0x8d: {  	s2 =	sadd.s32 s2, s16  }
0x8e: {  	[smem:$0x3FA7] =	sst s2  }
0x8f: {  	_ = 	snop  }
0x90: {  	(tm) =	ssettm $0x1  }
0x91: {  	s17 =	sld [smem:$0x3FFB];
	_ =	sdelay $0x3  }
0x92: {  	_ =	strace s17  }
0x93: {  	s2 =	sld [smem:$0x3FFC];
	_ =	sdelay $0x3  }
0x94: {  	_ =	strace s2  }
0x95: {  	s2 =	sld [smem:$0x3FFD];
	_ =	sdelay $0x3  }
0x96: {  	_ =	strace s2  }
0x97: {  	_ =	strace $0x8FFFFFFF  }
0x98: {  	s18 =	sld [smem:$0x3FDB];
	_ =	sdelay $0x1  }
0x99: {  	s19 =	simm.s32 $_scs_section_size  }
0x9a: {  	s4 =	simm.s32 $_size__tile_overlayer_lowered;
	s5 =	simm.s32 $_tile_overlayer_lowered  }
0x9b: {  	s22 =	simm.s32 $0x1BFF;
	s21 =	sshll.u32 s5, $0x1;
	s2 =	sadd.s32 s19, s18  }
0x9c: {  	s6 =	simm.s32 $0x0;
	s20 =	sshll.u32 s4, $0x1;
	s4 =	sadd.s32 s21, s2  }
0x9d: {  	[timem:s6], [sflag:s22] =	dma.local [hbm:s4], s20  }
0x9e: {  	_ =	swait.ge [sflag:s22], s20  }
0x9f: {  	s3 =	ssub.s32 $0x0, s20;
	[sflag:s22] =	ssyncset.done $0x0  }
0xa0: {  	[sflag:s22] =	ssyncadd.s32 s3;
	_ =	sdelay $0x1  }
0xa1: {  	s23 =	simm.s32 $0x1B8B  }
0xa2: {  	_ =	swait.ge [sflag:s23], $0x1  }
0xa3: {  	[sflag:s23] =	ssyncset.done $0x0  }
0xa4: {  	s25 =	simm.s32 $0x1B8E;
	s24 =	sld [smem:$0x3FFE];
	[sflag:s23] =	ssyncadd.s32 $0xFFFFFFFF  }
0xa5: {  	s26 =	simm.s32 $execute0_lowered;
	[smem:$0x3FD2] =	sst s25  }
0xa6: {  	s4 =	sshll.u32 s26, $0x1;
	_ =	strace $0x80000046;
	[dreg:$0x1] =	wrdreg $0xFFFFFFFF  }
0xa7: {  	s28 =	simm.s32 $_size_execute0_lowered;
	s2 =	sadd.s32 s2, s4;
	[dreg:$0x0] =	wrdreg $0x0  }
0xa8: {  	s4 =	sshll.u32 s28, $0x1;
	[dreg:$0x2] =	wrdreg s2  }
0xa9: {  	[dreg:$0x3] =	wrdreg s4  }
0xaa: {  	[dreg:$0x4] =	wrdreg $0xC0  }
0xab: {  	_ =	task [dreg:s6], $0x5FFFF  }
0xac: {  	[dreg:$0x1] =	wrdreg $0xFFFFFFFF  }
0xad: {  	[dreg:$0x0] =	wrdreg $0x60  }
0xae: {  	[dreg:$0x2] =	wrdreg s24  }
0xaf: {  	[dreg:$0x3] =	wrdreg $0x6F400  }
0xb0: {  	[dreg:$0x4] =	wrdreg $0x9  }
0xb1: {  	_ =	task.clear_ibuf [dreg:s6], $0x5FFFF;
	_ =	strace $0x90000046  }
0xb2: {  	s29 =	simm.s32 $0x9;
	_ =	strace $0x80000048  }
0xb3: {  	_ =	swait.ge [sflag:s29], $0x1  }
0xb4: {  	[sflag:s29] =	ssyncadd.s32 $0xFFFFFFFF  }
0xb5: {  	_ =	strace $0x90000048  }
0xb6: {  	_ =	sfence  }
0xb7: {  	s30 =	sld [smem:$0x0];
	_ =	sdelay $0x2  }
0xb8: {  	s31 =	sshll.u32 s1, $0xD;
	s1 =	sshrl.u32 s1, $0x2  }
0xb9: {  	s3 =	sand.u32 $0x4000, s31;
	s1 =	sadd.s32 s1, s30  }
0xba: {  	s0 =	sor.u32 s3, s0;
	s1 =	sshll.u32 s1, $0x11  }
0xbb: {  	s0 =	sor.u32 s1, s0  }
0xbc: {  	s0 =	sadd.s32 $0x8F2B, s0  }
0xbd: {  	[sflag:s0] =	ssyncadd.remote.s32 $0x1  }
0xbe: {  	_ =	sfence.sel $0xFFFF  }
0xbf: {  	[dreg:$0x0] =	wrdreg $0xFFFFFFFF;
	(pc) =	sbr.abs _section_cstart, $3  }
0xc0: {  	[dreg:$0x1] =	wrdreg $0xFFFFFFFF  }
0xc1: {  	_ =	task.clear_ibuf [dreg:s6], $0x2FFFF;
	_ =	strace $0x9FFFFFFF  }
0xc2: {  	(tm) =	ssettm $0x7FFFFFFF  }
0xc3: {  	_ =	shalt  }
tec
execute0_lowered:
.L_overlay_start_1:
0x0: {  	(tag) =	ssettag $0x1  }
0x1: {  	s0 =	rddreg [dreg:$0x0]  }
0x2: {  	s1 =	rddreg [dreg:$0x1];
	s3 =	simm.s32 $0x0;
	s12 =	stileid.u32  }
0x3: {  	s2 =	srdreg.scid;
	s15 =	simm.s32 $0x9;
	s16 =	simm.s32 $0xFA0  }
0x4: {  	s17 =	simm.s32 $0x50;
	s18 =	simm.s32 $0x1F40;
	s19 =	simm.s32 $0x3340  }
0x5: {  	s20 =	simm.s32 $0x1;
	s21 =	simm.s32 $0x2;
	s28 =	simm.s32 $0x4  }
0x6: {  	s29 =	simm.s32 $0x1090;
	s30 =	simm.s32 $0x5B40;
	s31 =	simm.s32 $0x6  }
0x7: {  	s22 =	simm.s32 $0x0;
	[smem:$0x7FF] =	sst s3;
	s4 =	sadd.s32 $0x31200, s0  }
0x8: {  	s2 =	sand.u32 $0x1, s2;
	s8 =	smul.u32 $0x13880, s12;
	s5 =	sadd.s32 $0x1D800, s0  }
0x9: {  	s9 =	smul.u32 $0x9C40, s12;
	s6 =	sadd.s32 $0x13A00, s0;
	s7 =	sadd.s32 $0x9C00, s0  }
0xa: {  	s25 =	sshll.u32 s12, $0x6;
	_ =	strace $0x80000047;
	s10 =	sshll.u32 s2, $0x6  }
0xb: {  	s11 =	ssub.s32 $0x2, s2;
	s14 =	sor.u32 $0x1C09, s25;
	p0 =	seq.s32 s2, $0x0  }
0xc: {  	s13 =	smov.u32 s5;
	s25 =	simm.s32 $0x4740;
	s2 =	simm.s32 $0x8  }
0xd: {  	s8 =	sor.u32 s10, s8;
	s23 =	sshrl.u32 s9, $0x3;
	s24 =	sshrl.u32 s11, $0x1  }
0xe: {  	s9 =	sadd.s32 s9, s1;
	s13 =	smov.u32 @p0 s4;
	[dreg:$0x4] =	wrdreg s14  }
0xf: {  	s8 =	sshrl.u32 s8, $0x3;
	s10 =	sadd.s32 s23, s0;
	s23 =	simm.s32 $0x3  }
0x10: {  	s0 =	sadd.s32 s8, s0;
	s8 =	ssub.s32 s11, s24;
	s10 =	sadd.s32 $0x44C00, s10  }
0x11: {  	s11 =	simm.s32 $0x1EF0;
	[dreg:$0x3] =	wrdreg s10;
	s0 =	sadd.s32 $0x58600, s0  }
0x12: {  	s10 =	smul.u32 $0xFA, s12;
	s26 =	smax.u32 s8, $0x1;
	[dreg:$0x5] =	wrdreg s0  }
0x13: {  	s12 =	sshrl.u32 s9, $0x3;
	s8 =	simm.s32 $0x1EA0;
	[dreg:$0x6] =	wrdreg s26  }
0x14: {  	s26 =	simm.s32 $0x5;
	s0 =	simm.s32 $0x7;
	[dreg:$0x7] =	wrdreg s12  }
.LBB2_1:
0x15: {  	[dreg:$0x8] =	wrdreg s22  }
0x16: {  	s9 =	rddreg [dreg:$0x3]  }
0x17: {  	[spmem:s12], [sflag:s14] =	dma.local [hbm:s9], $0x1388  }
0x18: {  	_ =	swait.ge [sflag:s15], $0x1388  }
0x19: {  	[sflag:s15] =	ssyncset.done $0x0  }
0x1a: {  	[sflag:s15] =	ssyncadd.s32 $0xFFFFEC78  }
0x1b: {  	s9 =	simm.s32 $0x0;
	[bflag:$0x0] =	sbarrier.arrive $0xFFFF  }
.LBB2_2:
0x1c: {  	s12 =	smul.u32 $0x32, s9;
	_ =	sdelay $0x1  }
0x1d: {  	s12 =	sadd.s32 s10, s12  }
0x1e: {  	s12 =	smul.u32 $0xA, s12;
	_ =	sdelay $0x1  }
0x1f: {  	s14 =	sadd.s32 s6, s12  }
0x20: {  	[tilespmem:s3], [sflag:$0x9] =	stream.linear.gather [hbm4b:s14+s3], $0xFA0, $0x38;
	[tilespmem:$0x10B80] =	vst v63  }
0x21: {  	_ =	swait.ge [sflag:s15], $0xFA0  }
0x22: {  	[sflag:s15] =	ssyncset.done $0x0  }
0x23: {  	s12 =	sadd.s32 s7, s12;
	[sflag:s15] =	ssyncadd.s32 $0xFFFFF060  }
0x24: {  	[tilespmem:s16], [sflag:$0x9] =	stream.linear.gather [hbm4b:s12+s3], $0xFA0, $0x38;
	[tilespmem:$0x10B80] =	vst v63  }
0x25: {  	_ =	swait.ge [sflag:s15], $0xFA0  }
0x26: {  	[sflag:s15] =	ssyncset.done $0x0  }
0x27: {  	[sflag:s15] =	ssyncadd.s32 $0xFFFFF060  }
0x28: {  	[tilespmem:s18], [sflag:$0x1] =	stream.indirect.gather [hbm4b:s13+s17], $0x40, s3, s17, $0xb8;
	[tilespmem:$0x10B80] =	vst v63  }
0x29: {  	_ = 	snop  }
0x2a: {  	[tilespmem:s19], [sflag:$0x2] =	stream.indirect.gather [hbm4b:s13+s17], $0x40, s17, s17, $0xb8;
	[tilespmem:$0x10B80] =	vst v63  }
0x2b: {  	_ =	swait.ge [sflag:s20], $0x1400  }
0x2c: {  	[sflag:s20] =	ssyncset.done $0x0  }
0x2d: {  	[sflag:s20] =	ssyncadd.s32 $0xFFFFEC00  }
0x2e: {  	[spmem:s1] =	stream.indirect.scatter.add.f32 [tilespmem:s18], [sflag:$0x5], $0x40, s16, s17, $0xb8;
	[tilespmem:$0x10B80] =	vst v63  }
0x2f: {  	s22 =	simm.s32 @p0 $0x4740;
	s14 =	simm.s32 @p0 $0xA0;
	s12 =	simm.s32 @p0 $0x50  }
0x30: {  	[tilespmem:s22], [sflag:$0x3] =	stream.indirect.gather @p0 [hbm4b:s4+s12], $0x40, s14, s12, $0xb8;
	[tilespmem:$0x10B80] =	vst v63  }
0x31: {  	s24 =	simm.s32 @!p0 $0x4740;
	s14 =	simm.s32 @!p0 $0x50;
	s22 =	simm.s32 @!p0 $0xA0  }
0x32: {  	[tilespmem:s24], [sflag:$0x3] =	stream.indirect.gather @!p0 [hbm4b:s5+s14], $0x40, s22, s14, $0xb8;
	[tilespmem:$0x10B80] =	vst v63  }
0x33: {  	_ =	swait.ge [sflag:s21], $0x1400  }
0x34: {  	[sflag:s21] =	ssyncset.done $0x0  }
0x35: {  	s24 =	simm.s32 $0xFF0;
	[sflag:s21] =	ssyncadd.s32 $0xFFFFEC00  }
0x36: {  	[spmem:s1] =	stream.indirect.scatter.add.f32 [tilespmem:s19], [sflag:$0x6], $0x40, s24, s17, $0xb8;
	[tilespmem:$0x10B80] =	vst v63  }
0x37: {  	s22 =	simm.s32 @p0 $0xF0;
	s24 =	simm.s32 @p0 $0x5B40  }
0x38: {  	[tilespmem:s24], [sflag:$0x4] =	stream.indirect.gather @p0 [hbm4b:s4+s12], $0x40, s22, s12, $0xb8;
	[tilespmem:$0x10B80] =	vst v63  }
0x39: {  	s22 =	simm.s32 @!p0 $0xF0;
	s24 =	simm.s32 @!p0 $0x5B40  }
0x3a: {  	[tilespmem:s24], [sflag:$0x4] =	stream.indirect.gather @!p0 [hbm4b:s5+s14], $0x40, s22, s14, $0xb8;
	[tilespmem:$0x10B80] =	vst v63  }
0x3b: {  	_ =	swait.ge [sflag:s23], $0x1400  }
0x3c: {  	[sflag:s23] =	ssyncset.done $0x0  }
0x3d: {  	s24 =	simm.s32 $0x1040;
	[sflag:s23] =	ssyncadd.s32 $0xFFFFEC00  }
0x3e: {  	[spmem:s1] =	stream.indirect.scatter.add.f32 [tilespmem:s25], [sflag:$0x7], $0x40, s24, s17, $0xb8;
	[tilespmem:$0x10B80] =	vst v63  }
0x3f: {  	_ =	swait.ge [sflag:s26], $0x1400  }
0x40: {  	[sflag:s26] =	ssyncset.done $0x0  }
0x41: {  	s22 =	simm.s32 @p0 $0x140;
	s24 =	simm.s32 @p0 $0x1F40;
	[sflag:s26] =	ssyncadd.s32 $0xFFFFEC00  }
0x42: {  	[tilespmem:s24], [sflag:$0x1] =	stream.indirect.gather @p0 [hbm4b:s4+s12], $0x40, s22, s12, $0xb8;
	[tilespmem:$0x10B80] =	vst v63  }
0x43: {  	s22 =	simm.s32 @!p0 $0x140;
	s24 =	simm.s32 @!p0 $0x1F40  }
0x44: {  	[tilespmem:s24], [sflag:$0x1] =	stream.indirect.gather @!p0 [hbm4b:s5+s14], $0x40, s22, s14, $0xb8;
	[tilespmem:$0x10B80] =	vst v63  }
0x45: {  	_ =	swait.ge [sflag:s28], $0x1400  }
0x46: {  	[sflag:s28] =	ssyncset.done $0x0  }
0x47: {  	[sflag:s28] =	ssyncadd.s32 $0xFFFFEC00  }
0x48: {  	[spmem:s1] =	stream.indirect.scatter.add.f32 [tilespmem:s30], [sflag:$0x8], $0x40, s29, s17, $0xb8;
	[tilespmem:$0x10B80] =	vst v63  }
0x49: {  	_ =	swait.ge [sflag:s31], $0x1400  }
0x4a: {  	[sflag:s31] =	ssyncset.done $0x0  }
0x4b: {  	s22 =	simm.s32 @p0 $0x190;
	s24 =	simm.s32 @p0 $0x3340;
	[sflag:s31] =	ssyncadd.s32 $0xFFFFEC00  }
0x4c: {  	[tilespmem:s24], [sflag:$0x2] =	stream.indirect.gather @p0 [hbm4b:s4+s12], $0x40, s22, s12, $0xb8;
	[tilespmem:$0x10B80] =	vst v63  }
0x4d: {  	s12 =	simm.s32 @!p0 $0x190;
	s22 =	simm.s32 @!p0 $0x3340  }
0x4e: {  	[tilespmem:s22], [sflag:$0x2] =	stream.indirect.gather @!p0 [hbm4b:s5+s14], $0x40, s12, s14, $0xb8;
	[tilespmem:$0x10B80] =	vst v63  }
0x4f: {  	_ =	swait.ge [sflag:s20], $0x1400  }
0x50: {  	[sflag:s20] =	ssyncset.done $0x0  }
0x51: {  	s24 =	simm.s32 $0x10E0;
	[sflag:s20] =	ssyncadd.s32 $0xFFFFEC00  }
0x52: {  	[spmem:s1] =	stream.indirect.scatter.add.f32 [tilespmem:s18], [sflag:$0x5], $0x40, s24, s17, $0xb8;
	[tilespmem:$0x10B80] =	vst v63  }
0x53: {  	_ =	swait.ge [sflag:s0], $0x1400  }
0x54: {  	[sflag:s0] =	ssyncset.done $0x0  }
0x55: {  	s14 =	simm.s32 $0x1E0;
	[sflag:s0] =	ssyncadd.s32 $0xFFFFEC00  }
0x56: {  	[tilespmem:s25], [sflag:$0x3] =	stream.indirect.gather [hbm4b:s13+s17], $0x40, s14, s17, $0xb8;
	[tilespmem:$0x10B80] =	vst v63  }
0x57: {  	_ =	swait.ge [sflag:s21], $0x1400  }
0x58: {  	[sflag:s21] =	ssyncset.done $0x0  }
0x59: {  	s22 =	simm.s32 $0x1130;
	[sflag:s21] =	ssyncadd.s32 $0xFFFFEC00  }
0x5a: {  	[spmem:s1] =	stream.indirect.scatter.add.f32 [tilespmem:s19], [sflag:$0x6], $0x40, s22, s17, $0xb8;
	[tilespmem:$0x10B80] =	vst v63  }
0x5b: {  	_ =	swait.ge [sflag:s2], $0x1400  }
0x5c: {  	[sflag:s2] =	ssyncset.done $0x0  }
0x5d: {  	s24 =	simm.s32 $0x230;
	[sflag:s2] =	ssyncadd.s32 $0xFFFFEC00  }
0x5e: {  	[tilespmem:s30], [sflag:$0x4] =	stream.indirect.gather [hbm4b:s13+s17], $0x40, s24, s17, $0xb8;
	[tilespmem:$0x10B80] =	vst v63  }
0x5f: {  	_ =	swait.ge [sflag:s23], $0x1400  }
0x60: {  	[sflag:s23] =	ssyncset.done $0x0  }
0x61: {  	s14 =	simm.s32 $0x1180;
	[sflag:s23] =	ssyncadd.s32 $0xFFFFEC00  }
0x62: {  	[spmem:s1] =	stream.indirect.scatter.add.f32 [tilespmem:s25], [sflag:$0x7], $0x40, s14, s17, $0xb8;
	[tilespmem:$0x10B80] =	vst v63  }
0x63: {  	_ =	swait.ge [sflag:s26], $0x1400  }
0x64: {  	[sflag:s26] =	ssyncset.done $0x0  }
0x65: {  	s22 =	simm.s32 $0x280;
	[sflag:s26] =	ssyncadd.s32 $0xFFFFEC00  }
0x66: {  	[tilespmem:s18], [sflag:$0x1] =	stream.indirect.gather [hbm4b:s13+s17], $0x40, s22, s17, $0xb8;
	[tilespmem:$0x10B80] =	vst v63  }
0x67: {  	_ =	swait.ge [sflag:s28], $0x1400  }
0x68: {  	[sflag:s28] =	ssyncset.done $0x0  }
0x69: {  	s24 =	simm.s32 $0x11D0;
	[sflag:s28] =	ssyncadd.s32 $0xFFFFEC00  }
0x6a: {  	[spmem:s1] =	stream.indirect.scatter.add.f32 [tilespmem:s30], [sflag:$0x8], $0x40, s24, s17, $0xb8;
	[tilespmem:$0x10B80] =	vst v63  }
0x6b: {  	_ =	swait.ge [sflag:s31], $0x1400  }
0x6c: {  	[sflag:s31] =	ssyncset.done $0x0  }
0x6d: {  	s12 =	simm.s32 $0x2D0;
	s14 =	simm.s32 $0x500;
	[sflag:s31] =	ssyncadd.s32 $0xFFFFEC00  }
.LBB2_3:
0x6e: {  	[tilespmem:s19], [sflag:$0x2] =	stream.indirect.gather [hbm4b:s13+s17], $0x40, s12, s17, $0xb8;
	[tilespmem:$0x10B80] =	vst v63  }
0x6f: {  	s12 =	smov.u32 s14  }
0x70: {  	p1 =	sne.s32 s14, $0x3200;
	s14 =	sadd.s32 $0x500, s14;
	_ =	swait.ge [sflag:s20], $0x1400  }
0x71: {  	s12 =	sshra.s32 s12, $0x2;
	[sflag:s20] =	ssyncset.done $0x0  }
0x72: {  	s22 =	sadd.s32 $0x10E0, s12;
	[sflag:s20] =	ssyncadd.s32 $0xFFFFEC00  }
0x73: {  	[spmem:s1] =	stream.indirect.scatter.add.f32 [tilespmem:s18], [sflag:$0x5], $0x40, s22, s17, $0xb8;
	[tilespmem:$0x10B80] =	vst v63  }
0x74: {  	_ =	swait.ge [sflag:s0], $0x1400  }
0x75: {  	[sflag:s0] =	ssyncset.done $0x0  }
0x76: {  	s22 =	sadd.s32 $0x1E0, s12;
	[sflag:s0] =	ssyncadd.s32 $0xFFFFEC00  }
0x77: {  	[tilespmem:s25], [sflag:$0x3] =	stream.indirect.gather [hbm4b:s13+s17], $0x40, s22, s17, $0xb8;
	[tilespmem:$0x10B80] =	vst v63  }
0x78: {  	_ =	swait.ge [sflag:s21], $0x1400  }
0x79: {  	[sflag:s21] =	ssyncset.done $0x0  }
0x7a: {  	s22 =	sadd.s32 $0x1130, s12;
	[sflag:s21] =	ssyncadd.s32 $0xFFFFEC00  }
0x7b: {  	[spmem:s1] =	stream.indirect.scatter.add.f32 [tilespmem:s19], [sflag:$0x6], $0x40, s22, s17, $0xb8;
	[tilespmem:$0x10B80] =	vst v63  }
0x7c: {  	_ =	swait.ge [sflag:s2], $0x1400  }
0x7d: {  	[sflag:s2] =	ssyncset.done $0x0  }
0x7e: {  	s22 =	sadd.s32 $0x230, s12;
	[sflag:s2] =	ssyncadd.s32 $0xFFFFEC00  }
0x7f: {  	[tilespmem:s30], [sflag:$0x4] =	stream.indirect.gather [hbm4b:s13+s17], $0x40, s22, s17, $0xb8;
	[tilespmem:$0x10B80] =	vst v63  }
0x80: {  	_ =	swait.ge [sflag:s23], $0x1400  }
0x81: {  	[sflag:s23] =	ssyncset.done $0x0  }
0x82: {  	s22 =	sadd.s32 $0x1180, s12;
	[sflag:s23] =	ssyncadd.s32 $0xFFFFEC00  }
0x83: {  	[spmem:s1] =	stream.indirect.scatter.add.f32 [tilespmem:s25], [sflag:$0x7], $0x40, s22, s17, $0xb8;
	[tilespmem:$0x10B80] =	vst v63  }
0x84: {  	_ =	swait.ge [sflag:s26], $0x1400  }
0x85: {  	[sflag:s26] =	ssyncset.done $0x0  }
0x86: {  	s22 =	sadd.s32 $0x280, s12;
	[sflag:s26] =	ssyncadd.s32 $0xFFFFEC00  }
0x87: {  	[tilespmem:s18], [sflag:$0x1] =	stream.indirect.gather [hbm4b:s13+s17], $0x40, s22, s17, $0xb8;
	[tilespmem:$0x10B80] =	vst v63  }
0x88: {  	_ =	swait.ge [sflag:s28], $0x1400  }
0x89: {  	[sflag:s28] =	ssyncset.done $0x0  }
.Ltmp0:
0x8a: {  	s22 =	sadd.s32 $0x11D0, s12;
	[sflag:s28] =	ssyncadd.s32 $0xFFFFEC00;
	(pc) =	sbr.rel @p1 .LBB2_3-.Ltmp0, $4  }
0x8b: {  	[spmem:s1] =	stream.indirect.scatter.add.f32 [tilespmem:s30], [sflag:$0x8], $0x40, s22, s17, $0xb8;
	[tilespmem:$0x10B80] =	vst v63  }
0x8c: {  	_ =	swait.ge [sflag:s31], $0x1400  }
0x8d: {  	[sflag:s31] =	ssyncset.done $0x0  }
0x8e: {  	s12 =	sadd.s32 $0x2D0, s12;
	[sflag:s31] =	ssyncadd.s32 $0xFFFFEC00  }
0x8f: {  	[tilespmem:s19], [sflag:$0x2] =	stream.indirect.gather [hbm4b:s13+s17], $0x40, s12, s17, $0xb8;
	[tilespmem:$0x10B80] =	vst v63  }
0x90: {  	_ =	swait.ge [sflag:s20], $0x1400  }
0x91: {  	[sflag:s20] =	ssyncset.done $0x0  }
0x92: {  	[sflag:s20] =	ssyncadd.s32 $0xFFFFEC00  }
0x93: {  	[spmem:s1] =	stream.indirect.scatter.add.f32 [tilespmem:s18], [sflag:$0x5], $0x40, s8, s17, $0xb8;
	[tilespmem:$0x10B80] =	vst v63  }
0x94: {  	_ =	swait.ge [sflag:s21], $0x1400  }
0x95: {  	[sflag:s21] =	ssyncset.done $0x0  }
0x96: {  	[sflag:s21] =	ssyncadd.s32 $0xFFFFEC00  }
0x97: {  	[spmem:s1] =	stream.indirect.scatter.add.f32 [tilespmem:s19], [sflag:$0x6], $0x40, s11, s17, $0xb8;
	[tilespmem:$0x10B80] =	vst v63  }
0x98: {  	_ =	swait.ge [sflag:s0], $0x1400  }
0x99: {  	[sflag:s0] =	ssyncset.done $0x0  }
0x9a: {  	[sflag:s0] =	ssyncadd.s32 $0xFFFFEC00  }
0x9b: {  	_ =	swait.ge [sflag:s2], $0x1400  }
0x9c: {  	[sflag:s2] =	ssyncset.done $0x0  }
0x9d: {  	s9 =	sadd.s32 $0x1, s9;
	[sflag:s2] =	ssyncadd.s32 $0xFFFFEC00  }
0x9e: {  	p1 =	sne.s32 s9, $0x5;
	_ =	swait.ge [sflag:s26], $0x1400  }
.Ltmp1:
0x9f: {  	[sflag:s26] =	ssyncset.done $0x0;
	(pc) =	sbr.rel @p1 .LBB2_2-.Ltmp1, $4  }
0xa0: {  	[sflag:s26] =	ssyncadd.s32 $0xFFFFEC00  }
0xa1: {  	_ =	swait.ge [sflag:s31], $0x1400  }
0xa2: {  	[sflag:s31] =	ssyncset.done $0x0  }
0xa3: {  	[sflag:s31] =	ssyncadd.s32 $0xFFFFEC00  }
0xa4: {  	[bflag:$0x0] =	sbarrier.arrive $0xFFFF  }
0xa5: {  	s14 =	rddreg [dreg:$0x4]  }
0xa6: {  	s9 =	rddreg [dreg:$0x5]  }
0xa7: {  	s22 =	simm.s32 $0x10;
	s12 =	rddreg [dreg:$0x7]  }
0xa8: {  	[hbm:s9@s22], [sflag:s14] =	dma.strided [spmem:s12@s2], $0x1388, s20, $0x8   }
0xa9: {  	_ =	swait.ge [sflag:s15], $0x1388  }
0xaa: {  	s9 =	rddreg [dreg:$0x8]  }
0xab: {  	s24 =	rddreg [dreg:$0x6];
	s22 =	sadd.s32 $0x1, s9  }
0xac: {  	p1 =	sne.s32 s22, s24  }
.Ltmp2:
0xad: {  	_ = 	snop;
	(pc) =	sbr.rel @p1 .LBB2_1-.Ltmp2, $3  }
0xae: {  	_ =	sdelay $0x1  }
0xaf: {  	[sflag:s15] =	ssyncset.done $0x0  }
0xb0: {  	[sflag:s15] =	ssyncadd.s32 $0xFFFFEC78  }
0xb1: {  	_ =	sfence.sel $0x180000  }
0xb2: {  	[bflag:$0x0] =	sbarrier.arrive $0xFFFF  }
0xb3: {  	_ =	strace $0x90000047  }
0xb4: {  	s0 =	stileid.u32;
	[bflag:$0x2] =	sbarrier.arrive $0xFFFF  }
0xb5: {  	p0 =	sne.s32 s0, $0x0;
	s0 =	rddreg [dreg:$0x2]  }
0xb6: {  	s0 =	sadd.s32 @!p0 $0x100000, s0  }
0xb7: {  	[sflag:s0] =	ssyncadd.tile.s32 @!p0 $0x1;
	_ =	shalt  }
.Lfunc_end2:
_tile_overlayer_lowered:
.L_overlay_start_2:
0xb8: {  	(tag) =	ssettag $0x2  }
0xb9: {  	s0 =	rddreg [dreg:$0x0];
	s2 =	stileid.u32  }
0xba: {  	s1 =	rddreg [dreg:$0x1];
	p0 =	sne.s32 s2, $0x0  }
0xbb: {  	s3 =	rddreg [dreg:$0x2];
	[bflag:$0x3] =	sbarrier.arrive $0xFFFF;
	s2 =	simm.s32 @!p0 $0x1C09  }
0xbc: {  	[timem:s3], [sflag:s2] =	dma.local @!p0 [hbm:s0], s1  }
0xbd: {  	s0 =	simm.s32 @!p0 $0x9  }
0xbe: {  	_ =	swait.ge @!p0 [sflag:s0], s1  }
0xbf: {  	s1 =	ssub.s32 @!p0 $0x0, s1;
	[sflag:s0] =	ssyncset.done @!p0 $0x0  }
0xc0: {  	[sflag:s0] =	ssyncadd.s32 @!p0 s1  }
0xc1: {  	[bflag:$0x3] =	sbarrier.arrive $0xFFFF  }
0xc2: {  	_ =	shalt  }

// kernel: kernel.25.cloned.1.call-start
scs
__scs_entry_jumppad:
0x0: {  	(pc) =	sbr.rel $0x88, $3  }
0x1: {  	(tag) =	ssettag $0x0;
	lr =	simm.s32 $0x1  }
0x2: {  	[smem:$0x3F80] =	sst lr;
	_ =	strace $0xD0000000  }
0x3: {  	_ = 	snop  }
0x4: {  	_ = 	snop  }
0x5: {  	_ = 	snop  }
0x6: {  	_ = 	snop  }
0x7: {  	_ = 	snop  }
__scs_overlays_trampoline_lowered:
0x8: {  	[smem:$0x3F8F] =	sst s0  }
0x9: {  	[smem:$0x3F90] =	sst s1  }
0xa: {  	[smem:$0x3F91] =	sst s2  }
0xb: {  	[smem:$0x3F92] =	sst s3  }
0xc: {  	[smem:$0x3F93] =	sst s4  }
0xd: {  	[smem:$0x3F94] =	sst s5  }
0xe: {  	[smem:$0x3F95] =	sst s6  }
0xf: {  	[smem:$0x3F96] =	sst s7  }
0x10: {  	[smem:$0x3F97] =	sst s8  }
0x11: {  	[smem:$0x3F98] =	sst s9;
	s0 =	simm.s32 @!p0 $0x0  }
0x12: {  	s1 =	sld [smem:$0x3F7E];
	s0 =	simm.s32 @p0 $0x1  }
0x13: {  	[smem:$0x3F99] =	sst s0;
	s0 =	simm.s32 @!p1 $0x0  }
0x14: {  	s2 =	sld [smem:$0x3F7D];
	s0 =	simm.s32 @p1 $0x1  }
0x15: {  	[smem:$0x3F9A] =	sst s0;
	s0 =	simm.s32 @!p2 $0x0  }
0x16: {  	s3 =	sld [smem:$0x3FDB];
	s0 =	simm.s32 @p2 $0x1  }
0x17: {  	s4 =	simm.s32 $0x1BF5;
	[smem:$0x3F9C] =	sst s0  }
0x18: {  	s0 =	sld [smem:$0x3F7F];
	_ =	swait.ge [sflag:s4], $0x0  }
0x19: {  	s7 =	sld [smem:$0x3F80]  }
0x1a: {  	s8 =	sadd.s32 $0xFFFFE003, lr  }
0x1b: {  	s9 =	sadd.s32 $0xFFFFFEF7, lr;
	s5 =	simm.s32 $0xFFFFFFFF;
	p2 =	slt.u32 s8, $0xFFFFF086  }
0x1c: {  	p1 =	slt.u32 s9, $0xF7A;
	s5 =	simm.s32 @!p2 $0x0  }
0x1d: {  	s5 =	simm.s32 @p1 $0x1;
	p0 =	seq.s32 s7, s2  }
0x1e: {  	s7 =	smul.u32 @!p0 $0xF7A, s2;
	p2 =	seq.s32 @!p0 s5, $0x0  }
0x1f: {  	s9 =	smul.u32 $0xF7A, s1;
	s8 =	simm.s32 @!p0 $0x1BF5;
	p2 =	por !p2, p0  }
0x20: {  	[sflag:s8] =	ssyncset.s32 @!p0 $0xFFFFF086;
	s6 =	sadd.s32 @!p0 s3, s7;
	s7 =	simm.s32 @!p0 $0x108  }
0x21: {  	s3 =	sadd.s32 s3, s9;
	s6 =	sadd.s32 @!p0 $0x88, s6;
	s7 =	simm.s32 @p2 $0x1082  }
0x22: {  	[simem:s7], [sflag:s8] =	dma.local @!p0 [hbm:s6], $0xF7A  }
0x23: {  	s9 =	sor.u32 $0xD0000000, s2;
	s6 =	simm.s32 $0x108;
	_ =	swait.ge @!p0 [sflag:s8], $0x0  }
0x24: {  	s3 =	sadd.s32 $0x88, s3;
	s6 =	simm.s32 @!p1 $0x1082;
	[sflag:s4] =	ssyncset.s32 $0xFFFFF086  }
0x25: {  	[simem:s6], [sflag:s4] =	dma.local [hbm:s3], $0xF7A  }
0x26: {  	[smem:$0x3F80] =	sst s1;
	(tag) =	ssettag s2;
	_ =	strace s9  }
0x27: {  	s1 =	sld [smem:$0x3F90]  }
0x28: {  	s2 =	sld [smem:$0x3F91]  }
0x29: {  	s4 =	sld [smem:$0x3F93]  }
0x2a: {  	p0 =	seq.s32 s5, $0x0;
	s5 =	sld [smem:$0x3F94]  }
0x2b: {  	s6 =	sld [smem:$0x3F95]  }
0x2c: {  	s7 =	sld [smem:$0x3F96]  }
0x2d: {  	s3 =	simm.s32 $0x108;
	s8 =	sld [smem:$0x3F97]  }
0x2e: {  	s3 =	simm.s32 @!p0 $0x1082;
	s9 =	sld [smem:$0x3F98]  }
0x2f: {  	lr =	sadd.s32 s0, s3;
	s0 =	sld [smem:$0x3F8F]  }
0x30: {  	s3 =	sld [smem:$0x3F92]  }
0x31: {  	[smem:$0x3F9B] =	sst s10  }
0x32: {  	s10 =	sld [smem:$0x3F99];
	_ =	sdelay $0x3  }
0x33: {  	p0 =	seq.s32 s10, $0x1;
	s10 =	sld [smem:$0x3F9B];
	_ =	sdelay $0x3  }
0x34: {  	[smem:$0x3F9B] =	sst s10  }
0x35: {  	s10 =	sld [smem:$0x3F9A];
	_ =	sdelay $0x3  }
0x36: {  	p1 =	seq.s32 s10, $0x1;
	s10 =	sld [smem:$0x3F9B];
	_ =	sdelay $0x3  }
0x37: {  	[smem:$0x3F9B] =	sst s10  }
0x38: {  	s10 =	sld [smem:$0x3F9C]  }
0x39: {  	_ = 	snop;
	(pc) =	sbr.ind lr, $3  }
0x3a: {  	_ = 	snop  }
0x3b: {  	_ = 	snop  }
0x3c: {  	p2 =	seq.s32 s10, $0x1;
	s10 =	sld [smem:$0x3F9B]  }
0x3d: {  	_ =	shalt  }
0x3e: {  	_ =	shalt  }
0x3f: {  	_ =	shalt  }
0x40: {  	_ =	shalt  }
0x41: {  	_ =	shalt  }
0x42: {  	_ =	shalt  }
0x43: {  	_ =	shalt  }
0x44: {  	_ =	shalt  }
0x45: {  	_ =	shalt  }
0x46: {  	_ =	shalt  }
0x47: {  	_ =	shalt  }
0x48: {  	_ =	shalt  }
0x49: {  	_ =	shalt  }
0x4a: {  	_ =	shalt  }
0x4b: {  	_ =	shalt  }
0x4c: {  	_ =	shalt  }
0x4d: {  	_ =	shalt  }
0x4e: {  	_ =	shalt  }
0x4f: {  	_ =	shalt  }
0x50: {  	_ =	shalt  }
0x51: {  	_ =	shalt  }
0x52: {  	_ =	shalt  }
0x53: {  	_ =	shalt  }
0x54: {  	_ =	shalt  }
0x55: {  	_ =	shalt  }
0x56: {  	_ =	shalt  }
0x57: {  	_ =	shalt  }
0x58: {  	_ =	shalt  }
0x59: {  	_ =	shalt  }
0x5a: {  	_ =	shalt  }
0x5b: {  	_ =	shalt  }
0x5c: {  	_ =	shalt  }
0x5d: {  	_ =	shalt  }
0x5e: {  	_ =	shalt  }
0x5f: {  	_ =	shalt  }
0x60: {  	_ =	shalt  }
0x61: {  	_ =	shalt  }
0x62: {  	_ =	shalt  }
0x63: {  	_ =	shalt  }
0x64: {  	_ =	shalt  }
0x65: {  	_ =	shalt  }
0x66: {  	_ =	shalt  }
0x67: {  	_ =	shalt  }
0x68: {  	_ =	shalt  }
0x69: {  	_ =	shalt  }
0x6a: {  	_ =	shalt  }
0x6b: {  	_ =	shalt  }
0x6c: {  	_ =	shalt  }
0x6d: {  	_ =	shalt  }
0x6e: {  	_ =	shalt  }
0x6f: {  	_ =	shalt  }
0x70: {  	_ =	shalt  }
0x71: {  	_ =	shalt  }
0x72: {  	_ =	shalt  }
0x73: {  	_ =	shalt  }
0x74: {  	_ =	shalt  }
0x75: {  	_ =	shalt  }
0x76: {  	_ =	shalt  }
0x77: {  	_ =	shalt  }
0x78: {  	_ =	shalt  }
0x79: {  	_ =	shalt  }
0x7a: {  	_ =	shalt  }
0x7b: {  	_ =	shalt  }
0x7c: {  	_ =	shalt  }
0x7d: {  	_ =	shalt  }
0x7e: {  	_ =	shalt  }
0x7f: {  	_ =	shalt  }
0x80: {  	_ =	shalt  }
0x81: {  	_ =	shalt  }
0x82: {  	_ =	shalt  }
0x83: {  	_ =	shalt  }
0x84: {  	_ =	shalt  }
0x85: {  	_ =	shalt  }
0x86: {  	_ =	shalt  }
0x87: {  	_ =	shalt  }
.Lfunc_end0:
.L_simem_size_0:
called_computation.1_lowered:
.L_overlay_start_0:
0x88: {  	s2 =	sld [smem:$0x3FD9]  }
0x89: {  	s3 =	sld [smem:$0x3FFE];
	_ =	sdelay $0x1  }
0x8a: {  	s1 =	srdreg.scid  }
0x8b: {  	s0 =	sand.u32 $0x1, s1  }
0x8c: {  	s16 =	sshll.u32 s0, $0xA;
	s2 =	sadd.s32 s3, s2  }
0x8d: {  	s2 =	sadd.s32 s2, s16  }
0x8e: {  	[smem:$0x3FA7] =	sst s2  }
0x8f: {  	_ = 	snop  }
0x90: {  	(tm) =	ssettm $0x1  }
0x91: {  	s17 =	sld [smem:$0x3FFB];
	_ =	sdelay $0x3  }
0x92: {  	_ =	strace s17  }
0x93: {  	s2 =	sld [smem:$0x3FFC];
	_ =	sdelay $0x3  }
0x94: {  	_ =	strace s2  }
0x95: {  	s2 =	sld [smem:$0x3FFD];
	_ =	sdelay $0x3  }
0x96: {  	_ =	strace s2  }
0x97: {  	_ =	strace $0x8FFFFFFF  }
0x98: {  	s18 =	sld [smem:$0x3FDB];
	_ =	sdelay $0x1  }
0x99: {  	s19 =	simm.s32 $_scs_section_size  }
0x9a: {  	s4 =	simm.s32 $_size__tile_overlayer_lowered;
	s5 =	simm.s32 $_tile_overlayer_lowered  }
0x9b: {  	s22 =	simm.s32 $0x1BFF;
	s21 =	sshll.u32 s5, $0x1;
	s2 =	sadd.s32 s19, s18  }
0x9c: {  	s6 =	simm.s32 $0x0;
	s20 =	sshll.u32 s4, $0x1;
	s4 =	sadd.s32 s21, s2  }
0x9d: {  	[timem:s6], [sflag:s22] =	dma.local [hbm:s4], s20  }
0x9e: {  	_ =	swait.ge [sflag:s22], s20  }
0x9f: {  	s3 =	ssub.s32 $0x0, s20;
	[sflag:s22] =	ssyncset.done $0x0  }
0xa0: {  	[sflag:s22] =	ssyncadd.s32 s3;
	_ =	sdelay $0x1  }
0xa1: {  	s23 =	simm.s32 $0x1B8B  }
0xa2: {  	_ =	swait.ge [sflag:s23], $0x1  }
0xa3: {  	[sflag:s23] =	ssyncset.done $0x0  }
0xa4: {  	s25 =	simm.s32 $0x1B8E;
	s24 =	sld [smem:$0x3FFE];
	[sflag:s23] =	ssyncadd.s32 $0xFFFFFFFF  }
0xa5: {  	s26 =	simm.s32 $execute0_lowered;
	[smem:$0x3FD2] =	sst s25  }
0xa6: {  	s4 =	sshll.u32 s26, $0x1;
	_ =	strace $0x80000049;
	[dreg:$0x1] =	wrdreg $0xFFFFFFFF  }
0xa7: {  	s28 =	simm.s32 $_size_execute0_lowered;
	s2 =	sadd.s32 s2, s4;
	[dreg:$0x0] =	wrdreg $0x0  }
0xa8: {  	s4 =	sshll.u32 s28, $0x1;
	[dreg:$0x2] =	wrdreg s2  }
0xa9: {  	[dreg:$0x3] =	wrdreg s4  }
0xaa: {  	[dreg:$0x4] =	wrdreg $0xC0  }
0xab: {  	_ =	task [dreg:s6], $0x5FFFF  }
0xac: {  	[dreg:$0x1] =	wrdreg $0xFFFFFFFF  }
0xad: {  	[dreg:$0x0] =	wrdreg $0x60  }
0xae: {  	[dreg:$0x2] =	wrdreg s24  }
0xaf: {  	[dreg:$0x3] =	wrdreg $0xBF400  }
0xb0: {  	[dreg:$0x4] =	wrdreg $0x9  }
0xb1: {  	_ =	task.clear_ibuf [dreg:s6], $0x5FFFF;
	_ =	strace $0x90000049  }
0xb2: {  	s29 =	simm.s32 $0x9;
	_ =	strace $0x8000004B  }
0xb3: {  	_ =	swait.ge [sflag:s29], $0x1  }
0xb4: {  	[sflag:s29] =	ssyncadd.s32 $0xFFFFFFFF  }
0xb5: {  	_ =	strace $0x9000004B  }
0xb6: {  	_ =	sfence  }
0xb7: {  	s30 =	sld [smem:$0x0];
	_ =	sdelay $0x2  }
0xb8: {  	s31 =	sshll.u32 s1, $0xD;
	s1 =	sshrl.u32 s1, $0x2  }
0xb9: {  	s3 =	sand.u32 $0x4000, s31;
	s1 =	sadd.s32 s1, s30  }
0xba: {  	s0 =	sor.u32 s3, s0;
	s1 =	sshll.u32 s1, $0x11  }
0xbb: {  	s0 =	sor.u32 s1, s0  }
0xbc: {  	s0 =	sadd.s32 $0x8F2B, s0  }
0xbd: {  	[sflag:s0] =	ssyncadd.remote.s32 $0x1  }
0xbe: {  	_ =	sfence.sel $0xFFFF  }
0xbf: {  	[dreg:$0x0] =	wrdreg $0xFFFFFFFF;
	(pc) =	sbr.abs _section_cstart, $3  }
0xc0: {  	[dreg:$0x1] =	wrdreg $0xFFFFFFFF  }
0xc1: {  	_ =	task.clear_ibuf [dreg:s6], $0x2FFFF;
	_ =	strace $0x9FFFFFFF  }
0xc2: {  	(tm) =	ssettm $0x7FFFFFFF  }
0xc3: {  	_ =	shalt  }
tec
execute0_lowered:
.L_overlay_start_1:
0x0: {  	(tag) =	ssettag $0x1  }
0x1: {  	s0 =	rddreg [dreg:$0x0]  }
0x2: {  	s2 =	rddreg [dreg:$0x1];
	s3 =	simm.s32 $0x0  }
0x3: {  	s13 =	stileid.u32;
	s5 =	srdreg.scid;
	s15 =	simm.s32 $0x9  }
0x4: {  	s16 =	simm.s32 $0xFA0;
	s17 =	simm.s32 $0x50;
	s18 =	simm.s32 $0x1F40  }
0x5: {  	s19 =	simm.s32 $0x4740;
	s20 =	simm.s32 $0x1;
	s21 =	simm.s32 $0x2  }
0x6: {  	s28 =	simm.s32 $0x4;
	s29 =	simm.s32 $0x1090;
	s30 =	simm.s32 $0x9740  }
0x7: {  	s31 =	simm.s32 $0x6;
	s22 =	simm.s32 $0x0;
	[smem:$0x7FF] =	sst s3  }
0x8: {  	s1 =	smul.u32 $0x13880, s13;
	s4 =	sadd.s32 $0x44A00, s0;
	s8 =	sand.u32 $0x1, s5  }
0x9: {  	s9 =	smul.u32 $0x2710, s13;
	s5 =	sadd.s32 $0x1D800, s0;
	s6 =	sadd.s32 $0x13A00, s0  }
0xa: {  	s7 =	sadd.s32 $0x9C00, s0;
	s25 =	sshll.u32 s13, $0x6;
	_ =	strace $0x8000004A  }
0xb: {  	s10 =	smul.u32 $0x27100, s8;
	s12 =	ssub.s32 $0x2, s8;
	s14 =	sor.u32 $0x1C09, s25  }
0xc: {  	p0 =	seq.s32 s8, $0x0;
	s25 =	simm.s32 $0x6F40;
	s8 =	simm.s32 $0x1EA0  }
0xd: {  	s11 =	sshrl.u32 s1, $0x3;
	s23 =	sshrl.u32 s12, $0x1;
	s1 =	sadd.s32 s1, s2  }
0xe: {  	[dreg:$0x4] =	wrdreg s14;
	s11 =	sadd.s32 s11, s0;
	s9 =	sadd.s32 s9, s10  }
0xf: {  	s24 =	ssub.s32 s12, s23;
	s10 =	smul.u32 $0xFA, s13;
	s12 =	smov.u32 s5  }
0x10: {  	s13 =	sshrl.u32 s1, $0x3;
	s23 =	simm.s32 $0x3;
	s1 =	simm.s32 $0x8  }
0x11: {  	s0 =	sadd.s32 s9, s0;
	s11 =	sadd.s32 $0x6BC00, s11;
	[dreg:$0x7] =	wrdreg s13  }
0x12: {  	s26 =	smax.u32 s24, $0x1;
	s12 =	smov.u32 @p0 s4;
	[dreg:$0x3] =	wrdreg s11  }
0x13: {  	s0 =	sadd.s32 $0x92E00, s0;
	[dreg:$0x6] =	wrdreg s26;
	s26 =	simm.s32 $0x5  }
0x14: {  	s11 =	simm.s32 $0x1EF0;
	[dreg:$0x5] =	wrdreg s0;
	s0 =	simm.s32 $0x7  }
.LBB2_1:
0x15: {  	[dreg:$0x8] =	wrdreg s22  }
0x16: {  	s9 =	rddreg [dreg:$0x3]  }
0x17: {  	[spmem:s13], [sflag:s14] =	dma.local [hbm:s9], $0x2710  }
0x18: {  	_ =	swait.ge [sflag:s15], $0x2710  }
0x19: {  	[sflag:s15] =	ssyncset.done $0x0  }
0x1a: {  	[sflag:s15] =	ssyncadd.s32 $0xFFFFD8F0  }
0x1b: {  	s9 =	simm.s32 $0x0;
	[bflag:$0x0] =	sbarrier.arrive $0xFFFF  }
.LBB2_2:
0x1c: {  	s13 =	smul.u32 $0x32, s9;
	_ =	sdelay $0x1  }
0x1d: {  	s13 =	sadd.s32 s10, s13  }
0x1e: {  	s13 =	smul.u32 $0xA, s13;
	_ =	sdelay $0x1  }
0x1f: {  	s14 =	sadd.s32 s6, s13  }
0x20: {  	[tilespmem:s3], [sflag:$0x9] =	stream.linear.gather [hbm4b:s14+s3], $0xFA0, $0x38;
	[tilespmem:$0x1F7C0] =	vst v63  }
0x21: {  	_ =	swait.ge [sflag:s15], $0xFA0  }
0x22: {  	[sflag:s15] =	ssyncset.done $0x0  }
0x23: {  	s13 =	sadd.s32 s7, s13;
	[sflag:s15] =	ssyncadd.s32 $0xFFFFF060  }
0x24: {  	[tilespmem:s16], [sflag:$0x9] =	stream.linear.gather [hbm4b:s13+s3], $0xFA0, $0x38;
	[tilespmem:$0x1F7C0] =	vst v63  }
0x25: {  	_ =	swait.ge [sflag:s15], $0xFA0  }
0x26: {  	[sflag:s15] =	ssyncset.done $0x0  }
0x27: {  	[sflag:s15] =	ssyncadd.s32 $0xFFFFF060  }
0x28: {  	[tilespmem:s18], [sflag:$0x1] =	stream.indirect.gather [hbm4b:s12+s17], $0x80, s3, s17, $0xb8;
	[tilespmem:$0x1F7C0] =	vst v63  }
0x29: {  	_ = 	snop  }
0x2a: {  	[tilespmem:s19], [sflag:$0x2] =	stream.indirect.gather [hbm4b:s12+s17], $0x80, s17, s17, $0xb8;
	[tilespmem:$0x1F7C0] =	vst v63  }
0x2b: {  	_ =	swait.ge [sflag:s20], $0x2800  }
0x2c: {  	[sflag:s20] =	ssyncset.done $0x0  }
0x2d: {  	[sflag:s20] =	ssyncadd.s32 $0xFFFFD800  }
0x2e: {  	[spmem:s2] =	stream.indirect.scatter.add.f32 [tilespmem:s18], [sflag:$0x5], $0x80, s16, s17, $0xb8;
	[tilespmem:$0x1F7C0] =	vst v63  }
0x2f: {  	s22 =	simm.s32 @p0 $0x6F40;
	s14 =	simm.s32 @p0 $0xA0;
	s13 =	simm.s32 @p0 $0x50  }
0x30: {  	[tilespmem:s22], [sflag:$0x3] =	stream.indirect.gather @p0 [hbm4b:s4+s13], $0x80, s14, s13, $0xb8;
	[tilespmem:$0x1F7C0] =	vst v63  }
0x31: {  	s24 =	simm.s32 @!p0 $0x6F40;
	s14 =	simm.s32 @!p0 $0x50;
	s22 =	simm.s32 @!p0 $0xA0  }
0x32: {  	[tilespmem:s24], [sflag:$0x3] =	stream.indirect.gather @!p0 [hbm4b:s5+s14], $0x80, s22, s14, $0xb8;
	[tilespmem:$0x1F7C0] =	vst v63  }
0x33: {  	_ =	swait.ge [sflag:s21], $0x2800  }
0x34: {  	[sflag:s21] =	ssyncset.done $0x0  }
0x35: {  	s24 =	simm.s32 $0xFF0;
	[sflag:s21] =	ssyncadd.s32 $0xFFFFD800  }
0x36: {  	[spmem:s2] =	stream.indirect.scatter.add.f32 [tilespmem:s19], [sflag:$0x6], $0x80, s24, s17, $0xb8;
	[tilespmem:$0x1F7C0] =	vst v63  }
0x37: {  	s22 =	simm.s32 @p0 $0xF0;
	s24 =	simm.s32 @p0 $0x9740  }
0x38: {  	[tilespmem:s24], [sflag:$0x4] =	stream.indirect.gather @p0 [hbm4b:s4+s13], $0x80, s22, s13, $0xb8;
	[tilespmem:$0x1F7C0] =	vst v63  }
0x39: {  	s22 =	simm.s32 @!p0 $0xF0;
	s24 =	simm.s32 @!p0 $0x9740  }
0x3a: {  	[tilespmem:s24], [sflag:$0x4] =	stream.indirect.gather @!p0 [hbm4b:s5+s14], $0x80, s22, s14, $0xb8;
	[tilespmem:$0x1F7C0] =	vst v63  }
0x3b: {  	_ =	swait.ge [sflag:s23], $0x2800  }
0x3c: {  	[sflag:s23] =	ssyncset.done $0x0  }
0x3d: {  	s24 =	simm.s32 $0x1040;
	[sflag:s23] =	ssyncadd.s32 $0xFFFFD800  }
0x3e: {  	[spmem:s2] =	stream.indirect.scatter.add.f32 [tilespmem:s25], [sflag:$0x7], $0x80, s24, s17, $0xb8;
	[tilespmem:$0x1F7C0] =	vst v63  }
0x3f: {  	_ =	swait.ge [sflag:s26], $0x2800  }
0x40: {  	[sflag:s26] =	ssyncset.done $0x0  }
0x41: {  	s22 =	simm.s32 @p0 $0x140;
	s24 =	simm.s32 @p0 $0x1F40;
	[sflag:s26] =	ssyncadd.s32 $0xFFFFD800  }
0x42: {  	[tilespmem:s24], [sflag:$0x1] =	stream.indirect.gather @p0 [hbm4b:s4+s13], $0x80, s22, s13, $0xb8;
	[tilespmem:$0x1F7C0] =	vst v63  }
0x43: {  	s22 =	simm.s32 @!p0 $0x140;
	s24 =	simm.s32 @!p0 $0x1F40  }
0x44: {  	[tilespmem:s24], [sflag:$0x1] =	stream.indirect.gather @!p0 [hbm4b:s5+s14], $0x80, s22, s14, $0xb8;
	[tilespmem:$0x1F7C0] =	vst v63  }
0x45: {  	_ =	swait.ge [sflag:s28], $0x2800  }
0x46: {  	[sflag:s28] =	ssyncset.done $0x0  }
0x47: {  	[sflag:s28] =	ssyncadd.s32 $0xFFFFD800  }
0x48: {  	[spmem:s2] =	stream.indirect.scatter.add.f32 [tilespmem:s30], [sflag:$0x8], $0x80, s29, s17, $0xb8;
	[tilespmem:$0x1F7C0] =	vst v63  }
0x49: {  	_ =	swait.ge [sflag:s31], $0x2800  }
0x4a: {  	[sflag:s31] =	ssyncset.done $0x0  }
0x4b: {  	s22 =	simm.s32 @p0 $0x190;
	s24 =	simm.s32 @p0 $0x4740;
	[sflag:s31] =	ssyncadd.s32 $0xFFFFD800  }
0x4c: {  	[tilespmem:s24], [sflag:$0x2] =	stream.indirect.gather @p0 [hbm4b:s4+s13], $0x80, s22, s13, $0xb8;
	[tilespmem:$0x1F7C0] =	vst v63  }
0x4d: {  	s13 =	simm.s32 @!p0 $0x190;
	s22 =	simm.s32 @!p0 $0x4740  }
0x4e: {  	[tilespmem:s22], [sflag:$0x2] =	stream.indirect.gather @!p0 [hbm4b:s5+s14], $0x80, s13, s14, $0xb8;
	[tilespmem:$0x1F7C0] =	vst v63  }
0x4f: {  	_ =	swait.ge [sflag:s20], $0x2800  }
0x50: {  	[sflag:s20] =	ssyncset.done $0x0  }
0x51: {  	s24 =	simm.s32 $0x10E0;
	[sflag:s20] =	ssyncadd.s32 $0xFFFFD800  }
0x52: {  	[spmem:s2] =	stream.indirect.scatter.add.f32 [tilespmem:s18], [sflag:$0x5], $0x80, s24, s17, $0xb8;
	[tilespmem:$0x1F7C0] =	vst v63  }
0x53: {  	_ =	swait.ge [sflag:s0], $0x2800  }
0x54: {  	[sflag:s0] =	ssyncset.done $0x0  }
0x55: {  	s14 =	simm.s32 $0x1E0;
	[sflag:s0] =	ssyncadd.s32 $0xFFFFD800  }
0x56: {  	[tilespmem:s25], [sflag:$0x3] =	stream.indirect.gather [hbm4b:s12+s17], $0x80, s14, s17, $0xb8;
	[tilespmem:$0x1F7C0] =	vst v63  }
0x57: {  	_ =	swait.ge [sflag:s21], $0x2800  }
0x58: {  	[sflag:s21] =	ssyncset.done $0x0  }
0x59: {  	s22 =	simm.s32 $0x1130;
	[sflag:s21] =	ssyncadd.s32 $0xFFFFD800  }
0x5a: {  	[spmem:s2] =	stream.indirect.scatter.add.f32 [tilespmem:s19], [sflag:$0x6], $0x80, s22, s17, $0xb8;
	[tilespmem:$0x1F7C0] =	vst v63  }
0x5b: {  	_ =	swait.ge [sflag:s1], $0x2800  }
0x5c: {  	[sflag:s1] =	ssyncset.done $0x0  }
0x5d: {  	s24 =	simm.s32 $0x230;
	[sflag:s1] =	ssyncadd.s32 $0xFFFFD800  }
0x5e: {  	[tilespmem:s30], [sflag:$0x4] =	stream.indirect.gather [hbm4b:s12+s17], $0x80, s24, s17, $0xb8;
	[tilespmem:$0x1F7C0] =	vst v63  }
0x5f: {  	_ =	swait.ge [sflag:s23], $0x2800  }
0x60: {  	[sflag:s23] =	ssyncset.done $0x0  }
0x61: {  	s14 =	simm.s32 $0x1180;
	[sflag:s23] =	ssyncadd.s32 $0xFFFFD800  }
0x62: {  	[spmem:s2] =	stream.indirect.scatter.add.f32 [tilespmem:s25], [sflag:$0x7], $0x80, s14, s17, $0xb8;
	[tilespmem:$0x1F7C0] =	vst v63  }
0x63: {  	_ =	swait.ge [sflag:s26], $0x2800  }
0x64: {  	[sflag:s26] =	ssyncset.done $0x0  }
0x65: {  	s22 =	simm.s32 $0x280;
	[sflag:s26] =	ssyncadd.s32 $0xFFFFD800  }
0x66: {  	[tilespmem:s18], [sflag:$0x1] =	stream.indirect.gather [hbm4b:s12+s17], $0x80, s22, s17, $0xb8;
	[tilespmem:$0x1F7C0] =	vst v63  }
0x67: {  	_ =	swait.ge [sflag:s28], $0x2800  }
0x68: {  	[sflag:s28] =	ssyncset.done $0x0  }
0x69: {  	s24 =	simm.s32 $0x11D0;
	[sflag:s28] =	ssyncadd.s32 $0xFFFFD800  }
0x6a: {  	[spmem:s2] =	stream.indirect.scatter.add.f32 [tilespmem:s30], [sflag:$0x8], $0x80, s24, s17, $0xb8;
	[tilespmem:$0x1F7C0] =	vst v63  }
0x6b: {  	_ =	swait.ge [sflag:s31], $0x2800  }
0x6c: {  	[sflag:s31] =	ssyncset.done $0x0  }
0x6d: {  	s13 =	simm.s32 $0x2D0;
	s14 =	simm.s32 $0x500;
	[sflag:s31] =	ssyncadd.s32 $0xFFFFD800  }
.LBB2_3:
0x6e: {  	[tilespmem:s19], [sflag:$0x2] =	stream.indirect.gather [hbm4b:s12+s17], $0x80, s13, s17, $0xb8;
	[tilespmem:$0x1F7C0] =	vst v63  }
0x6f: {  	s13 =	smov.u32 s14  }
0x70: {  	p1 =	sne.s32 s14, $0x3200;
	s14 =	sadd.s32 $0x500, s14;
	_ =	swait.ge [sflag:s20], $0x2800  }
0x71: {  	s13 =	sshra.s32 s13, $0x2;
	[sflag:s20] =	ssyncset.done $0x0  }
0x72: {  	s22 =	sadd.s32 $0x10E0, s13;
	[sflag:s20] =	ssyncadd.s32 $0xFFFFD800  }
0x73: {  	[spmem:s2] =	stream.indirect.scatter.add.f32 [tilespmem:s18], [sflag:$0x5], $0x80, s22, s17, $0xb8;
	[tilespmem:$0x1F7C0] =	vst v63  }
0x74: {  	_ =	swait.ge [sflag:s0], $0x2800  }
0x75: {  	[sflag:s0] =	ssyncset.done $0x0  }
0x76: {  	s22 =	sadd.s32 $0x1E0, s13;
	[sflag:s0] =	ssyncadd.s32 $0xFFFFD800  }
0x77: {  	[tilespmem:s25], [sflag:$0x3] =	stream.indirect.gather [hbm4b:s12+s17], $0x80, s22, s17, $0xb8;
	[tilespmem:$0x1F7C0] =	vst v63  }
0x78: {  	_ =	swait.ge [sflag:s21], $0x2800  }
0x79: {  	[sflag:s21] =	ssyncset.done $0x0  }
0x7a: {  	s22 =	sadd.s32 $0x1130, s13;
	[sflag:s21] =	ssyncadd.s32 $0xFFFFD800  }
0x7b: {  	[spmem:s2] =	stream.indirect.scatter.add.f32 [tilespmem:s19], [sflag:$0x6], $0x80, s22, s17, $0xb8;
	[tilespmem:$0x1F7C0] =	vst v63  }
0x7c: {  	_ =	swait.ge [sflag:s1], $0x2800  }
0x7d: {  	[sflag:s1] =	ssyncset.done $0x0  }
0x7e: {  	s22 =	sadd.s32 $0x230, s13;
	[sflag:s1] =	ssyncadd.s32 $0xFFFFD800  }
0x7f: {  	[tilespmem:s30], [sflag:$0x4] =	stream.indirect.gather [hbm4b:s12+s17], $0x80, s22, s17, $0xb8;
	[tilespmem:$0x1F7C0] =	vst v63  }
0x80: {  	_ =	swait.ge [sflag:s23], $0x2800  }
0x81: {  	[sflag:s23] =	ssyncset.done $0x0  }
0x82: {  	s22 =	sadd.s32 $0x1180, s13;
	[sflag:s23] =	ssyncadd.s32 $0xFFFFD800  }
0x83: {  	[spmem:s2] =	stream.indirect.scatter.add.f32 [tilespmem:s25], [sflag:$0x7], $0x80, s22, s17, $0xb8;
	[tilespmem:$0x1F7C0] =	vst v63  }
0x84: {  	_ =	swait.ge [sflag:s26], $0x2800  }
0x85: {  	[sflag:s26] =	ssyncset.done $0x0  }
0x86: {  	s22 =	sadd.s32 $0x280, s13;
	[sflag:s26] =	ssyncadd.s32 $0xFFFFD800  }
0x87: {  	[tilespmem:s18], [sflag:$0x1] =	stream.indirect.gather [hbm4b:s12+s17], $0x80, s22, s17, $0xb8;
	[tilespmem:$0x1F7C0] =	vst v63  }
0x88: {  	_ =	swait.ge [sflag:s28], $0x2800  }
0x89: {  	[sflag:s28] =	ssyncset.done $0x0  }
.Ltmp0:
0x8a: {  	s22 =	sadd.s32 $0x11D0, s13;
	[sflag:s28] =	ssyncadd.s32 $0xFFFFD800;
	(pc) =	sbr.rel @p1 .LBB2_3-.Ltmp0, $4  }
0x8b: {  	[spmem:s2] =	stream.indirect.scatter.add.f32 [tilespmem:s30], [sflag:$0x8], $0x80, s22, s17, $0xb8;
	[tilespmem:$0x1F7C0] =	vst v63  }
0x8c: {  	_ =	swait.ge [sflag:s31], $0x2800  }
0x8d: {  	[sflag:s31] =	ssyncset.done $0x0  }
0x8e: {  	s13 =	sadd.s32 $0x2D0, s13;
	[sflag:s31] =	ssyncadd.s32 $0xFFFFD800  }
0x8f: {  	[tilespmem:s19], [sflag:$0x2] =	stream.indirect.gather [hbm4b:s12+s17], $0x80, s13, s17, $0xb8;
	[tilespmem:$0x1F7C0] =	vst v63  }
0x90: {  	_ =	swait.ge [sflag:s20], $0x2800  }
0x91: {  	[sflag:s20] =	ssyncset.done $0x0  }
0x92: {  	[sflag:s20] =	ssyncadd.s32 $0xFFFFD800  }
0x93: {  	[spmem:s2] =	stream.indirect.scatter.add.f32 [tilespmem:s18], [sflag:$0x5], $0x80, s8, s17, $0xb8;
	[tilespmem:$0x1F7C0] =	vst v63  }
0x94: {  	_ =	swait.ge [sflag:s21], $0x2800  }
0x95: {  	[sflag:s21] =	ssyncset.done $0x0  }
0x96: {  	[sflag:s21] =	ssyncadd.s32 $0xFFFFD800  }
0x97: {  	[spmem:s2] =	stream.indirect.scatter.add.f32 [tilespmem:s19], [sflag:$0x6], $0x80, s11, s17, $0xb8;
	[tilespmem:$0x1F7C0] =	vst v63  }
0x98: {  	_ =	swait.ge [sflag:s0], $0x2800  }
0x99: {  	[sflag:s0] =	ssyncset.done $0x0  }
0x9a: {  	[sflag:s0] =	ssyncadd.s32 $0xFFFFD800  }
0x9b: {  	_ =	swait.ge [sflag:s1], $0x2800  }
0x9c: {  	[sflag:s1] =	ssyncset.done $0x0  }
0x9d: {  	s9 =	sadd.s32 $0x1, s9;
	[sflag:s1] =	ssyncadd.s32 $0xFFFFD800  }
0x9e: {  	p1 =	sne.s32 s9, $0x5;
	_ =	swait.ge [sflag:s26], $0x2800  }
.Ltmp1:
0x9f: {  	[sflag:s26] =	ssyncset.done $0x0;
	(pc) =	sbr.rel @p1 .LBB2_2-.Ltmp1, $4  }
0xa0: {  	[sflag:s26] =	ssyncadd.s32 $0xFFFFD800  }
0xa1: {  	_ =	swait.ge [sflag:s31], $0x2800  }
0xa2: {  	[sflag:s31] =	ssyncset.done $0x0  }
0xa3: {  	[sflag:s31] =	ssyncadd.s32 $0xFFFFD800  }
0xa4: {  	[bflag:$0x0] =	sbarrier.arrive $0xFFFF  }
0xa5: {  	s14 =	rddreg [dreg:$0x4]  }
0xa6: {  	s9 =	rddreg [dreg:$0x5]  }
0xa7: {  	s13 =	rddreg [dreg:$0x7]  }
0xa8: {  	[hbm:s9], [sflag:s14] =	dma.local [spmem:s13], $0x2710  }
0xa9: {  	_ =	swait.ge [sflag:s15], $0x2710  }
0xaa: {  	s22 =	rddreg [dreg:$0x8]  }
0xab: {  	s24 =	rddreg [dreg:$0x6];
	s22 =	sadd.s32 $0x1, s22  }
0xac: {  	p1 =	sne.s32 s22, s24  }
.Ltmp2:
0xad: {  	_ = 	snop;
	(pc) =	sbr.rel @p1 .LBB2_1-.Ltmp2, $3  }
0xae: {  	_ =	sdelay $0x1  }
0xaf: {  	[sflag:s15] =	ssyncset.done $0x0  }
0xb0: {  	[sflag:s15] =	ssyncadd.s32 $0xFFFFD8F0  }
0xb1: {  	_ =	sfence.sel $0x180000  }
0xb2: {  	[bflag:$0x0] =	sbarrier.arrive $0xFFFF  }
0xb3: {  	_ =	strace $0x9000004A  }
0xb4: {  	s0 =	stileid.u32;
	[bflag:$0x2] =	sbarrier.arrive $0xFFFF  }
0xb5: {  	p0 =	sne.s32 s0, $0x0;
	s0 =	rddreg [dreg:$0x2]  }
0xb6: {  	s0 =	sadd.s32 @!p0 $0x100000, s0  }
0xb7: {  	[sflag:s0] =	ssyncadd.tile.s32 @!p0 $0x1;
	_ =	shalt  }
.Lfunc_end2:
_tile_overlayer_lowered:
.L_overlay_start_2:
0xb8: {  	(tag) =	ssettag $0x2  }
0xb9: {  	s0 =	rddreg [dreg:$0x0];
	s2 =	stileid.u32  }
0xba: {  	s1 =	rddreg [dreg:$0x1];
	p0 =	sne.s32 s2, $0x0  }
0xbb: {  	s3 =	rddreg [dreg:$0x2];
	[bflag:$0x3] =	sbarrier.arrive $0xFFFF;
	s2 =	simm.s32 @!p0 $0x1C09  }
0xbc: {  	[timem:s3], [sflag:s2] =	dma.local @!p0 [hbm:s0], s1  }
0xbd: {  	s0 =	simm.s32 @!p0 $0x9  }
0xbe: {  	_ =	swait.ge @!p0 [sflag:s0], s1  }
0xbf: {  	s1 =	ssub.s32 @!p0 $0x0, s1;
	[sflag:s0] =	ssyncset.done @!p0 $0x0  }
0xc0: {  	[sflag:s0] =	ssyncadd.s32 @!p0 s1  }
0xc1: {  	[bflag:$0x3] =	sbarrier.arrive $0xFFFF  }
0xc2: {  	_ =	shalt  }

// kernel: kernel.28.cloned.1.call-start
scs
__scs_entry_jumppad:
0x0: {  	(pc) =	sbr.rel $0x88, $3  }
0x1: {  	(tag) =	ssettag $0x0;
	lr =	simm.s32 $0x1  }
0x2: {  	[smem:$0x3F80] =	sst lr;
	_ =	strace $0xD0000000  }
0x3: {  	_ = 	snop  }
0x4: {  	_ = 	snop  }
0x5: {  	_ = 	snop  }
0x6: {  	_ = 	snop  }
0x7: {  	_ = 	snop  }
__scs_overlays_trampoline_lowered:
0x8: {  	[smem:$0x3F8F] =	sst s0  }
0x9: {  	[smem:$0x3F90] =	sst s1  }
0xa: {  	[smem:$0x3F91] =	sst s2  }
0xb: {  	[smem:$0x3F92] =	sst s3  }
0xc: {  	[smem:$0x3F93] =	sst s4  }
0xd: {  	[smem:$0x3F94] =	sst s5  }
0xe: {  	[smem:$0x3F95] =	sst s6  }
0xf: {  	[smem:$0x3F96] =	sst s7  }
0x10: {  	[smem:$0x3F97] =	sst s8  }
0x11: {  	[smem:$0x3F98] =	sst s9;
	s0 =	simm.s32 @!p0 $0x0  }
0x12: {  	s1 =	sld [smem:$0x3F7E];
	s0 =	simm.s32 @p0 $0x1  }
0x13: {  	[smem:$0x3F99] =	sst s0;
	s0 =	simm.s32 @!p1 $0x0  }
0x14: {  	s2 =	sld [smem:$0x3F7D];
	s0 =	simm.s32 @p1 $0x1  }
0x15: {  	[smem:$0x3F9A] =	sst s0;
	s0 =	simm.s32 @!p2 $0x0  }
0x16: {  	s3 =	sld [smem:$0x3FDB];
	s0 =	simm.s32 @p2 $0x1  }
0x17: {  	s4 =	simm.s32 $0x1BF5;
	[smem:$0x3F9C] =	sst s0  }
0x18: {  	s0 =	sld [smem:$0x3F7F];
	_ =	swait.ge [sflag:s4], $0x0  }
0x19: {  	s7 =	sld [smem:$0x3F80]  }
0x1a: {  	s8 =	sadd.s32 $0xFFFFE003, lr  }
0x1b: {  	s9 =	sadd.s32 $0xFFFFFEF7, lr;
	s5 =	simm.s32 $0xFFFFFFFF;
	p2 =	slt.u32 s8, $0xFFFFF086  }
0x1c: {  	p1 =	slt.u32 s9, $0xF7A;
	s5 =	simm.s32 @!p2 $0x0  }
0x1d: {  	s5 =	simm.s32 @p1 $0x1;
	p0 =	seq.s32 s7, s2  }
0x1e: {  	s7 =	smul.u32 @!p0 $0xF7A, s2;
	p2 =	seq.s32 @!p0 s5, $0x0  }
0x1f: {  	s9 =	smul.u32 $0xF7A, s1;
	s8 =	simm.s32 @!p0 $0x1BF5;
	p2 =	por !p2, p0  }
0x20: {  	[sflag:s8] =	ssyncset.s32 @!p0 $0xFFFFF086;
	s6 =	sadd.s32 @!p0 s3, s7;
	s7 =	simm.s32 @!p0 $0x108  }
0x21: {  	s3 =	sadd.s32 s3, s9;
	s6 =	sadd.s32 @!p0 $0x88, s6;
	s7 =	simm.s32 @p2 $0x1082  }
0x22: {  	[simem:s7], [sflag:s8] =	dma.local @!p0 [hbm:s6], $0xF7A  }
0x23: {  	s9 =	sor.u32 $0xD0000000, s2;
	s6 =	simm.s32 $0x108;
	_ =	swait.ge @!p0 [sflag:s8], $0x0  }
0x24: {  	s3 =	sadd.s32 $0x88, s3;
	s6 =	simm.s32 @!p1 $0x1082;
	[sflag:s4] =	ssyncset.s32 $0xFFFFF086  }
0x25: {  	[simem:s6], [sflag:s4] =	dma.local [hbm:s3], $0xF7A  }
0x26: {  	[smem:$0x3F80] =	sst s1;
	(tag) =	ssettag s2;
	_ =	strace s9  }
0x27: {  	s1 =	sld [smem:$0x3F90]  }
0x28: {  	s2 =	sld [smem:$0x3F91]  }
0x29: {  	s4 =	sld [smem:$0x3F93]  }
0x2a: {  	p0 =	seq.s32 s5, $0x0;
	s5 =	sld [smem:$0x3F94]  }
0x2b: {  	s6 =	sld [smem:$0x3F95]  }
0x2c: {  	s7 =	sld [smem:$0x3F96]  }
0x2d: {  	s3 =	simm.s32 $0x108;
	s8 =	sld [smem:$0x3F97]  }
0x2e: {  	s3 =	simm.s32 @!p0 $0x1082;
	s9 =	sld [smem:$0x3F98]  }
0x2f: {  	lr =	sadd.s32 s0, s3;
	s0 =	sld [smem:$0x3F8F]  }
0x30: {  	s3 =	sld [smem:$0x3F92]  }
0x31: {  	[smem:$0x3F9B] =	sst s10  }
0x32: {  	s10 =	sld [smem:$0x3F99];
	_ =	sdelay $0x3  }
0x33: {  	p0 =	seq.s32 s10, $0x1;
	s10 =	sld [smem:$0x3F9B];
	_ =	sdelay $0x3  }
0x34: {  	[smem:$0x3F9B] =	sst s10  }
0x35: {  	s10 =	sld [smem:$0x3F9A];
	_ =	sdelay $0x3  }
0x36: {  	p1 =	seq.s32 s10, $0x1;
	s10 =	sld [smem:$0x3F9B];
	_ =	sdelay $0x3  }
0x37: {  	[smem:$0x3F9B] =	sst s10  }
0x38: {  	s10 =	sld [smem:$0x3F9C]  }
0x39: {  	_ = 	snop;
	(pc) =	sbr.ind lr, $3  }
0x3a: {  	_ = 	snop  }
0x3b: {  	_ = 	snop  }
0x3c: {  	p2 =	seq.s32 s10, $0x1;
	s10 =	sld [smem:$0x3F9B]  }
0x3d: {  	_ =	shalt  }
0x3e: {  	_ =	shalt  }
0x3f: {  	_ =	shalt  }
0x40: {  	_ =	shalt  }
0x41: {  	_ =	shalt  }
0x42: {  	_ =	shalt  }
0x43: {  	_ =	shalt  }
0x44: {  	_ =	shalt  }
0x45: {  	_ =	shalt  }
0x46: {  	_ =	shalt  }
0x47: {  	_ =	shalt  }
0x48: {  	_ =	shalt  }
0x49: {  	_ =	shalt  }
0x4a: {  	_ =	shalt  }
0x4b: {  	_ =	shalt  }
0x4c: {  	_ =	shalt  }
0x4d: {  	_ =	shalt  }
0x4e: {  	_ =	shalt  }
0x4f: {  	_ =	shalt  }
0x50: {  	_ =	shalt  }
0x51: {  	_ =	shalt  }
0x52: {  	_ =	shalt  }
0x53: {  	_ =	shalt  }
0x54: {  	_ =	shalt  }
0x55: {  	_ =	shalt  }
0x56: {  	_ =	shalt  }
0x57: {  	_ =	shalt  }
0x58: {  	_ =	shalt  }
0x59: {  	_ =	shalt  }
0x5a: {  	_ =	shalt  }
0x5b: {  	_ =	shalt  }
0x5c: {  	_ =	shalt  }
0x5d: {  	_ =	shalt  }
0x5e: {  	_ =	shalt  }
0x5f: {  	_ =	shalt  }
0x60: {  	_ =	shalt  }
0x61: {  	_ =	shalt  }
0x62: {  	_ =	shalt  }
0x63: {  	_ =	shalt  }
0x64: {  	_ =	shalt  }
0x65: {  	_ =	shalt  }
0x66: {  	_ =	shalt  }
0x67: {  	_ =	shalt  }
0x68: {  	_ =	shalt  }
0x69: {  	_ =	shalt  }
0x6a: {  	_ =	shalt  }
0x6b: {  	_ =	shalt  }
0x6c: {  	_ =	shalt  }
0x6d: {  	_ =	shalt  }
0x6e: {  	_ =	shalt  }
0x6f: {  	_ =	shalt  }
0x70: {  	_ =	shalt  }
0x71: {  	_ =	shalt  }
0x72: {  	_ =	shalt  }
0x73: {  	_ =	shalt  }
0x74: {  	_ =	shalt  }
0x75: {  	_ =	shalt  }
0x76: {  	_ =	shalt  }
0x77: {  	_ =	shalt  }
0x78: {  	_ =	shalt  }
0x79: {  	_ =	shalt  }
0x7a: {  	_ =	shalt  }
0x7b: {  	_ =	shalt  }
0x7c: {  	_ =	shalt  }
0x7d: {  	_ =	shalt  }
0x7e: {  	_ =	shalt  }
0x7f: {  	_ =	shalt  }
0x80: {  	_ =	shalt  }
0x81: {  	_ =	shalt  }
0x82: {  	_ =	shalt  }
0x83: {  	_ =	shalt  }
0x84: {  	_ =	shalt  }
0x85: {  	_ =	shalt  }
0x86: {  	_ =	shalt  }
0x87: {  	_ =	shalt  }
.Lfunc_end0:
.L_simem_size_0:
called_computation.2_lowered:
.L_overlay_start_0:
0x88: {  	s2 =	sld [smem:$0x3FD9]  }
0x89: {  	s3 =	sld [smem:$0x3FFE];
	_ =	sdelay $0x1  }
0x8a: {  	s1 =	srdreg.scid  }
0x8b: {  	s0 =	sand.u32 $0x1, s1  }
0x8c: {  	s16 =	sshll.u32 s0, $0xA;
	s2 =	sadd.s32 s3, s2  }
0x8d: {  	s2 =	sadd.s32 s2, s16  }
0x8e: {  	[smem:$0x3FA7] =	sst s2  }
0x8f: {  	_ = 	snop  }
0x90: {  	(tm) =	ssettm $0x1  }
0x91: {  	s17 =	sld [smem:$0x3FFB];
	_ =	sdelay $0x3  }
0x92: {  	_ =	strace s17  }
0x93: {  	s2 =	sld [smem:$0x3FFC];
	_ =	sdelay $0x3  }
0x94: {  	_ =	strace s2  }
0x95: {  	s2 =	sld [smem:$0x3FFD];
	_ =	sdelay $0x3  }
0x96: {  	_ =	strace s2  }
0x97: {  	_ =	strace $0x8FFFFFFF  }
0x98: {  	s18 =	sld [smem:$0x3FDB];
	_ =	sdelay $0x1  }
0x99: {  	s19 =	simm.s32 $_scs_section_size  }
0x9a: {  	s4 =	simm.s32 $_size__tile_overlayer_lowered;
	s5 =	simm.s32 $_tile_overlayer_lowered  }
0x9b: {  	s22 =	simm.s32 $0x1BFF;
	s21 =	sshll.u32 s5, $0x1;
	s2 =	sadd.s32 s19, s18  }
0x9c: {  	s6 =	simm.s32 $0x0;
	s20 =	sshll.u32 s4, $0x1;
	s4 =	sadd.s32 s21, s2  }
0x9d: {  	[timem:s6], [sflag:s22] =	dma.local [hbm:s4], s20  }
0x9e: {  	_ =	swait.ge [sflag:s22], s20  }
0x9f: {  	s3 =	ssub.s32 $0x0, s20;
	[sflag:s22] =	ssyncset.done $0x0  }
0xa0: {  	[sflag:s22] =	ssyncadd.s32 s3;
	_ =	sdelay $0x1  }
0xa1: {  	s23 =	simm.s32 $0x1B8B  }
0xa2: {  	_ =	swait.ge [sflag:s23], $0x1  }
0xa3: {  	[sflag:s23] =	ssyncset.done $0x0  }
0xa4: {  	s25 =	simm.s32 $0x1B8E;
	s24 =	sld [smem:$0x3FFE];
	[sflag:s23] =	ssyncadd.s32 $0xFFFFFFFF  }
0xa5: {  	s26 =	simm.s32 $execute0_lowered;
	[smem:$0x3FD2] =	sst s25  }
0xa6: {  	s4 =	sshll.u32 s26, $0x1;
	_ =	strace $0x8000004C;
	[dreg:$0x1] =	wrdreg $0xFFFFFFFF  }
0xa7: {  	s28 =	simm.s32 $_size_execute0_lowered;
	s2 =	sadd.s32 s2, s4;
	[dreg:$0x0] =	wrdreg $0x0  }
0xa8: {  	s4 =	sshll.u32 s28, $0x1;
	[dreg:$0x2] =	wrdreg s2  }
0xa9: {  	[dreg:$0x3] =	wrdreg s4  }
0xaa: {  	[dreg:$0x4] =	wrdreg $0xC0  }
0xab: {  	_ =	task [dreg:s6], $0x5FFFF  }
0xac: {  	[dreg:$0x1] =	wrdreg $0xFFFFFFFF  }
0xad: {  	[dreg:$0x0] =	wrdreg $0x60  }
0xae: {  	[dreg:$0x2] =	wrdreg s24  }
0xaf: {  	[dreg:$0x3] =	wrdreg $0xBF400  }
0xb0: {  	[dreg:$0x4] =	wrdreg $0x9  }
0xb1: {  	_ =	task.clear_ibuf [dreg:s6], $0x5FFFF;
	_ =	strace $0x9000004C  }
0xb2: {  	s29 =	simm.s32 $0x9;
	_ =	strace $0x8000004E  }
0xb3: {  	_ =	swait.ge [sflag:s29], $0x1  }
0xb4: {  	[sflag:s29] =	ssyncadd.s32 $0xFFFFFFFF  }
0xb5: {  	_ =	strace $0x9000004E  }
0xb6: {  	_ =	sfence  }
0xb7: {  	s30 =	sld [smem:$0x0];
	_ =	sdelay $0x2  }
0xb8: {  	s31 =	sshll.u32 s1, $0xD;
	s1 =	sshrl.u32 s1, $0x2  }
0xb9: {  	s3 =	sand.u32 $0x4000, s31;
	s1 =	sadd.s32 s1, s30  }
0xba: {  	s0 =	sor.u32 s3, s0;
	s1 =	sshll.u32 s1, $0x11  }
0xbb: {  	s0 =	sor.u32 s1, s0  }
0xbc: {  	s0 =	sadd.s32 $0x8F2B, s0  }
0xbd: {  	[sflag:s0] =	ssyncadd.remote.s32 $0x1  }
0xbe: {  	_ =	sfence.sel $0xFFFF  }
0xbf: {  	[dreg:$0x0] =	wrdreg $0xFFFFFFFF;
	(pc) =	sbr.abs _section_cstart, $3  }
0xc0: {  	[dreg:$0x1] =	wrdreg $0xFFFFFFFF  }
0xc1: {  	_ =	task.clear_ibuf [dreg:s6], $0x2FFFF;
	_ =	strace $0x9FFFFFFF  }
0xc2: {  	(tm) =	ssettm $0x7FFFFFFF  }
0xc3: {  	_ =	shalt  }
tec
execute0_lowered:
.L_overlay_start_1:
0x0: {  	(tag) =	ssettag $0x1  }
0x1: {  	s0 =	rddreg [dreg:$0x0]  }
0x2: {  	s2 =	rddreg [dreg:$0x1];
	s3 =	simm.s32 $0x0  }
0x3: {  	s13 =	stileid.u32;
	s5 =	srdreg.scid;
	s15 =	simm.s32 $0x9  }
0x4: {  	s16 =	simm.s32 $0xFA0;
	s17 =	simm.s32 $0x50;
	s18 =	simm.s32 $0x1F40  }
0x5: {  	s19 =	simm.s32 $0x4740;
	s20 =	simm.s32 $0x1;
	s21 =	simm.s32 $0x2  }
0x6: {  	s28 =	simm.s32 $0x4;
	s29 =	simm.s32 $0x1090;
	s30 =	simm.s32 $0x9740  }
0x7: {  	s31 =	simm.s32 $0x6;
	s22 =	simm.s32 $0x0;
	[smem:$0x7FF] =	sst s3  }
0x8: {  	s1 =	smul.u32 $0x13880, s13;
	s4 =	sadd.s32 $0x1D800, s0;
	s8 =	sand.u32 $0x1, s5  }
0x9: {  	s9 =	smul.u32 $0x2710, s13;
	s5 =	sadd.s32 $0x44A00, s0;
	s6 =	sadd.s32 $0x13A00, s0  }
0xa: {  	s7 =	sadd.s32 $0x9C00, s0;
	s25 =	sshll.u32 s13, $0x6;
	_ =	strace $0x8000004D  }
0xb: {  	s10 =	smul.u32 $0x27100, s8;
	s12 =	ssub.s32 $0x2, s8;
	s14 =	sor.u32 $0x1C09, s25  }
0xc: {  	p0 =	seq.s32 s8, $0x0;
	s25 =	simm.s32 $0x6F40;
	s8 =	simm.s32 $0x1EA0  }
0xd: {  	s11 =	sshrl.u32 s1, $0x3;
	s23 =	sshrl.u32 s12, $0x1;
	s1 =	sadd.s32 s1, s2  }
0xe: {  	[dreg:$0x4] =	wrdreg s14;
	s11 =	sadd.s32 s11, s0;
	s9 =	sadd.s32 s9, s10  }
0xf: {  	s24 =	ssub.s32 s12, s23;
	s10 =	smul.u32 $0xFA, s13;
	s12 =	smov.u32 s5  }
0x10: {  	s13 =	sshrl.u32 s1, $0x3;
	s23 =	simm.s32 $0x3;
	s1 =	simm.s32 $0x8  }
0x11: {  	s0 =	sadd.s32 s9, s0;
	s11 =	sadd.s32 $0x6BC00, s11;
	[dreg:$0x7] =	wrdreg s13  }
0x12: {  	s26 =	smax.u32 s24, $0x1;
	s12 =	smov.u32 @p0 s4;
	[dreg:$0x3] =	wrdreg s11  }
0x13: {  	s0 =	sadd.s32 $0x92E00, s0;
	[dreg:$0x6] =	wrdreg s26;
	s26 =	simm.s32 $0x5  }
0x14: {  	s11 =	simm.s32 $0x1EF0;
	[dreg:$0x5] =	wrdreg s0;
	s0 =	simm.s32 $0x7  }
.LBB2_1:
0x15: {  	[dreg:$0x8] =	wrdreg s22  }
0x16: {  	s9 =	rddreg [dreg:$0x3]  }
0x17: {  	[spmem:s13], [sflag:s14] =	dma.local [hbm:s9], $0x2710  }
0x18: {  	_ =	swait.ge [sflag:s15], $0x2710  }
0x19: {  	[sflag:s15] =	ssyncset.done $0x0  }
0x1a: {  	[sflag:s15] =	ssyncadd.s32 $0xFFFFD8F0  }
0x1b: {  	s9 =	simm.s32 $0x0;
	[bflag:$0x0] =	sbarrier.arrive $0xFFFF  }
.LBB2_2:
0x1c: {  	s13 =	smul.u32 $0x32, s9;
	_ =	sdelay $0x1  }
0x1d: {  	s13 =	sadd.s32 s10, s13  }
0x1e: {  	s13 =	smul.u32 $0xA, s13;
	_ =	sdelay $0x1  }
0x1f: {  	s14 =	sadd.s32 s6, s13  }
0x20: {  	[tilespmem:s3], [sflag:$0x9] =	stream.linear.gather [hbm4b:s14+s3], $0xFA0, $0x38;
	[tilespmem:$0x1F7C0] =	vst v63  }
0x21: {  	_ =	swait.ge [sflag:s15], $0xFA0  }
0x22: {  	[sflag:s15] =	ssyncset.done $0x0  }
0x23: {  	s13 =	sadd.s32 s7, s13;
	[sflag:s15] =	ssyncadd.s32 $0xFFFFF060  }
0x24: {  	[tilespmem:s16], [sflag:$0x9] =	stream.linear.gather [hbm4b:s13+s3], $0xFA0, $0x38;
	[tilespmem:$0x1F7C0] =	vst v63  }
0x25: {  	_ =	swait.ge [sflag:s15], $0xFA0  }
0x26: {  	[sflag:s15] =	ssyncset.done $0x0  }
0x27: {  	[sflag:s15] =	ssyncadd.s32 $0xFFFFF060  }
0x28: {  	[tilespmem:s18], [sflag:$0x1] =	stream.indirect.gather [hbm4b:s12+s17], $0x80, s3, s17, $0xb8;
	[tilespmem:$0x1F7C0] =	vst v63  }
0x29: {  	_ = 	snop  }
0x2a: {  	[tilespmem:s19], [sflag:$0x2] =	stream.indirect.gather [hbm4b:s12+s17], $0x80, s17, s17, $0xb8;
	[tilespmem:$0x1F7C0] =	vst v63  }
0x2b: {  	_ =	swait.ge [sflag:s20], $0x2800  }
0x2c: {  	[sflag:s20] =	ssyncset.done $0x0  }
0x2d: {  	[sflag:s20] =	ssyncadd.s32 $0xFFFFD800  }
0x2e: {  	[spmem:s2] =	stream.indirect.scatter.add.f32 [tilespmem:s18], [sflag:$0x5], $0x80, s16, s17, $0xb8;
	[tilespmem:$0x1F7C0] =	vst v63  }
0x2f: {  	s22 =	simm.s32 @p0 $0x6F40;
	s14 =	simm.s32 @p0 $0xA0;
	s13 =	simm.s32 @p0 $0x50  }
0x30: {  	[tilespmem:s22], [sflag:$0x3] =	stream.indirect.gather @p0 [hbm4b:s4+s13], $0x80, s14, s13, $0xb8;
	[tilespmem:$0x1F7C0] =	vst v63  }
0x31: {  	s24 =	simm.s32 @!p0 $0x6F40;
	s14 =	simm.s32 @!p0 $0x50;
	s22 =	simm.s32 @!p0 $0xA0  }
0x32: {  	[tilespmem:s24], [sflag:$0x3] =	stream.indirect.gather @!p0 [hbm4b:s5+s14], $0x80, s22, s14, $0xb8;
	[tilespmem:$0x1F7C0] =	vst v63  }
0x33: {  	_ =	swait.ge [sflag:s21], $0x2800  }
0x34: {  	[sflag:s21] =	ssyncset.done $0x0  }
0x35: {  	s24 =	simm.s32 $0xFF0;
	[sflag:s21] =	ssyncadd.s32 $0xFFFFD800  }
0x36: {  	[spmem:s2] =	stream.indirect.scatter.add.f32 [tilespmem:s19], [sflag:$0x6], $0x80, s24, s17, $0xb8;
	[tilespmem:$0x1F7C0] =	vst v63  }
0x37: {  	s22 =	simm.s32 @p0 $0xF0;
	s24 =	simm.s32 @p0 $0x9740  }
0x38: {  	[tilespmem:s24], [sflag:$0x4] =	stream.indirect.gather @p0 [hbm4b:s4+s13], $0x80, s22, s13, $0xb8;
	[tilespmem:$0x1F7C0] =	vst v63  }
0x39: {  	s22 =	simm.s32 @!p0 $0xF0;
	s24 =	simm.s32 @!p0 $0x9740  }
0x3a: {  	[tilespmem:s24], [sflag:$0x4] =	stream.indirect.gather @!p0 [hbm4b:s5+s14], $0x80, s22, s14, $0xb8;
	[tilespmem:$0x1F7C0] =	vst v63  }
0x3b: {  	_ =	swait.ge [sflag:s23], $0x2800  }
0x3c: {  	[sflag:s23] =	ssyncset.done $0x0  }
0x3d: {  	s24 =	simm.s32 $0x1040;
	[sflag:s23] =	ssyncadd.s32 $0xFFFFD800  }
0x3e: {  	[spmem:s2] =	stream.indirect.scatter.add.f32 [tilespmem:s25], [sflag:$0x7], $0x80, s24, s17, $0xb8;
	[tilespmem:$0x1F7C0] =	vst v63  }
0x3f: {  	_ =	swait.ge [sflag:s26], $0x2800  }
0x40: {  	[sflag:s26] =	ssyncset.done $0x0  }
0x41: {  	s22 =	simm.s32 @p0 $0x140;
	s24 =	simm.s32 @p0 $0x1F40;
	[sflag:s26] =	ssyncadd.s32 $0xFFFFD800  }
0x42: {  	[tilespmem:s24], [sflag:$0x1] =	stream.indirect.gather @p0 [hbm4b:s4+s13], $0x80, s22, s13, $0xb8;
	[tilespmem:$0x1F7C0] =	vst v63  }
0x43: {  	s22 =	simm.s32 @!p0 $0x140;
	s24 =	simm.s32 @!p0 $0x1F40  }
0x44: {  	[tilespmem:s24], [sflag:$0x1] =	stream.indirect.gather @!p0 [hbm4b:s5+s14], $0x80, s22, s14, $0xb8;
	[tilespmem:$0x1F7C0] =	vst v63  }
0x45: {  	_ =	swait.ge [sflag:s28], $0x2800  }
0x46: {  	[sflag:s28] =	ssyncset.done $0x0  }
0x47: {  	[sflag:s28] =	ssyncadd.s32 $0xFFFFD800  }
0x48: {  	[spmem:s2] =	stream.indirect.scatter.add.f32 [tilespmem:s30], [sflag:$0x8], $0x80, s29, s17, $0xb8;
	[tilespmem:$0x1F7C0] =	vst v63  }
0x49: {  	_ =	swait.ge [sflag:s31], $0x2800  }
0x4a: {  	[sflag:s31] =	ssyncset.done $0x0  }
0x4b: {  	s22 =	simm.s32 @p0 $0x190;
	s24 =	simm.s32 @p0 $0x4740;
	[sflag:s31] =	ssyncadd.s32 $0xFFFFD800  }
0x4c: {  	[tilespmem:s24], [sflag:$0x2] =	stream.indirect.gather @p0 [hbm4b:s4+s13], $0x80, s22, s13, $0xb8;
	[tilespmem:$0x1F7C0] =	vst v63  }
0x4d: {  	s13 =	simm.s32 @!p0 $0x190;
	s22 =	simm.s32 @!p0 $0x4740  }
0x4e: {  	[tilespmem:s22], [sflag:$0x2] =	stream.indirect.gather @!p0 [hbm4b:s5+s14], $0x80, s13, s14, $0xb8;
	[tilespmem:$0x1F7C0] =	vst v63  }
0x4f: {  	_ =	swait.ge [sflag:s20], $0x2800  }
0x50: {  	[sflag:s20] =	ssyncset.done $0x0  }
0x51: {  	s24 =	simm.s32 $0x10E0;
	[sflag:s20] =	ssyncadd.s32 $0xFFFFD800  }
0x52: {  	[spmem:s2] =	stream.indirect.scatter.add.f32 [tilespmem:s18], [sflag:$0x5], $0x80, s24, s17, $0xb8;
	[tilespmem:$0x1F7C0] =	vst v63  }
0x53: {  	_ =	swait.ge [sflag:s0], $0x2800  }
0x54: {  	[sflag:s0] =	ssyncset.done $0x0  }
0x55: {  	s14 =	simm.s32 $0x1E0;
	[sflag:s0] =	ssyncadd.s32 $0xFFFFD800  }
0x56: {  	[tilespmem:s25], [sflag:$0x3] =	stream.indirect.gather [hbm4b:s12+s17], $0x80, s14, s17, $0xb8;
	[tilespmem:$0x1F7C0] =	vst v63  }
0x57: {  	_ =	swait.ge [sflag:s21], $0x2800  }
0x58: {  	[sflag:s21] =	ssyncset.done $0x0  }
0x59: {  	s22 =	simm.s32 $0x1130;
	[sflag:s21] =	ssyncadd.s32 $0xFFFFD800  }
0x5a: {  	[spmem:s2] =	stream.indirect.scatter.add.f32 [tilespmem:s19], [sflag:$0x6], $0x80, s22, s17, $0xb8;
	[tilespmem:$0x1F7C0] =	vst v63  }
0x5b: {  	_ =	swait.ge [sflag:s1], $0x2800  }
0x5c: {  	[sflag:s1] =	ssyncset.done $0x0  }
0x5d: {  	s24 =	simm.s32 $0x230;
	[sflag:s1] =	ssyncadd.s32 $0xFFFFD800  }
0x5e: {  	[tilespmem:s30], [sflag:$0x4] =	stream.indirect.gather [hbm4b:s12+s17], $0x80, s24, s17, $0xb8;
	[tilespmem:$0x1F7C0] =	vst v63  }
0x5f: {  	_ =	swait.ge [sflag:s23], $0x2800  }
0x60: {  	[sflag:s23] =	ssyncset.done $0x0  }
0x61: {  	s14 =	simm.s32 $0x1180;
	[sflag:s23] =	ssyncadd.s32 $0xFFFFD800  }
0x62: {  	[spmem:s2] =	stream.indirect.scatter.add.f32 [tilespmem:s25], [sflag:$0x7], $0x80, s14, s17, $0xb8;
	[tilespmem:$0x1F7C0] =	vst v63  }
0x63: {  	_ =	swait.ge [sflag:s26], $0x2800  }
0x64: {  	[sflag:s26] =	ssyncset.done $0x0  }
0x65: {  	s22 =	simm.s32 $0x280;
	[sflag:s26] =	ssyncadd.s32 $0xFFFFD800  }
0x66: {  	[tilespmem:s18], [sflag:$0x1] =	stream.indirect.gather [hbm4b:s12+s17], $0x80, s22, s17, $0xb8;
	[tilespmem:$0x1F7C0] =	vst v63  }
0x67: {  	_ =	swait.ge [sflag:s28], $0x2800  }
0x68: {  	[sflag:s28] =	ssyncset.done $0x0  }
0x69: {  	s24 =	simm.s32 $0x11D0;
	[sflag:s28] =	ssyncadd.s32 $0xFFFFD800  }
0x6a: {  	[spmem:s2] =	stream.indirect.scatter.add.f32 [tilespmem:s30], [sflag:$0x8], $0x80, s24, s17, $0xb8;
	[tilespmem:$0x1F7C0] =	vst v63  }
0x6b: {  	_ =	swait.ge [sflag:s31], $0x2800  }
0x6c: {  	[sflag:s31] =	ssyncset.done $0x0  }
0x6d: {  	s13 =	simm.s32 $0x2D0;
	s14 =	simm.s32 $0x500;
	[sflag:s31] =	ssyncadd.s32 $0xFFFFD800  }
.LBB2_3:
0x6e: {  	[tilespmem:s19], [sflag:$0x2] =	stream.indirect.gather [hbm4b:s12+s17], $0x80, s13, s17, $0xb8;
	[tilespmem:$0x1F7C0] =	vst v63  }
0x6f: {  	s13 =	smov.u32 s14  }
0x70: {  	p1 =	sne.s32 s14, $0x3200;
	s14 =	sadd.s32 $0x500, s14;
	_ =	swait.ge [sflag:s20], $0x2800  }
0x71: {  	s13 =	sshra.s32 s13, $0x2;
	[sflag:s20] =	ssyncset.done $0x0  }
0x72: {  	s22 =	sadd.s32 $0x10E0, s13;
	[sflag:s20] =	ssyncadd.s32 $0xFFFFD800  }
0x73: {  	[spmem:s2] =	stream.indirect.scatter.add.f32 [tilespmem:s18], [sflag:$0x5], $0x80, s22, s17, $0xb8;
	[tilespmem:$0x1F7C0] =	vst v63  }
0x74: {  	_ =	swait.ge [sflag:s0], $0x2800  }
0x75: {  	[sflag:s0] =	ssyncset.done $0x0  }
0x76: {  	s22 =	sadd.s32 $0x1E0, s13;
	[sflag:s0] =	ssyncadd.s32 $0xFFFFD800  }
0x77: {  	[tilespmem:s25], [sflag:$0x3] =	stream.indirect.gather [hbm4b:s12+s17], $0x80, s22, s17, $0xb8;
	[tilespmem:$0x1F7C0] =	vst v63  }
0x78: {  	_ =	swait.ge [sflag:s21], $0x2800  }
0x79: {  	[sflag:s21] =	ssyncset.done $0x0  }
0x7a: {  	s22 =	sadd.s32 $0x1130, s13;
	[sflag:s21] =	ssyncadd.s32 $0xFFFFD800  }
0x7b: {  	[spmem:s2] =	stream.indirect.scatter.add.f32 [tilespmem:s19], [sflag:$0x6], $0x80, s22, s17, $0xb8;
	[tilespmem:$0x1F7C0] =	vst v63  }
0x7c: {  	_ =	swait.ge [sflag:s1], $0x2800  }
0x7d: {  	[sflag:s1] =	ssyncset.done $0x0  }
0x7e: {  	s22 =	sadd.s32 $0x230, s13;
	[sflag:s1] =	ssyncadd.s32 $0xFFFFD800  }
0x7f: {  	[tilespmem:s30], [sflag:$0x4] =	stream.indirect.gather [hbm4b:s12+s17], $0x80, s22, s17, $0xb8;
	[tilespmem:$0x1F7C0] =	vst v63  }
0x80: {  	_ =	swait.ge [sflag:s23], $0x2800  }
0x81: {  	[sflag:s23] =	ssyncset.done $0x0  }
0x82: {  	s22 =	sadd.s32 $0x1180, s13;
	[sflag:s23] =	ssyncadd.s32 $0xFFFFD800  }
0x83: {  	[spmem:s2] =	stream.indirect.scatter.add.f32 [tilespmem:s25], [sflag:$0x7], $0x80, s22, s17, $0xb8;
	[tilespmem:$0x1F7C0] =	vst v63  }
0x84: {  	_ =	swait.ge [sflag:s26], $0x2800  }
0x85: {  	[sflag:s26] =	ssyncset.done $0x0  }
0x86: {  	s22 =	sadd.s32 $0x280, s13;
	[sflag:s26] =	ssyncadd.s32 $0xFFFFD800  }
0x87: {  	[tilespmem:s18], [sflag:$0x1] =	stream.indirect.gather [hbm4b:s12+s17], $0x80, s22, s17, $0xb8;
	[tilespmem:$0x1F7C0] =	vst v63  }
0x88: {  	_ =	swait.ge [sflag:s28], $0x2800  }
0x89: {  	[sflag:s28] =	ssyncset.done $0x0  }
.Ltmp0:
0x8a: {  	s22 =	sadd.s32 $0x11D0, s13;
	[sflag:s28] =	ssyncadd.s32 $0xFFFFD800;
	(pc) =	sbr.rel @p1 .LBB2_3-.Ltmp0, $4  }
0x8b: {  	[spmem:s2] =	stream.indirect.scatter.add.f32 [tilespmem:s30], [sflag:$0x8], $0x80, s22, s17, $0xb8;
	[tilespmem:$0x1F7C0] =	vst v63  }
0x8c: {  	_ =	swait.ge [sflag:s31], $0x2800  }
0x8d: {  	[sflag:s31] =	ssyncset.done $0x0  }
0x8e: {  	s13 =	sadd.s32 $0x2D0, s13;
	[sflag:s31] =	ssyncadd.s32 $0xFFFFD800  }
0x8f: {  	[tilespmem:s19], [sflag:$0x2] =	stream.indirect.gather [hbm4b:s12+s17], $0x80, s13, s17, $0xb8;
	[tilespmem:$0x1F7C0] =	vst v63  }
0x90: {  	_ =	swait.ge [sflag:s20], $0x2800  }
0x91: {  	[sflag:s20] =	ssyncset.done $0x0  }
0x92: {  	[sflag:s20] =	ssyncadd.s32 $0xFFFFD800  }
0x93: {  	[spmem:s2] =	stream.indirect.scatter.add.f32 [tilespmem:s18], [sflag:$0x5], $0x80, s8, s17, $0xb8;
	[tilespmem:$0x1F7C0] =	vst v63  }
0x94: {  	_ =	swait.ge [sflag:s21], $0x2800  }
0x95: {  	[sflag:s21] =	ssyncset.done $0x0  }
0x96: {  	[sflag:s21] =	ssyncadd.s32 $0xFFFFD800  }
0x97: {  	[spmem:s2] =	stream.indirect.scatter.add.f32 [tilespmem:s19], [sflag:$0x6], $0x80, s11, s17, $0xb8;
	[tilespmem:$0x1F7C0] =	vst v63  }
0x98: {  	_ =	swait.ge [sflag:s0], $0x2800  }
0x99: {  	[sflag:s0] =	ssyncset.done $0x0  }
0x9a: {  	[sflag:s0] =	ssyncadd.s32 $0xFFFFD800  }
0x9b: {  	_ =	swait.ge [sflag:s1], $0x2800  }
0x9c: {  	[sflag:s1] =	ssyncset.done $0x0  }
0x9d: {  	s9 =	sadd.s32 $0x1, s9;
	[sflag:s1] =	ssyncadd.s32 $0xFFFFD800  }
0x9e: {  	p1 =	sne.s32 s9, $0x5;
	_ =	swait.ge [sflag:s26], $0x2800  }
.Ltmp1:
0x9f: {  	[sflag:s26] =	ssyncset.done $0x0;
	(pc) =	sbr.rel @p1 .LBB2_2-.Ltmp1, $4  }
0xa0: {  	[sflag:s26] =	ssyncadd.s32 $0xFFFFD800  }
0xa1: {  	_ =	swait.ge [sflag:s31], $0x2800  }
0xa2: {  	[sflag:s31] =	ssyncset.done $0x0  }
0xa3: {  	[sflag:s31] =	ssyncadd.s32 $0xFFFFD800  }
0xa4: {  	[bflag:$0x0] =	sbarrier.arrive $0xFFFF  }
0xa5: {  	s14 =	rddreg [dreg:$0x4]  }
0xa6: {  	s9 =	rddreg [dreg:$0x5]  }
0xa7: {  	s13 =	rddreg [dreg:$0x7]  }
0xa8: {  	[hbm:s9], [sflag:s14] =	dma.local [spmem:s13], $0x2710  }
0xa9: {  	_ =	swait.ge [sflag:s15], $0x2710  }
0xaa: {  	s22 =	rddreg [dreg:$0x8]  }
0xab: {  	s24 =	rddreg [dreg:$0x6];
	s22 =	sadd.s32 $0x1, s22  }
0xac: {  	p1 =	sne.s32 s22, s24  }
.Ltmp2:
0xad: {  	_ = 	snop;
	(pc) =	sbr.rel @p1 .LBB2_1-.Ltmp2, $3  }
0xae: {  	_ =	sdelay $0x1  }
0xaf: {  	[sflag:s15] =	ssyncset.done $0x0  }
0xb0: {  	[sflag:s15] =	ssyncadd.s32 $0xFFFFD8F0  }
0xb1: {  	_ =	sfence.sel $0x180000  }
0xb2: {  	[bflag:$0x0] =	sbarrier.arrive $0xFFFF  }
0xb3: {  	_ =	strace $0x9000004D  }
0xb4: {  	s0 =	stileid.u32;
	[bflag:$0x2] =	sbarrier.arrive $0xFFFF  }
0xb5: {  	p0 =	sne.s32 s0, $0x0;
	s0 =	rddreg [dreg:$0x2]  }
0xb6: {  	s0 =	sadd.s32 @!p0 $0x100000, s0  }
0xb7: {  	[sflag:s0] =	ssyncadd.tile.s32 @!p0 $0x1;
	_ =	shalt  }
.Lfunc_end2:
_tile_overlayer_lowered:
.L_overlay_start_2:
0xb8: {  	(tag) =	ssettag $0x2  }
0xb9: {  	s0 =	rddreg [dreg:$0x0];
	s2 =	stileid.u32  }
0xba: {  	s1 =	rddreg [dreg:$0x1];
	p0 =	sne.s32 s2, $0x0  }
0xbb: {  	s3 =	rddreg [dreg:$0x2];
	[bflag:$0x3] =	sbarrier.arrive $0xFFFF;
	s2 =	simm.s32 @!p0 $0x1C09  }
0xbc: {  	[timem:s3], [sflag:s2] =	dma.local @!p0 [hbm:s0], s1  }
0xbd: {  	s0 =	simm.s32 @!p0 $0x9  }
0xbe: {  	_ =	swait.ge @!p0 [sflag:s0], s1  }
0xbf: {  	s1 =	ssub.s32 @!p0 $0x0, s1;
	[sflag:s0] =	ssyncset.done @!p0 $0x0  }
0xc0: {  	[sflag:s0] =	ssyncadd.s32 @!p0 s1  }
0xc1: {  	[bflag:$0x3] =	sbarrier.arrive $0xFFFF  }
0xc2: {  	_ =	shalt  }

// kernel: kernel.31.cloned.1.call-start
scs
__scs_entry_jumppad:
0x0: {  	(pc) =	sbr.rel $0x88, $3  }
0x1: {  	(tag) =	ssettag $0x0;
	lr =	simm.s32 $0x1  }
0x2: {  	[smem:$0x3F80] =	sst lr;
	_ =	strace $0xD0000000  }
0x3: {  	_ = 	snop  }
0x4: {  	_ = 	snop  }
0x5: {  	_ = 	snop  }
0x6: {  	_ = 	snop  }
0x7: {  	_ = 	snop  }
__scs_overlays_trampoline_lowered:
0x8: {  	[smem:$0x3F8F] =	sst s0  }
0x9: {  	[smem:$0x3F90] =	sst s1  }
0xa: {  	[smem:$0x3F91] =	sst s2  }
0xb: {  	[smem:$0x3F92] =	sst s3  }
0xc: {  	[smem:$0x3F93] =	sst s4  }
0xd: {  	[smem:$0x3F94] =	sst s5  }
0xe: {  	[smem:$0x3F95] =	sst s6  }
0xf: {  	[smem:$0x3F96] =	sst s7  }
0x10: {  	[smem:$0x3F97] =	sst s8  }
0x11: {  	[smem:$0x3F98] =	sst s9;
	s0 =	simm.s32 @!p0 $0x0  }
0x12: {  	s1 =	sld [smem:$0x3F7E];
	s0 =	simm.s32 @p0 $0x1  }
0x13: {  	[smem:$0x3F99] =	sst s0;
	s0 =	simm.s32 @!p1 $0x0  }
0x14: {  	s2 =	sld [smem:$0x3F7D];
	s0 =	simm.s32 @p1 $0x1  }
0x15: {  	[smem:$0x3F9A] =	sst s0;
	s0 =	simm.s32 @!p2 $0x0  }
0x16: {  	s3 =	sld [smem:$0x3FDB];
	s0 =	simm.s32 @p2 $0x1  }
0x17: {  	s4 =	simm.s32 $0x1BF5;
	[smem:$0x3F9C] =	sst s0  }
0x18: {  	s0 =	sld [smem:$0x3F7F];
	_ =	swait.ge [sflag:s4], $0x0  }
0x19: {  	s7 =	sld [smem:$0x3F80]  }
0x1a: {  	s8 =	sadd.s32 $0xFFFFE003, lr  }
0x1b: {  	s9 =	sadd.s32 $0xFFFFFEF7, lr;
	s5 =	simm.s32 $0xFFFFFFFF;
	p2 =	slt.u32 s8, $0xFFFFF086  }
0x1c: {  	p1 =	slt.u32 s9, $0xF7A;
	s5 =	simm.s32 @!p2 $0x0  }
0x1d: {  	s5 =	simm.s32 @p1 $0x1;
	p0 =	seq.s32 s7, s2  }
0x1e: {  	s7 =	smul.u32 @!p0 $0xF7A, s2;
	p2 =	seq.s32 @!p0 s5, $0x0  }
0x1f: {  	s9 =	smul.u32 $0xF7A, s1;
	s8 =	simm.s32 @!p0 $0x1BF5;
	p2 =	por !p2, p0  }
0x20: {  	[sflag:s8] =	ssyncset.s32 @!p0 $0xFFFFF086;
	s6 =	sadd.s32 @!p0 s3, s7;
	s7 =	simm.s32 @!p0 $0x108  }
0x21: {  	s3 =	sadd.s32 s3, s9;
	s6 =	sadd.s32 @!p0 $0x88, s6;
	s7 =	simm.s32 @p2 $0x1082  }
0x22: {  	[simem:s7], [sflag:s8] =	dma.local @!p0 [hbm:s6], $0xF7A  }
0x23: {  	s9 =	sor.u32 $0xD0000000, s2;
	s6 =	simm.s32 $0x108;
	_ =	swait.ge @!p0 [sflag:s8], $0x0  }
0x24: {  	s3 =	sadd.s32 $0x88, s3;
	s6 =	simm.s32 @!p1 $0x1082;
	[sflag:s4] =	ssyncset.s32 $0xFFFFF086  }
0x25: {  	[simem:s6], [sflag:s4] =	dma.local [hbm:s3], $0xF7A  }
0x26: {  	[smem:$0x3F80] =	sst s1;
	(tag) =	ssettag s2;
	_ =	strace s9  }
0x27: {  	s1 =	sld [smem:$0x3F90]  }
0x28: {  	s2 =	sld [smem:$0x3F91]  }
0x29: {  	s4 =	sld [smem:$0x3F93]  }
0x2a: {  	p0 =	seq.s32 s5, $0x0;
	s5 =	sld [smem:$0x3F94]  }
0x2b: {  	s6 =	sld [smem:$0x3F95]  }
0x2c: {  	s7 =	sld [smem:$0x3F96]  }
0x2d: {  	s3 =	simm.s32 $0x108;
	s8 =	sld [smem:$0x3F97]  }
0x2e: {  	s3 =	simm.s32 @!p0 $0x1082;
	s9 =	sld [smem:$0x3F98]  }
0x2f: {  	lr =	sadd.s32 s0, s3;
	s0 =	sld [smem:$0x3F8F]  }
0x30: {  	s3 =	sld [smem:$0x3F92]  }
0x31: {  	[smem:$0x3F9B] =	sst s10  }
0x32: {  	s10 =	sld [smem:$0x3F99];
	_ =	sdelay $0x3  }
0x33: {  	p0 =	seq.s32 s10, $0x1;
	s10 =	sld [smem:$0x3F9B];
	_ =	sdelay $0x3  }
0x34: {  	[smem:$0x3F9B] =	sst s10  }
0x35: {  	s10 =	sld [smem:$0x3F9A];
	_ =	sdelay $0x3  }
0x36: {  	p1 =	seq.s32 s10, $0x1;
	s10 =	sld [smem:$0x3F9B];
	_ =	sdelay $0x3  }
0x37: {  	[smem:$0x3F9B] =	sst s10  }
0x38: {  	s10 =	sld [smem:$0x3F9C]  }
0x39: {  	_ = 	snop;
	(pc) =	sbr.ind lr, $3  }
0x3a: {  	_ = 	snop  }
0x3b: {  	_ = 	snop  }
0x3c: {  	p2 =	seq.s32 s10, $0x1;
	s10 =	sld [smem:$0x3F9B]  }
0x3d: {  	_ =	shalt  }
0x3e: {  	_ =	shalt  }
0x3f: {  	_ =	shalt  }
0x40: {  	_ =	shalt  }
0x41: {  	_ =	shalt  }
0x42: {  	_ =	shalt  }
0x43: {  	_ =	shalt  }
0x44: {  	_ =	shalt  }
0x45: {  	_ =	shalt  }
0x46: {  	_ =	shalt  }
0x47: {  	_ =	shalt  }
0x48: {  	_ =	shalt  }
0x49: {  	_ =	shalt  }
0x4a: {  	_ =	shalt  }
0x4b: {  	_ =	shalt  }
0x4c: {  	_ =	shalt  }
0x4d: {  	_ =	shalt  }
0x4e: {  	_ =	shalt  }
0x4f: {  	_ =	shalt  }
0x50: {  	_ =	shalt  }
0x51: {  	_ =	shalt  }
0x52: {  	_ =	shalt  }
0x53: {  	_ =	shalt  }
0x54: {  	_ =	shalt  }
0x55: {  	_ =	shalt  }
0x56: {  	_ =	shalt  }
0x57: {  	_ =	shalt  }
0x58: {  	_ =	shalt  }
0x59: {  	_ =	shalt  }
0x5a: {  	_ =	shalt  }
0x5b: {  	_ =	shalt  }
0x5c: {  	_ =	shalt  }
0x5d: {  	_ =	shalt  }
0x5e: {  	_ =	shalt  }
0x5f: {  	_ =	shalt  }
0x60: {  	_ =	shalt  }
0x61: {  	_ =	shalt  }
0x62: {  	_ =	shalt  }
0x63: {  	_ =	shalt  }
0x64: {  	_ =	shalt  }
0x65: {  	_ =	shalt  }
0x66: {  	_ =	shalt  }
0x67: {  	_ =	shalt  }
0x68: {  	_ =	shalt  }
0x69: {  	_ =	shalt  }
0x6a: {  	_ =	shalt  }
0x6b: {  	_ =	shalt  }
0x6c: {  	_ =	shalt  }
0x6d: {  	_ =	shalt  }
0x6e: {  	_ =	shalt  }
0x6f: {  	_ =	shalt  }
0x70: {  	_ =	shalt  }
0x71: {  	_ =	shalt  }
0x72: {  	_ =	shalt  }
0x73: {  	_ =	shalt  }
0x74: {  	_ =	shalt  }
0x75: {  	_ =	shalt  }
0x76: {  	_ =	shalt  }
0x77: {  	_ =	shalt  }
0x78: {  	_ =	shalt  }
0x79: {  	_ =	shalt  }
0x7a: {  	_ =	shalt  }
0x7b: {  	_ =	shalt  }
0x7c: {  	_ =	shalt  }
0x7d: {  	_ =	shalt  }
0x7e: {  	_ =	shalt  }
0x7f: {  	_ =	shalt  }
0x80: {  	_ =	shalt  }
0x81: {  	_ =	shalt  }
0x82: {  	_ =	shalt  }
0x83: {  	_ =	shalt  }
0x84: {  	_ =	shalt  }
0x85: {  	_ =	shalt  }
0x86: {  	_ =	shalt  }
0x87: {  	_ =	shalt  }
.Lfunc_end0:
.L_simem_size_0:
called_computation.3_lowered:
.L_overlay_start_0:
0x88: {  	s2 =	sld [smem:$0x3FD9]  }
0x89: {  	s3 =	sld [smem:$0x3FFE];
	_ =	sdelay $0x1  }
0x8a: {  	s1 =	srdreg.scid  }
0x8b: {  	s0 =	sand.u32 $0x1, s1  }
0x8c: {  	s16 =	sshll.u32 s0, $0xA;
	s2 =	sadd.s32 s3, s2  }
0x8d: {  	s2 =	sadd.s32 s2, s16  }
0x8e: {  	[smem:$0x3FA7] =	sst s2  }
0x8f: {  	_ = 	snop  }
0x90: {  	(tm) =	ssettm $0x1  }
0x91: {  	s17 =	sld [smem:$0x3FFB];
	_ =	sdelay $0x3  }
0x92: {  	_ =	strace s17  }
0x93: {  	s2 =	sld [smem:$0x3FFC];
	_ =	sdelay $0x3  }
0x94: {  	_ =	strace s2  }
0x95: {  	s2 =	sld [smem:$0x3FFD];
	_ =	sdelay $0x3  }
0x96: {  	_ =	strace s2  }
0x97: {  	_ =	strace $0x8FFFFFFF  }
0x98: {  	s18 =	sld [smem:$0x3FDB];
	_ =	sdelay $0x1  }
0x99: {  	s19 =	simm.s32 $_scs_section_size  }
0x9a: {  	s4 =	simm.s32 $_size__tile_overlayer_lowered;
	s5 =	simm.s32 $_tile_overlayer_lowered  }
0x9b: {  	s22 =	simm.s32 $0x1BFF;
	s21 =	sshll.u32 s5, $0x1;
	s2 =	sadd.s32 s19, s18  }
0x9c: {  	s6 =	simm.s32 $0x0;
	s20 =	sshll.u32 s4, $0x1;
	s4 =	sadd.s32 s21, s2  }
0x9d: {  	[timem:s6], [sflag:s22] =	dma.local [hbm:s4], s20  }
0x9e: {  	_ =	swait.ge [sflag:s22], s20  }
0x9f: {  	s3 =	ssub.s32 $0x0, s20;
	[sflag:s22] =	ssyncset.done $0x0  }
0xa0: {  	[sflag:s22] =	ssyncadd.s32 s3;
	_ =	sdelay $0x1  }
0xa1: {  	s23 =	simm.s32 $0x1B8B  }
0xa2: {  	_ =	swait.ge [sflag:s23], $0x1  }
0xa3: {  	[sflag:s23] =	ssyncset.done $0x0  }
0xa4: {  	s25 =	simm.s32 $0x1B8E;
	s24 =	sld [smem:$0x3FFE];
	[sflag:s23] =	ssyncadd.s32 $0xFFFFFFFF  }
0xa5: {  	s26 =	simm.s32 $execute0_lowered;
	[smem:$0x3FD2] =	sst s25  }
0xa6: {  	s4 =	sshll.u32 s26, $0x1;
	_ =	strace $0x8000004F;
	[dreg:$0x1] =	wrdreg $0xFFFFFFFF  }
0xa7: {  	s28 =	simm.s32 $_size_execute0_lowered;
	s2 =	sadd.s32 s2, s4;
	[dreg:$0x0] =	wrdreg $0x0  }
0xa8: {  	s4 =	sshll.u32 s28, $0x1;
	[dreg:$0x2] =	wrdreg s2  }
0xa9: {  	[dreg:$0x3] =	wrdreg s4  }
0xaa: {  	[dreg:$0x4] =	wrdreg $0xC0  }
0xab: {  	_ =	task [dreg:s6], $0x5FFFF  }
0xac: {  	[dreg:$0x1] =	wrdreg $0xFFFFFFFF  }
0xad: {  	[dreg:$0x0] =	wrdreg $0x60  }
0xae: {  	[dreg:$0x2] =	wrdreg s24  }
0xaf: {  	[dreg:$0x3] =	wrdreg $0xBF400  }
0xb0: {  	[dreg:$0x4] =	wrdreg $0x9  }
0xb1: {  	_ =	task.clear_ibuf [dreg:s6], $0x5FFFF;
	_ =	strace $0x9000004F  }
0xb2: {  	s29 =	simm.s32 $0x9;
	_ =	strace $0x80000051  }
0xb3: {  	_ =	swait.ge [sflag:s29], $0x1  }
0xb4: {  	[sflag:s29] =	ssyncadd.s32 $0xFFFFFFFF  }
0xb5: {  	_ =	strace $0x90000051  }
0xb6: {  	_ =	sfence  }
0xb7: {  	s30 =	sld [smem:$0x0];
	_ =	sdelay $0x2  }
0xb8: {  	s31 =	sshll.u32 s1, $0xD;
	s1 =	sshrl.u32 s1, $0x2  }
0xb9: {  	s3 =	sand.u32 $0x4000, s31;
	s1 =	sadd.s32 s1, s30  }
0xba: {  	s0 =	sor.u32 s3, s0;
	s1 =	sshll.u32 s1, $0x11  }
0xbb: {  	s0 =	sor.u32 s1, s0  }
0xbc: {  	s0 =	sadd.s32 $0x8F2B, s0  }
0xbd: {  	[sflag:s0] =	ssyncadd.remote.s32 $0x1  }
0xbe: {  	_ =	sfence.sel $0xFFFF  }
0xbf: {  	[dreg:$0x0] =	wrdreg $0xFFFFFFFF;
	(pc) =	sbr.abs _section_cstart, $3  }
0xc0: {  	[dreg:$0x1] =	wrdreg $0xFFFFFFFF  }
0xc1: {  	_ =	task.clear_ibuf [dreg:s6], $0x2FFFF;
	_ =	strace $0x9FFFFFFF  }
0xc2: {  	(tm) =	ssettm $0x7FFFFFFF  }
0xc3: {  	_ =	shalt  }
tec
execute0_lowered:
.L_overlay_start_1:
0x0: {  	(tag) =	ssettag $0x1  }
0x1: {  	s0 =	rddreg [dreg:$0x0]  }
0x2: {  	s2 =	rddreg [dreg:$0x1];
	s3 =	simm.s32 $0x0  }
0x3: {  	s13 =	stileid.u32;
	s5 =	srdreg.scid;
	s15 =	simm.s32 $0x9  }
0x4: {  	s16 =	simm.s32 $0xFA0;
	s17 =	simm.s32 $0x50;
	s18 =	simm.s32 $0x1F40  }
0x5: {  	s19 =	simm.s32 $0x4740;
	s20 =	simm.s32 $0x1;
	s21 =	simm.s32 $0x2  }
0x6: {  	s28 =	simm.s32 $0x4;
	s29 =	simm.s32 $0x1090;
	s30 =	simm.s32 $0x9740  }
0x7: {  	s31 =	simm.s32 $0x6;
	s22 =	simm.s32 $0x0;
	[smem:$0x7FF] =	sst s3  }
0x8: {  	s1 =	smul.u32 $0x13880, s13;
	s4 =	sadd.s32 $0x1D800, s0;
	s8 =	sand.u32 $0x1, s5  }
0x9: {  	s9 =	smul.u32 $0x2710, s13;
	s5 =	sadd.s32 $0x44A00, s0;
	s6 =	sadd.s32 $0x13A00, s0  }
0xa: {  	s7 =	sadd.s32 $0x9C00, s0;
	s25 =	sshll.u32 s13, $0x6;
	_ =	strace $0x80000050  }
0xb: {  	s10 =	smul.u32 $0x27100, s8;
	s12 =	ssub.s32 $0x2, s8;
	s14 =	sor.u32 $0x1C09, s25  }
0xc: {  	p0 =	seq.s32 s8, $0x0;
	s25 =	simm.s32 $0x6F40;
	s8 =	simm.s32 $0x1EA0  }
0xd: {  	s11 =	sshrl.u32 s1, $0x3;
	s23 =	sshrl.u32 s12, $0x1;
	s1 =	sadd.s32 s1, s2  }
0xe: {  	[dreg:$0x4] =	wrdreg s14;
	s11 =	sadd.s32 s11, s0;
	s9 =	sadd.s32 s9, s10  }
0xf: {  	s24 =	ssub.s32 s12, s23;
	s10 =	smul.u32 $0xFA, s13;
	s12 =	smov.u32 s5  }
0x10: {  	s13 =	sshrl.u32 s1, $0x3;
	s23 =	simm.s32 $0x3;
	s1 =	simm.s32 $0x8  }
0x11: {  	s0 =	sadd.s32 s9, s0;
	s11 =	sadd.s32 $0x6BC00, s11;
	[dreg:$0x7] =	wrdreg s13  }
0x12: {  	s26 =	smax.u32 s24, $0x1;
	s12 =	smov.u32 @p0 s4;
	[dreg:$0x3] =	wrdreg s11  }
0x13: {  	s0 =	sadd.s32 $0x92E00, s0;
	[dreg:$0x6] =	wrdreg s26;
	s26 =	simm.s32 $0x5  }
0x14: {  	s11 =	simm.s32 $0x1EF0;
	[dreg:$0x5] =	wrdreg s0;
	s0 =	simm.s32 $0x7  }
.LBB2_1:
0x15: {  	[dreg:$0x8] =	wrdreg s22  }
0x16: {  	s9 =	rddreg [dreg:$0x3]  }
0x17: {  	[spmem:s13], [sflag:s14] =	dma.local [hbm:s9], $0x2710  }
0x18: {  	_ =	swait.ge [sflag:s15], $0x2710  }
0x19: {  	[sflag:s15] =	ssyncset.done $0x0  }
0x1a: {  	[sflag:s15] =	ssyncadd.s32 $0xFFFFD8F0  }
0x1b: {  	s9 =	simm.s32 $0x0;
	[bflag:$0x0] =	sbarrier.arrive $0xFFFF  }
.LBB2_2:
0x1c: {  	s13 =	smul.u32 $0x32, s9;
	_ =	sdelay $0x1  }
0x1d: {  	s13 =	sadd.s32 s10, s13  }
0x1e: {  	s13 =	smul.u32 $0xA, s13;
	_ =	sdelay $0x1  }
0x1f: {  	s14 =	sadd.s32 s6, s13  }
0x20: {  	[tilespmem:s3], [sflag:$0x9] =	stream.linear.gather [hbm4b:s14+s3], $0xFA0, $0x38;
	[tilespmem:$0x1F7C0] =	vst v63  }
0x21: {  	_ =	swait.ge [sflag:s15], $0xFA0  }
0x22: {  	[sflag:s15] =	ssyncset.done $0x0  }
0x23: {  	s13 =	sadd.s32 s7, s13;
	[sflag:s15] =	ssyncadd.s32 $0xFFFFF060  }
0x24: {  	[tilespmem:s16], [sflag:$0x9] =	stream.linear.gather [hbm4b:s13+s3], $0xFA0, $0x38;
	[tilespmem:$0x1F7C0] =	vst v63  }
0x25: {  	_ =	swait.ge [sflag:s15], $0xFA0  }
0x26: {  	[sflag:s15] =	ssyncset.done $0x0  }
0x27: {  	[sflag:s15] =	ssyncadd.s32 $0xFFFFF060  }
0x28: {  	[tilespmem:s18], [sflag:$0x1] =	stream.indirect.gather [hbm4b:s12+s17], $0x80, s3, s17, $0xb8;
	[tilespmem:$0x1F7C0] =	vst v63  }
0x29: {  	_ = 	snop  }
0x2a: {  	[tilespmem:s19], [sflag:$0x2] =	stream.indirect.gather [hbm4b:s12+s17], $0x80, s17, s17, $0xb8;
	[tilespmem:$0x1F7C0] =	vst v63  }
0x2b: {  	_ =	swait.ge [sflag:s20], $0x2800  }
0x2c: {  	[sflag:s20] =	ssyncset.done $0x0  }
0x2d: {  	[sflag:s20] =	ssyncadd.s32 $0xFFFFD800  }
0x2e: {  	[spmem:s2] =	stream.indirect.scatter.add.f32 [tilespmem:s18], [sflag:$0x5], $0x80, s16, s17, $0xb8;
	[tilespmem:$0x1F7C0] =	vst v63  }
0x2f: {  	s22 =	simm.s32 @p0 $0x6F40;
	s14 =	simm.s32 @p0 $0xA0;
	s13 =	simm.s32 @p0 $0x50  }
0x30: {  	[tilespmem:s22], [sflag:$0x3] =	stream.indirect.gather @p0 [hbm4b:s4+s13], $0x80, s14, s13, $0xb8;
	[tilespmem:$0x1F7C0] =	vst v63  }
0x31: {  	s24 =	simm.s32 @!p0 $0x6F40;
	s14 =	simm.s32 @!p0 $0x50;
	s22 =	simm.s32 @!p0 $0xA0  }
0x32: {  	[tilespmem:s24], [sflag:$0x3] =	stream.indirect.gather @!p0 [hbm4b:s5+s14], $0x80, s22, s14, $0xb8;
	[tilespmem:$0x1F7C0] =	vst v63  }
0x33: {  	_ =	swait.ge [sflag:s21], $0x2800  }
0x34: {  	[sflag:s21] =	ssyncset.done $0x0  }
0x35: {  	s24 =	simm.s32 $0xFF0;
	[sflag:s21] =	ssyncadd.s32 $0xFFFFD800  }
0x36: {  	[spmem:s2] =	stream.indirect.scatter.add.f32 [tilespmem:s19], [sflag:$0x6], $0x80, s24, s17, $0xb8;
	[tilespmem:$0x1F7C0] =	vst v63  }
0x37: {  	s22 =	simm.s32 @p0 $0xF0;
	s24 =	simm.s32 @p0 $0x9740  }
0x38: {  	[tilespmem:s24], [sflag:$0x4] =	stream.indirect.gather @p0 [hbm4b:s4+s13], $0x80, s22, s13, $0xb8;
	[tilespmem:$0x1F7C0] =	vst v63  }
0x39: {  	s22 =	simm.s32 @!p0 $0xF0;
	s24 =	simm.s32 @!p0 $0x9740  }
0x3a: {  	[tilespmem:s24], [sflag:$0x4] =	stream.indirect.gather @!p0 [hbm4b:s5+s14], $0x80, s22, s14, $0xb8;
	[tilespmem:$0x1F7C0] =	vst v63  }
0x3b: {  	_ =	swait.ge [sflag:s23], $0x2800  }
0x3c: {  	[sflag:s23] =	ssyncset.done $0x0  }
0x3d: {  	s24 =	simm.s32 $0x1040;
	[sflag:s23] =	ssyncadd.s32 $0xFFFFD800  }
0x3e: {  	[spmem:s2] =	stream.indirect.scatter.add.f32 [tilespmem:s25], [sflag:$0x7], $0x80, s24, s17, $0xb8;
	[tilespmem:$0x1F7C0] =	vst v63  }
0x3f: {  	_ =	swait.ge [sflag:s26], $0x2800  }
0x40: {  	[sflag:s26] =	ssyncset.done $0x0  }
0x41: {  	s22 =	simm.s32 @p0 $0x140;
	s24 =	simm.s32 @p0 $0x1F40;
	[sflag:s26] =	ssyncadd.s32 $0xFFFFD800  }
0x42: {  	[tilespmem:s24], [sflag:$0x1] =	stream.indirect.gather @p0 [hbm4b:s4+s13], $0x80, s22, s13, $0xb8;
	[tilespmem:$0x1F7C0] =	vst v63  }
0x43: {  	s22 =	simm.s32 @!p0 $0x140;
	s24 =	simm.s32 @!p0 $0x1F40  }
0x44: {  	[tilespmem:s24], [sflag:$0x1] =	stream.indirect.gather @!p0 [hbm4b:s5+s14], $0x80, s22, s14, $0xb8;
	[tilespmem:$0x1F7C0] =	vst v63  }
0x45: {  	_ =	swait.ge [sflag:s28], $0x2800  }
0x46: {  	[sflag:s28] =	ssyncset.done $0x0  }
0x47: {  	[sflag:s28] =	ssyncadd.s32 $0xFFFFD800  }
0x48: {  	[spmem:s2] =	stream.indirect.scatter.add.f32 [tilespmem:s30], [sflag:$0x8], $0x80, s29, s17, $0xb8;
	[tilespmem:$0x1F7C0] =	vst v63  }
0x49: {  	_ =	swait.ge [sflag:s31], $0x2800  }
0x4a: {  	[sflag:s31] =	ssyncset.done $0x0  }
0x4b: {  	s22 =	simm.s32 @p0 $0x190;
	s24 =	simm.s32 @p0 $0x4740;
	[sflag:s31] =	ssyncadd.s32 $0xFFFFD800  }
0x4c: {  	[tilespmem:s24], [sflag:$0x2] =	stream.indirect.gather @p0 [hbm4b:s4+s13], $0x80, s22, s13, $0xb8;
	[tilespmem:$0x1F7C0] =	vst v63  }
0x4d: {  	s13 =	simm.s32 @!p0 $0x190;
	s22 =	simm.s32 @!p0 $0x4740  }
0x4e: {  	[tilespmem:s22], [sflag:$0x2] =	stream.indirect.gather @!p0 [hbm4b:s5+s14], $0x80, s13, s14, $0xb8;
	[tilespmem:$0x1F7C0] =	vst v63  }
0x4f: {  	_ =	swait.ge [sflag:s20], $0x2800  }
0x50: {  	[sflag:s20] =	ssyncset.done $0x0  }
0x51: {  	s24 =	simm.s32 $0x10E0;
	[sflag:s20] =	ssyncadd.s32 $0xFFFFD800  }
0x52: {  	[spmem:s2] =	stream.indirect.scatter.add.f32 [tilespmem:s18], [sflag:$0x5], $0x80, s24, s17, $0xb8;
	[tilespmem:$0x1F7C0] =	vst v63  }
0x53: {  	_ =	swait.ge [sflag:s0], $0x2800  }
0x54: {  	[sflag:s0] =	ssyncset.done $0x0  }
0x55: {  	s14 =	simm.s32 $0x1E0;
	[sflag:s0] =	ssyncadd.s32 $0xFFFFD800  }
0x56: {  	[tilespmem:s25], [sflag:$0x3] =	stream.indirect.gather [hbm4b:s12+s17], $0x80, s14, s17, $0xb8;
	[tilespmem:$0x1F7C0] =	vst v63  }
0x57: {  	_ =	swait.ge [sflag:s21], $0x2800  }
0x58: {  	[sflag:s21] =	ssyncset.done $0x0  }
0x59: {  	s22 =	simm.s32 $0x1130;
	[sflag:s21] =	ssyncadd.s32 $0xFFFFD800  }
0x5a: {  	[spmem:s2] =	stream.indirect.scatter.add.f32 [tilespmem:s19], [sflag:$0x6], $0x80, s22, s17, $0xb8;
	[tilespmem:$0x1F7C0] =	vst v63  }
0x5b: {  	_ =	swait.ge [sflag:s1], $0x2800  }
0x5c: {  	[sflag:s1] =	ssyncset.done $0x0  }
0x5d: {  	s24 =	simm.s32 $0x230;
	[sflag:s1] =	ssyncadd.s32 $0xFFFFD800  }
0x5e: {  	[tilespmem:s30], [sflag:$0x4] =	stream.indirect.gather [hbm4b:s12+s17], $0x80, s24, s17, $0xb8;
	[tilespmem:$0x1F7C0] =	vst v63  }
0x5f: {  	_ =	swait.ge [sflag:s23], $0x2800  }
0x60: {  	[sflag:s23] =	ssyncset.done $0x0  }
0x61: {  	s14 =	simm.s32 $0x1180;
	[sflag:s23] =	ssyncadd.s32 $0xFFFFD800  }
0x62: {  	[spmem:s2] =	stream.indirect.scatter.add.f32 [tilespmem:s25], [sflag:$0x7], $0x80, s14, s17, $0xb8;
	[tilespmem:$0x1F7C0] =	vst v63  }
0x63: {  	_ =	swait.ge [sflag:s26], $0x2800  }
0x64: {  	[sflag:s26] =	ssyncset.done $0x0  }
0x65: {  	s22 =	simm.s32 $0x280;
	[sflag:s26] =	ssyncadd.s32 $0xFFFFD800  }
0x66: {  	[tilespmem:s18], [sflag:$0x1] =	stream.indirect.gather [hbm4b:s12+s17], $0x80, s22, s17, $0xb8;
	[tilespmem:$0x1F7C0] =	vst v63  }
0x67: {  	_ =	swait.ge [sflag:s28], $0x2800  }
0x68: {  	[sflag:s28] =	ssyncset.done $0x0  }
0x69: {  	s24 =	simm.s32 $0x11D0;
	[sflag:s28] =	ssyncadd.s32 $0xFFFFD800  }
0x6a: {  	[spmem:s2] =	stream.indirect.scatter.add.f32 [tilespmem:s30], [sflag:$0x8], $0x80, s24, s17, $0xb8;
	[tilespmem:$0x1F7C0] =	vst v63  }
0x6b: {  	_ =	swait.ge [sflag:s31], $0x2800  }
0x6c: {  	[sflag:s31] =	ssyncset.done $0x0  }
0x6d: {  	s13 =	simm.s32 $0x2D0;
	s14 =	simm.s32 $0x500;
	[sflag:s31] =	ssyncadd.s32 $0xFFFFD800  }
.LBB2_3:
0x6e: {  	[tilespmem:s19], [sflag:$0x2] =	stream.indirect.gather [hbm4b:s12+s17], $0x80, s13, s17, $0xb8;
	[tilespmem:$0x1F7C0] =	vst v63  }
0x6f: {  	s13 =	smov.u32 s14  }
0x70: {  	p1 =	sne.s32 s14, $0x3200;
	s14 =	sadd.s32 $0x500, s14;
	_ =	swait.ge [sflag:s20], $0x2800  }
0x71: {  	s13 =	sshra.s32 s13, $0x2;
	[sflag:s20] =	ssyncset.done $0x0  }
0x72: {  	s22 =	sadd.s32 $0x10E0, s13;
	[sflag:s20] =	ssyncadd.s32 $0xFFFFD800  }
0x73: {  	[spmem:s2] =	stream.indirect.scatter.add.f32 [tilespmem:s18], [sflag:$0x5], $0x80, s22, s17, $0xb8;
	[tilespmem:$0x1F7C0] =	vst v63  }
0x74: {  	_ =	swait.ge [sflag:s0], $0x2800  }
0x75: {  	[sflag:s0] =	ssyncset.done $0x0  }
0x76: {  	s22 =	sadd.s32 $0x1E0, s13;
	[sflag:s0] =	ssyncadd.s32 $0xFFFFD800  }
0x77: {  	[tilespmem:s25], [sflag:$0x3] =	stream.indirect.gather [hbm4b:s12+s17], $0x80, s22, s17, $0xb8;
	[tilespmem:$0x1F7C0] =	vst v63  }
0x78: {  	_ =	swait.ge [sflag:s21], $0x2800  }
0x79: {  	[sflag:s21] =	ssyncset.done $0x0  }
0x7a: {  	s22 =	sadd.s32 $0x1130, s13;
	[sflag:s21] =	ssyncadd.s32 $0xFFFFD800  }
0x7b: {  	[spmem:s2] =	stream.indirect.scatter.add.f32 [tilespmem:s19], [sflag:$0x6], $0x80, s22, s17, $0xb8;
	[tilespmem:$0x1F7C0] =	vst v63  }
0x7c: {  	_ =	swait.ge [sflag:s1], $0x2800  }
0x7d: {  	[sflag:s1] =	ssyncset.done $0x0  }
0x7e: {  	s22 =	sadd.s32 $0x230, s13;
	[sflag:s1] =	ssyncadd.s32 $0xFFFFD800  }
0x7f: {  	[tilespmem:s30], [sflag:$0x4] =	stream.indirect.gather [hbm4b:s12+s17], $0x80, s22, s17, $0xb8;
	[tilespmem:$0x1F7C0] =	vst v63  }
0x80: {  	_ =	swait.ge [sflag:s23], $0x2800  }
0x81: {  	[sflag:s23] =	ssyncset.done $0x0  }
0x82: {  	s22 =	sadd.s32 $0x1180, s13;
	[sflag:s23] =	ssyncadd.s32 $0xFFFFD800  }
0x83: {  	[spmem:s2] =	stream.indirect.scatter.add.f32 [tilespmem:s25], [sflag:$0x7], $0x80, s22, s17, $0xb8;
	[tilespmem:$0x1F7C0] =	vst v63  }
0x84: {  	_ =	swait.ge [sflag:s26], $0x2800  }
0x85: {  	[sflag:s26] =	ssyncset.done $0x0  }
0x86: {  	s22 =	sadd.s32 $0x280, s13;
	[sflag:s26] =	ssyncadd.s32 $0xFFFFD800  }
0x87: {  	[tilespmem:s18], [sflag:$0x1] =	stream.indirect.gather [hbm4b:s12+s17], $0x80, s22, s17, $0xb8;
	[tilespmem:$0x1F7C0] =	vst v63  }
0x88: {  	_ =	swait.ge [sflag:s28], $0x2800  }
0x89: {  	[sflag:s28] =	ssyncset.done $0x0  }
.Ltmp0:
0x8a: {  	s22 =	sadd.s32 $0x11D0, s13;
	[sflag:s28] =	ssyncadd.s32 $0xFFFFD800;
	(pc) =	sbr.rel @p1 .LBB2_3-.Ltmp0, $4  }
0x8b: {  	[spmem:s2] =	stream.indirect.scatter.add.f32 [tilespmem:s30], [sflag:$0x8], $0x80, s22, s17, $0xb8;
	[tilespmem:$0x1F7C0] =	vst v63  }
0x8c: {  	_ =	swait.ge [sflag:s31], $0x2800  }
0x8d: {  	[sflag:s31] =	ssyncset.done $0x0  }
0x8e: {  	s13 =	sadd.s32 $0x2D0, s13;
	[sflag:s31] =	ssyncadd.s32 $0xFFFFD800  }
0x8f: {  	[tilespmem:s19], [sflag:$0x2] =	stream.indirect.gather [hbm4b:s12+s17], $0x80, s13, s17, $0xb8;
	[tilespmem:$0x1F7C0] =	vst v63  }
0x90: {  	_ =	swait.ge [sflag:s20], $0x2800  }
0x91: {  	[sflag:s20] =	ssyncset.done $0x0  }
0x92: {  	[sflag:s20] =	ssyncadd.s32 $0xFFFFD800  }
0x93: {  	[spmem:s2] =	stream.indirect.scatter.add.f32 [tilespmem:s18], [sflag:$0x5], $0x80, s8, s17, $0xb8;
	[tilespmem:$0x1F7C0] =	vst v63  }
0x94: {  	_ =	swait.ge [sflag:s21], $0x2800  }
0x95: {  	[sflag:s21] =	ssyncset.done $0x0  }
0x96: {  	[sflag:s21] =	ssyncadd.s32 $0xFFFFD800  }
0x97: {  	[spmem:s2] =	stream.indirect.scatter.add.f32 [tilespmem:s19], [sflag:$0x6], $0x80, s11, s17, $0xb8;
	[tilespmem:$0x1F7C0] =	vst v63  }
0x98: {  	_ =	swait.ge [sflag:s0], $0x2800  }
0x99: {  	[sflag:s0] =	ssyncset.done $0x0  }
0x9a: {  	[sflag:s0] =	ssyncadd.s32 $0xFFFFD800  }
0x9b: {  	_ =	swait.ge [sflag:s1], $0x2800  }
0x9c: {  	[sflag:s1] =	ssyncset.done $0x0  }
0x9d: {  	s9 =	sadd.s32 $0x1, s9;
	[sflag:s1] =	ssyncadd.s32 $0xFFFFD800  }
0x9e: {  	p1 =	sne.s32 s9, $0x5;
	_ =	swait.ge [sflag:s26], $0x2800  }
.Ltmp1:
0x9f: {  	[sflag:s26] =	ssyncset.done $0x0;
	(pc) =	sbr.rel @p1 .LBB2_2-.Ltmp1, $4  }
0xa0: {  	[sflag:s26] =	ssyncadd.s32 $0xFFFFD800  }
0xa1: {  	_ =	swait.ge [sflag:s31], $0x2800  }
0xa2: {  	[sflag:s31] =	ssyncset.done $0x0  }
0xa3: {  	[sflag:s31] =	ssyncadd.s32 $0xFFFFD800  }
0xa4: {  	[bflag:$0x0] =	sbarrier.arrive $0xFFFF  }
0xa5: {  	s14 =	rddreg [dreg:$0x4]  }
0xa6: {  	s9 =	rddreg [dreg:$0x5]  }
0xa7: {  	s13 =	rddreg [dreg:$0x7]  }
0xa8: {  	[hbm:s9], [sflag:s14] =	dma.local [spmem:s13], $0x2710  }
0xa9: {  	_ =	swait.ge [sflag:s15], $0x2710  }
0xaa: {  	s22 =	rddreg [dreg:$0x8]  }
0xab: {  	s24 =	rddreg [dreg:$0x6];
	s22 =	sadd.s32 $0x1, s22  }
0xac: {  	p1 =	sne.s32 s22, s24  }
.Ltmp2:
0xad: {  	_ = 	snop;
	(pc) =	sbr.rel @p1 .LBB2_1-.Ltmp2, $3  }
0xae: {  	_ =	sdelay $0x1  }
0xaf: {  	[sflag:s15] =	ssyncset.done $0x0  }
0xb0: {  	[sflag:s15] =	ssyncadd.s32 $0xFFFFD8F0  }
0xb1: {  	_ =	sfence.sel $0x180000  }
0xb2: {  	[bflag:$0x0] =	sbarrier.arrive $0xFFFF  }
0xb3: {  	_ =	strace $0x90000050  }
0xb4: {  	s0 =	stileid.u32;
	[bflag:$0x2] =	sbarrier.arrive $0xFFFF  }
0xb5: {  	p0 =	sne.s32 s0, $0x0;
	s0 =	rddreg [dreg:$0x2]  }
0xb6: {  	s0 =	sadd.s32 @!p0 $0x100000, s0  }
0xb7: {  	[sflag:s0] =	ssyncadd.tile.s32 @!p0 $0x1;
	_ =	shalt  }
.Lfunc_end2:
_tile_overlayer_lowered:
.L_overlay_start_2:
0xb8: {  	(tag) =	ssettag $0x2  }
0xb9: {  	s0 =	rddreg [dreg:$0x0];
	s2 =	stileid.u32  }
0xba: {  	s1 =	rddreg [dreg:$0x1];
	p0 =	sne.s32 s2, $0x0  }
0xbb: {  	s3 =	rddreg [dreg:$0x2];
	[bflag:$0x3] =	sbarrier.arrive $0xFFFF;
	s2 =	simm.s32 @!p0 $0x1C09  }
0xbc: {  	[timem:s3], [sflag:s2] =	dma.local @!p0 [hbm:s0], s1  }
0xbd: {  	s0 =	simm.s32 @!p0 $0x9  }
0xbe: {  	_ =	swait.ge @!p0 [sflag:s0], s1  }
0xbf: {  	s1 =	ssub.s32 @!p0 $0x0, s1;
	[sflag:s0] =	ssyncset.done @!p0 $0x0  }
0xc0: {  	[sflag:s0] =	ssyncadd.s32 @!p0 s1  }
0xc1: {  	[bflag:$0x3] =	sbarrier.arrive $0xFFFF  }
0xc2: {  	_ =	shalt  }

// kernel: kernel.34.cloned.1.call-start
scs
__scs_entry_jumppad:
0x0: {  	(pc) =	sbr.rel $0x88, $3  }
0x1: {  	(tag) =	ssettag $0x0;
	lr =	simm.s32 $0x1  }
0x2: {  	[smem:$0x3F80] =	sst lr;
	_ =	strace $0xD0000000  }
0x3: {  	_ = 	snop  }
0x4: {  	_ = 	snop  }
0x5: {  	_ = 	snop  }
0x6: {  	_ = 	snop  }
0x7: {  	_ = 	snop  }
__scs_overlays_trampoline_lowered:
0x8: {  	[smem:$0x3F8F] =	sst s0  }
0x9: {  	[smem:$0x3F90] =	sst s1  }
0xa: {  	[smem:$0x3F91] =	sst s2  }
0xb: {  	[smem:$0x3F92] =	sst s3  }
0xc: {  	[smem:$0x3F93] =	sst s4  }
0xd: {  	[smem:$0x3F94] =	sst s5  }
0xe: {  	[smem:$0x3F95] =	sst s6  }
0xf: {  	[smem:$0x3F96] =	sst s7  }
0x10: {  	[smem:$0x3F97] =	sst s8  }
0x11: {  	[smem:$0x3F98] =	sst s9;
	s0 =	simm.s32 @!p0 $0x0  }
0x12: {  	s1 =	sld [smem:$0x3F7E];
	s0 =	simm.s32 @p0 $0x1  }
0x13: {  	[smem:$0x3F99] =	sst s0;
	s0 =	simm.s32 @!p1 $0x0  }
0x14: {  	s2 =	sld [smem:$0x3F7D];
	s0 =	simm.s32 @p1 $0x1  }
0x15: {  	[smem:$0x3F9A] =	sst s0;
	s0 =	simm.s32 @!p2 $0x0  }
0x16: {  	s3 =	sld [smem:$0x3FDB];
	s0 =	simm.s32 @p2 $0x1  }
0x17: {  	s4 =	simm.s32 $0x1BF5;
	[smem:$0x3F9C] =	sst s0  }
0x18: {  	s0 =	sld [smem:$0x3F7F];
	_ =	swait.ge [sflag:s4], $0x0  }
0x19: {  	s7 =	sld [smem:$0x3F80]  }
0x1a: {  	s8 =	sadd.s32 $0xFFFFE003, lr  }
0x1b: {  	s9 =	sadd.s32 $0xFFFFFEF7, lr;
	s5 =	simm.s32 $0xFFFFFFFF;
	p2 =	slt.u32 s8, $0xFFFFF086  }
0x1c: {  	p1 =	slt.u32 s9, $0xF7A;
	s5 =	simm.s32 @!p2 $0x0  }
0x1d: {  	s5 =	simm.s32 @p1 $0x1;
	p0 =	seq.s32 s7, s2  }
0x1e: {  	s7 =	smul.u32 @!p0 $0xF7A, s2;
	p2 =	seq.s32 @!p0 s5, $0x0  }
0x1f: {  	s9 =	smul.u32 $0xF7A, s1;
	s8 =	simm.s32 @!p0 $0x1BF5;
	p2 =	por !p2, p0  }
0x20: {  	[sflag:s8] =	ssyncset.s32 @!p0 $0xFFFFF086;
	s6 =	sadd.s32 @!p0 s3, s7;
	s7 =	simm.s32 @!p0 $0x108  }
0x21: {  	s3 =	sadd.s32 s3, s9;
	s6 =	sadd.s32 @!p0 $0x88, s6;
	s7 =	simm.s32 @p2 $0x1082  }
0x22: {  	[simem:s7], [sflag:s8] =	dma.local @!p0 [hbm:s6], $0xF7A  }
0x23: {  	s9 =	sor.u32 $0xD0000000, s2;
	s6 =	simm.s32 $0x108;
	_ =	swait.ge @!p0 [sflag:s8], $0x0  }
0x24: {  	s3 =	sadd.s32 $0x88, s3;
	s6 =	simm.s32 @!p1 $0x1082;
	[sflag:s4] =	ssyncset.s32 $0xFFFFF086  }
0x25: {  	[simem:s6], [sflag:s4] =	dma.local [hbm:s3], $0xF7A  }
0x26: {  	[smem:$0x3F80] =	sst s1;
	(tag) =	ssettag s2;
	_ =	strace s9  }
0x27: {  	s1 =	sld [smem:$0x3F90]  }
0x28: {  	s2 =	sld [smem:$0x3F91]  }
0x29: {  	s4 =	sld [smem:$0x3F93]  }
0x2a: {  	p0 =	seq.s32 s5, $0x0;
	s5 =	sld [smem:$0x3F94]  }
0x2b: {  	s6 =	sld [smem:$0x3F95]  }
0x2c: {  	s7 =	sld [smem:$0x3F96]  }
0x2d: {  	s3 =	simm.s32 $0x108;
	s8 =	sld [smem:$0x3F97]  }
0x2e: {  	s3 =	simm.s32 @!p0 $0x1082;
	s9 =	sld [smem:$0x3F98]  }
0x2f: {  	lr =	sadd.s32 s0, s3;
	s0 =	sld [smem:$0x3F8F]  }
0x30: {  	s3 =	sld [smem:$0x3F92]  }
0x31: {  	[smem:$0x3F9B] =	sst s10  }
0x32: {  	s10 =	sld [smem:$0x3F99];
	_ =	sdelay $0x3  }
0x33: {  	p0 =	seq.s32 s10, $0x1;
	s10 =	sld [smem:$0x3F9B];
	_ =	sdelay $0x3  }
0x34: {  	[smem:$0x3F9B] =	sst s10  }
0x35: {  	s10 =	sld [smem:$0x3F9A];
	_ =	sdelay $0x3  }
0x36: {  	p1 =	seq.s32 s10, $0x1;
	s10 =	sld [smem:$0x3F9B];
	_ =	sdelay $0x3  }
0x37: {  	[smem:$0x3F9B] =	sst s10  }
0x38: {  	s10 =	sld [smem:$0x3F9C]  }
0x39: {  	_ = 	snop;
	(pc) =	sbr.ind lr, $3  }
0x3a: {  	_ = 	snop  }
0x3b: {  	_ = 	snop  }
0x3c: {  	p2 =	seq.s32 s10, $0x1;
	s10 =	sld [smem:$0x3F9B]  }
0x3d: {  	_ =	shalt  }
0x3e: {  	_ =	shalt  }
0x3f: {  	_ =	shalt  }
0x40: {  	_ =	shalt  }
0x41: {  	_ =	shalt  }
0x42: {  	_ =	shalt  }
0x43: {  	_ =	shalt  }
0x44: {  	_ =	shalt  }
0x45: {  	_ =	shalt  }
0x46: {  	_ =	shalt  }
0x47: {  	_ =	shalt  }
0x48: {  	_ =	shalt  }
0x49: {  	_ =	shalt  }
0x4a: {  	_ =	shalt  }
0x4b: {  	_ =	shalt  }
0x4c: {  	_ =	shalt  }
0x4d: {  	_ =	shalt  }
0x4e: {  	_ =	shalt  }
0x4f: {  	_ =	shalt  }
0x50: {  	_ =	shalt  }
0x51: {  	_ =	shalt  }
0x52: {  	_ =	shalt  }
0x53: {  	_ =	shalt  }
0x54: {  	_ =	shalt  }
0x55: {  	_ =	shalt  }
0x56: {  	_ =	shalt  }
0x57: {  	_ =	shalt  }
0x58: {  	_ =	shalt  }
0x59: {  	_ =	shalt  }
0x5a: {  	_ =	shalt  }
0x5b: {  	_ =	shalt  }
0x5c: {  	_ =	shalt  }
0x5d: {  	_ =	shalt  }
0x5e: {  	_ =	shalt  }
0x5f: {  	_ =	shalt  }
0x60: {  	_ =	shalt  }
0x61: {  	_ =	shalt  }
0x62: {  	_ =	shalt  }
0x63: {  	_ =	shalt  }
0x64: {  	_ =	shalt  }
0x65: {  	_ =	shalt  }
0x66: {  	_ =	shalt  }
0x67: {  	_ =	shalt  }
0x68: {  	_ =	shalt  }
0x69: {  	_ =	shalt  }
0x6a: {  	_ =	shalt  }
0x6b: {  	_ =	shalt  }
0x6c: {  	_ =	shalt  }
0x6d: {  	_ =	shalt  }
0x6e: {  	_ =	shalt  }
0x6f: {  	_ =	shalt  }
0x70: {  	_ =	shalt  }
0x71: {  	_ =	shalt  }
0x72: {  	_ =	shalt  }
0x73: {  	_ =	shalt  }
0x74: {  	_ =	shalt  }
0x75: {  	_ =	shalt  }
0x76: {  	_ =	shalt  }
0x77: {  	_ =	shalt  }
0x78: {  	_ =	shalt  }
0x79: {  	_ =	shalt  }
0x7a: {  	_ =	shalt  }
0x7b: {  	_ =	shalt  }
0x7c: {  	_ =	shalt  }
0x7d: {  	_ =	shalt  }
0x7e: {  	_ =	shalt  }
0x7f: {  	_ =	shalt  }
0x80: {  	_ =	shalt  }
0x81: {  	_ =	shalt  }
0x82: {  	_ =	shalt  }
0x83: {  	_ =	shalt  }
0x84: {  	_ =	shalt  }
0x85: {  	_ =	shalt  }
0x86: {  	_ =	shalt  }
0x87: {  	_ =	shalt  }
.Lfunc_end0:
.L_simem_size_0:
called_computation.4_lowered:
.L_overlay_start_0:
0x88: {  	s2 =	sld [smem:$0x3FD9]  }
0x89: {  	s3 =	sld [smem:$0x3FFE];
	_ =	sdelay $0x1  }
0x8a: {  	s1 =	srdreg.scid  }
0x8b: {  	s0 =	sand.u32 $0x1, s1  }
0x8c: {  	s16 =	sshll.u32 s0, $0xA;
	s2 =	sadd.s32 s3, s2  }
0x8d: {  	s2 =	sadd.s32 s2, s16  }
0x8e: {  	[smem:$0x3FA7] =	sst s2  }
0x8f: {  	_ = 	snop  }
0x90: {  	(tm) =	ssettm $0x1  }
0x91: {  	s17 =	sld [smem:$0x3FFB];
	_ =	sdelay $0x3  }
0x92: {  	_ =	strace s17  }
0x93: {  	s2 =	sld [smem:$0x3FFC];
	_ =	sdelay $0x3  }
0x94: {  	_ =	strace s2  }
0x95: {  	s2 =	sld [smem:$0x3FFD];
	_ =	sdelay $0x3  }
0x96: {  	_ =	strace s2  }
0x97: {  	_ =	strace $0x8FFFFFFF  }
0x98: {  	s18 =	sld [smem:$0x3FDB];
	_ =	sdelay $0x1  }
0x99: {  	s19 =	simm.s32 $_scs_section_size  }
0x9a: {  	s4 =	simm.s32 $_size__tile_overlayer_lowered;
	s5 =	simm.s32 $_tile_overlayer_lowered  }
0x9b: {  	s22 =	simm.s32 $0x1BFF;
	s21 =	sshll.u32 s5, $0x1;
	s2 =	sadd.s32 s19, s18  }
0x9c: {  	s6 =	simm.s32 $0x0;
	s20 =	sshll.u32 s4, $0x1;
	s4 =	sadd.s32 s21, s2  }
0x9d: {  	[timem:s6], [sflag:s22] =	dma.local [hbm:s4], s20  }
0x9e: {  	_ =	swait.ge [sflag:s22], s20  }
0x9f: {  	s3 =	ssub.s32 $0x0, s20;
	[sflag:s22] =	ssyncset.done $0x0  }
0xa0: {  	[sflag:s22] =	ssyncadd.s32 s3;
	_ =	sdelay $0x1  }
0xa1: {  	s23 =	simm.s32 $0x1B8B  }
0xa2: {  	_ =	swait.ge [sflag:s23], $0x1  }
0xa3: {  	[sflag:s23] =	ssyncset.done $0x0  }
0xa4: {  	s25 =	simm.s32 $0x1B8E;
	s24 =	sld [smem:$0x3FFE];
	[sflag:s23] =	ssyncadd.s32 $0xFFFFFFFF  }
0xa5: {  	s26 =	simm.s32 $execute0_lowered;
	[smem:$0x3FD2] =	sst s25  }
0xa6: {  	s4 =	sshll.u32 s26, $0x1;
	_ =	strace $0x80000052;
	[dreg:$0x1] =	wrdreg $0xFFFFFFFF  }
0xa7: {  	s28 =	simm.s32 $_size_execute0_lowered;
	s2 =	sadd.s32 s2, s4;
	[dreg:$0x0] =	wrdreg $0x0  }
0xa8: {  	s4 =	sshll.u32 s28, $0x1;
	[dreg:$0x2] =	wrdreg s2  }
0xa9: {  	[dreg:$0x3] =	wrdreg s4  }
0xaa: {  	[dreg:$0x4] =	wrdreg $0xC0  }
0xab: {  	_ =	task [dreg:s6], $0x5FFFF  }
0xac: {  	[dreg:$0x1] =	wrdreg $0xFFFFFFFF  }
0xad: {  	[dreg:$0x0] =	wrdreg $0x60  }
0xae: {  	[dreg:$0x2] =	wrdreg s24  }
0xaf: {  	[dreg:$0x3] =	wrdreg $0xBF400  }
0xb0: {  	[dreg:$0x4] =	wrdreg $0x9  }
0xb1: {  	_ =	task.clear_ibuf [dreg:s6], $0x5FFFF;
	_ =	strace $0x90000052  }
0xb2: {  	s29 =	simm.s32 $0x9;
	_ =	strace $0x80000054  }
0xb3: {  	_ =	swait.ge [sflag:s29], $0x1  }
0xb4: {  	[sflag:s29] =	ssyncadd.s32 $0xFFFFFFFF  }
0xb5: {  	_ =	strace $0x90000054  }
0xb6: {  	_ =	sfence  }
0xb7: {  	s30 =	sld [smem:$0x0];
	_ =	sdelay $0x2  }
0xb8: {  	s31 =	sshll.u32 s1, $0xD;
	s1 =	sshrl.u32 s1, $0x2  }
0xb9: {  	s3 =	sand.u32 $0x4000, s31;
	s1 =	sadd.s32 s1, s30  }
0xba: {  	s0 =	sor.u32 s3, s0;
	s1 =	sshll.u32 s1, $0x11  }
0xbb: {  	s0 =	sor.u32 s1, s0  }
0xbc: {  	s0 =	sadd.s32 $0x8F2B, s0  }
0xbd: {  	[sflag:s0] =	ssyncadd.remote.s32 $0x1  }
0xbe: {  	_ =	sfence.sel $0xFFFF  }
0xbf: {  	[dreg:$0x0] =	wrdreg $0xFFFFFFFF;
	(pc) =	sbr.abs _section_cstart, $3  }
0xc0: {  	[dreg:$0x1] =	wrdreg $0xFFFFFFFF  }
0xc1: {  	_ =	task.clear_ibuf [dreg:s6], $0x2FFFF;
	_ =	strace $0x9FFFFFFF  }
0xc2: {  	(tm) =	ssettm $0x7FFFFFFF  }
0xc3: {  	_ =	shalt  }
tec
execute0_lowered:
.L_overlay_start_1:
0x0: {  	(tag) =	ssettag $0x1  }
0x1: {  	s0 =	rddreg [dreg:$0x0]  }
0x2: {  	s2 =	rddreg [dreg:$0x1];
	s3 =	simm.s32 $0x0  }
0x3: {  	s13 =	stileid.u32;
	s5 =	srdreg.scid;
	s15 =	simm.s32 $0x9  }
0x4: {  	s16 =	simm.s32 $0xFA0;
	s17 =	simm.s32 $0x50;
	s18 =	simm.s32 $0x1F40  }
0x5: {  	s19 =	simm.s32 $0x4740;
	s20 =	simm.s32 $0x1;
	s21 =	simm.s32 $0x2  }
0x6: {  	s28 =	simm.s32 $0x4;
	s29 =	simm.s32 $0x1090;
	s30 =	simm.s32 $0x9740  }
0x7: {  	s31 =	simm.s32 $0x6;
	s22 =	simm.s32 $0x0;
	[smem:$0x7FF] =	sst s3  }
0x8: {  	s1 =	smul.u32 $0x13880, s13;
	s4 =	sadd.s32 $0x1D800, s0;
	s8 =	sand.u32 $0x1, s5  }
0x9: {  	s9 =	smul.u32 $0x2710, s13;
	s5 =	sadd.s32 $0x44A00, s0;
	s6 =	sadd.s32 $0x13A00, s0  }
0xa: {  	s7 =	sadd.s32 $0x9C00, s0;
	s25 =	sshll.u32 s13, $0x6;
	_ =	strace $0x80000053  }
0xb: {  	s10 =	smul.u32 $0x27100, s8;
	s12 =	ssub.s32 $0x2, s8;
	s14 =	sor.u32 $0x1C09, s25  }
0xc: {  	p0 =	seq.s32 s8, $0x0;
	s25 =	simm.s32 $0x6F40;
	s8 =	simm.s32 $0x1EA0  }
0xd: {  	s11 =	sshrl.u32 s1, $0x3;
	s23 =	sshrl.u32 s12, $0x1;
	s1 =	sadd.s32 s1, s2  }
0xe: {  	[dreg:$0x4] =	wrdreg s14;
	s11 =	sadd.s32 s11, s0;
	s9 =	sadd.s32 s9, s10  }
0xf: {  	s24 =	ssub.s32 s12, s23;
	s10 =	smul.u32 $0xFA, s13;
	s12 =	smov.u32 s5  }
0x10: {  	s13 =	sshrl.u32 s1, $0x3;
	s23 =	simm.s32 $0x3;
	s1 =	simm.s32 $0x8  }
0x11: {  	s0 =	sadd.s32 s9, s0;
	s11 =	sadd.s32 $0x6BC00, s11;
	[dreg:$0x7] =	wrdreg s13  }
0x12: {  	s26 =	smax.u32 s24, $0x1;
	s12 =	smov.u32 @p0 s4;
	[dreg:$0x3] =	wrdreg s11  }
0x13: {  	s0 =	sadd.s32 $0x92E00, s0;
	[dreg:$0x6] =	wrdreg s26;
	s26 =	simm.s32 $0x5  }
0x14: {  	s11 =	simm.s32 $0x1EF0;
	[dreg:$0x5] =	wrdreg s0;
	s0 =	simm.s32 $0x7  }
.LBB2_1:
0x15: {  	[dreg:$0x8] =	wrdreg s22  }
0x16: {  	s9 =	rddreg [dreg:$0x3]  }
0x17: {  	[spmem:s13], [sflag:s14] =	dma.local [hbm:s9], $0x2710  }
0x18: {  	_ =	swait.ge [sflag:s15], $0x2710  }
0x19: {  	[sflag:s15] =	ssyncset.done $0x0  }
0x1a: {  	[sflag:s15] =	ssyncadd.s32 $0xFFFFD8F0  }
0x1b: {  	s9 =	simm.s32 $0x0;
	[bflag:$0x0] =	sbarrier.arrive $0xFFFF  }
.LBB2_2:
0x1c: {  	s13 =	smul.u32 $0x32, s9;
	_ =	sdelay $0x1  }
0x1d: {  	s13 =	sadd.s32 s10, s13  }
0x1e: {  	s13 =	smul.u32 $0xA, s13;
	_ =	sdelay $0x1  }
0x1f: {  	s14 =	sadd.s32 s6, s13  }
0x20: {  	[tilespmem:s3], [sflag:$0x9] =	stream.linear.gather [hbm4b:s14+s3], $0xFA0, $0x38;
	[tilespmem:$0x1F7C0] =	vst v63  }
0x21: {  	_ =	swait.ge [sflag:s15], $0xFA0  }
0x22: {  	[sflag:s15] =	ssyncset.done $0x0  }
0x23: {  	s13 =	sadd.s32 s7, s13;
	[sflag:s15] =	ssyncadd.s32 $0xFFFFF060  }
0x24: {  	[tilespmem:s16], [sflag:$0x9] =	stream.linear.gather [hbm4b:s13+s3], $0xFA0, $0x38;
	[tilespmem:$0x1F7C0] =	vst v63  }
0x25: {  	_ =	swait.ge [sflag:s15], $0xFA0  }
0x26: {  	[sflag:s15] =	ssyncset.done $0x0  }
0x27: {  	[sflag:s15] =	ssyncadd.s32 $0xFFFFF060  }
0x28: {  	[tilespmem:s18], [sflag:$0x1] =	stream.indirect.gather [hbm4b:s12+s17], $0x80, s3, s17, $0xb8;
	[tilespmem:$0x1F7C0] =	vst v63  }
0x29: {  	_ = 	snop  }
0x2a: {  	[tilespmem:s19], [sflag:$0x2] =	stream.indirect.gather [hbm4b:s12+s17], $0x80, s17, s17, $0xb8;
	[tilespmem:$0x1F7C0] =	vst v63  }
0x2b: {  	_ =	swait.ge [sflag:s20], $0x2800  }
0x2c: {  	[sflag:s20] =	ssyncset.done $0x0  }
0x2d: {  	[sflag:s20] =	ssyncadd.s32 $0xFFFFD800  }
0x2e: {  	[spmem:s2] =	stream.indirect.scatter.add.f32 [tilespmem:s18], [sflag:$0x5], $0x80, s16, s17, $0xb8;
	[tilespmem:$0x1F7C0] =	vst v63  }
0x2f: {  	s22 =	simm.s32 @p0 $0x6F40;
	s14 =	simm.s32 @p0 $0xA0;
	s13 =	simm.s32 @p0 $0x50  }
0x30: {  	[tilespmem:s22], [sflag:$0x3] =	stream.indirect.gather @p0 [hbm4b:s4+s13], $0x80, s14, s13, $0xb8;
	[tilespmem:$0x1F7C0] =	vst v63  }
0x31: {  	s24 =	simm.s32 @!p0 $0x6F40;
	s14 =	simm.s32 @!p0 $0x50;
	s22 =	simm.s32 @!p0 $0xA0  }
0x32: {  	[tilespmem:s24], [sflag:$0x3] =	stream.indirect.gather @!p0 [hbm4b:s5+s14], $0x80, s22, s14, $0xb8;
	[tilespmem:$0x1F7C0] =	vst v63  }
0x33: {  	_ =	swait.ge [sflag:s21], $0x2800  }
0x34: {  	[sflag:s21] =	ssyncset.done $0x0  }
0x35: {  	s24 =	simm.s32 $0xFF0;
	[sflag:s21] =	ssyncadd.s32 $0xFFFFD800  }
0x36: {  	[spmem:s2] =	stream.indirect.scatter.add.f32 [tilespmem:s19], [sflag:$0x6], $0x80, s24, s17, $0xb8;
	[tilespmem:$0x1F7C0] =	vst v63  }
0x37: {  	s22 =	simm.s32 @p0 $0xF0;
	s24 =	simm.s32 @p0 $0x9740  }
0x38: {  	[tilespmem:s24], [sflag:$0x4] =	stream.indirect.gather @p0 [hbm4b:s4+s13], $0x80, s22, s13, $0xb8;
	[tilespmem:$0x1F7C0] =	vst v63  }
0x39: {  	s22 =	simm.s32 @!p0 $0xF0;
	s24 =	simm.s32 @!p0 $0x9740  }
0x3a: {  	[tilespmem:s24], [sflag:$0x4] =	stream.indirect.gather @!p0 [hbm4b:s5+s14], $0x80, s22, s14, $0xb8;
	[tilespmem:$0x1F7C0] =	vst v63  }
0x3b: {  	_ =	swait.ge [sflag:s23], $0x2800  }
0x3c: {  	[sflag:s23] =	ssyncset.done $0x0  }
0x3d: {  	s24 =	simm.s32 $0x1040;
	[sflag:s23] =	ssyncadd.s32 $0xFFFFD800  }
0x3e: {  	[spmem:s2] =	stream.indirect.scatter.add.f32 [tilespmem:s25], [sflag:$0x7], $0x80, s24, s17, $0xb8;
	[tilespmem:$0x1F7C0] =	vst v63  }
0x3f: {  	_ =	swait.ge [sflag:s26], $0x2800  }
0x40: {  	[sflag:s26] =	ssyncset.done $0x0  }
0x41: {  	s22 =	simm.s32 @p0 $0x140;
	s24 =	simm.s32 @p0 $0x1F40;
	[sflag:s26] =	ssyncadd.s32 $0xFFFFD800  }
0x42: {  	[tilespmem:s24], [sflag:$0x1] =	stream.indirect.gather @p0 [hbm4b:s4+s13], $0x80, s22, s13, $0xb8;
	[tilespmem:$0x1F7C0] =	vst v63  }
0x43: {  	s22 =	simm.s32 @!p0 $0x140;
	s24 =	simm.s32 @!p0 $0x1F40  }
0x44: {  	[tilespmem:s24], [sflag:$0x1] =	stream.indirect.gather @!p0 [hbm4b:s5+s14], $0x80, s22, s14, $0xb8;
	[tilespmem:$0x1F7C0] =	vst v63  }
0x45: {  	_ =	swait.ge [sflag:s28], $0x2800  }
0x46: {  	[sflag:s28] =	ssyncset.done $0x0  }
0x47: {  	[sflag:s28] =	ssyncadd.s32 $0xFFFFD800  }
0x48: {  	[spmem:s2] =	stream.indirect.scatter.add.f32 [tilespmem:s30], [sflag:$0x8], $0x80, s29, s17, $0xb8;
	[tilespmem:$0x1F7C0] =	vst v63  }
0x49: {  	_ =	swait.ge [sflag:s31], $0x2800  }
0x4a: {  	[sflag:s31] =	ssyncset.done $0x0  }
0x4b: {  	s22 =	simm.s32 @p0 $0x190;
	s24 =	simm.s32 @p0 $0x4740;
	[sflag:s31] =	ssyncadd.s32 $0xFFFFD800  }
0x4c: {  	[tilespmem:s24], [sflag:$0x2] =	stream.indirect.gather @p0 [hbm4b:s4+s13], $0x80, s22, s13, $0xb8;
	[tilespmem:$0x1F7C0] =	vst v63  }
0x4d: {  	s13 =	simm.s32 @!p0 $0x190;
	s22 =	simm.s32 @!p0 $0x4740  }
0x4e: {  	[tilespmem:s22], [sflag:$0x2] =	stream.indirect.gather @!p0 [hbm4b:s5+s14], $0x80, s13, s14, $0xb8;
	[tilespmem:$0x1F7C0] =	vst v63  }
0x4f: {  	_ =	swait.ge [sflag:s20], $0x2800  }
0x50: {  	[sflag:s20] =	ssyncset.done $0x0  }
0x51: {  	s24 =	simm.s32 $0x10E0;
	[sflag:s20] =	ssyncadd.s32 $0xFFFFD800  }
0x52: {  	[spmem:s2] =	stream.indirect.scatter.add.f32 [tilespmem:s18], [sflag:$0x5], $0x80, s24, s17, $0xb8;
	[tilespmem:$0x1F7C0] =	vst v63  }
0x53: {  	_ =	swait.ge [sflag:s0], $0x2800  }
0x54: {  	[sflag:s0] =	ssyncset.done $0x0  }
0x55: {  	s14 =	simm.s32 $0x1E0;
	[sflag:s0] =	ssyncadd.s32 $0xFFFFD800  }
0x56: {  	[tilespmem:s25], [sflag:$0x3] =	stream.indirect.gather [hbm4b:s12+s17], $0x80, s14, s17, $0xb8;
	[tilespmem:$0x1F7C0] =	vst v63  }
0x57: {  	_ =	swait.ge [sflag:s21], $0x2800  }
0x58: {  	[sflag:s21] =	ssyncset.done $0x0  }
0x59: {  	s22 =	simm.s32 $0x1130;
	[sflag:s21] =	ssyncadd.s32 $0xFFFFD800  }
0x5a: {  	[spmem:s2] =	stream.indirect.scatter.add.f32 [tilespmem:s19], [sflag:$0x6], $0x80, s22, s17, $0xb8;
	[tilespmem:$0x1F7C0] =	vst v63  }
0x5b: {  	_ =	swait.ge [sflag:s1], $0x2800  }
0x5c: {  	[sflag:s1] =	ssyncset.done $0x0  }
0x5d: {  	s24 =	simm.s32 $0x230;
	[sflag:s1] =	ssyncadd.s32 $0xFFFFD800  }
0x5e: {  	[tilespmem:s30], [sflag:$0x4] =	stream.indirect.gather [hbm4b:s12+s17], $0x80, s24, s17, $0xb8;
	[tilespmem:$0x1F7C0] =	vst v63  }
0x5f: {  	_ =	swait.ge [sflag:s23], $0x2800  }
0x60: {  	[sflag:s23] =	ssyncset.done $0x0  }
0x61: {  	s14 =	simm.s32 $0x1180;
	[sflag:s23] =	ssyncadd.s32 $0xFFFFD800  }
0x62: {  	[spmem:s2] =	stream.indirect.scatter.add.f32 [tilespmem:s25], [sflag:$0x7], $0x80, s14, s17, $0xb8;
	[tilespmem:$0x1F7C0] =	vst v63  }
0x63: {  	_ =	swait.ge [sflag:s26], $0x2800  }
0x64: {  	[sflag:s26] =	ssyncset.done $0x0  }
0x65: {  	s22 =	simm.s32 $0x280;
	[sflag:s26] =	ssyncadd.s32 $0xFFFFD800  }
0x66: {  	[tilespmem:s18], [sflag:$0x1] =	stream.indirect.gather [hbm4b:s12+s17], $0x80, s22, s17, $0xb8;
	[tilespmem:$0x1F7C0] =	vst v63  }
0x67: {  	_ =	swait.ge [sflag:s28], $0x2800  }
0x68: {  	[sflag:s28] =	ssyncset.done $0x0  }
0x69: {  	s24 =	simm.s32 $0x11D0;
	[sflag:s28] =	ssyncadd.s32 $0xFFFFD800  }
0x6a: {  	[spmem:s2] =	stream.indirect.scatter.add.f32 [tilespmem:s30], [sflag:$0x8], $0x80, s24, s17, $0xb8;
	[tilespmem:$0x1F7C0] =	vst v63  }
0x6b: {  	_ =	swait.ge [sflag:s31], $0x2800  }
0x6c: {  	[sflag:s31] =	ssyncset.done $0x0  }
0x6d: {  	s13 =	simm.s32 $0x2D0;
	s14 =	simm.s32 $0x500;
	[sflag:s31] =	ssyncadd.s32 $0xFFFFD800  }
.LBB2_3:
0x6e: {  	[tilespmem:s19], [sflag:$0x2] =	stream.indirect.gather [hbm4b:s12+s17], $0x80, s13, s17, $0xb8;
	[tilespmem:$0x1F7C0] =	vst v63  }
0x6f: {  	s13 =	smov.u32 s14  }
0x70: {  	p1 =	sne.s32 s14, $0x3200;
	s14 =	sadd.s32 $0x500, s14;
	_ =	swait.ge [sflag:s20], $0x2800  }
0x71: {  	s13 =	sshra.s32 s13, $0x2;
	[sflag:s20] =	ssyncset.done $0x0  }
0x72: {  	s22 =	sadd.s32 $0x10E0, s13;
	[sflag:s20] =	ssyncadd.s32 $0xFFFFD800  }
0x73: {  	[spmem:s2] =	stream.indirect.scatter.add.f32 [tilespmem:s18], [sflag:$0x5], $0x80, s22, s17, $0xb8;
	[tilespmem:$0x1F7C0] =	vst v63  }
0x74: {  	_ =	swait.ge [sflag:s0], $0x2800  }
0x75: {  	[sflag:s0] =	ssyncset.done $0x0  }
0x76: {  	s22 =	sadd.s32 $0x1E0, s13;
	[sflag:s0] =	ssyncadd.s32 $0xFFFFD800  }
0x77: {  	[tilespmem:s25], [sflag:$0x3] =	stream.indirect.gather [hbm4b:s12+s17], $0x80, s22, s17, $0xb8;
	[tilespmem:$0x1F7C0] =	vst v63  }
0x78: {  	_ =	swait.ge [sflag:s21], $0x2800  }
0x79: {  	[sflag:s21] =	ssyncset.done $0x0  }
0x7a: {  	s22 =	sadd.s32 $0x1130, s13;
	[sflag:s21] =	ssyncadd.s32 $0xFFFFD800  }
0x7b: {  	[spmem:s2] =	stream.indirect.scatter.add.f32 [tilespmem:s19], [sflag:$0x6], $0x80, s22, s17, $0xb8;
	[tilespmem:$0x1F7C0] =	vst v63  }
0x7c: {  	_ =	swait.ge [sflag:s1], $0x2800  }
0x7d: {  	[sflag:s1] =	ssyncset.done $0x0  }
0x7e: {  	s22 =	sadd.s32 $0x230, s13;
	[sflag:s1] =	ssyncadd.s32 $0xFFFFD800  }
0x7f: {  	[tilespmem:s30], [sflag:$0x4] =	stream.indirect.gather [hbm4b:s12+s17], $0x80, s22, s17, $0xb8;
	[tilespmem:$0x1F7C0] =	vst v63  }
0x80: {  	_ =	swait.ge [sflag:s23], $0x2800  }
0x81: {  	[sflag:s23] =	ssyncset.done $0x0  }
0x82: {  	s22 =	sadd.s32 $0x1180, s13;
	[sflag:s23] =	ssyncadd.s32 $0xFFFFD800  }
0x83: {  	[spmem:s2] =	stream.indirect.scatter.add.f32 [tilespmem:s25], [sflag:$0x7], $0x80, s22, s17, $0xb8;
	[tilespmem:$0x1F7C0] =	vst v63  }
0x84: {  	_ =	swait.ge [sflag:s26], $0x2800  }
0x85: {  	[sflag:s26] =	ssyncset.done $0x0  }
0x86: {  	s22 =	sadd.s32 $0x280, s13;
	[sflag:s26] =	ssyncadd.s32 $0xFFFFD800  }
0x87: {  	[tilespmem:s18], [sflag:$0x1] =	stream.indirect.gather [hbm4b:s12+s17], $0x80, s22, s17, $0xb8;
	[tilespmem:$0x1F7C0] =	vst v63  }
0x88: {  	_ =	swait.ge [sflag:s28], $0x2800  }
0x89: {  	[sflag:s28] =	ssyncset.done $0x0  }
.Ltmp0:
0x8a: {  	s22 =	sadd.s32 $0x11D0, s13;
	[sflag:s28] =	ssyncadd.s32 $0xFFFFD800;
	(pc) =	sbr.rel @p1 .LBB2_3-.Ltmp0, $4  }
0x8b: {  	[spmem:s2] =	stream.indirect.scatter.add.f32 [tilespmem:s30], [sflag:$0x8], $0x80, s22, s17, $0xb8;
	[tilespmem:$0x1F7C0] =	vst v63  }
0x8c: {  	_ =	swait.ge [sflag:s31], $0x2800  }
0x8d: {  	[sflag:s31] =	ssyncset.done $0x0  }
0x8e: {  	s13 =	sadd.s32 $0x2D0, s13;
	[sflag:s31] =	ssyncadd.s32 $0xFFFFD800  }
0x8f: {  	[tilespmem:s19], [sflag:$0x2] =	stream.indirect.gather [hbm4b:s12+s17], $0x80, s13, s17, $0xb8;
	[tilespmem:$0x1F7C0] =	vst v63  }
0x90: {  	_ =	swait.ge [sflag:s20], $0x2800  }
0x91: {  	[sflag:s20] =	ssyncset.done $0x0  }
0x92: {  	[sflag:s20] =	ssyncadd.s32 $0xFFFFD800  }
0x93: {  	[spmem:s2] =	stream.indirect.scatter.add.f32 [tilespmem:s18], [sflag:$0x5], $0x80, s8, s17, $0xb8;
	[tilespmem:$0x1F7C0] =	vst v63  }
0x94: {  	_ =	swait.ge [sflag:s21], $0x2800  }
0x95: {  	[sflag:s21] =	ssyncset.done $0x0  }
0x96: {  	[sflag:s21] =	ssyncadd.s32 $0xFFFFD800  }
0x97: {  	[spmem:s2] =	stream.indirect.scatter.add.f32 [tilespmem:s19], [sflag:$0x6], $0x80, s11, s17, $0xb8;
	[tilespmem:$0x1F7C0] =	vst v63  }
0x98: {  	_ =	swait.ge [sflag:s0], $0x2800  }
0x99: {  	[sflag:s0] =	ssyncset.done $0x0  }
0x9a: {  	[sflag:s0] =	ssyncadd.s32 $0xFFFFD800  }
0x9b: {  	_ =	swait.ge [sflag:s1], $0x2800  }
0x9c: {  	[sflag:s1] =	ssyncset.done $0x0  }
0x9d: {  	s9 =	sadd.s32 $0x1, s9;
	[sflag:s1] =	ssyncadd.s32 $0xFFFFD800  }
0x9e: {  	p1 =	sne.s32 s9, $0x5;
	_ =	swait.ge [sflag:s26], $0x2800  }
.Ltmp1:
0x9f: {  	[sflag:s26] =	ssyncset.done $0x0;
	(pc) =	sbr.rel @p1 .LBB2_2-.Ltmp1, $4  }
0xa0: {  	[sflag:s26] =	ssyncadd.s32 $0xFFFFD800  }
0xa1: {  	_ =	swait.ge [sflag:s31], $0x2800  }
0xa2: {  	[sflag:s31] =	ssyncset.done $0x0  }
0xa3: {  	[sflag:s31] =	ssyncadd.s32 $0xFFFFD800  }
0xa4: {  	[bflag:$0x0] =	sbarrier.arrive $0xFFFF  }
0xa5: {  	s14 =	rddreg [dreg:$0x4]  }
0xa6: {  	s9 =	rddreg [dreg:$0x5]  }
0xa7: {  	s13 =	rddreg [dreg:$0x7]  }
0xa8: {  	[hbm:s9], [sflag:s14] =	dma.local [spmem:s13], $0x2710  }
0xa9: {  	_ =	swait.ge [sflag:s15], $0x2710  }
0xaa: {  	s22 =	rddreg [dreg:$0x8]  }
0xab: {  	s24 =	rddreg [dreg:$0x6];
	s22 =	sadd.s32 $0x1, s22  }
0xac: {  	p1 =	sne.s32 s22, s24  }
.Ltmp2:
0xad: {  	_ = 	snop;
	(pc) =	sbr.rel @p1 .LBB2_1-.Ltmp2, $3  }
0xae: {  	_ =	sdelay $0x1  }
0xaf: {  	[sflag:s15] =	ssyncset.done $0x0  }
0xb0: {  	[sflag:s15] =	ssyncadd.s32 $0xFFFFD8F0  }
0xb1: {  	_ =	sfence.sel $0x180000  }
0xb2: {  	[bflag:$0x0] =	sbarrier.arrive $0xFFFF  }
0xb3: {  	_ =	strace $0x90000053  }
0xb4: {  	s0 =	stileid.u32;
	[bflag:$0x2] =	sbarrier.arrive $0xFFFF  }
0xb5: {  	p0 =	sne.s32 s0, $0x0;
	s0 =	rddreg [dreg:$0x2]  }
0xb6: {  	s0 =	sadd.s32 @!p0 $0x100000, s0  }
0xb7: {  	[sflag:s0] =	ssyncadd.tile.s32 @!p0 $0x1;
	_ =	shalt  }
.Lfunc_end2:
_tile_overlayer_lowered:
.L_overlay_start_2:
0xb8: {  	(tag) =	ssettag $0x2  }
0xb9: {  	s0 =	rddreg [dreg:$0x0];
	s2 =	stileid.u32  }
0xba: {  	s1 =	rddreg [dreg:$0x1];
	p0 =	sne.s32 s2, $0x0  }
0xbb: {  	s3 =	rddreg [dreg:$0x2];
	[bflag:$0x3] =	sbarrier.arrive $0xFFFF;
	s2 =	simm.s32 @!p0 $0x1C09  }
0xbc: {  	[timem:s3], [sflag:s2] =	dma.local @!p0 [hbm:s0], s1  }
0xbd: {  	s0 =	simm.s32 @!p0 $0x9  }
0xbe: {  	_ =	swait.ge @!p0 [sflag:s0], s1  }
0xbf: {  	s1 =	ssub.s32 @!p0 $0x0, s1;
	[sflag:s0] =	ssyncset.done @!p0 $0x0  }
0xc0: {  	[sflag:s0] =	ssyncadd.s32 @!p0 s1  }
0xc1: {  	[bflag:$0x3] =	sbarrier.arrive $0xFFFF  }
0xc2: {  	_ =	shalt  }

</sc_bundles>
